<compile_context>
chip_gen: v7x
topology: tpu7x:2x2x1
jax: 0.10.2.dev20260603
libtpu: 0.0.44.dev20260713+nightly
codegen_flags: <defaults>
</compile_context>

<pallas_src>
import functools

import jax
import jax.numpy as jnp
from jax import lax
from jax.experimental import pallas as pl
from jax.experimental.pallas import tpu as pltpu
from jax.experimental.pallas import tpu_sc as plsc

H = 4
NW = 32
SCAN = 2048
SB = 64
NPAD = 10240
OWN = NPAD // NW


def _s1_body(x_ref, wg_ref, a_ref, h_ref, ah_ref):
    xb = x_ref[...]
    hb = jnp.dot(xb, wg_ref[...], preferred_element_type=jnp.float32)
    h_ref[...] = hb
    ah_ref[...] = jnp.dot(hb, a_ref[...], preferred_element_type=jnp.float32)


def _stage1(x, W_gat, A):
    N, D = x.shape
    K = W_gat.shape[1]
    Bn = 400
    grid = N // Bn
    return pl.pallas_call(
        _s1_body,
        grid=(grid,),
        in_specs=[
            pl.BlockSpec((Bn, D), lambda i: (i, 0)),
            pl.BlockSpec((D, K), lambda i: (0, 0)),
            pl.BlockSpec((K, 8), lambda i: (0, 0)),
        ],
        out_specs=[
            pl.BlockSpec((Bn, K), lambda i: (i, 0)),
            pl.BlockSpec((Bn, 8), lambda i: (i, 0)),
        ],
        out_shape=[
            jax.ShapeDtypeStruct((N, K), jnp.float32),
            jax.ShapeDtypeStruct((N, 8), jnp.float32),
        ],
    )(x, W_gat, A)


def _sc_edges(a8p, h, src, dst, m_tiled, zeros4, zeros128):
    E = src.shape[0]
    nch = E // SCAN
    mesh = plsc.VectorSubcoreMesh(core_axis_name="c", subcore_axis_name="s")

    @functools.partial(
        pl.kernel,
        out_type=jax.ShapeDtypeStruct((NPAD, 128), jnp.float32),
        mesh=mesh,
        compiler_params=pltpu.CompilerParams(
            needs_layout_passes=False, use_tc_tiling_on_sc=False),
        scratch_types=[
            pltpu.VMEM((SCAN,), jnp.int32),
            pltpu.VMEM((SCAN,), jnp.int32),
            pltpu.VMEM((SCAN + 16,), jnp.int32),
            pltpu.VMEM((SCAN + 16,), jnp.int32),
            pltpu.VMEM((SB, 8), jnp.float32),
            pltpu.VMEM((SB, 8), jnp.float32),
            pltpu.VMEM((SB, 512), jnp.float32),
            pltpu.VMEM((SB * 4,), jnp.float32),
            pltpu.VMEM((OWN, 4), jnp.float32),
            pltpu.VMEM((OWN, 128), jnp.float32),
            pltpu.VMEM((16,), jnp.float32),
            pltpu.SemaphoreType.DMA,
        ],
    )
    def k(a_hbm, h_hbm, src_hbm, dst_hbm, m_hbm, z4_hbm, z128_hbm, o_hbm,
          srcc, dstc, csrc, cdst, arow, brow, hrow, attnf, zloc, acc,
          mbuf, sem):
        cid = lax.axis_index("c")
        sid = lax.axis_index("s")
        wid = sid * 2 + cid
        lo = wid * OWN
        pltpu.sync_copy(z4_hbm, zloc)
        pltpu.sync_copy(z128_hbm, acc)
        pltpu.sync_copy(m_hbm, mbuf)

        iot = lax.iota(jnp.int32, 16)
        r4 = lax.shift_right_logical(iot, 2)
        c4 = lax.bitwise_and(iot, 3)
        mv = mbuf[...]
        zi = iot * 0

        def cinit(g, carry):
            cdst[pl.ds(g * 16, 16)] = zi
            csrc[pl.ds(g * 16, 16)] = zi
            return carry

        lax.fori_loop(0, (SCAN + 16) // 16, cinit, 0)

        def compact(i):
            base = i * SCAN
            e1 = pltpu.async_copy(src_hbm.at[pl.ds(base, SCAN)], srcc, sem)
            e2 = pltpu.async_copy(dst_hbm.at[pl.ds(base, SCAN)], dstc, sem)
            e1.wait()
            e2.wait()

            def grp(g, cnt):
                dv = dstc[pl.ds(g * 16, 16)]
                sv = srcc[pl.ds(g * 16, 16)]
                m = jnp.logical_and(dv >= lo, dv < lo + OWN)
                plsc.store_compressed(cdst.at[pl.ds(cnt, 16)], dv, mask=m)
                plsc.store_compressed(csrc.at[pl.ds(cnt, 16)], sv, mask=m)
                pc = plsc.all_reduce_population_count(m)
                return cnt + jnp.max(pc)

            return lax.fori_loop(0, SCAN // 16, grp, 0)

        def edge_p(sb, with_h):
            d1 = pltpu.async_copy(a_hbm.at[csrc.at[pl.ds(sb, SB)]], arow, sem)
            d2 = pltpu.async_copy(a_hbm.at[cdst.at[pl.ds(sb, SB)]], brow, sem)
            d3 = None
            if with_h:
                d3 = pltpu.async_copy(h_hbm.at[csrc.at[pl.ds(sb, SB)]], hrow,
                                      sem)
            d1.wait()
            d2.wait()
            if with_h:
                d3.wait()

        def sweep1_chunk(i, carry):
            cnt = compact(i)
            nb = (cnt + SB - 1) // SB

            def sub(kk, carry2):
                sb = kk * SB
                edge_p(sb, False)
                for j in range(SB // 4):
                    rows = r4 + (j * 4)
                    s = plsc.load_gather(arow, [rows, c4])
                    d = plsc.load_gather(brow, [rows, c4 + 4])
                    e = s + d
                    e = jnp.where(e > 0, e, 0.2 * e)
                    p = jnp.exp(e - mv)
                    dv = plsc.load_gather(cdst, [sb + rows])
                    rloc = jnp.clip(dv - lo, 0, OWN - 1)
                    valid = (sb + rows) < cnt
                    for t in range(4):
                        mt = jnp.logical_and(r4 == t, valid)
                        plsc.addupdate_scatter(zloc, [rloc, c4], p, mask=mt)
                return carry2

            lax.fori_loop(0, nb, sub, 0)
            return carry

        lax.fori_loop(0, nch, sweep1_chunk, 0)

        def sweep2_chunk(i, carry):
            cnt = compact(i)
            nb = (cnt + SB - 1) // SB

            def sub(kk, carry2):
                sb = kk * SB
                edge_p(sb, True)
                for j in range(SB // 4):
                    rows = r4 + (j * 4)
                    s = plsc.load_gather(arow, [rows, c4])
                    d = plsc.load_gather(brow, [rows, c4 + 4])
                    e = s + d
                    e = jnp.where(e > 0, e, 0.2 * e)
                    p = jnp.exp(e - mv)
                    dv = plsc.load_gather(cdst, [sb + rows])
                    rloc = jnp.clip(dv - lo, 0, OWN - 1)
                    zv = plsc.load_gather(zloc, [rloc, c4])
                    av = p / (zv + 1e-16)
                    attnf[pl.ds(j * 16, 16)] = av

                def edge(c, carry3):
                    glob = sb + c

                    @pl.when(glob < cnt)
                    def _():
                        rsc = jnp.max(plsc.load_gather(
                            cdst, [jnp.full((16,), glob, jnp.int32)])) - lo
                        asps = [plsc.load_gather(
                            attnf, [jnp.full((16,), c * 4 + hh, jnp.int32)])
                            for hh in range(H)]
                        for v in range(8):
                            accv = None
                            for hh in range(H):
                                t = asps[hh] * hrow[c, pl.ds(hh * 128 + v * 16, 16)]
                                accv = t if accv is None else accv + t
                            sl = pl.ds(v * 16, 16)
                            acc[rsc, sl] = acc[rsc, sl] + accv
                    return carry3

                lax.fori_loop(0, SB, edge, 0)
                return carry2

            lax.fori_loop(0, nb, sub, 0)
            return carry

        lax.fori_loop(0, nch, sweep2_chunk, 0)
        pltpu.sync_copy(acc, o_hbm.at[pl.ds(lo, OWN)])

    return k(a8p, h, src, dst, m_tiled, zeros4, zeros128)


def _s3_body(o_ref, cb_ref, bg_ref, wq_ref, bq_ref, wk_ref, bk_ref,
             wv_ref, bv_ref, wf1_ref, wf2_ref, bf_ref, lg_ref, lb_ref,
             out_ref):
    HD = 32
    xs = o_ref[...] * 0.25 + bg_ref[...]
    xs = jnp.maximum(xs, 0.0)
    q = jnp.dot(xs, wq_ref[...], preferred_element_type=jnp.float32) + bq_ref[...]
    cb = cb_ref[...]
    kk = jnp.dot(cb, wk_ref[...], preferred_element_type=jnp.float32) + bk_ref[...]
    vv = jnp.dot(cb, wv_ref[...], preferred_element_type=jnp.float32) + bv_ref[...]
    inv = 1.0 / jnp.sqrt(32.0)
    sem_parts = []
    for hh in range(H):
        qh = q[:, hh * HD:(hh + 1) * HD]
        sc = [jnp.sum(qh * kk[:, g * HD:(g + 1) * HD], axis=1, keepdims=True) * inv
              for g in range(H)]
        m = jnp.maximum(jnp.maximum(sc[0], sc[1]), jnp.maximum(sc[2], sc[3]))
        ex = [jnp.exp(s - m) for s in sc]
        z = ex[0] + ex[1] + ex[2] + ex[3]
        acc = ex[0] / z * vv[:, 0:HD]
        for g in range(1, H):
            acc = acc + ex[g] / z * vv[:, g * HD:(g + 1) * HD]
        sem_parts.append(acc)
    x_sem = jnp.concatenate(sem_parts, axis=1)
    y = (jnp.dot(xs, wf1_ref[...], preferred_element_type=jnp.float32)
         + jnp.dot(x_sem, wf2_ref[...], preferred_element_type=jnp.float32)
         + bf_ref[...])
    mu = jnp.mean(y, axis=1, keepdims=True)
    yc = y - mu
    var = jnp.mean(yc * yc, axis=1, keepdims=True)
    y = yc / jnp.sqrt(var + 1e-5) * lg_ref[...] + lb_ref[...]
    out_ref[...] = jnp.maximum(y, 0.0)


def _stage3(o, cb, bg, Wq, bq, Wk, bk, Wv, bv, Wf1, Wf2, bf, lg, lb):
    N = cb.shape[0]
    CB = cb.shape[1]
    Bn = 400
    grid = N // Bn
    full = lambda shape: pl.BlockSpec(shape, lambda i: tuple(0 for _ in shape))
    row = lambda w: pl.BlockSpec((Bn, w), lambda i: (i, 0))
    return pl.pallas_call(
        _s3_body,
        grid=(grid,),
        in_specs=[
            row(128), row(CB),
            full((1, 128)), full((128, 128)), full((1, 128)),
            full((CB, 128)), full((1, 128)),
            full((CB, 128)), full((1, 128)),
            full((128, 128)), full((128, 128)), full((1, 128)),
            full((1, 128)), full((1, 128)),
        ],
        out_specs=pl.BlockSpec((Bn, 128), lambda i: (i, 0)),
        out_shape=jax.ShapeDtypeStruct((N, 128), jnp.float32),
    )(o, cb, bg, Wq, bq, Wk, bk, Wv, bv, Wf1, Wf2, bf, lg, lb)


def kernel(x, codebert_emb, edge_index, W_gat, att_src, att_dst, b_gat,
           Wq, bq, Wk, bk, Wv, bv, W_fuse, b_fuse, ln_g, ln_b):
    N, D = x.shape
    E = edge_index.shape[1]
    EP = ((E + SCAN - 1) // SCAN) * SCAN
    src = edge_index[0]
    dst = edge_index[1]
    if EP != E:
        src = jnp.concatenate([src, jnp.zeros((EP - E,), jnp.int32)])
        dst = jnp.concatenate([dst, jnp.full((EP - E,), NPAD - 1, jnp.int32)])

    eyeH = jnp.eye(H, dtype=jnp.float32)
    A = jnp.concatenate(
        [(att_src[:, :, None] * eyeH[:, None, :]).reshape(H * D, H),
         (att_dst[:, :, None] * eyeH[:, None, :]).reshape(H * D, H)], axis=1)

    h, a8 = _stage1(x, W_gat, A)

    M8 = jnp.max(a8, axis=0)
    s_ = M8[:4] + M8[4:]
    Mh = jnp.where(s_ > 0, s_, 0.2 * s_)
    m_tiled = jnp.tile(Mh, 4)

    a8p = jnp.concatenate([a8, jnp.zeros((NPAD - N, 8), jnp.float32)], axis=0)
    zeros4 = jnp.zeros((OWN, 4), jnp.float32)
    zeros128 = jnp.zeros((OWN, 128), jnp.float32)

    of = _sc_edges(a8p, h, src, dst, m_tiled, zeros4, zeros128)

    out = _stage3(
        of[:N], codebert_emb,
        b_gat.reshape(1, D), Wq, bq.reshape(1, D), Wk, bk.reshape(1, D),
        Wv, bv.reshape(1, D), W_fuse[:D], W_fuse[D:], b_fuse.reshape(1, D),
        ln_g.reshape(1, D), ln_b.reshape(1, D))
    return out

# --- scband reference (transcript-rebuilt; emitter-appended) ---
"""Pipeline reference for scband-cpgtaint-flow-model-79242146611963 (READ-ONLY COPY).

The authoritative reference and input builder live on the scoring server;
editing this copy changes nothing except your own understanding.
"""

import jax, jax.numpy as jnp
import numpy as np

N = 10000
E = 320000
D = 128
H = 4
HD = D // H
CB = 768


def setup_inputs(seed: int = 0) -> dict:
    key = jax.random.key(seed)
    ks = jax.random.split(key, 20)
    s = 0.05
    return {
        "x": jax.random.normal(ks[0], (N, D), dtype=jnp.float32),
        "codebert_emb": jax.random.normal(ks[1], (N, CB), dtype=jnp.float32),
        "edge_index": jax.random.randint(ks[2], (2, E), 0, N, dtype=jnp.int32),
        "W_gat": jax.random.normal(ks[3], (D, H * D), dtype=jnp.float32) * s,
        "att_src": jax.random.normal(ks[4], (H, D), dtype=jnp.float32) * s,
        "att_dst": jax.random.normal(ks[5], (H, D), dtype=jnp.float32) * s,
        "b_gat": jnp.zeros((D,), dtype=jnp.float32),
        "Wq": jax.random.normal(ks[6], (D, D), dtype=jnp.float32) * s,
        "bq": jnp.zeros((D,), dtype=jnp.float32),
        "Wk": jax.random.normal(ks[7], (CB, D), dtype=jnp.float32) * s,
        "bk": jnp.zeros((D,), dtype=jnp.float32),
        "Wv": jax.random.normal(ks[8], (CB, D), dtype=jnp.float32) * s,
        "bv": jnp.zeros((D,), dtype=jnp.float32),
        "W_fuse": jax.random.normal(ks[9], (2 * D, D), dtype=jnp.float32) * s,
        "b_fuse": jnp.zeros((D,), dtype=jnp.float32),
        "ln_g": jnp.ones((D,), dtype=jnp.float32),
        "ln_b": jnp.zeros((D,), dtype=jnp.float32),
    }


def _gat(x, edge_index, W_gat, att_src, att_dst, b_gat):
    n = x.shape[0]
    h = (x @ W_gat).reshape(n, H, D)
    a_src = (h * att_src[None, :, :]).sum(-1)
    a_dst = (h * att_dst[None, :, :]).sum(-1)
    src = edge_index[0]
    dst = edge_index[1]
    e = a_src[src] + a_dst[dst]
    e = jnp.where(e > 0, e, 0.2 * e)
    m = jax.ops.segment_max(e, dst, num_segments=n)
    m = jnp.where(jnp.isfinite(m), m, 0.0)
    p = jnp.exp(e - m[dst])
    z = jax.ops.segment_sum(p, dst, num_segments=n)
    attn = p / (z[dst] + 1e-16)
    msg = h[src] * attn[:, :, None]
    out = jax.ops.segment_sum(msg, dst, num_segments=n)
    return out.mean(axis=1) + b_gat


def reference(x, codebert_emb, edge_index, W_gat, att_src, att_dst, b_gat, Wq, bq, Wk, bk, Wv, bv, W_fuse, b_fuse, ln_g, ln_b):
    n = x.shape[0]
    x_struct = jax.nn.relu(_gat(x, edge_index, W_gat, att_src, att_dst, b_gat))
    q = (x_struct @ Wq + bq).reshape(n, H, HD)
    k = (codebert_emb @ Wk + bk).reshape(n, H, HD)
    v = (codebert_emb @ Wv + bv).reshape(n, H, HD)
    scores = jnp.einsum('nhc,ngc->nhg', q, k) / jnp.sqrt(float(HD))
    attw = jax.nn.softmax(scores, axis=-1)
    x_sem = jnp.einsum('nhg,ngc->nhc', attw, v).reshape(n, D)
    xf = jnp.concatenate([x_struct, x_sem], axis=1)
    y = xf @ W_fuse + b_fuse
    mu = y.mean(axis=-1, keepdims=True)
    var = ((y - mu) ** 2).mean(axis=-1, keepdims=True)
    y = (y - mu) / jnp.sqrt(var + 1e-5) * ln_g + ln_b
    return jax.nn.relu(y)

if __name__ == "__main__":
    import jax
    _d = setup_inputs()
    print(jax.jit(kernel)(*tuple(_d.values())))

</pallas_src>

<mosaic_0001>
#map = affine_map<(d0, d1) -> (0, 0)>
#map1 = affine_map<(d0, d1) -> (0)>
module attributes {stable_mosaic.version = 14 : i64} {
  func.func @k(%arg0: i32, %arg1: i32, %arg2: memref<10240x8xf32, #tpu.memory_space<hbm>>, %arg3: memref<10000x512xf32, #tpu.memory_space<hbm>>, %arg4: memref<321536xi32, #tpu.memory_space<hbm>>, %arg5: memref<321536xi32, #tpu.memory_space<hbm>>, %arg6: memref<16xf32, #tpu.memory_space<hbm>>, %arg7: memref<320x4xf32, #tpu.memory_space<hbm>>, %arg8: memref<320x128xf32, #tpu.memory_space<hbm>>, %arg9: memref<10240x128xf32, #tpu.memory_space<hbm>>, %arg10: memref<2048xi32, #tpu.memory_space<vmem>>, %arg11: memref<2048xi32, #tpu.memory_space<vmem>>, %arg12: memref<2064xi32, #tpu.memory_space<vmem>>, %arg13: memref<2064xi32, #tpu.memory_space<vmem>>, %arg14: memref<64x8xf32, #tpu.memory_space<vmem>>, %arg15: memref<64x8xf32, #tpu.memory_space<vmem>>, %arg16: memref<64x512xf32, #tpu.memory_space<vmem>>, %arg17: memref<256xf32, #tpu.memory_space<vmem>>, %arg18: memref<320x4xf32, #tpu.memory_space<vmem>>, %arg19: memref<320x128xf32, #tpu.memory_space<vmem>>, %arg20: memref<16xf32, #tpu.memory_space<vmem>>, %arg21: memref<!tpu.dma_semaphore, #tpu.memory_space<semaphore_mem>>) attributes {dimension_semantics = [#tpu.dimension_semantics<core_parallel>, #tpu.dimension_semantics<subcore_parallel>], iteration_bounds = array<i64: 2, 16>, scalar_prefetch = 0 : i64, scratch_operands = 12 : i64, tpu.core_type = #tpu.core_type<sc_vector_subcore>, window_params = [{transform_indices = #map}, {transform_indices = #map}, {transform_indices = #map1}, {transform_indices = #map1}, {transform_indices = #map1}, {transform_indices = #map}, {transform_indices = #map}, {transform_indices = #map}]} {
    %mul3A = arith.constant 2 : i32
    %mul3A_0 = arith.muli %arg1, %mul3A : i32
    %add3A = arith.addi %mul3A_0, %arg0 : i32
    %mul3A_1 = arith.constant 320 : i32
    %mul3A_2 = arith.muli %add3A, %mul3A_1 : i32
    "tpu.region"() ({
      %run_scoped3A = tpu.sem_alloc : memref<!tpu.dma_semaphore, #tpu.memory_space<semaphore_mem>>
      tpu.enqueue_dma source(%arg7 : memref<320x4xf32, #tpu.memory_space<hbm>>) target(%arg18 : memref<320x4xf32, #tpu.memory_space<vmem>>) target_semaphore(%run_scoped3A : memref<!tpu.dma_semaphore, #tpu.memory_space<semaphore_mem>>)
      tpu.wait_dma2 semaphore(%run_scoped3A : memref<!tpu.dma_semaphore, #tpu.memory_space<semaphore_mem>>) src(%arg7 : memref<320x4xf32, #tpu.memory_space<hbm>>) dst(%arg18 : memref<320x4xf32, #tpu.memory_space<vmem>>)
      tpu.yield
    }) : () -> ()
    "tpu.region"() ({
      %run_scoped3A = tpu.sem_alloc : memref<!tpu.dma_semaphore, #tpu.memory_space<semaphore_mem>>
      tpu.enqueue_dma source(%arg8 : memref<320x128xf32, #tpu.memory_space<hbm>>) target(%arg19 : memref<320x128xf32, #tpu.memory_space<vmem>>) target_semaphore(%run_scoped3A : memref<!tpu.dma_semaphore, #tpu.memory_space<semaphore_mem>>)
      tpu.wait_dma2 semaphore(%run_scoped3A : memref<!tpu.dma_semaphore, #tpu.memory_space<semaphore_mem>>) src(%arg8 : memref<320x128xf32, #tpu.memory_space<hbm>>) dst(%arg19 : memref<320x128xf32, #tpu.memory_space<vmem>>)
      tpu.yield
    }) : () -> ()
    "tpu.region"() ({
      %run_scoped3A = tpu.sem_alloc : memref<!tpu.dma_semaphore, #tpu.memory_space<semaphore_mem>>
      tpu.enqueue_dma source(%arg6 : memref<16xf32, #tpu.memory_space<hbm>>) target(%arg20 : memref<16xf32, #tpu.memory_space<vmem>>) target_semaphore(%run_scoped3A : memref<!tpu.dma_semaphore, #tpu.memory_space<semaphore_mem>>)
      tpu.wait_dma2 semaphore(%run_scoped3A : memref<!tpu.dma_semaphore, #tpu.memory_space<semaphore_mem>>) src(%arg6 : memref<16xf32, #tpu.memory_space<hbm>>) dst(%arg20 : memref<16xf32, #tpu.memory_space<vmem>>)
      tpu.yield
    }) : () -> ()
    %iota3A = tpu.iota {dimensions = array<i32: 0>} : vector<16xi32>
    %shift_right_logical3A = arith.constant 2 : i32
    %shift_right_logical3A_3 = vector.broadcast %shift_right_logical3A : i32 to vector<16xi32>
    %shift_right_logical3A_4 = arith.shrui %iota3A, %shift_right_logical3A_3 : vector<16xi32>
    %and3A = arith.constant 3 : i32
    %and3A_5 = vector.broadcast %and3A : i32 to vector<16xi32>
    %and3A_6 = arith.andi %iota3A, %and3A_5 : vector<16xi32>
    %get3A = arith.constant 0 : index
    %get3A_7 = tpu.vector_load %arg20[%get3A] {strides = array<i32>} : memref<16xf32, #tpu.memory_space<vmem>>, vector<16xf32>,
    %mul3A_8 = arith.constant 0 : i32
    %mul3A_9 = vector.broadcast %mul3A_8 : i32 to vector<16xi32>
    %mul3A_10 = arith.muli %iota3A, %mul3A_9 : vector<16xi32>
    %scan3A = arith.constant 0 : i32
    %scan3A_11 = arith.constant 0 : i32
    %scan3A_12 = arith.constant 129 : i32
    %scan3A_13 = arith.addi %scan3A_11, %scan3A_12 : i32
    %scan3A_14 = arith.constant 1 : i32
    scf.for %scan3A_28 = %scan3A_11 to %scan3A_13 step %scan3A_14  : i32 {
      %mul3A_29 = arith.constant 16 : i32
      %mul3A_30 = arith.muli %scan3A_28, %mul3A_29 : i32
      %swap3A = arith.index_cast %mul3A_30 : i32 to index
      %swap3A_31 = tpu.vector_load %arg13[%swap3A] {strides = array<i32>} : memref<2064xi32, #tpu.memory_space<vmem>>, vector<16xi32>,
      tpu.vector_store %arg13[%swap3A], %mul3A_10 {strides = array<i32>} : memref<2064xi32, #tpu.memory_space<vmem>>, vector<16xi32>,
      %mul3A_32 = arith.constant 16 : i32
      %mul3A_33 = arith.muli %scan3A_28, %mul3A_32 : i32
      %swap3A_34 = arith.index_cast %mul3A_33 : i32 to index
      %swap3A_35 = tpu.vector_load %arg12[%swap3A_34] {strides = array<i32>} : memref<2064xi32, #tpu.memory_space<vmem>>, vector<16xi32>,
      tpu.vector_store %arg12[%swap3A_34], %mul3A_10 {strides = array<i32>} : memref<2064xi32, #tpu.memory_space<vmem>>, vector<16xi32>,
    }
    %scan3A_15 = arith.constant 129 : i32
    %scan3A_16 = arith.constant 0 : i32
    %scan3A_17 = arith.constant 0 : i32
    %scan3A_18 = arith.constant 157 : i32
    %scan3A_19 = arith.addi %scan3A_17, %scan3A_18 : i32
    %scan3A_20 = arith.constant 1 : i32
    scf.for %scan3A_28 = %scan3A_17 to %scan3A_19 step %scan3A_20  : i32 {
      %mul3A_29 = arith.constant 2048 : i32
      %mul3A_30 = arith.muli %scan3A_28, %mul3A_29 : i32
      %dma_start3A = tpu.memref_slice %arg4[%mul3A_30] : memref<321536xi32, #tpu.memory_space<hbm>> -> memref<2048xi32, #tpu.memory_space<hbm>>
      %dma_start3A_31 = tpu.memref_slice %arg4[%mul3A_30] : memref<321536xi32, #tpu.memory_space<hbm>> -> memref<2048xi32, #tpu.memory_space<hbm>>
      tpu.enqueue_dma source(%dma_start3A_31 : memref<2048xi32, #tpu.memory_space<hbm>>) target(%arg10 : memref<2048xi32, #tpu.memory_space<vmem>>) target_semaphore(%arg21 : memref<!tpu.dma_semaphore, #tpu.memory_space<semaphore_mem>>)
      %dma_start3A_32 = tpu.memref_slice %arg5[%mul3A_30] : memref<321536xi32, #tpu.memory_space<hbm>> -> memref<2048xi32, #tpu.memory_space<hbm>>
      %dma_start3A_33 = tpu.memref_slice %arg5[%mul3A_30] : memref<321536xi32, #tpu.memory_space<hbm>> -> memref<2048xi32, #tpu.memory_space<hbm>>
      tpu.enqueue_dma source(%dma_start3A_33 : memref<2048xi32, #tpu.memory_space<hbm>>) target(%arg11 : memref<2048xi32, #tpu.memory_space<vmem>>) target_semaphore(%arg21 : memref<!tpu.dma_semaphore, #tpu.memory_space<semaphore_mem>>)
      %dma_wait3A = tpu.memref_slice %arg4[%mul3A_30] : memref<321536xi32, #tpu.memory_space<hbm>> -> memref<2048xi32, #tpu.memory_space<hbm>>
      %dma_wait3A_34 = tpu.memref_slice %arg4[%mul3A_30] : memref<321536xi32, #tpu.memory_space<hbm>> -> memref<2048xi32, #tpu.memory_space<hbm>>
      tpu.wait_dma2 semaphore(%arg21 : memref<!tpu.dma_semaphore, #tpu.memory_space<semaphore_mem>>) src(%dma_wait3A_34 : memref<2048xi32, #tpu.memory_space<hbm>>) dst(%arg10 : memref<2048xi32, #tpu.memory_space<vmem>>)
      %dma_wait3A_35 = tpu.memref_slice %arg5[%mul3A_30] : memref<321536xi32, #tpu.memory_space<hbm>> -> memref<2048xi32, #tpu.memory_space<hbm>>
      %dma_wait3A_36 = tpu.memref_slice %arg5[%mul3A_30] : memref<321536xi32, #tpu.memory_space<hbm>> -> memref<2048xi32, #tpu.memory_space<hbm>>
      tpu.wait_dma2 semaphore(%arg21 : memref<!tpu.dma_semaphore, #tpu.memory_space<semaphore_mem>>) src(%dma_wait3A_36 : memref<2048xi32, #tpu.memory_space<hbm>>) dst(%arg11 : memref<2048xi32, #tpu.memory_space<vmem>>)
      %scan3A_37 = arith.constant 0 : i32
      %scan3A_38 = arith.constant 0 : i32
      %scan3A_39 = arith.constant 128 : i32
      %scan3A_40 = arith.addi %scan3A_38, %scan3A_39 : i32
      %scan3A_41 = arith.constant 1 : i32
      %scan3A_42 = scf.for %scan3A_74 = %scan3A_38 to %scan3A_40 step %scan3A_41 iter_args(%scan3A_75 = %scan3A_37) -> (i32)  : i32 {
        %mul3A_76 = arith.constant 16 : i32
        %mul3A_77 = arith.muli %scan3A_74, %mul3A_76 : i32
        %get3A_78 = arith.index_cast %mul3A_77 : i32 to index
        %get3A_79 = tpu.vector_load %arg11[%get3A_78] {strides = array<i32>} : memref<2048xi32, #tpu.memory_space<vmem>>, vector<16xi32>,
        %mul3A_80 = arith.constant 16 : i32
        %mul3A_81 = arith.muli %scan3A_74, %mul3A_80 : i32
        %get3A_82 = arith.index_cast %mul3A_81 : i32 to index
        %get3A_83 = tpu.vector_load %arg10[%get3A_82] {strides = array<i32>} : memref<2048xi32, #tpu.memory_space<vmem>>, vector<16xi32>,
        %ge3A = vector.broadcast %mul3A_2 : i32 to vector<16xi32>
        %ge3A_84 = arith.cmpi sge, %get3A_79, %ge3A : vector<16xi32>
        %add3A_85 = arith.constant 320 : i32
        %add3A_86 = arith.addi %mul3A_2, %add3A_85 : i32
        %lt3A = vector.broadcast %add3A_86 : i32 to vector<16xi32>
        %lt3A_87 = arith.cmpi slt, %get3A_79, %lt3A : vector<16xi32>
        %and3A_88 = arith.andi %ge3A_84, %lt3A_87 : vector<16xi1>
        %swap3A = arith.index_cast %scan3A_75 : i32 to index
        %swap3A_89 = tpu.vector_load %arg13[%swap3A] masked %and3A_88 {strides = array<i32>} : memref<2064xi32, #tpu.memory_space<vmem>>, vector<16xi32>, vector<16xi1>
        tpu.vector_store %arg13[%swap3A], %get3A_79 masked %and3A_88 {strides = array<i32>} : memref<2064xi32, #tpu.memory_space<vmem>>, vector<16xi32>, vector<16xi1>
        %swap3A_90 = arith.index_cast %scan3A_75 : i32 to index
        %swap3A_91 = tpu.vector_load %arg12[%swap3A_90] masked %and3A_88 {strides = array<i32>} : memref<2064xi32, #tpu.memory_space<vmem>>, vector<16xi32>, vector<16xi1>
        tpu.vector_store %arg12[%swap3A_90], %get3A_83 masked %and3A_88 {strides = array<i32>} : memref<2064xi32, #tpu.memory_space<vmem>>, vector<16xi32>, vector<16xi1>
        %all_reduce_population_count3A = tpu.all_reduce %and3A_88 {dim = 0 : i64, kind = #tpu.reduction_kind<sum>} : vector<16xi1> -> vector<16xi32>
        %reduce_max3A = arith.constant true
        %reduce_max3A_92 = vector.broadcast %reduce_max3A : i1 to vector<16xi1>
        %reduce_max3A_93 = arith.constant -2147483648 : i32
        %reduce_max3A_94 = vector.broadcast %reduce_max3A_93 : i32 to vector<16xi32>
        %reduce_max3A_95 = arith.xori %all_reduce_population_count3A, %reduce_max3A_94 : vector<16xi32>
        %reduce_max3A_96 = tpu.scan <max>, %reduce_max3A_95 masked %reduce_max3A_92 : vector<16xi32>, vector<16xi1> -> vector<16xi32>
        %reduce_max3A_97 = arith.xori %reduce_max3A_96, %reduce_max3A_94 : vector<16xi32>
        %reduce_max3A_98 = vector.extract %reduce_max3A_97[15] : i32 from vector<16xi32>
        %add3A_99 = arith.addi %scan3A_75, %reduce_max3A_98 : i32
        scf.yield %add3A_99 : i32
      }
      %scan3A_43 = arith.constant 128 : i32
      %add3A_44 = arith.constant 64 : i32
      %add3A_45 = arith.addi %scan3A_42, %add3A_44 : i32
      %sub3A = arith.constant 1 : i32
      %sub3A_46 = arith.subi %add3A_45, %sub3A : i32
      %jit3A = arith.constant 64 : i32
      %div3A = arith.divsi %sub3A_46, %jit3A : i32
      %sign3A = arith.constant 0 : i32
      %sign3A_47 = arith.cmpi sgt, %sub3A_46, %sign3A : i32
      %sign3A_48 = arith.extui %sign3A_47 : i1 to i32
      %sign3A_49 = arith.constant 0 : i32
      %sign3A_50 = arith.cmpi slt, %sub3A_46, %sign3A_49 : i32
      %sign3A_51 = arith.extui %sign3A_50 : i1 to i32
      %sign3A_52 = arith.subi %sign3A_48, %sign3A_51 : i32
      %sign3A_53 = arith.constant 0 : i32
      %sign3A_54 = arith.cmpi sgt, %jit3A, %sign3A_53 : i32
      %sign3A_55 = arith.extui %sign3A_54 : i1 to i32
      %sign3A_56 = arith.constant 0 : i32
      %sign3A_57 = arith.cmpi slt, %jit3A, %sign3A_56 : i32
      %sign3A_58 = arith.extui %sign3A_57 : i1 to i32
      %sign3A_59 = arith.subi %sign3A_55, %sign3A_58 : i32
      %ne3A = arith.cmpi ne, %sign3A_52, %sign3A_59 : i32
      %rem3A = arith.remsi %sub3A_46, %jit3A : i32
      %ne3A_60 = arith.constant 0 : i32
      %ne3A_61 = arith.cmpi ne, %rem3A, %ne3A_60 : i32
      %and3A_62 = arith.andi %ne3A, %ne3A_61 : i1
      %sub3A_63 = arith.constant 1 : i32
      %sub3A_64 = arith.subi %div3A, %sub3A_63 : i32
      %select_n3A = arith.select %and3A_62, %sub3A_64, %div3A : i32
      %while3A = arith.constant 0 : i32
      %while3A_65 = arith.constant 0 : i32
      %while3A_66 = arith.subi %select_n3A, %while3A_65 : i32
      %while3A_67 = arith.addi %while3A_65, %while3A_66 : i32
      %while3A_68 = arith.constant 1 : i32
      %while3A_69 = arith.divsi %while3A_66, %while3A_68 : i32
      %while3A_70 = arith.muli %while3A_69, %while3A_68 : i32
      %while3A_71 = arith.addi %while3A_65, %while3A_70 : i32
      %while3A_72 = arith.constant 1 : i32
      scf.for %while3A_74 = %while3A_65 to %while3A_71 step %while3A_72  : i32 {
        %mul3A_75 = arith.constant 64 : i32
        %mul3A_76 = arith.muli %while3A_74, %mul3A_75 : i32
        %dma_start3A_77 = tpu.memref_slice %arg12[%mul3A_76] : memref<2064xi32, #tpu.memory_space<vmem>> -> memref<64xi32, #tpu.memory_space<vmem>>
        %dma_start3A_78 = arith.constant 0 : i32
        %dma_start3A_79 = arith.constant 0 : i32
        %dma_start3A_80 = tpu.memref_slice %arg2[%dma_start3A_78, %dma_start3A_79] : memref<10240x8xf32, #tpu.memory_space<hbm>> -> memref<10240x8xf32, #tpu.memory_space<hbm>>
        tpu.enqueue_indirect_dma source(%dma_start3A_80 : memref<10240x8xf32, #tpu.memory_space<hbm>>) target(%arg14 : memref<64x8xf32, #tpu.memory_space<vmem>>) offsets(%dma_start3A_77 : memref<64xi32, #tpu.memory_space<vmem>>) semaphore(%arg21 : memref<!tpu.dma_semaphore, #tpu.memory_space<semaphore_mem>>)
        %dma_start3A_81 = tpu.memref_slice %arg13[%mul3A_76] : memref<2064xi32, #tpu.memory_space<vmem>> -> memref<64xi32, #tpu.memory_space<vmem>>
        %dma_start3A_82 = arith.constant 0 : i32
        %dma_start3A_83 = arith.constant 0 : i32
        %dma_start3A_84 = tpu.memref_slice %arg2[%dma_start3A_82, %dma_start3A_83] : memref<10240x8xf32, #tpu.memory_space<hbm>> -> memref<10240x8xf32, #tpu.memory_space<hbm>>
        tpu.enqueue_indirect_dma source(%dma_start3A_84 : memref<10240x8xf32, #tpu.memory_space<hbm>>) target(%arg15 : memref<64x8xf32, #tpu.memory_space<vmem>>) offsets(%dma_start3A_81 : memref<64xi32, #tpu.memory_space<vmem>>) semaphore(%arg21 : memref<!tpu.dma_semaphore, #tpu.memory_space<semaphore_mem>>)
        %dma_wait3A_85 = tpu.memref_slice %arg12[%mul3A_76] : memref<2064xi32, #tpu.memory_space<vmem>> -> memref<64xi32, #tpu.memory_space<vmem>>
        %dma_wait3A_86 = arith.constant 0 : i32
        %dma_wait3A_87 = arith.constant 0 : i32
        %dma_wait3A_88 = tpu.memref_slice %arg2[%dma_wait3A_86, %dma_wait3A_87] : memref<10240x8xf32, #tpu.memory_space<hbm>> -> memref<10240x8xf32, #tpu.memory_space<hbm>>
        tpu.wait_indirect_dma semaphore(%arg21 : memref<!tpu.dma_semaphore, #tpu.memory_space<semaphore_mem>>) src(%dma_wait3A_88 : memref<10240x8xf32, #tpu.memory_space<hbm>>) dst(%arg14 : memref<64x8xf32, #tpu.memory_space<vmem>>)
        %dma_wait3A_89 = tpu.memref_slice %arg13[%mul3A_76] : memref<2064xi32, #tpu.memory_space<vmem>> -> memref<64xi32, #tpu.memory_space<vmem>>
        %dma_wait3A_90 = arith.constant 0 : i32
        %dma_wait3A_91 = arith.constant 0 : i32
        %dma_wait3A_92 = tpu.memref_slice %arg2[%dma_wait3A_90, %dma_wait3A_91] : memref<10240x8xf32, #tpu.memory_space<hbm>> -> memref<10240x8xf32, #tpu.memory_space<hbm>>
        tpu.wait_indirect_dma semaphore(%arg21 : memref<!tpu.dma_semaphore, #tpu.memory_space<semaphore_mem>>) src(%dma_wait3A_92 : memref<10240x8xf32, #tpu.memory_space<hbm>>) dst(%arg15 : memref<64x8xf32, #tpu.memory_space<vmem>>)
        %add3A_93 = arith.constant 0 : i32
        %add3A_94 = vector.broadcast %add3A_93 : i32 to vector<16xi32>
        %add3A_95 = arith.addi %shift_right_logical3A_4, %add3A_94 : vector<16xi32>
        %gather3A = tpu.vector_load_idx %arg14[%add3A_95, %and3A_6] : memref<64x8xf32, #tpu.memory_space<vmem>>[vector<16xi32>, vector<16xi32>], vector<16xf32>,
        %add3A_96 = arith.constant 4 : i32
        %add3A_97 = vector.broadcast %add3A_96 : i32 to vector<16xi32>
        %add3A_98 = arith.addi %and3A_6, %add3A_97 : vector<16xi32>
        %gather3A_99 = tpu.vector_load_idx %arg15[%add3A_95, %add3A_98] : memref<64x8xf32, #tpu.memory_space<vmem>>[vector<16xi32>, vector<16xi32>], vector<16xf32>,
        %add3A_100 = arith.addf %gather3A, %gather3A_99 : vector<16xf32>
        %gt3A = arith.constant 0.000000e+00 : f32
        %gt3A_101 = vector.broadcast %gt3A : f32 to vector<16xf32>
        %gt3A_102 = arith.cmpf ogt, %add3A_100, %gt3A_101 : vector<16xf32>
        %mul3A_103 = arith.constant 2.000000e-01 : f32
        %mul3A_104 = vector.broadcast %mul3A_103 : f32 to vector<16xf32>
        %mul3A_105 = arith.mulf %mul3A_104, %add3A_100 : vector<16xf32>
        %select_n3A_106 = arith.select %gt3A_102, %add3A_100, %mul3A_105 : vector<16xi1>, vector<16xf32>
        %sub3A_107 = arith.subf %select_n3A_106, %get3A_7 : vector<16xf32>
        %exp3A = math.exp %sub3A_107 : vector<16xf32>
        %add3A_108 = vector.broadcast %mul3A_76 : i32 to vector<16xi32>
        %add3A_109 = arith.addi %add3A_108, %add3A_95 : vector<16xi32>
        %gather3A_110 = tpu.vector_load_idx %arg13[%add3A_109] : memref<2064xi32, #tpu.memory_space<vmem>>[vector<16xi32>], vector<16xi32>,
        %sub3A_111 = vector.broadcast %mul3A_2 : i32 to vector<16xi32>
        %sub3A_112 = arith.subi %gather3A_110, %sub3A_111 : vector<16xi32>
        %jit3A_113 = arith.constant 0 : i32
        %jit3A_114 = arith.constant 319 : i32
        %max3A = vector.broadcast %jit3A_113 : i32 to vector<16xi32>
        %max3A_115 = arith.maxsi %max3A, %sub3A_112 : vector<16xi32>
        %min3A = vector.broadcast %jit3A_114 : i32 to vector<16xi32>
        %min3A_116 = arith.minsi %min3A, %max3A_115 : vector<16xi32>
        %add3A_117 = vector.broadcast %mul3A_76 : i32 to vector<16xi32>
        %add3A_118 = arith.addi %add3A_117, %add3A_95 : vector<16xi32>
        %lt3A = vector.broadcast %scan3A_42 : i32 to vector<16xi32>
        %lt3A_119 = arith.cmpi slt, %add3A_118, %lt3A : vector<16xi32>
        %eq3A = arith.constant 0 : i32
        %eq3A_120 = vector.broadcast %eq3A : i32 to vector<16xi32>
        %eq3A_121 = arith.cmpi eq, %shift_right_logical3A_4, %eq3A_120 : vector<16xi32>
        %and3A_122 = arith.andi %eq3A_121, %lt3A_119 : vector<16xi1>
        tpu.vector_store_idx %arg18[%min3A_116, %and3A_6], %exp3A masked %and3A_122 {add = true} : memref<320x4xf32, #tpu.memory_space<vmem>>[vector<16xi32>, vector<16xi32>], vector<16xf32>, vector<16xi1>
        %eq3A_123 = arith.constant 1 : i32
        %eq3A_124 = vector.broadcast %eq3A_123 : i32 to vector<16xi32>
        %eq3A_125 = arith.cmpi eq, %shift_right_logical3A_4, %eq3A_124 : vector<16xi32>
        %and3A_126 = arith.andi %eq3A_125, %lt3A_119 : vector<16xi1>
        tpu.vector_store_idx %arg18[%min3A_116, %and3A_6], %exp3A masked %and3A_126 {add = true} : memref<320x4xf32, #tpu.memory_space<vmem>>[vector<16xi32>, vector<16xi32>], vector<16xf32>, vector<16xi1>
        %eq3A_127 = arith.constant 2 : i32
        %eq3A_128 = vector.broadcast %eq3A_127 : i32 to vector<16xi32>
        %eq3A_129 = arith.cmpi eq, %shift_right_logical3A_4, %eq3A_128 : vector<16xi32>
        %and3A_130 = arith.andi %eq3A_129, %lt3A_119 : vector<16xi1>
        tpu.vector_store_idx %arg18[%min3A_116, %and3A_6], %exp3A masked %and3A_130 {add = true} : memref<320x4xf32, #tpu.memory_space<vmem>>[vector<16xi32>, vector<16xi32>], vector<16xf32>, vector<16xi1>
        %eq3A_131 = arith.constant 3 : i32
        %eq3A_132 = vector.broadcast %eq3A_131 : i32 to vector<16xi32>
        %eq3A_133 = arith.cmpi eq, %shift_right_logical3A_4, %eq3A_132 : vector<16xi32>
        %and3A_134 = arith.andi %eq3A_133, %lt3A_119 : vector<16xi1>
        tpu.vector_store_idx %arg18[%min3A_116, %and3A_6], %exp3A masked %and3A_134 {add = true} : memref<320x4xf32, #tpu.memory_space<vmem>>[vector<16xi32>, vector<16xi32>], vector<16xf32>, vector<16xi1>
        %add3A_135 = arith.constant 4 : i32
        %add3A_136 = vector.broadcast %add3A_135 : i32 to vector<16xi32>
        %add3A_137 = arith.addi %shift_right_logical3A_4, %add3A_136 : vector<16xi32>
        %gather3A_138 = tpu.vector_load_idx %arg14[%add3A_137, %and3A_6] : memref<64x8xf32, #tpu.memory_space<vmem>>[vector<16xi32>, vector<16xi32>], vector<16xf32>,
        %add3A_139 = arith.constant 4 : i32
        %add3A_140 = vector.broadcast %add3A_139 : i32 to vector<16xi32>
        %add3A_141 = arith.addi %and3A_6, %add3A_140 : vector<16xi32>
        %gather3A_142 = tpu.vector_load_idx %arg15[%add3A_137, %add3A_141] : memref<64x8xf32, #tpu.memory_space<vmem>>[vector<16xi32>, vector<16xi32>], vector<16xf32>,
        %add3A_143 = arith.addf %gather3A_138, %gather3A_142 : vector<16xf32>
        %gt3A_144 = arith.constant 0.000000e+00 : f32
        %gt3A_145 = vector.broadcast %gt3A_144 : f32 to vector<16xf32>
        %gt3A_146 = arith.cmpf ogt, %add3A_143, %gt3A_145 : vector<16xf32>
        %mul3A_147 = arith.constant 2.000000e-01 : f32
        %mul3A_148 = vector.broadcast %mul3A_147 : f32 to vector<16xf32>
        %mul3A_149 = arith.mulf %mul3A_148, %add3A_143 : vector<16xf32>
        %select_n3A_150 = arith.select %gt3A_146, %add3A_143, %mul3A_149 : vector<16xi1>, vector<16xf32>
        %sub3A_151 = arith.subf %select_n3A_150, %get3A_7 : vector<16xf32>
        %exp3A_152 = math.exp %sub3A_151 : vector<16xf32>
        %add3A_153 = vector.broadcast %mul3A_76 : i32 to vector<16xi32>
        %add3A_154 = arith.addi %add3A_153, %add3A_137 : vector<16xi32>
        %gather3A_155 = tpu.vector_load_idx %arg13[%add3A_154] : memref<2064xi32, #tpu.memory_space<vmem>>[vector<16xi32>], vector<16xi32>,
        %sub3A_156 = vector.broadcast %mul3A_2 : i32 to vector<16xi32>
        %sub3A_157 = arith.subi %gather3A_155, %sub3A_156 : vector<16xi32>
        %jit3A_158 = arith.constant 0 : i32
        %jit3A_159 = arith.constant 319 : i32
        %max3A_160 = vector.broadcast %jit3A_158 : i32 to vector<16xi32>
        %max3A_161 = arith.maxsi %max3A_160, %sub3A_157 : vector<16xi32>
        %min3A_162 = vector.broadcast %jit3A_159 : i32 to vector<16xi32>
        %min3A_163 = arith.minsi %min3A_162, %max3A_161 : vector<16xi32>
        %add3A_164 = vector.broadcast %mul3A_76 : i32 to vector<16xi32>
        %add3A_165 = arith.addi %add3A_164, %add3A_137 : vector<16xi32>
        %lt3A_166 = vector.broadcast %scan3A_42 : i32 to vector<16xi32>
        %lt3A_167 = arith.cmpi slt, %add3A_165, %lt3A_166 : vector<16xi32>
        %eq3A_168 = arith.constant 0 : i32
        %eq3A_169 = vector.broadcast %eq3A_168 : i32 to vector<16xi32>
        %eq3A_170 = arith.cmpi eq, %shift_right_logical3A_4, %eq3A_169 : vector<16xi32>
        %and3A_171 = arith.andi %eq3A_170, %lt3A_167 : vector<16xi1>
        tpu.vector_store_idx %arg18[%min3A_163, %and3A_6], %exp3A_152 masked %and3A_171 {add = true} : memref<320x4xf32, #tpu.memory_space<vmem>>[vector<16xi32>, vector<16xi32>], vector<16xf32>, vector<16xi1>
        %eq3A_172 = arith.constant 1 : i32
        %eq3A_173 = vector.broadcast %eq3A_172 : i32 to vector<16xi32>
        %eq3A_174 = arith.cmpi eq, %shift_right_logical3A_4, %eq3A_173 : vector<16xi32>
        %and3A_175 = arith.andi %eq3A_174, %lt3A_167 : vector<16xi1>
        tpu.vector_store_idx %arg18[%min3A_163, %and3A_6], %exp3A_152 masked %and3A_175 {add = true} : memref<320x4xf32, #tpu.memory_space<vmem>>[vector<16xi32>, vector<16xi32>], vector<16xf32>, vector<16xi1>
        %eq3A_176 = arith.constant 2 : i32
        %eq3A_177 = vector.broadcast %eq3A_176 : i32 to vector<16xi32>
        %eq3A_178 = arith.cmpi eq, %shift_right_logical3A_4, %eq3A_177 : vector<16xi32>
        %and3A_179 = arith.andi %eq3A_178, %lt3A_167 : vector<16xi1>
        tpu.vector_store_idx %arg18[%min3A_163, %and3A_6], %exp3A_152 masked %and3A_179 {add = true} : memref<320x4xf32, #tpu.memory_space<vmem>>[vector<16xi32>, vector<16xi32>], vector<16xf32>, vector<16xi1>
        %eq3A_180 = arith.constant 3 : i32
        %eq3A_181 = vector.broadcast %eq3A_180 : i32 to vector<16xi32>
        %eq3A_182 = arith.cmpi eq, %shift_right_logical3A_4, %eq3A_181 : vector<16xi32>
        %and3A_183 = arith.andi %eq3A_182, %lt3A_167 : vector<16xi1>
        tpu.vector_store_idx %arg18[%min3A_163, %and3A_6], %exp3A_152 masked %and3A_183 {add = true} : memref<320x4xf32, #tpu.memory_space<vmem>>[vector<16xi32>, vector<16xi32>], vector<16xf32>, vector<16xi1>
        %add3A_184 = arith.constant 8 : i32
        %add3A_185 = vector.broadcast %add3A_184 : i32 to vector<16xi32>
        %add3A_186 = arith.addi %shift_right_logical3A_4, %add3A_185 : vector<16xi32>
        %gather3A_187 = tpu.vector_load_idx %arg14[%add3A_186, %and3A_6] : memref<64x8xf32, #tpu.memory_space<vmem>>[vector<16xi32>, vector<16xi32>], vector<16xf32>,
        %add3A_188 = arith.constant 4 : i32
        %add3A_189 = vector.broadcast %add3A_188 : i32 to vector<16xi32>
        %add3A_190 = arith.addi %and3A_6, %add3A_189 : vector<16xi32>
        %gather3A_191 = tpu.vector_load_idx %arg15[%add3A_186, %add3A_190] : memref<64x8xf32, #tpu.memory_space<vmem>>[vector<16xi32>, vector<16xi32>], vector<16xf32>,
        %add3A_192 = arith.addf %gather3A_187, %gather3A_191 : vector<16xf32>
        %gt3A_193 = arith.constant 0.000000e+00 : f32
        %gt3A_194 = vector.broadcast %gt3A_193 : f32 to vector<16xf32>
        %gt3A_195 = arith.cmpf ogt, %add3A_192, %gt3A_194 : vector<16xf32>
        %mul3A_196 = arith.constant 2.000000e-01 : f32
        %mul3A_197 = vector.broadcast %mul3A_196 : f32 to vector<16xf32>
        %mul3A_198 = arith.mulf %mul3A_197, %add3A_192 : vector<16xf32>
        %select_n3A_199 = arith.select %gt3A_195, %add3A_192, %mul3A_198 : vector<16xi1>, vector<16xf32>
        %sub3A_200 = arith.subf %select_n3A_199, %get3A_7 : vector<16xf32>
        %exp3A_201 = math.exp %sub3A_200 : vector<16xf32>
        %add3A_202 = vector.broadcast %mul3A_76 : i32 to vector<16xi32>
        %add3A_203 = arith.addi %add3A_202, %add3A_186 : vector<16xi32>
        %gather3A_204 = tpu.vector_load_idx %arg13[%add3A_203] : memref<2064xi32, #tpu.memory_space<vmem>>[vector<16xi32>], vector<16xi32>,
        %sub3A_205 = vector.broadcast %mul3A_2 : i32 to vector<16xi32>
        %sub3A_206 = arith.subi %gather3A_204, %sub3A_205 : vector<16xi32>
        %jit3A_207 = arith.constant 0 : i32
        %jit3A_208 = arith.constant 319 : i32
        %max3A_209 = vector.broadcast %jit3A_207 : i32 to vector<16xi32>
        %max3A_210 = arith.maxsi %max3A_209, %sub3A_206 : vector<16xi32>
        %min3A_211 = vector.broadcast %jit3A_208 : i32 to vector<16xi32>
        %min3A_212 = arith.minsi %min3A_211, %max3A_210 : vector<16xi32>
        %add3A_213 = vector.broadcast %mul3A_76 : i32 to vector<16xi32>
        %add3A_214 = arith.addi %add3A_213, %add3A_186 : vector<16xi32>
        %lt3A_215 = vector.broadcast %scan3A_42 : i32 to vector<16xi32>
        %lt3A_216 = arith.cmpi slt, %add3A_214, %lt3A_215 : vector<16xi32>
        %eq3A_217 = arith.constant 0 : i32
        %eq3A_218 = vector.broadcast %eq3A_217 : i32 to vector<16xi32>
        %eq3A_219 = arith.cmpi eq, %shift_right_logical3A_4, %eq3A_218 : vector<16xi32>
        %and3A_220 = arith.andi %eq3A_219, %lt3A_216 : vector<16xi1>
        tpu.vector_store_idx %arg18[%min3A_212, %and3A_6], %exp3A_201 masked %and3A_220 {add = true} : memref<320x4xf32, #tpu.memory_space<vmem>>[vector<16xi32>, vector<16xi32>], vector<16xf32>, vector<16xi1>
        %eq3A_221 = arith.constant 1 : i32
        %eq3A_222 = vector.broadcast %eq3A_221 : i32 to vector<16xi32>
        %eq3A_223 = arith.cmpi eq, %shift_right_logical3A_4, %eq3A_222 : vector<16xi32>
        %and3A_224 = arith.andi %eq3A_223, %lt3A_216 : vector<16xi1>
        tpu.vector_store_idx %arg18[%min3A_212, %and3A_6], %exp3A_201 masked %and3A_224 {add = true} : memref<320x4xf32, #tpu.memory_space<vmem>>[vector<16xi32>, vector<16xi32>], vector<16xf32>, vector<16xi1>
        %eq3A_225 = arith.constant 2 : i32
        %eq3A_226 = vector.broadcast %eq3A_225 : i32 to vector<16xi32>
        %eq3A_227 = arith.cmpi eq, %shift_right_logical3A_4, %eq3A_226 : vector<16xi32>
        %and3A_228 = arith.andi %eq3A_227, %lt3A_216 : vector<16xi1>
        tpu.vector_store_idx %arg18[%min3A_212, %and3A_6], %exp3A_201 masked %and3A_228 {add = true} : memref<320x4xf32, #tpu.memory_space<vmem>>[vector<16xi32>, vector<16xi32>], vector<16xf32>, vector<16xi1>
        %eq3A_229 = arith.constant 3 : i32
        %eq3A_230 = vector.broadcast %eq3A_229 : i32 to vector<16xi32>
        %eq3A_231 = arith.cmpi eq, %shift_right_logical3A_4, %eq3A_230 : vector<16xi32>
        %and3A_232 = arith.andi %eq3A_231, %lt3A_216 : vector<16xi1>
        tpu.vector_store_idx %arg18[%min3A_212, %and3A_6], %exp3A_201 masked %and3A_232 {add = true} : memref<320x4xf32, #tpu.memory_space<vmem>>[vector<16xi32>, vector<16xi32>], vector<16xf32>, vector<16xi1>
        %add3A_233 = arith.constant 12 : i32
        %add3A_234 = vector.broadcast %add3A_233 : i32 to vector<16xi32>
        %add3A_235 = arith.addi %shift_right_logical3A_4, %add3A_234 : vector<16xi32>
        %gather3A_236 = tpu.vector_load_idx %arg14[%add3A_235, %and3A_6] : memref<64x8xf32, #tpu.memory_space<vmem>>[vector<16xi32>, vector<16xi32>], vector<16xf32>,
        %add3A_237 = arith.constant 4 : i32
        %add3A_238 = vector.broadcast %add3A_237 : i32 to vector<16xi32>
        %add3A_239 = arith.addi %and3A_6, %add3A_238 : vector<16xi32>
        %gather3A_240 = tpu.vector_load_idx %arg15[%add3A_235, %add3A_239] : memref<64x8xf32, #tpu.memory_space<vmem>>[vector<16xi32>, vector<16xi32>], vector<16xf32>,
        %add3A_241 = arith.addf %gather3A_236, %gather3A_240 : vector<16xf32>
        %gt3A_242 = arith.constant 0.000000e+00 : f32
        %gt3A_243 = vector.broadcast %gt3A_242 : f32 to vector<16xf32>
        %gt3A_244 = arith.cmpf ogt, %add3A_241, %gt3A_243 : vector<16xf32>
        %mul3A_245 = arith.constant 2.000000e-01 : f32
        %mul3A_246 = vector.broadcast %mul3A_245 : f32 to vector<16xf32>
        %mul3A_247 = arith.mulf %mul3A_246, %add3A_241 : vector<16xf32>
        %select_n3A_248 = arith.select %gt3A_244, %add3A_241, %mul3A_247 : vector<16xi1>, vector<16xf32>
        %sub3A_249 = arith.subf %select_n3A_248, %get3A_7 : vector<16xf32>
        %exp3A_250 = math.exp %sub3A_249 : vector<16xf32>
        %add3A_251 = vector.broadcast %mul3A_76 : i32 to vector<16xi32>
        %add3A_252 = arith.addi %add3A_251, %add3A_235 : vector<16xi32>
        %gather3A_253 = tpu.vector_load_idx %arg13[%add3A_252] : memref<2064xi32, #tpu.memory_space<vmem>>[vector<16xi32>], vector<16xi32>,
        %sub3A_254 = vector.broadcast %mul3A_2 : i32 to vector<16xi32>
        %sub3A_255 = arith.subi %gather3A_253, %sub3A_254 : vector<16xi32>
        %jit3A_256 = arith.constant 0 : i32
        %jit3A_257 = arith.constant 319 : i32
        %max3A_258 = vector.broadcast %jit3A_256 : i32 to vector<16xi32>
        %max3A_259 = arith.maxsi %max3A_258, %sub3A_255 : vector<16xi32>
        %min3A_260 = vector.broadcast %jit3A_257 : i32 to vector<16xi32>
        %min3A_261 = arith.minsi %min3A_260, %max3A_259 : vector<16xi32>
        %add3A_262 = vector.broadcast %mul3A_76 : i32 to vector<16xi32>
        %add3A_263 = arith.addi %add3A_262, %add3A_235 : vector<16xi32>
        %lt3A_264 = vector.broadcast %scan3A_42 : i32 to vector<16xi32>
        %lt3A_265 = arith.cmpi slt, %add3A_263, %lt3A_264 : vector<16xi32>
        %eq3A_266 = arith.constant 0 : i32
        %eq3A_267 = vector.broadcast %eq3A_266 : i32 to vector<16xi32>
        %eq3A_268 = arith.cmpi eq, %shift_right_logical3A_4, %eq3A_267 : vector<16xi32>
        %and3A_269 = arith.andi %eq3A_268, %lt3A_265 : vector<16xi1>
        tpu.vector_store_idx %arg18[%min3A_261, %and3A_6], %exp3A_250 masked %and3A_269 {add = true} : memref<320x4xf32, #tpu.memory_space<vmem>>[vector<16xi32>, vector<16xi32>], vector<16xf32>, vector<16xi1>
        %eq3A_270 = arith.constant 1 : i32
        %eq3A_271 = vector.broadcast %eq3A_270 : i32 to vector<16xi32>
        %eq3A_272 = arith.cmpi eq, %shift_right_logical3A_4, %eq3A_271 : vector<16xi32>
        %and3A_273 = arith.andi %eq3A_272, %lt3A_265 : vector<16xi1>
        tpu.vector_store_idx %arg18[%min3A_261, %and3A_6], %exp3A_250 masked %and3A_273 {add = true} : memref<320x4xf32, #tpu.memory_space<vmem>>[vector<16xi32>, vector<16xi32>], vector<16xf32>, vector<16xi1>
        %eq3A_274 = arith.constant 2 : i32
        %eq3A_275 = vector.broadcast %eq3A_274 : i32 to vector<16xi32>
        %eq3A_276 = arith.cmpi eq, %shift_right_logical3A_4, %eq3A_275 : vector<16xi32>
        %and3A_277 = arith.andi %eq3A_276, %lt3A_265 : vector<16xi1>
        tpu.vector_store_idx %arg18[%min3A_261, %and3A_6], %exp3A_250 masked %and3A_277 {add = true} : memref<320x4xf32, #tpu.memory_space<vmem>>[vector<16xi32>, vector<16xi32>], vector<16xf32>, vector<16xi1>
        %eq3A_278 = arith.constant 3 : i32
        %eq3A_279 = vector.broadcast %eq3A_278 : i32 to vector<16xi32>
        %eq3A_280 = arith.cmpi eq, %shift_right_logical3A_4, %eq3A_279 : vector<16xi32>
        %and3A_281 = arith.andi %eq3A_280, %lt3A_265 : vector<16xi1>
        tpu.vector_store_idx %arg18[%min3A_261, %and3A_6], %exp3A_250 masked %and3A_281 {add = true} : memref<320x4xf32, #tpu.memory_space<vmem>>[vector<16xi32>, vector<16xi32>], vector<16xf32>, vector<16xi1>
        %add3A_282 = arith.constant 16 : i32
        %add3A_283 = vector.broadcast %add3A_282 : i32 to vector<16xi32>
        %add3A_284 = arith.addi %shift_right_logical3A_4, %add3A_283 : vector<16xi32>
        %gather3A_285 = tpu.vector_load_idx %arg14[%add3A_284, %and3A_6] : memref<64x8xf32, #tpu.memory_space<vmem>>[vector<16xi32>, vector<16xi32>], vector<16xf32>,
        %add3A_286 = arith.constant 4 : i32
        %add3A_287 = vector.broadcast %add3A_286 : i32 to vector<16xi32>
        %add3A_288 = arith.addi %and3A_6, %add3A_287 : vector<16xi32>
        %gather3A_289 = tpu.vector_load_idx %arg15[%add3A_284, %add3A_288] : memref<64x8xf32, #tpu.memory_space<vmem>>[vector<16xi32>, vector<16xi32>], vector<16xf32>,
        %add3A_290 = arith.addf %gather3A_285, %gather3A_289 : vector<16xf32>
        %gt3A_291 = arith.constant 0.000000e+00 : f32
        %gt3A_292 = vector.broadcast %gt3A_291 : f32 to vector<16xf32>
        %gt3A_293 = arith.cmpf ogt, %add3A_290, %gt3A_292 : vector<16xf32>
        %mul3A_294 = arith.constant 2.000000e-01 : f32
        %mul3A_295 = vector.broadcast %mul3A_294 : f32 to vector<16xf32>
        %mul3A_296 = arith.mulf %mul3A_295, %add3A_290 : vector<16xf32>
        %select_n3A_297 = arith.select %gt3A_293, %add3A_290, %mul3A_296 : vector<16xi1>, vector<16xf32>
        %sub3A_298 = arith.subf %select_n3A_297, %get3A_7 : vector<16xf32>
        %exp3A_299 = math.exp %sub3A_298 : vector<16xf32>
        %add3A_300 = vector.broadcast %mul3A_76 : i32 to vector<16xi32>
        %add3A_301 = arith.addi %add3A_300, %add3A_284 : vector<16xi32>
        %gather3A_302 = tpu.vector_load_idx %arg13[%add3A_301] : memref<2064xi32, #tpu.memory_space<vmem>>[vector<16xi32>], vector<16xi32>,
        %sub3A_303 = vector.broadcast %mul3A_2 : i32 to vector<16xi32>
        %sub3A_304 = arith.subi %gather3A_302, %sub3A_303 : vector<16xi32>
        %jit3A_305 = arith.constant 0 : i32
        %jit3A_306 = arith.constant 319 : i32
        %max3A_307 = vector.broadcast %jit3A_305 : i32 to vector<16xi32>
        %max3A_308 = arith.maxsi %max3A_307, %sub3A_304 : vector<16xi32>
        %min3A_309 = vector.broadcast %jit3A_306 : i32 to vector<16xi32>
        %min3A_310 = arith.minsi %min3A_309, %max3A_308 : vector<16xi32>
        %add3A_311 = vector.broadcast %mul3A_76 : i32 to vector<16xi32>
        %add3A_312 = arith.addi %add3A_311, %add3A_284 : vector<16xi32>
        %lt3A_313 = vector.broadcast %scan3A_42 : i32 to vector<16xi32>
        %lt3A_314 = arith.cmpi slt, %add3A_312, %lt3A_313 : vector<16xi32>
        %eq3A_315 = arith.constant 0 : i32
        %eq3A_316 = vector.broadcast %eq3A_315 : i32 to vector<16xi32>
        %eq3A_317 = arith.cmpi eq, %shift_right_logical3A_4, %eq3A_316 : vector<16xi32>
        %and3A_318 = arith.andi %eq3A_317, %lt3A_314 : vector<16xi1>
        tpu.vector_store_idx %arg18[%min3A_310, %and3A_6], %exp3A_299 masked %and3A_318 {add = true} : memref<320x4xf32, #tpu.memory_space<vmem>>[vector<16xi32>, vector<16xi32>], vector<16xf32>, vector<16xi1>
        %eq3A_319 = arith.constant 1 : i32
        %eq3A_320 = vector.broadcast %eq3A_319 : i32 to vector<16xi32>
        %eq3A_321 = arith.cmpi eq, %shift_right_logical3A_4, %eq3A_320 : vector<16xi32>
        %and3A_322 = arith.andi %eq3A_321, %lt3A_314 : vector<16xi1>
        tpu.vector_store_idx %arg18[%min3A_310, %and3A_6], %exp3A_299 masked %and3A_322 {add = true} : memref<320x4xf32, #tpu.memory_space<vmem>>[vector<16xi32>, vector<16xi32>], vector<16xf32>, vector<16xi1>
        %eq3A_323 = arith.constant 2 : i32
        %eq3A_324 = vector.broadcast %eq3A_323 : i32 to vector<16xi32>
        %eq3A_325 = arith.cmpi eq, %shift_right_logical3A_4, %eq3A_324 : vector<16xi32>
        %and3A_326 = arith.andi %eq3A_325, %lt3A_314 : vector<16xi1>
        tpu.vector_store_idx %arg18[%min3A_310, %and3A_6], %exp3A_299 masked %and3A_326 {add = true} : memref<320x4xf32, #tpu.memory_space<vmem>>[vector<16xi32>, vector<16xi32>], vector<16xf32>, vector<16xi1>
        %eq3A_327 = arith.constant 3 : i32
        %eq3A_328 = vector.broadcast %eq3A_327 : i32 to vector<16xi32>
        %eq3A_329 = arith.cmpi eq, %shift_right_logical3A_4, %eq3A_328 : vector<16xi32>
        %and3A_330 = arith.andi %eq3A_329, %lt3A_314 : vector<16xi1>
        tpu.vector_store_idx %arg18[%min3A_310, %and3A_6], %exp3A_299 masked %and3A_330 {add = true} : memref<320x4xf32, #tpu.memory_space<vmem>>[vector<16xi32>, vector<16xi32>], vector<16xf32>, vector<16xi1>
        %add3A_331 = arith.constant 20 : i32
        %add3A_332 = vector.broadcast %add3A_331 : i32 to vector<16xi32>
        %add3A_333 = arith.addi %shift_right_logical3A_4, %add3A_332 : vector<16xi32>
        %gather3A_334 = tpu.vector_load_idx %arg14[%add3A_333, %and3A_6] : memref<64x8xf32, #tpu.memory_space<vmem>>[vector<16xi32>, vector<16xi32>], vector<16xf32>,
        %add3A_335 = arith.constant 4 : i32
        %add3A_336 = vector.broadcast %add3A_335 : i32 to vector<16xi32>
        %add3A_337 = arith.addi %and3A_6, %add3A_336 : vector<16xi32>
        %gather3A_338 = tpu.vector_load_idx %arg15[%add3A_333, %add3A_337] : memref<64x8xf32, #tpu.memory_space<vmem>>[vector<16xi32>, vector<16xi32>], vector<16xf32>,
        %add3A_339 = arith.addf %gather3A_334, %gather3A_338 : vector<16xf32>
        %gt3A_340 = arith.constant 0.000000e+00 : f32
        %gt3A_341 = vector.broadcast %gt3A_340 : f32 to vector<16xf32>
        %gt3A_342 = arith.cmpf ogt, %add3A_339, %gt3A_341 : vector<16xf32>
        %mul3A_343 = arith.constant 2.000000e-01 : f32
        %mul3A_344 = vector.broadcast %mul3A_343 : f32 to vector<16xf32>
        %mul3A_345 = arith.mulf %mul3A_344, %add3A_339 : vector<16xf32>
        %select_n3A_346 = arith.select %gt3A_342, %add3A_339, %mul3A_345 : vector<16xi1>, vector<16xf32>
        %sub3A_347 = arith.subf %select_n3A_346, %get3A_7 : vector<16xf32>
        %exp3A_348 = math.exp %sub3A_347 : vector<16xf32>
        %add3A_349 = vector.broadcast %mul3A_76 : i32 to vector<16xi32>
        %add3A_350 = arith.addi %add3A_349, %add3A_333 : vector<16xi32>
        %gather3A_351 = tpu.vector_load_idx %arg13[%add3A_350] : memref<2064xi32, #tpu.memory_space<vmem>>[vector<16xi32>], vector<16xi32>,
        %sub3A_352 = vector.broadcast %mul3A_2 : i32 to vector<16xi32>
        %sub3A_353 = arith.subi %gather3A_351, %sub3A_352 : vector<16xi32>
        %jit3A_354 = arith.constant 0 : i32
        %jit3A_355 = arith.constant 319 : i32
        %max3A_356 = vector.broadcast %jit3A_354 : i32 to vector<16xi32>
        %max3A_357 = arith.maxsi %max3A_356, %sub3A_353 : vector<16xi32>
        %min3A_358 = vector.broadcast %jit3A_355 : i32 to vector<16xi32>
        %min3A_359 = arith.minsi %min3A_358, %max3A_357 : vector<16xi32>
        %add3A_360 = vector.broadcast %mul3A_76 : i32 to vector<16xi32>
        %add3A_361 = arith.addi %add3A_360, %add3A_333 : vector<16xi32>
        %lt3A_362 = vector.broadcast %scan3A_42 : i32 to vector<16xi32>
        %lt3A_363 = arith.cmpi slt, %add3A_361, %lt3A_362 : vector<16xi32>
        %eq3A_364 = arith.constant 0 : i32
        %eq3A_365 = vector.broadcast %eq3A_364 : i32 to vector<16xi32>
        %eq3A_366 = arith.cmpi eq, %shift_right_logical3A_4, %eq3A_365 : vector<16xi32>
        %and3A_367 = arith.andi %eq3A_366, %lt3A_363 : vector<16xi1>
        tpu.vector_store_idx %arg18[%min3A_359, %and3A_6], %exp3A_348 masked %and3A_367 {add = true} : memref<320x4xf32, #tpu.memory_space<vmem>>[vector<16xi32>, vector<16xi32>], vector<16xf32>, vector<16xi1>
        %eq3A_368 = arith.constant 1 : i32
        %eq3A_369 = vector.broadcast %eq3A_368 : i32 to vector<16xi32>
        %eq3A_370 = arith.cmpi eq, %shift_right_logical3A_4, %eq3A_369 : vector<16xi32>
        %and3A_371 = arith.andi %eq3A_370, %lt3A_363 : vector<16xi1>
        tpu.vector_store_idx %arg18[%min3A_359, %and3A_6], %exp3A_348 masked %and3A_371 {add = true} : memref<320x4xf32, #tpu.memory_space<vmem>>[vector<16xi32>, vector<16xi32>], vector<16xf32>, vector<16xi1>
        %eq3A_372 = arith.constant 2 : i32
        %eq3A_373 = vector.broadcast %eq3A_372 : i32 to vector<16xi32>
        %eq3A_374 = arith.cmpi eq, %shift_right_logical3A_4, %eq3A_373 : vector<16xi32>
        %and3A_375 = arith.andi %eq3A_374, %lt3A_363 : vector<16xi1>
        tpu.vector_store_idx %arg18[%min3A_359, %and3A_6], %exp3A_348 masked %and3A_375 {add = true} : memref<320x4xf32, #tpu.memory_space<vmem>>[vector<16xi32>, vector<16xi32>], vector<16xf32>, vector<16xi1>
        %eq3A_376 = arith.constant 3 : i32
        %eq3A_377 = vector.broadcast %eq3A_376 : i32 to vector<16xi32>
        %eq3A_378 = arith.cmpi eq, %shift_right_logical3A_4, %eq3A_377 : vector<16xi32>
        %and3A_379 = arith.andi %eq3A_378, %lt3A_363 : vector<16xi1>
        tpu.vector_store_idx %arg18[%min3A_359, %and3A_6], %exp3A_348 masked %and3A_379 {add = true} : memref<320x4xf32, #tpu.memory_space<vmem>>[vector<16xi32>, vector<16xi32>], vector<16xf32>, vector<16xi1>
        %add3A_380 = arith.constant 24 : i32
        %add3A_381 = vector.broadcast %add3A_380 : i32 to vector<16xi32>
        %add3A_382 = arith.addi %shift_right_logical3A_4, %add3A_381 : vector<16xi32>
        %gather3A_383 = tpu.vector_load_idx %arg14[%add3A_382, %and3A_6] : memref<64x8xf32, #tpu.memory_space<vmem>>[vector<16xi32>, vector<16xi32>], vector<16xf32>,
        %add3A_384 = arith.constant 4 : i32
        %add3A_385 = vector.broadcast %add3A_384 : i32 to vector<16xi32>
        %add3A_386 = arith.addi %and3A_6, %add3A_385 : vector<16xi32>
        %gather3A_387 = tpu.vector_load_idx %arg15[%add3A_382, %add3A_386] : memref<64x8xf32, #tpu.memory_space<vmem>>[vector<16xi32>, vector<16xi32>], vector<16xf32>,
        %add3A_388 = arith.addf %gather3A_383, %gather3A_387 : vector<16xf32>
        %gt3A_389 = arith.constant 0.000000e+00 : f32
        %gt3A_390 = vector.broadcast %gt3A_389 : f32 to vector<16xf32>
        %gt3A_391 = arith.cmpf ogt, %add3A_388, %gt3A_390 : vector<16xf32>
        %mul3A_392 = arith.constant 2.000000e-01 : f32
        %mul3A_393 = vector.broadcast %mul3A_392 : f32 to vector<16xf32>
        %mul3A_394 = arith.mulf %mul3A_393, %add3A_388 : vector<16xf32>
        %select_n3A_395 = arith.select %gt3A_391, %add3A_388, %mul3A_394 : vector<16xi1>, vector<16xf32>
        %sub3A_396 = arith.subf %select_n3A_395, %get3A_7 : vector<16xf32>
        %exp3A_397 = math.exp %sub3A_396 : vector<16xf32>
        %add3A_398 = vector.broadcast %mul3A_76 : i32 to vector<16xi32>
        %add3A_399 = arith.addi %add3A_398, %add3A_382 : vector<16xi32>
        %gather3A_400 = tpu.vector_load_idx %arg13[%add3A_399] : memref<2064xi32, #tpu.memory_space<vmem>>[vector<16xi32>], vector<16xi32>,
        %sub3A_401 = vector.broadcast %mul3A_2 : i32 to vector<16xi32>
        %sub3A_402 = arith.subi %gather3A_400, %sub3A_401 : vector<16xi32>
        %jit3A_403 = arith.constant 0 : i32
        %jit3A_404 = arith.constant 319 : i32
        %max3A_405 = vector.broadcast %jit3A_403 : i32 to vector<16xi32>
        %max3A_406 = arith.maxsi %max3A_405, %sub3A_402 : vector<16xi32>
        %min3A_407 = vector.broadcast %jit3A_404 : i32 to vector<16xi32>
        %min3A_408 = arith.minsi %min3A_407, %max3A_406 : vector<16xi32>
        %add3A_409 = vector.broadcast %mul3A_76 : i32 to vector<16xi32>
        %add3A_410 = arith.addi %add3A_409, %add3A_382 : vector<16xi32>
        %lt3A_411 = vector.broadcast %scan3A_42 : i32 to vector<16xi32>
        %lt3A_412 = arith.cmpi slt, %add3A_410, %lt3A_411 : vector<16xi32>
        %eq3A_413 = arith.constant 0 : i32
        %eq3A_414 = vector.broadcast %eq3A_413 : i32 to vector<16xi32>
        %eq3A_415 = arith.cmpi eq, %shift_right_logical3A_4, %eq3A_414 : vector<16xi32>
        %and3A_416 = arith.andi %eq3A_415, %lt3A_412 : vector<16xi1>
        tpu.vector_store_idx %arg18[%min3A_408, %and3A_6], %exp3A_397 masked %and3A_416 {add = true} : memref<320x4xf32, #tpu.memory_space<vmem>>[vector<16xi32>, vector<16xi32>], vector<16xf32>, vector<16xi1>
        %eq3A_417 = arith.constant 1 : i32
        %eq3A_418 = vector.broadcast %eq3A_417 : i32 to vector<16xi32>
        %eq3A_419 = arith.cmpi eq, %shift_right_logical3A_4, %eq3A_418 : vector<16xi32>
        %and3A_420 = arith.andi %eq3A_419, %lt3A_412 : vector<16xi1>
        tpu.vector_store_idx %arg18[%min3A_408, %and3A_6], %exp3A_397 masked %and3A_420 {add = true} : memref<320x4xf32, #tpu.memory_space<vmem>>[vector<16xi32>, vector<16xi32>], vector<16xf32>, vector<16xi1>
        %eq3A_421 = arith.constant 2 : i32
        %eq3A_422 = vector.broadcast %eq3A_421 : i32 to vector<16xi32>
        %eq3A_423 = arith.cmpi eq, %shift_right_logical3A_4, %eq3A_422 : vector<16xi32>
        %and3A_424 = arith.andi %eq3A_423, %lt3A_412 : vector<16xi1>
        tpu.vector_store_idx %arg18[%min3A_408, %and3A_6], %exp3A_397 masked %and3A_424 {add = true} : memref<320x4xf32, #tpu.memory_space<vmem>>[vector<16xi32>, vector<16xi32>], vector<16xf32>, vector<16xi1>
        %eq3A_425 = arith.constant 3 : i32
        %eq3A_426 = vector.broadcast %eq3A_425 : i32 to vector<16xi32>
        %eq3A_427 = arith.cmpi eq, %shift_right_logical3A_4, %eq3A_426 : vector<16xi32>
        %and3A_428 = arith.andi %eq3A_427, %lt3A_412 : vector<16xi1>
        tpu.vector_store_idx %arg18[%min3A_408, %and3A_6], %exp3A_397 masked %and3A_428 {add = true} : memref<320x4xf32, #tpu.memory_space<vmem>>[vector<16xi32>, vector<16xi32>], vector<16xf32>, vector<16xi1>
        %add3A_429 = arith.constant 28 : i32
        %add3A_430 = vector.broadcast %add3A_429 : i32 to vector<16xi32>
        %add3A_431 = arith.addi %shift_right_logical3A_4, %add3A_430 : vector<16xi32>
        %gather3A_432 = tpu.vector_load_idx %arg14[%add3A_431, %and3A_6] : memref<64x8xf32, #tpu.memory_space<vmem>>[vector<16xi32>, vector<16xi32>], vector<16xf32>,
        %add3A_433 = arith.constant 4 : i32
        %add3A_434 = vector.broadcast %add3A_433 : i32 to vector<16xi32>
        %add3A_435 = arith.addi %and3A_6, %add3A_434 : vector<16xi32>
        %gather3A_436 = tpu.vector_load_idx %arg15[%add3A_431, %add3A_435] : memref<64x8xf32, #tpu.memory_space<vmem>>[vector<16xi32>, vector<16xi32>], vector<16xf32>,
        %add3A_437 = arith.addf %gather3A_432, %gather3A_436 : vector<16xf32>
        %gt3A_438 = arith.constant 0.000000e+00 : f32
        %gt3A_439 = vector.broadcast %gt3A_438 : f32 to vector<16xf32>
        %gt3A_440 = arith.cmpf ogt, %add3A_437, %gt3A_439 : vector<16xf32>
        %mul3A_441 = arith.constant 2.000000e-01 : f32
        %mul3A_442 = vector.broadcast %mul3A_441 : f32 to vector<16xf32>
        %mul3A_443 = arith.mulf %mul3A_442, %add3A_437 : vector<16xf32>
        %select_n3A_444 = arith.select %gt3A_440, %add3A_437, %mul3A_443 : vector<16xi1>, vector<16xf32>
        %sub3A_445 = arith.subf %select_n3A_444, %get3A_7 : vector<16xf32>
        %exp3A_446 = math.exp %sub3A_445 : vector<16xf32>
        %add3A_447 = vector.broadcast %mul3A_76 : i32 to vector<16xi32>
        %add3A_448 = arith.addi %add3A_447, %add3A_431 : vector<16xi32>
        %gather3A_449 = tpu.vector_load_idx %arg13[%add3A_448] : memref<2064xi32, #tpu.memory_space<vmem>>[vector<16xi32>], vector<16xi32>,
        %sub3A_450 = vector.broadcast %mul3A_2 : i32 to vector<16xi32>
        %sub3A_451 = arith.subi %gather3A_449, %sub3A_450 : vector<16xi32>
        %jit3A_452 = arith.constant 0 : i32
        %jit3A_453 = arith.constant 319 : i32
        %max3A_454 = vector.broadcast %jit3A_452 : i32 to vector<16xi32>
        %max3A_455 = arith.maxsi %max3A_454, %sub3A_451 : vector<16xi32>
        %min3A_456 = vector.broadcast %jit3A_453 : i32 to vector<16xi32>
        %min3A_457 = arith.minsi %min3A_456, %max3A_455 : vector<16xi32>
        %add3A_458 = vector.broadcast %mul3A_76 : i32 to vector<16xi32>
        %add3A_459 = arith.addi %add3A_458, %add3A_431 : vector<16xi32>
        %lt3A_460 = vector.broadcast %scan3A_42 : i32 to vector<16xi32>
        %lt3A_461 = arith.cmpi slt, %add3A_459, %lt3A_460 : vector<16xi32>
        %eq3A_462 = arith.constant 0 : i32
        %eq3A_463 = vector.broadcast %eq3A_462 : i32 to vector<16xi32>
        %eq3A_464 = arith.cmpi eq, %shift_right_logical3A_4, %eq3A_463 : vector<16xi32>
        %and3A_465 = arith.andi %eq3A_464, %lt3A_461 : vector<16xi1>
        tpu.vector_store_idx %arg18[%min3A_457, %and3A_6], %exp3A_446 masked %and3A_465 {add = true} : memref<320x4xf32, #tpu.memory_space<vmem>>[vector<16xi32>, vector<16xi32>], vector<16xf32>, vector<16xi1>
        %eq3A_466 = arith.constant 1 : i32
        %eq3A_467 = vector.broadcast %eq3A_466 : i32 to vector<16xi32>
        %eq3A_468 = arith.cmpi eq, %shift_right_logical3A_4, %eq3A_467 : vector<16xi32>
        %and3A_469 = arith.andi %eq3A_468, %lt3A_461 : vector<16xi1>
        tpu.vector_store_idx %arg18[%min3A_457, %and3A_6], %exp3A_446 masked %and3A_469 {add = true} : memref<320x4xf32, #tpu.memory_space<vmem>>[vector<16xi32>, vector<16xi32>], vector<16xf32>, vector<16xi1>
        %eq3A_470 = arith.constant 2 : i32
        %eq3A_471 = vector.broadcast %eq3A_470 : i32 to vector<16xi32>
        %eq3A_472 = arith.cmpi eq, %shift_right_logical3A_4, %eq3A_471 : vector<16xi32>
        %and3A_473 = arith.andi %eq3A_472, %lt3A_461 : vector<16xi1>
        tpu.vector_store_idx %arg18[%min3A_457, %and3A_6], %exp3A_446 masked %and3A_473 {add = true} : memref<320x4xf32, #tpu.memory_space<vmem>>[vector<16xi32>, vector<16xi32>], vector<16xf32>, vector<16xi1>
        %eq3A_474 = arith.constant 3 : i32
        %eq3A_475 = vector.broadcast %eq3A_474 : i32 to vector<16xi32>
        %eq3A_476 = arith.cmpi eq, %shift_right_logical3A_4, %eq3A_475 : vector<16xi32>
        %and3A_477 = arith.andi %eq3A_476, %lt3A_461 : vector<16xi1>
        tpu.vector_store_idx %arg18[%min3A_457, %and3A_6], %exp3A_446 masked %and3A_477 {add = true} : memref<320x4xf32, #tpu.memory_space<vmem>>[vector<16xi32>, vector<16xi32>], vector<16xf32>, vector<16xi1>
        %add3A_478 = arith.constant 32 : i32
        %add3A_479 = vector.broadcast %add3A_478 : i32 to vector<16xi32>
        %add3A_480 = arith.addi %shift_right_logical3A_4, %add3A_479 : vector<16xi32>
        %gather3A_481 = tpu.vector_load_idx %arg14[%add3A_480, %and3A_6] : memref<64x8xf32, #tpu.memory_space<vmem>>[vector<16xi32>, vector<16xi32>], vector<16xf32>,
        %add3A_482 = arith.constant 4 : i32
        %add3A_483 = vector.broadcast %add3A_482 : i32 to vector<16xi32>
        %add3A_484 = arith.addi %and3A_6, %add3A_483 : vector<16xi32>
        %gather3A_485 = tpu.vector_load_idx %arg15[%add3A_480, %add3A_484] : memref<64x8xf32, #tpu.memory_space<vmem>>[vector<16xi32>, vector<16xi32>], vector<16xf32>,
        %add3A_486 = arith.addf %gather3A_481, %gather3A_485 : vector<16xf32>
        %gt3A_487 = arith.constant 0.000000e+00 : f32
        %gt3A_488 = vector.broadcast %gt3A_487 : f32 to vector<16xf32>
        %gt3A_489 = arith.cmpf ogt, %add3A_486, %gt3A_488 : vector<16xf32>
        %mul3A_490 = arith.constant 2.000000e-01 : f32
        %mul3A_491 = vector.broadcast %mul3A_490 : f32 to vector<16xf32>
        %mul3A_492 = arith.mulf %mul3A_491, %add3A_486 : vector<16xf32>
        %select_n3A_493 = arith.select %gt3A_489, %add3A_486, %mul3A_492 : vector<16xi1>, vector<16xf32>
        %sub3A_494 = arith.subf %select_n3A_493, %get3A_7 : vector<16xf32>
        %exp3A_495 = math.exp %sub3A_494 : vector<16xf32>
        %add3A_496 = vector.broadcast %mul3A_76 : i32 to vector<16xi32>
        %add3A_497 = arith.addi %add3A_496, %add3A_480 : vector<16xi32>
        %gather3A_498 = tpu.vector_load_idx %arg13[%add3A_497] : memref<2064xi32, #tpu.memory_space<vmem>>[vector<16xi32>], vector<16xi32>,
        %sub3A_499 = vector.broadcast %mul3A_2 : i32 to vector<16xi32>
        %sub3A_500 = arith.subi %gather3A_498, %sub3A_499 : vector<16xi32>
        %jit3A_501 = arith.constant 0 : i32
        %jit3A_502 = arith.constant 319 : i32
        %max3A_503 = vector.broadcast %jit3A_501 : i32 to vector<16xi32>
        %max3A_504 = arith.maxsi %max3A_503, %sub3A_500 : vector<16xi32>
        %min3A_505 = vector.broadcast %jit3A_502 : i32 to vector<16xi32>
        %min3A_506 = arith.minsi %min3A_505, %max3A_504 : vector<16xi32>
        %add3A_507 = vector.broadcast %mul3A_76 : i32 to vector<16xi32>
        %add3A_508 = arith.addi %add3A_507, %add3A_480 : vector<16xi32>
        %lt3A_509 = vector.broadcast %scan3A_42 : i32 to vector<16xi32>
        %lt3A_510 = arith.cmpi slt, %add3A_508, %lt3A_509 : vector<16xi32>
        %eq3A_511 = arith.constant 0 : i32
        %eq3A_512 = vector.broadcast %eq3A_511 : i32 to vector<16xi32>
        %eq3A_513 = arith.cmpi eq, %shift_right_logical3A_4, %eq3A_512 : vector<16xi32>
        %and3A_514 = arith.andi %eq3A_513, %lt3A_510 : vector<16xi1>
        tpu.vector_store_idx %arg18[%min3A_506, %and3A_6], %exp3A_495 masked %and3A_514 {add = true} : memref<320x4xf32, #tpu.memory_space<vmem>>[vector<16xi32>, vector<16xi32>], vector<16xf32>, vector<16xi1>
        %eq3A_515 = arith.constant 1 : i32
        %eq3A_516 = vector.broadcast %eq3A_515 : i32 to vector<16xi32>
        %eq3A_517 = arith.cmpi eq, %shift_right_logical3A_4, %eq3A_516 : vector<16xi32>
        %and3A_518 = arith.andi %eq3A_517, %lt3A_510 : vector<16xi1>
        tpu.vector_store_idx %arg18[%min3A_506, %and3A_6], %exp3A_495 masked %and3A_518 {add = true} : memref<320x4xf32, #tpu.memory_space<vmem>>[vector<16xi32>, vector<16xi32>], vector<16xf32>, vector<16xi1>
        %eq3A_519 = arith.constant 2 : i32
        %eq3A_520 = vector.broadcast %eq3A_519 : i32 to vector<16xi32>
        %eq3A_521 = arith.cmpi eq, %shift_right_logical3A_4, %eq3A_520 : vector<16xi32>
        %and3A_522 = arith.andi %eq3A_521, %lt3A_510 : vector<16xi1>
        tpu.vector_store_idx %arg18[%min3A_506, %and3A_6], %exp3A_495 masked %and3A_522 {add = true} : memref<320x4xf32, #tpu.memory_space<vmem>>[vector<16xi32>, vector<16xi32>], vector<16xf32>, vector<16xi1>
        %eq3A_523 = arith.constant 3 : i32
        %eq3A_524 = vector.broadcast %eq3A_523 : i32 to vector<16xi32>
        %eq3A_525 = arith.cmpi eq, %shift_right_logical3A_4, %eq3A_524 : vector<16xi32>
        %and3A_526 = arith.andi %eq3A_525, %lt3A_510 : vector<16xi1>
        tpu.vector_store_idx %arg18[%min3A_506, %and3A_6], %exp3A_495 masked %and3A_526 {add = true} : memref<320x4xf32, #tpu.memory_space<vmem>>[vector<16xi32>, vector<16xi32>], vector<16xf32>, vector<16xi1>
        %add3A_527 = arith.constant 36 : i32
        %add3A_528 = vector.broadcast %add3A_527 : i32 to vector<16xi32>
        %add3A_529 = arith.addi %shift_right_logical3A_4, %add3A_528 : vector<16xi32>
        %gather3A_530 = tpu.vector_load_idx %arg14[%add3A_529, %and3A_6] : memref<64x8xf32, #tpu.memory_space<vmem>>[vector<16xi32>, vector<16xi32>], vector<16xf32>,
        %add3A_531 = arith.constant 4 : i32
        %add3A_532 = vector.broadcast %add3A_531 : i32 to vector<16xi32>
        %add3A_533 = arith.addi %and3A_6, %add3A_532 : vector<16xi32>
        %gather3A_534 = tpu.vector_load_idx %arg15[%add3A_529, %add3A_533] : memref<64x8xf32, #tpu.memory_space<vmem>>[vector<16xi32>, vector<16xi32>], vector<16xf32>,
        %add3A_535 = arith.addf %gather3A_530, %gather3A_534 : vector<16xf32>
        %gt3A_536 = arith.constant 0.000000e+00 : f32
        %gt3A_537 = vector.broadcast %gt3A_536 : f32 to vector<16xf32>
        %gt3A_538 = arith.cmpf ogt, %add3A_535, %gt3A_537 : vector<16xf32>
        %mul3A_539 = arith.constant 2.000000e-01 : f32
        %mul3A_540 = vector.broadcast %mul3A_539 : f32 to vector<16xf32>
        %mul3A_541 = arith.mulf %mul3A_540, %add3A_535 : vector<16xf32>
        %select_n3A_542 = arith.select %gt3A_538, %add3A_535, %mul3A_541 : vector<16xi1>, vector<16xf32>
        %sub3A_543 = arith.subf %select_n3A_542, %get3A_7 : vector<16xf32>
        %exp3A_544 = math.exp %sub3A_543 : vector<16xf32>
        %add3A_545 = vector.broadcast %mul3A_76 : i32 to vector<16xi32>
        %add3A_546 = arith.addi %add3A_545, %add3A_529 : vector<16xi32>
        %gather3A_547 = tpu.vector_load_idx %arg13[%add3A_546] : memref<2064xi32, #tpu.memory_space<vmem>>[vector<16xi32>], vector<16xi32>,
        %sub3A_548 = vector.broadcast %mul3A_2 : i32 to vector<16xi32>
        %sub3A_549 = arith.subi %gather3A_547, %sub3A_548 : vector<16xi32>
        %jit3A_550 = arith.constant 0 : i32
        %jit3A_551 = arith.constant 319 : i32
        %max3A_552 = vector.broadcast %jit3A_550 : i32 to vector<16xi32>
        %max3A_553 = arith.maxsi %max3A_552, %sub3A_549 : vector<16xi32>
        %min3A_554 = vector.broadcast %jit3A_551 : i32 to vector<16xi32>
        %min3A_555 = arith.minsi %min3A_554, %max3A_553 : vector<16xi32>
        %add3A_556 = vector.broadcast %mul3A_76 : i32 to vector<16xi32>
        %add3A_557 = arith.addi %add3A_556, %add3A_529 : vector<16xi32>
        %lt3A_558 = vector.broadcast %scan3A_42 : i32 to vector<16xi32>
        %lt3A_559 = arith.cmpi slt, %add3A_557, %lt3A_558 : vector<16xi32>
        %eq3A_560 = arith.constant 0 : i32
        %eq3A_561 = vector.broadcast %eq3A_560 : i32 to vector<16xi32>
        %eq3A_562 = arith.cmpi eq, %shift_right_logical3A_4, %eq3A_561 : vector<16xi32>
        %and3A_563 = arith.andi %eq3A_562, %lt3A_559 : vector<16xi1>
        tpu.vector_store_idx %arg18[%min3A_555, %and3A_6], %exp3A_544 masked %and3A_563 {add = true} : memref<320x4xf32, #tpu.memory_space<vmem>>[vector<16xi32>, vector<16xi32>], vector<16xf32>, vector<16xi1>
        %eq3A_564 = arith.constant 1 : i32
        %eq3A_565 = vector.broadcast %eq3A_564 : i32 to vector<16xi32>
        %eq3A_566 = arith.cmpi eq, %shift_right_logical3A_4, %eq3A_565 : vector<16xi32>
        %and3A_567 = arith.andi %eq3A_566, %lt3A_559 : vector<16xi1>
        tpu.vector_store_idx %arg18[%min3A_555, %and3A_6], %exp3A_544 masked %and3A_567 {add = true} : memref<320x4xf32, #tpu.memory_space<vmem>>[vector<16xi32>, vector<16xi32>], vector<16xf32>, vector<16xi1>
        %eq3A_568 = arith.constant 2 : i32
        %eq3A_569 = vector.broadcast %eq3A_568 : i32 to vector<16xi32>
        %eq3A_570 = arith.cmpi eq, %shift_right_logical3A_4, %eq3A_569 : vector<16xi32>
        %and3A_571 = arith.andi %eq3A_570, %lt3A_559 : vector<16xi1>
        tpu.vector_store_idx %arg18[%min3A_555, %and3A_6], %exp3A_544 masked %and3A_571 {add = true} : memref<320x4xf32, #tpu.memory_space<vmem>>[vector<16xi32>, vector<16xi32>], vector<16xf32>, vector<16xi1>
        %eq3A_572 = arith.constant 3 : i32
        %eq3A_573 = vector.broadcast %eq3A_572 : i32 to vector<16xi32>
        %eq3A_574 = arith.cmpi eq, %shift_right_logical3A_4, %eq3A_573 : vector<16xi32>
        %and3A_575 = arith.andi %eq3A_574, %lt3A_559 : vector<16xi1>
        tpu.vector_store_idx %arg18[%min3A_555, %and3A_6], %exp3A_544 masked %and3A_575 {add = true} : memref<320x4xf32, #tpu.memory_space<vmem>>[vector<16xi32>, vector<16xi32>], vector<16xf32>, vector<16xi1>
        %add3A_576 = arith.constant 40 : i32
        %add3A_577 = vector.broadcast %add3A_576 : i32 to vector<16xi32>
        %add3A_578 = arith.addi %shift_right_logical3A_4, %add3A_577 : vector<16xi32>
        %gather3A_579 = tpu.vector_load_idx %arg14[%add3A_578, %and3A_6] : memref<64x8xf32, #tpu.memory_space<vmem>>[vector<16xi32>, vector<16xi32>], vector<16xf32>,
        %add3A_580 = arith.constant 4 : i32
        %add3A_581 = vector.broadcast %add3A_580 : i32 to vector<16xi32>
        %add3A_582 = arith.addi %and3A_6, %add3A_581 : vector<16xi32>
        %gather3A_583 = tpu.vector_load_idx %arg15[%add3A_578, %add3A_582] : memref<64x8xf32, #tpu.memory_space<vmem>>[vector<16xi32>, vector<16xi32>], vector<16xf32>,
        %add3A_584 = arith.addf %gather3A_579, %gather3A_583 : vector<16xf32>
        %gt3A_585 = arith.constant 0.000000e+00 : f32
        %gt3A_586 = vector.broadcast %gt3A_585 : f32 to vector<16xf32>
        %gt3A_587 = arith.cmpf ogt, %add3A_584, %gt3A_586 : vector<16xf32>
        %mul3A_588 = arith.constant 2.000000e-01 : f32
        %mul3A_589 = vector.broadcast %mul3A_588 : f32 to vector<16xf32>
        %mul3A_590 = arith.mulf %mul3A_589, %add3A_584 : vector<16xf32>
        %select_n3A_591 = arith.select %gt3A_587, %add3A_584, %mul3A_590 : vector<16xi1>, vector<16xf32>
        %sub3A_592 = arith.subf %select_n3A_591, %get3A_7 : vector<16xf32>
        %exp3A_593 = math.exp %sub3A_592 : vector<16xf32>
        %add3A_594 = vector.broadcast %mul3A_76 : i32 to vector<16xi32>
        %add3A_595 = arith.addi %add3A_594, %add3A_578 : vector<16xi32>
        %gather3A_596 = tpu.vector_load_idx %arg13[%add3A_595] : memref<2064xi32, #tpu.memory_space<vmem>>[vector<16xi32>], vector<16xi32>,
        %sub3A_597 = vector.broadcast %mul3A_2 : i32 to vector<16xi32>
        %sub3A_598 = arith.subi %gather3A_596, %sub3A_597 : vector<16xi32>
        %jit3A_599 = arith.constant 0 : i32
        %jit3A_600 = arith.constant 319 : i32
        %max3A_601 = vector.broadcast %jit3A_599 : i32 to vector<16xi32>
        %max3A_602 = arith.maxsi %max3A_601, %sub3A_598 : vector<16xi32>
        %min3A_603 = vector.broadcast %jit3A_600 : i32 to vector<16xi32>
        %min3A_604 = arith.minsi %min3A_603, %max3A_602 : vector<16xi32>
        %add3A_605 = vector.broadcast %mul3A_76 : i32 to vector<16xi32>
        %add3A_606 = arith.addi %add3A_605, %add3A_578 : vector<16xi32>
        %lt3A_607 = vector.broadcast %scan3A_42 : i32 to vector<16xi32>
        %lt3A_608 = arith.cmpi slt, %add3A_606, %lt3A_607 : vector<16xi32>
        %eq3A_609 = arith.constant 0 : i32
        %eq3A_610 = vector.broadcast %eq3A_609 : i32 to vector<16xi32>
        %eq3A_611 = arith.cmpi eq, %shift_right_logical3A_4, %eq3A_610 : vector<16xi32>
        %and3A_612 = arith.andi %eq3A_611, %lt3A_608 : vector<16xi1>
        tpu.vector_store_idx %arg18[%min3A_604, %and3A_6], %exp3A_593 masked %and3A_612 {add = true} : memref<320x4xf32, #tpu.memory_space<vmem>>[vector<16xi32>, vector<16xi32>], vector<16xf32>, vector<16xi1>
        %eq3A_613 = arith.constant 1 : i32
        %eq3A_614 = vector.broadcast %eq3A_613 : i32 to vector<16xi32>
        %eq3A_615 = arith.cmpi eq, %shift_right_logical3A_4, %eq3A_614 : vector<16xi32>
        %and3A_616 = arith.andi %eq3A_615, %lt3A_608 : vector<16xi1>
        tpu.vector_store_idx %arg18[%min3A_604, %and3A_6], %exp3A_593 masked %and3A_616 {add = true} : memref<320x4xf32, #tpu.memory_space<vmem>>[vector<16xi32>, vector<16xi32>], vector<16xf32>, vector<16xi1>
        %eq3A_617 = arith.constant 2 : i32
        %eq3A_618 = vector.broadcast %eq3A_617 : i32 to vector<16xi32>
        %eq3A_619 = arith.cmpi eq, %shift_right_logical3A_4, %eq3A_618 : vector<16xi32>
        %and3A_620 = arith.andi %eq3A_619, %lt3A_608 : vector<16xi1>
        tpu.vector_store_idx %arg18[%min3A_604, %and3A_6], %exp3A_593 masked %and3A_620 {add = true} : memref<320x4xf32, #tpu.memory_space<vmem>>[vector<16xi32>, vector<16xi32>], vector<16xf32>, vector<16xi1>
        %eq3A_621 = arith.constant 3 : i32
        %eq3A_622 = vector.broadcast %eq3A_621 : i32 to vector<16xi32>
        %eq3A_623 = arith.cmpi eq, %shift_right_logical3A_4, %eq3A_622 : vector<16xi32>
        %and3A_624 = arith.andi %eq3A_623, %lt3A_608 : vector<16xi1>
        tpu.vector_store_idx %arg18[%min3A_604, %and3A_6], %exp3A_593 masked %and3A_624 {add = true} : memref<320x4xf32, #tpu.memory_space<vmem>>[vector<16xi32>, vector<16xi32>], vector<16xf32>, vector<16xi1>
        %add3A_625 = arith.constant 44 : i32
        %add3A_626 = vector.broadcast %add3A_625 : i32 to vector<16xi32>
        %add3A_627 = arith.addi %shift_right_logical3A_4, %add3A_626 : vector<16xi32>
        %gather3A_628 = tpu.vector_load_idx %arg14[%add3A_627, %and3A_6] : memref<64x8xf32, #tpu.memory_space<vmem>>[vector<16xi32>, vector<16xi32>], vector<16xf32>,
        %add3A_629 = arith.constant 4 : i32
        %add3A_630 = vector.broadcast %add3A_629 : i32 to vector<16xi32>
        %add3A_631 = arith.addi %and3A_6, %add3A_630 : vector<16xi32>
        %gather3A_632 = tpu.vector_load_idx %arg15[%add3A_627, %add3A_631] : memref<64x8xf32, #tpu.memory_space<vmem>>[vector<16xi32>, vector<16xi32>], vector<16xf32>,
        %add3A_633 = arith.addf %gather3A_628, %gather3A_632 : vector<16xf32>
        %gt3A_634 = arith.constant 0.000000e+00 : f32
        %gt3A_635 = vector.broadcast %gt3A_634 : f32 to vector<16xf32>
        %gt3A_636 = arith.cmpf ogt, %add3A_633, %gt3A_635 : vector<16xf32>
        %mul3A_637 = arith.constant 2.000000e-01 : f32
        %mul3A_638 = vector.broadcast %mul3A_637 : f32 to vector<16xf32>
        %mul3A_639 = arith.mulf %mul3A_638, %add3A_633 : vector<16xf32>
        %select_n3A_640 = arith.select %gt3A_636, %add3A_633, %mul3A_639 : vector<16xi1>, vector<16xf32>
        %sub3A_641 = arith.subf %select_n3A_640, %get3A_7 : vector<16xf32>
        %exp3A_642 = math.exp %sub3A_641 : vector<16xf32>
        %add3A_643 = vector.broadcast %mul3A_76 : i32 to vector<16xi32>
        %add3A_644 = arith.addi %add3A_643, %add3A_627 : vector<16xi32>
        %gather3A_645 = tpu.vector_load_idx %arg13[%add3A_644] : memref<2064xi32, #tpu.memory_space<vmem>>[vector<16xi32>], vector<16xi32>,
        %sub3A_646 = vector.broadcast %mul3A_2 : i32 to vector<16xi32>
        %sub3A_647 = arith.subi %gather3A_645, %sub3A_646 : vector<16xi32>
        %jit3A_648 = arith.constant 0 : i32
        %jit3A_649 = arith.constant 319 : i32
        %max3A_650 = vector.broadcast %jit3A_648 : i32 to vector<16xi32>
        %max3A_651 = arith.maxsi %max3A_650, %sub3A_647 : vector<16xi32>
        %min3A_652 = vector.broadcast %jit3A_649 : i32 to vector<16xi32>
        %min3A_653 = arith.minsi %min3A_652, %max3A_651 : vector<16xi32>
        %add3A_654 = vector.broadcast %mul3A_76 : i32 to vector<16xi32>
        %add3A_655 = arith.addi %add3A_654, %add3A_627 : vector<16xi32>
        %lt3A_656 = vector.broadcast %scan3A_42 : i32 to vector<16xi32>
        %lt3A_657 = arith.cmpi slt, %add3A_655, %lt3A_656 : vector<16xi32>
        %eq3A_658 = arith.constant 0 : i32
        %eq3A_659 = vector.broadcast %eq3A_658 : i32 to vector<16xi32>
        %eq3A_660 = arith.cmpi eq, %shift_right_logical3A_4, %eq3A_659 : vector<16xi32>
        %and3A_661 = arith.andi %eq3A_660, %lt3A_657 : vector<16xi1>
        tpu.vector_store_idx %arg18[%min3A_653, %and3A_6], %exp3A_642 masked %and3A_661 {add = true} : memref<320x4xf32, #tpu.memory_space<vmem>>[vector<16xi32>, vector<16xi32>], vector<16xf32>, vector<16xi1>
        %eq3A_662 = arith.constant 1 : i32
        %eq3A_663 = vector.broadcast %eq3A_662 : i32 to vector<16xi32>
        %eq3A_664 = arith.cmpi eq, %shift_right_logical3A_4, %eq3A_663 : vector<16xi32>
        %and3A_665 = arith.andi %eq3A_664, %lt3A_657 : vector<16xi1>
        tpu.vector_store_idx %arg18[%min3A_653, %and3A_6], %exp3A_642 masked %and3A_665 {add = true} : memref<320x4xf32, #tpu.memory_space<vmem>>[vector<16xi32>, vector<16xi32>], vector<16xf32>, vector<16xi1>
        %eq3A_666 = arith.constant 2 : i32
        %eq3A_667 = vector.broadcast %eq3A_666 : i32 to vector<16xi32>
        %eq3A_668 = arith.cmpi eq, %shift_right_logical3A_4, %eq3A_667 : vector<16xi32>
        %and3A_669 = arith.andi %eq3A_668, %lt3A_657 : vector<16xi1>
        tpu.vector_store_idx %arg18[%min3A_653, %and3A_6], %exp3A_642 masked %and3A_669 {add = true} : memref<320x4xf32, #tpu.memory_space<vmem>>[vector<16xi32>, vector<16xi32>], vector<16xf32>, vector<16xi1>
        %eq3A_670 = arith.constant 3 : i32
        %eq3A_671 = vector.broadcast %eq3A_670 : i32 to vector<16xi32>
        %eq3A_672 = arith.cmpi eq, %shift_right_logical3A_4, %eq3A_671 : vector<16xi32>
        %and3A_673 = arith.andi %eq3A_672, %lt3A_657 : vector<16xi1>
        tpu.vector_store_idx %arg18[%min3A_653, %and3A_6], %exp3A_642 masked %and3A_673 {add = true} : memref<320x4xf32, #tpu.memory_space<vmem>>[vector<16xi32>, vector<16xi32>], vector<16xf32>, vector<16xi1>
        %add3A_674 = arith.constant 48 : i32
        %add3A_675 = vector.broadcast %add3A_674 : i32 to vector<16xi32>
        %add3A_676 = arith.addi %shift_right_logical3A_4, %add3A_675 : vector<16xi32>
        %gather3A_677 = tpu.vector_load_idx %arg14[%add3A_676, %and3A_6] : memref<64x8xf32, #tpu.memory_space<vmem>>[vector<16xi32>, vector<16xi32>], vector<16xf32>,
        %add3A_678 = arith.constant 4 : i32
        %add3A_679 = vector.broadcast %add3A_678 : i32 to vector<16xi32>
        %add3A_680 = arith.addi %and3A_6, %add3A_679 : vector<16xi32>
        %gather3A_681 = tpu.vector_load_idx %arg15[%add3A_676, %add3A_680] : memref<64x8xf32, #tpu.memory_space<vmem>>[vector<16xi32>, vector<16xi32>], vector<16xf32>,
        %add3A_682 = arith.addf %gather3A_677, %gather3A_681 : vector<16xf32>
        %gt3A_683 = arith.constant 0.000000e+00 : f32
        %gt3A_684 = vector.broadcast %gt3A_683 : f32 to vector<16xf32>
        %gt3A_685 = arith.cmpf ogt, %add3A_682, %gt3A_684 : vector<16xf32>
        %mul3A_686 = arith.constant 2.000000e-01 : f32
        %mul3A_687 = vector.broadcast %mul3A_686 : f32 to vector<16xf32>
        %mul3A_688 = arith.mulf %mul3A_687, %add3A_682 : vector<16xf32>
        %select_n3A_689 = arith.select %gt3A_685, %add3A_682, %mul3A_688 : vector<16xi1>, vector<16xf32>
        %sub3A_690 = arith.subf %select_n3A_689, %get3A_7 : vector<16xf32>
        %exp3A_691 = math.exp %sub3A_690 : vector<16xf32>
        %add3A_692 = vector.broadcast %mul3A_76 : i32 to vector<16xi32>
        %add3A_693 = arith.addi %add3A_692, %add3A_676 : vector<16xi32>
        %gather3A_694 = tpu.vector_load_idx %arg13[%add3A_693] : memref<2064xi32, #tpu.memory_space<vmem>>[vector<16xi32>], vector<16xi32>,
        %sub3A_695 = vector.broadcast %mul3A_2 : i32 to vector<16xi32>
        %sub3A_696 = arith.subi %gather3A_694, %sub3A_695 : vector<16xi32>
        %jit3A_697 = arith.constant 0 : i32
        %jit3A_698 = arith.constant 319 : i32
        %max3A_699 = vector.broadcast %jit3A_697 : i32 to vector<16xi32>
        %max3A_700 = arith.maxsi %max3A_699, %sub3A_696 : vector<16xi32>
        %min3A_701 = vector.broadcast %jit3A_698 : i32 to vector<16xi32>
        %min3A_702 = arith.minsi %min3A_701, %max3A_700 : vector<16xi32>
        %add3A_703 = vector.broadcast %mul3A_76 : i32 to vector<16xi32>
        %add3A_704 = arith.addi %add3A_703, %add3A_676 : vector<16xi32>
        %lt3A_705 = vector.broadcast %scan3A_42 : i32 to vector<16xi32>
        %lt3A_706 = arith.cmpi slt, %add3A_704, %lt3A_705 : vector<16xi32>
        %eq3A_707 = arith.constant 0 : i32
        %eq3A_708 = vector.broadcast %eq3A_707 : i32 to vector<16xi32>
        %eq3A_709 = arith.cmpi eq, %shift_right_logical3A_4, %eq3A_708 : vector<16xi32>
        %and3A_710 = arith.andi %eq3A_709, %lt3A_706 : vector<16xi1>
        tpu.vector_store_idx %arg18[%min3A_702, %and3A_6], %exp3A_691 masked %and3A_710 {add = true} : memref<320x4xf32, #tpu.memory_space<vmem>>[vector<16xi32>, vector<16xi32>], vector<16xf32>, vector<16xi1>
        %eq3A_711 = arith.constant 1 : i32
        %eq3A_712 = vector.broadcast %eq3A_711 : i32 to vector<16xi32>
        %eq3A_713 = arith.cmpi eq, %shift_right_logical3A_4, %eq3A_712 : vector<16xi32>
        %and3A_714 = arith.andi %eq3A_713, %lt3A_706 : vector<16xi1>
        tpu.vector_store_idx %arg18[%min3A_702, %and3A_6], %exp3A_691 masked %and3A_714 {add = true} : memref<320x4xf32, #tpu.memory_space<vmem>>[vector<16xi32>, vector<16xi32>], vector<16xf32>, vector<16xi1>
        %eq3A_715 = arith.constant 2 : i32
        %eq3A_716 = vector.broadcast %eq3A_715 : i32 to vector<16xi32>
        %eq3A_717 = arith.cmpi eq, %shift_right_logical3A_4, %eq3A_716 : vector<16xi32>
        %and3A_718 = arith.andi %eq3A_717, %lt3A_706 : vector<16xi1>
        tpu.vector_store_idx %arg18[%min3A_702, %and3A_6], %exp3A_691 masked %and3A_718 {add = true} : memref<320x4xf32, #tpu.memory_space<vmem>>[vector<16xi32>, vector<16xi32>], vector<16xf32>, vector<16xi1>
        %eq3A_719 = arith.constant 3 : i32
        %eq3A_720 = vector.broadcast %eq3A_719 : i32 to vector<16xi32>
        %eq3A_721 = arith.cmpi eq, %shift_right_logical3A_4, %eq3A_720 : vector<16xi32>
        %and3A_722 = arith.andi %eq3A_721, %lt3A_706 : vector<16xi1>
        tpu.vector_store_idx %arg18[%min3A_702, %and3A_6], %exp3A_691 masked %and3A_722 {add = true} : memref<320x4xf32, #tpu.memory_space<vmem>>[vector<16xi32>, vector<16xi32>], vector<16xf32>, vector<16xi1>
        %add3A_723 = arith.constant 52 : i32
        %add3A_724 = vector.broadcast %add3A_723 : i32 to vector<16xi32>
        %add3A_725 = arith.addi %shift_right_logical3A_4, %add3A_724 : vector<16xi32>
        %gather3A_726 = tpu.vector_load_idx %arg14[%add3A_725, %and3A_6] : memref<64x8xf32, #tpu.memory_space<vmem>>[vector<16xi32>, vector<16xi32>], vector<16xf32>,
        %add3A_727 = arith.constant 4 : i32
        %add3A_728 = vector.broadcast %add3A_727 : i32 to vector<16xi32>
        %add3A_729 = arith.addi %and3A_6, %add3A_728 : vector<16xi32>
        %gather3A_730 = tpu.vector_load_idx %arg15[%add3A_725, %add3A_729] : memref<64x8xf32, #tpu.memory_space<vmem>>[vector<16xi32>, vector<16xi32>], vector<16xf32>,
        %add3A_731 = arith.addf %gather3A_726, %gather3A_730 : vector<16xf32>
        %gt3A_732 = arith.constant 0.000000e+00 : f32
        %gt3A_733 = vector.broadcast %gt3A_732 : f32 to vector<16xf32>
        %gt3A_734 = arith.cmpf ogt, %add3A_731, %gt3A_733 : vector<16xf32>
        %mul3A_735 = arith.constant 2.000000e-01 : f32
        %mul3A_736 = vector.broadcast %mul3A_735 : f32 to vector<16xf32>
        %mul3A_737 = arith.mulf %mul3A_736, %add3A_731 : vector<16xf32>
        %select_n3A_738 = arith.select %gt3A_734, %add3A_731, %mul3A_737 : vector<16xi1>, vector<16xf32>
        %sub3A_739 = arith.subf %select_n3A_738, %get3A_7 : vector<16xf32>
        %exp3A_740 = math.exp %sub3A_739 : vector<16xf32>
        %add3A_741 = vector.broadcast %mul3A_76 : i32 to vector<16xi32>
        %add3A_742 = arith.addi %add3A_741, %add3A_725 : vector<16xi32>
        %gather3A_743 = tpu.vector_load_idx %arg13[%add3A_742] : memref<2064xi32, #tpu.memory_space<vmem>>[vector<16xi32>], vector<16xi32>,
        %sub3A_744 = vector.broadcast %mul3A_2 : i32 to vector<16xi32>
        %sub3A_745 = arith.subi %gather3A_743, %sub3A_744 : vector<16xi32>
        %jit3A_746 = arith.constant 0 : i32
        %jit3A_747 = arith.constant 319 : i32
        %max3A_748 = vector.broadcast %jit3A_746 : i32 to vector<16xi32>
        %max3A_749 = arith.maxsi %max3A_748, %sub3A_745 : vector<16xi32>
        %min3A_750 = vector.broadcast %jit3A_747 : i32 to vector<16xi32>
        %min3A_751 = arith.minsi %min3A_750, %max3A_749 : vector<16xi32>
        %add3A_752 = vector.broadcast %mul3A_76 : i32 to vector<16xi32>
        %add3A_753 = arith.addi %add3A_752, %add3A_725 : vector<16xi32>
        %lt3A_754 = vector.broadcast %scan3A_42 : i32 to vector<16xi32>
        %lt3A_755 = arith.cmpi slt, %add3A_753, %lt3A_754 : vector<16xi32>
        %eq3A_756 = arith.constant 0 : i32
        %eq3A_757 = vector.broadcast %eq3A_756 : i32 to vector<16xi32>
        %eq3A_758 = arith.cmpi eq, %shift_right_logical3A_4, %eq3A_757 : vector<16xi32>
        %and3A_759 = arith.andi %eq3A_758, %lt3A_755 : vector<16xi1>
        tpu.vector_store_idx %arg18[%min3A_751, %and3A_6], %exp3A_740 masked %and3A_759 {add = true} : memref<320x4xf32, #tpu.memory_space<vmem>>[vector<16xi32>, vector<16xi32>], vector<16xf32>, vector<16xi1>
        %eq3A_760 = arith.constant 1 : i32
        %eq3A_761 = vector.broadcast %eq3A_760 : i32 to vector<16xi32>
        %eq3A_762 = arith.cmpi eq, %shift_right_logical3A_4, %eq3A_761 : vector<16xi32>
        %and3A_763 = arith.andi %eq3A_762, %lt3A_755 : vector<16xi1>
        tpu.vector_store_idx %arg18[%min3A_751, %and3A_6], %exp3A_740 masked %and3A_763 {add = true} : memref<320x4xf32, #tpu.memory_space<vmem>>[vector<16xi32>, vector<16xi32>], vector<16xf32>, vector<16xi1>
        %eq3A_764 = arith.constant 2 : i32
        %eq3A_765 = vector.broadcast %eq3A_764 : i32 to vector<16xi32>
        %eq3A_766 = arith.cmpi eq, %shift_right_logical3A_4, %eq3A_765 : vector<16xi32>
        %and3A_767 = arith.andi %eq3A_766, %lt3A_755 : vector<16xi1>
        tpu.vector_store_idx %arg18[%min3A_751, %and3A_6], %exp3A_740 masked %and3A_767 {add = true} : memref<320x4xf32, #tpu.memory_space<vmem>>[vector<16xi32>, vector<16xi32>], vector<16xf32>, vector<16xi1>
        %eq3A_768 = arith.constant 3 : i32
        %eq3A_769 = vector.broadcast %eq3A_768 : i32 to vector<16xi32>
        %eq3A_770 = arith.cmpi eq, %shift_right_logical3A_4, %eq3A_769 : vector<16xi32>
        %and3A_771 = arith.andi %eq3A_770, %lt3A_755 : vector<16xi1>
        tpu.vector_store_idx %arg18[%min3A_751, %and3A_6], %exp3A_740 masked %and3A_771 {add = true} : memref<320x4xf32, #tpu.memory_space<vmem>>[vector<16xi32>, vector<16xi32>], vector<16xf32>, vector<16xi1>
        %add3A_772 = arith.constant 56 : i32
        %add3A_773 = vector.broadcast %add3A_772 : i32 to vector<16xi32>
        %add3A_774 = arith.addi %shift_right_logical3A_4, %add3A_773 : vector<16xi32>
        %gather3A_775 = tpu.vector_load_idx %arg14[%add3A_774, %and3A_6] : memref<64x8xf32, #tpu.memory_space<vmem>>[vector<16xi32>, vector<16xi32>], vector<16xf32>,
        %add3A_776 = arith.constant 4 : i32
        %add3A_777 = vector.broadcast %add3A_776 : i32 to vector<16xi32>
        %add3A_778 = arith.addi %and3A_6, %add3A_777 : vector<16xi32>
        %gather3A_779 = tpu.vector_load_idx %arg15[%add3A_774, %add3A_778] : memref<64x8xf32, #tpu.memory_space<vmem>>[vector<16xi32>, vector<16xi32>], vector<16xf32>,
        %add3A_780 = arith.addf %gather3A_775, %gather3A_779 : vector<16xf32>
        %gt3A_781 = arith.constant 0.000000e+00 : f32
        %gt3A_782 = vector.broadcast %gt3A_781 : f32 to vector<16xf32>
        %gt3A_783 = arith.cmpf ogt, %add3A_780, %gt3A_782 : vector<16xf32>
        %mul3A_784 = arith.constant 2.000000e-01 : f32
        %mul3A_785 = vector.broadcast %mul3A_784 : f32 to vector<16xf32>
        %mul3A_786 = arith.mulf %mul3A_785, %add3A_780 : vector<16xf32>
        %select_n3A_787 = arith.select %gt3A_783, %add3A_780, %mul3A_786 : vector<16xi1>, vector<16xf32>
        %sub3A_788 = arith.subf %select_n3A_787, %get3A_7 : vector<16xf32>
        %exp3A_789 = math.exp %sub3A_788 : vector<16xf32>
        %add3A_790 = vector.broadcast %mul3A_76 : i32 to vector<16xi32>
        %add3A_791 = arith.addi %add3A_790, %add3A_774 : vector<16xi32>
        %gather3A_792 = tpu.vector_load_idx %arg13[%add3A_791] : memref<2064xi32, #tpu.memory_space<vmem>>[vector<16xi32>], vector<16xi32>,
        %sub3A_793 = vector.broadcast %mul3A_2 : i32 to vector<16xi32>
        %sub3A_794 = arith.subi %gather3A_792, %sub3A_793 : vector<16xi32>
        %jit3A_795 = arith.constant 0 : i32
        %jit3A_796 = arith.constant 319 : i32
        %max3A_797 = vector.broadcast %jit3A_795 : i32 to vector<16xi32>
        %max3A_798 = arith.maxsi %max3A_797, %sub3A_794 : vector<16xi32>
        %min3A_799 = vector.broadcast %jit3A_796 : i32 to vector<16xi32>
        %min3A_800 = arith.minsi %min3A_799, %max3A_798 : vector<16xi32>
        %add3A_801 = vector.broadcast %mul3A_76 : i32 to vector<16xi32>
        %add3A_802 = arith.addi %add3A_801, %add3A_774 : vector<16xi32>
        %lt3A_803 = vector.broadcast %scan3A_42 : i32 to vector<16xi32>
        %lt3A_804 = arith.cmpi slt, %add3A_802, %lt3A_803 : vector<16xi32>
        %eq3A_805 = arith.constant 0 : i32
        %eq3A_806 = vector.broadcast %eq3A_805 : i32 to vector<16xi32>
        %eq3A_807 = arith.cmpi eq, %shift_right_logical3A_4, %eq3A_806 : vector<16xi32>
        %and3A_808 = arith.andi %eq3A_807, %lt3A_804 : vector<16xi1>
        tpu.vector_store_idx %arg18[%min3A_800, %and3A_6], %exp3A_789 masked %and3A_808 {add = true} : memref<320x4xf32, #tpu.memory_space<vmem>>[vector<16xi32>, vector<16xi32>], vector<16xf32>, vector<16xi1>
        %eq3A_809 = arith.constant 1 : i32
        %eq3A_810 = vector.broadcast %eq3A_809 : i32 to vector<16xi32>
        %eq3A_811 = arith.cmpi eq, %shift_right_logical3A_4, %eq3A_810 : vector<16xi32>
        %and3A_812 = arith.andi %eq3A_811, %lt3A_804 : vector<16xi1>
        tpu.vector_store_idx %arg18[%min3A_800, %and3A_6], %exp3A_789 masked %and3A_812 {add = true} : memref<320x4xf32, #tpu.memory_space<vmem>>[vector<16xi32>, vector<16xi32>], vector<16xf32>, vector<16xi1>
        %eq3A_813 = arith.constant 2 : i32
        %eq3A_814 = vector.broadcast %eq3A_813 : i32 to vector<16xi32>
        %eq3A_815 = arith.cmpi eq, %shift_right_logical3A_4, %eq3A_814 : vector<16xi32>
        %and3A_816 = arith.andi %eq3A_815, %lt3A_804 : vector<16xi1>
        tpu.vector_store_idx %arg18[%min3A_800, %and3A_6], %exp3A_789 masked %and3A_816 {add = true} : memref<320x4xf32, #tpu.memory_space<vmem>>[vector<16xi32>, vector<16xi32>], vector<16xf32>, vector<16xi1>
        %eq3A_817 = arith.constant 3 : i32
        %eq3A_818 = vector.broadcast %eq3A_817 : i32 to vector<16xi32>
        %eq3A_819 = arith.cmpi eq, %shift_right_logical3A_4, %eq3A_818 : vector<16xi32>
        %and3A_820 = arith.andi %eq3A_819, %lt3A_804 : vector<16xi1>
        tpu.vector_store_idx %arg18[%min3A_800, %and3A_6], %exp3A_789 masked %and3A_820 {add = true} : memref<320x4xf32, #tpu.memory_space<vmem>>[vector<16xi32>, vector<16xi32>], vector<16xf32>, vector<16xi1>
        %add3A_821 = arith.constant 60 : i32
        %add3A_822 = vector.broadcast %add3A_821 : i32 to vector<16xi32>
        %add3A_823 = arith.addi %shift_right_logical3A_4, %add3A_822 : vector<16xi32>
        %gather3A_824 = tpu.vector_load_idx %arg14[%add3A_823, %and3A_6] : memref<64x8xf32, #tpu.memory_space<vmem>>[vector<16xi32>, vector<16xi32>], vector<16xf32>,
        %add3A_825 = arith.constant 4 : i32
        %add3A_826 = vector.broadcast %add3A_825 : i32 to vector<16xi32>
        %add3A_827 = arith.addi %and3A_6, %add3A_826 : vector<16xi32>
        %gather3A_828 = tpu.vector_load_idx %arg15[%add3A_823, %add3A_827] : memref<64x8xf32, #tpu.memory_space<vmem>>[vector<16xi32>, vector<16xi32>], vector<16xf32>,
        %add3A_829 = arith.addf %gather3A_824, %gather3A_828 : vector<16xf32>
        %gt3A_830 = arith.constant 0.000000e+00 : f32
        %gt3A_831 = vector.broadcast %gt3A_830 : f32 to vector<16xf32>
        %gt3A_832 = arith.cmpf ogt, %add3A_829, %gt3A_831 : vector<16xf32>
        %mul3A_833 = arith.constant 2.000000e-01 : f32
        %mul3A_834 = vector.broadcast %mul3A_833 : f32 to vector<16xf32>
        %mul3A_835 = arith.mulf %mul3A_834, %add3A_829 : vector<16xf32>
        %select_n3A_836 = arith.select %gt3A_832, %add3A_829, %mul3A_835 : vector<16xi1>, vector<16xf32>
        %sub3A_837 = arith.subf %select_n3A_836, %get3A_7 : vector<16xf32>
        %exp3A_838 = math.exp %sub3A_837 : vector<16xf32>
        %add3A_839 = vector.broadcast %mul3A_76 : i32 to vector<16xi32>
        %add3A_840 = arith.addi %add3A_839, %add3A_823 : vector<16xi32>
        %gather3A_841 = tpu.vector_load_idx %arg13[%add3A_840] : memref<2064xi32, #tpu.memory_space<vmem>>[vector<16xi32>], vector<16xi32>,
        %sub3A_842 = vector.broadcast %mul3A_2 : i32 to vector<16xi32>
        %sub3A_843 = arith.subi %gather3A_841, %sub3A_842 : vector<16xi32>
        %jit3A_844 = arith.constant 0 : i32
        %jit3A_845 = arith.constant 319 : i32
        %max3A_846 = vector.broadcast %jit3A_844 : i32 to vector<16xi32>
        %max3A_847 = arith.maxsi %max3A_846, %sub3A_843 : vector<16xi32>
        %min3A_848 = vector.broadcast %jit3A_845 : i32 to vector<16xi32>
        %min3A_849 = arith.minsi %min3A_848, %max3A_847 : vector<16xi32>
        %add3A_850 = vector.broadcast %mul3A_76 : i32 to vector<16xi32>
        %add3A_851 = arith.addi %add3A_850, %add3A_823 : vector<16xi32>
        %lt3A_852 = vector.broadcast %scan3A_42 : i32 to vector<16xi32>
        %lt3A_853 = arith.cmpi slt, %add3A_851, %lt3A_852 : vector<16xi32>
        %eq3A_854 = arith.constant 0 : i32
        %eq3A_855 = vector.broadcast %eq3A_854 : i32 to vector<16xi32>
        %eq3A_856 = arith.cmpi eq, %shift_right_logical3A_4, %eq3A_855 : vector<16xi32>
        %and3A_857 = arith.andi %eq3A_856, %lt3A_853 : vector<16xi1>
        tpu.vector_store_idx %arg18[%min3A_849, %and3A_6], %exp3A_838 masked %and3A_857 {add = true} : memref<320x4xf32, #tpu.memory_space<vmem>>[vector<16xi32>, vector<16xi32>], vector<16xf32>, vector<16xi1>
        %eq3A_858 = arith.constant 1 : i32
        %eq3A_859 = vector.broadcast %eq3A_858 : i32 to vector<16xi32>
        %eq3A_860 = arith.cmpi eq, %shift_right_logical3A_4, %eq3A_859 : vector<16xi32>
        %and3A_861 = arith.andi %eq3A_860, %lt3A_853 : vector<16xi1>
        tpu.vector_store_idx %arg18[%min3A_849, %and3A_6], %exp3A_838 masked %and3A_861 {add = true} : memref<320x4xf32, #tpu.memory_space<vmem>>[vector<16xi32>, vector<16xi32>], vector<16xf32>, vector<16xi1>
        %eq3A_862 = arith.constant 2 : i32
        %eq3A_863 = vector.broadcast %eq3A_862 : i32 to vector<16xi32>
        %eq3A_864 = arith.cmpi eq, %shift_right_logical3A_4, %eq3A_863 : vector<16xi32>
        %and3A_865 = arith.andi %eq3A_864, %lt3A_853 : vector<16xi1>
        tpu.vector_store_idx %arg18[%min3A_849, %and3A_6], %exp3A_838 masked %and3A_865 {add = true} : memref<320x4xf32, #tpu.memory_space<vmem>>[vector<16xi32>, vector<16xi32>], vector<16xf32>, vector<16xi1>
        %eq3A_866 = arith.constant 3 : i32
        %eq3A_867 = vector.broadcast %eq3A_866 : i32 to vector<16xi32>
        %eq3A_868 = arith.cmpi eq, %shift_right_logical3A_4, %eq3A_867 : vector<16xi32>
        %and3A_869 = arith.andi %eq3A_868, %lt3A_853 : vector<16xi1>
        tpu.vector_store_idx %arg18[%min3A_849, %and3A_6], %exp3A_838 masked %and3A_869 {add = true} : memref<320x4xf32, #tpu.memory_space<vmem>>[vector<16xi32>, vector<16xi32>], vector<16xf32>, vector<16xi1>
      }
      %while3A_73 = arith.constant 1 : i32
      scf.for %while3A_74 = %while3A_71 to %while3A_67 step %while3A_73  : i32 {
        %mul3A_75 = arith.constant 64 : i32
        %mul3A_76 = arith.muli %while3A_74, %mul3A_75 : i32
        %dma_start3A_77 = tpu.memref_slice %arg12[%mul3A_76] : memref<2064xi32, #tpu.memory_space<vmem>> -> memref<64xi32, #tpu.memory_space<vmem>>
        %dma_start3A_78 = arith.constant 0 : i32
        %dma_start3A_79 = arith.constant 0 : i32
        %dma_start3A_80 = tpu.memref_slice %arg2[%dma_start3A_78, %dma_start3A_79] : memref<10240x8xf32, #tpu.memory_space<hbm>> -> memref<10240x8xf32, #tpu.memory_space<hbm>>
        tpu.enqueue_indirect_dma source(%dma_start3A_80 : memref<10240x8xf32, #tpu.memory_space<hbm>>) target(%arg14 : memref<64x8xf32, #tpu.memory_space<vmem>>) offsets(%dma_start3A_77 : memref<64xi32, #tpu.memory_space<vmem>>) semaphore(%arg21 : memref<!tpu.dma_semaphore, #tpu.memory_space<semaphore_mem>>)
        %dma_start3A_81 = tpu.memref_slice %arg13[%mul3A_76] : memref<2064xi32, #tpu.memory_space<vmem>> -> memref<64xi32, #tpu.memory_space<vmem>>
        %dma_start3A_82 = arith.constant 0 : i32
        %dma_start3A_83 = arith.constant 0 : i32
        %dma_start3A_84 = tpu.memref_slice %arg2[%dma_start3A_82, %dma_start3A_83] : memref<10240x8xf32, #tpu.memory_space<hbm>> -> memref<10240x8xf32, #tpu.memory_space<hbm>>
        tpu.enqueue_indirect_dma source(%dma_start3A_84 : memref<10240x8xf32, #tpu.memory_space<hbm>>) target(%arg15 : memref<64x8xf32, #tpu.memory_space<vmem>>) offsets(%dma_start3A_81 : memref<64xi32, #tpu.memory_space<vmem>>) semaphore(%arg21 : memref<!tpu.dma_semaphore, #tpu.memory_space<semaphore_mem>>)
        %dma_wait3A_85 = tpu.memref_slice %arg12[%mul3A_76] : memref<2064xi32, #tpu.memory_space<vmem>> -> memref<64xi32, #tpu.memory_space<vmem>>
        %dma_wait3A_86 = arith.constant 0 : i32
        %dma_wait3A_87 = arith.constant 0 : i32
        %dma_wait3A_88 = tpu.memref_slice %arg2[%dma_wait3A_86, %dma_wait3A_87] : memref<10240x8xf32, #tpu.memory_space<hbm>> -> memref<10240x8xf32, #tpu.memory_space<hbm>>
        tpu.wait_indirect_dma semaphore(%arg21 : memref<!tpu.dma_semaphore, #tpu.memory_space<semaphore_mem>>) src(%dma_wait3A_88 : memref<10240x8xf32, #tpu.memory_space<hbm>>) dst(%arg14 : memref<64x8xf32, #tpu.memory_space<vmem>>)
        %dma_wait3A_89 = tpu.memref_slice %arg13[%mul3A_76] : memref<2064xi32, #tpu.memory_space<vmem>> -> memref<64xi32, #tpu.memory_space<vmem>>
        %dma_wait3A_90 = arith.constant 0 : i32
        %dma_wait3A_91 = arith.constant 0 : i32
        %dma_wait3A_92 = tpu.memref_slice %arg2[%dma_wait3A_90, %dma_wait3A_91] : memref<10240x8xf32, #tpu.memory_space<hbm>> -> memref<10240x8xf32, #tpu.memory_space<hbm>>
        tpu.wait_indirect_dma semaphore(%arg21 : memref<!tpu.dma_semaphore, #tpu.memory_space<semaphore_mem>>) src(%dma_wait3A_92 : memref<10240x8xf32, #tpu.memory_space<hbm>>) dst(%arg15 : memref<64x8xf32, #tpu.memory_space<vmem>>)
        %add3A_93 = arith.constant 0 : i32
        %add3A_94 = vector.broadcast %add3A_93 : i32 to vector<16xi32>
        %add3A_95 = arith.addi %shift_right_logical3A_4, %add3A_94 : vector<16xi32>
        %gather3A = tpu.vector_load_idx %arg14[%add3A_95, %and3A_6] : memref<64x8xf32, #tpu.memory_space<vmem>>[vector<16xi32>, vector<16xi32>], vector<16xf32>,
        %add3A_96 = arith.constant 4 : i32
        %add3A_97 = vector.broadcast %add3A_96 : i32 to vector<16xi32>
        %add3A_98 = arith.addi %and3A_6, %add3A_97 : vector<16xi32>
        %gather3A_99 = tpu.vector_load_idx %arg15[%add3A_95, %add3A_98] : memref<64x8xf32, #tpu.memory_space<vmem>>[vector<16xi32>, vector<16xi32>], vector<16xf32>,
        %add3A_100 = arith.addf %gather3A, %gather3A_99 : vector<16xf32>
        %gt3A = arith.constant 0.000000e+00 : f32
        %gt3A_101 = vector.broadcast %gt3A : f32 to vector<16xf32>
        %gt3A_102 = arith.cmpf ogt, %add3A_100, %gt3A_101 : vector<16xf32>
        %mul3A_103 = arith.constant 2.000000e-01 : f32
        %mul3A_104 = vector.broadcast %mul3A_103 : f32 to vector<16xf32>
        %mul3A_105 = arith.mulf %mul3A_104, %add3A_100 : vector<16xf32>
        %select_n3A_106 = arith.select %gt3A_102, %add3A_100, %mul3A_105 : vector<16xi1>, vector<16xf32>
        %sub3A_107 = arith.subf %select_n3A_106, %get3A_7 : vector<16xf32>
        %exp3A = math.exp %sub3A_107 : vector<16xf32>
        %add3A_108 = vector.broadcast %mul3A_76 : i32 to vector<16xi32>
        %add3A_109 = arith.addi %add3A_108, %add3A_95 : vector<16xi32>
        %gather3A_110 = tpu.vector_load_idx %arg13[%add3A_109] : memref<2064xi32, #tpu.memory_space<vmem>>[vector<16xi32>], vector<16xi32>,
        %sub3A_111 = vector.broadcast %mul3A_2 : i32 to vector<16xi32>
        %sub3A_112 = arith.subi %gather3A_110, %sub3A_111 : vector<16xi32>
        %jit3A_113 = arith.constant 0 : i32
        %jit3A_114 = arith.constant 319 : i32
        %max3A = vector.broadcast %jit3A_113 : i32 to vector<16xi32>
        %max3A_115 = arith.maxsi %max3A, %sub3A_112 : vector<16xi32>
        %min3A = vector.broadcast %jit3A_114 : i32 to vector<16xi32>
        %min3A_116 = arith.minsi %min3A, %max3A_115 : vector<16xi32>
        %add3A_117 = vector.broadcast %mul3A_76 : i32 to vector<16xi32>
        %add3A_118 = arith.addi %add3A_117, %add3A_95 : vector<16xi32>
        %lt3A = vector.broadcast %scan3A_42 : i32 to vector<16xi32>
        %lt3A_119 = arith.cmpi slt, %add3A_118, %lt3A : vector<16xi32>
        %eq3A = arith.constant 0 : i32
        %eq3A_120 = vector.broadcast %eq3A : i32 to vector<16xi32>
        %eq3A_121 = arith.cmpi eq, %shift_right_logical3A_4, %eq3A_120 : vector<16xi32>
        %and3A_122 = arith.andi %eq3A_121, %lt3A_119 : vector<16xi1>
        tpu.vector_store_idx %arg18[%min3A_116, %and3A_6], %exp3A masked %and3A_122 {add = true} : memref<320x4xf32, #tpu.memory_space<vmem>>[vector<16xi32>, vector<16xi32>], vector<16xf32>, vector<16xi1>
        %eq3A_123 = arith.constant 1 : i32
        %eq3A_124 = vector.broadcast %eq3A_123 : i32 to vector<16xi32>
        %eq3A_125 = arith.cmpi eq, %shift_right_logical3A_4, %eq3A_124 : vector<16xi32>
        %and3A_126 = arith.andi %eq3A_125, %lt3A_119 : vector<16xi1>
        tpu.vector_store_idx %arg18[%min3A_116, %and3A_6], %exp3A masked %and3A_126 {add = true} : memref<320x4xf32, #tpu.memory_space<vmem>>[vector<16xi32>, vector<16xi32>], vector<16xf32>, vector<16xi1>
        %eq3A_127 = arith.constant 2 : i32
        %eq3A_128 = vector.broadcast %eq3A_127 : i32 to vector<16xi32>
        %eq3A_129 = arith.cmpi eq, %shift_right_logical3A_4, %eq3A_128 : vector<16xi32>
        %and3A_130 = arith.andi %eq3A_129, %lt3A_119 : vector<16xi1>
        tpu.vector_store_idx %arg18[%min3A_116, %and3A_6], %exp3A masked %and3A_130 {add = true} : memref<320x4xf32, #tpu.memory_space<vmem>>[vector<16xi32>, vector<16xi32>], vector<16xf32>, vector<16xi1>
        %eq3A_131 = arith.constant 3 : i32
        %eq3A_132 = vector.broadcast %eq3A_131 : i32 to vector<16xi32>
        %eq3A_133 = arith.cmpi eq, %shift_right_logical3A_4, %eq3A_132 : vector<16xi32>
        %and3A_134 = arith.andi %eq3A_133, %lt3A_119 : vector<16xi1>
        tpu.vector_store_idx %arg18[%min3A_116, %and3A_6], %exp3A masked %and3A_134 {add = true} : memref<320x4xf32, #tpu.memory_space<vmem>>[vector<16xi32>, vector<16xi32>], vector<16xf32>, vector<16xi1>
        %add3A_135 = arith.constant 4 : i32
        %add3A_136 = vector.broadcast %add3A_135 : i32 to vector<16xi32>
        %add3A_137 = arith.addi %shift_right_logical3A_4, %add3A_136 : vector<16xi32>
        %gather3A_138 = tpu.vector_load_idx %arg14[%add3A_137, %and3A_6] : memref<64x8xf32, #tpu.memory_space<vmem>>[vector<16xi32>, vector<16xi32>], vector<16xf32>,
        %add3A_139 = arith.constant 4 : i32
        %add3A_140 = vector.broadcast %add3A_139 : i32 to vector<16xi32>
        %add3A_141 = arith.addi %and3A_6, %add3A_140 : vector<16xi32>
        %gather3A_142 = tpu.vector_load_idx %arg15[%add3A_137, %add3A_141] : memref<64x8xf32, #tpu.memory_space<vmem>>[vector<16xi32>, vector<16xi32>], vector<16xf32>,
        %add3A_143 = arith.addf %gather3A_138, %gather3A_142 : vector<16xf32>
        %gt3A_144 = arith.constant 0.000000e+00 : f32
        %gt3A_145 = vector.broadcast %gt3A_144 : f32 to vector<16xf32>
        %gt3A_146 = arith.cmpf ogt, %add3A_143, %gt3A_145 : vector<16xf32>
        %mul3A_147 = arith.constant 2.000000e-01 : f32
        %mul3A_148 = vector.broadcast %mul3A_147 : f32 to vector<16xf32>
        %mul3A_149 = arith.mulf %mul3A_148, %add3A_143 : vector<16xf32>
        %select_n3A_150 = arith.select %gt3A_146, %add3A_143, %mul3A_149 : vector<16xi1>, vector<16xf32>
        %sub3A_151 = arith.subf %select_n3A_150, %get3A_7 : vector<16xf32>
        %exp3A_152 = math.exp %sub3A_151 : vector<16xf32>
        %add3A_153 = vector.broadcast %mul3A_76 : i32 to vector<16xi32>
        %add3A_154 = arith.addi %add3A_153, %add3A_137 : vector<16xi32>
        %gather3A_155 = tpu.vector_load_idx %arg13[%add3A_154] : memref<2064xi32, #tpu.memory_space<vmem>>[vector<16xi32>], vector<16xi32>,
        %sub3A_156 = vector.broadcast %mul3A_2 : i32 to vector<16xi32>
        %sub3A_157 = arith.subi %gather3A_155, %sub3A_156 : vector<16xi32>
        %jit3A_158 = arith.constant 0 : i32
        %jit3A_159 = arith.constant 319 : i32
        %max3A_160 = vector.broadcast %jit3A_158 : i32 to vector<16xi32>
        %max3A_161 = arith.maxsi %max3A_160, %sub3A_157 : vector<16xi32>
        %min3A_162 = vector.broadcast %jit3A_159 : i32 to vector<16xi32>
        %min3A_163 = arith.minsi %min3A_162, %max3A_161 : vector<16xi32>
        %add3A_164 = vector.broadcast %mul3A_76 : i32 to vector<16xi32>
        %add3A_165 = arith.addi %add3A_164, %add3A_137 : vector<16xi32>
        %lt3A_166 = vector.broadcast %scan3A_42 : i32 to vector<16xi32>
        %lt3A_167 = arith.cmpi slt, %add3A_165, %lt3A_166 : vector<16xi32>
        %eq3A_168 = arith.constant 0 : i32
        %eq3A_169 = vector.broadcast %eq3A_168 : i32 to vector<16xi32>
        %eq3A_170 = arith.cmpi eq, %shift_right_logical3A_4, %eq3A_169 : vector<16xi32>
        %and3A_171 = arith.andi %eq3A_170, %lt3A_167 : vector<16xi1>
        tpu.vector_store_idx %arg18[%min3A_163, %and3A_6], %exp3A_152 masked %and3A_171 {add = true} : memref<320x4xf32, #tpu.memory_space<vmem>>[vector<16xi32>, vector<16xi32>], vector<16xf32>, vector<16xi1>
        %eq3A_172 = arith.constant 1 : i32
        %eq3A_173 = vector.broadcast %eq3A_172 : i32 to vector<16xi32>
        %eq3A_174 = arith.cmpi eq, %shift_right_logical3A_4, %eq3A_173 : vector<16xi32>
        %and3A_175 = arith.andi %eq3A_174, %lt3A_167 : vector<16xi1>
        tpu.vector_store_idx %arg18[%min3A_163, %and3A_6], %exp3A_152 masked %and3A_175 {add = true} : memref<320x4xf32, #tpu.memory_space<vmem>>[vector<16xi32>, vector<16xi32>], vector<16xf32>, vector<16xi1>
        %eq3A_176 = arith.constant 2 : i32
        %eq3A_177 = vector.broadcast %eq3A_176 : i32 to vector<16xi32>
        %eq3A_178 = arith.cmpi eq, %shift_right_logical3A_4, %eq3A_177 : vector<16xi32>
        %and3A_179 = arith.andi %eq3A_178, %lt3A_167 : vector<16xi1>
        tpu.vector_store_idx %arg18[%min3A_163, %and3A_6], %exp3A_152 masked %and3A_179 {add = true} : memref<320x4xf32, #tpu.memory_space<vmem>>[vector<16xi32>, vector<16xi32>], vector<16xf32>, vector<16xi1>
        %eq3A_180 = arith.constant 3 : i32
        %eq3A_181 = vector.broadcast %eq3A_180 : i32 to vector<16xi32>
        %eq3A_182 = arith.cmpi eq, %shift_right_logical3A_4, %eq3A_181 : vector<16xi32>
        %and3A_183 = arith.andi %eq3A_182, %lt3A_167 : vector<16xi1>
        tpu.vector_store_idx %arg18[%min3A_163, %and3A_6], %exp3A_152 masked %and3A_183 {add = true} : memref<320x4xf32, #tpu.memory_space<vmem>>[vector<16xi32>, vector<16xi32>], vector<16xf32>, vector<16xi1>
        %add3A_184 = arith.constant 8 : i32
        %add3A_185 = vector.broadcast %add3A_184 : i32 to vector<16xi32>
        %add3A_186 = arith.addi %shift_right_logical3A_4, %add3A_185 : vector<16xi32>
        %gather3A_187 = tpu.vector_load_idx %arg14[%add3A_186, %and3A_6] : memref<64x8xf32, #tpu.memory_space<vmem>>[vector<16xi32>, vector<16xi32>], vector<16xf32>,
        %add3A_188 = arith.constant 4 : i32
        %add3A_189 = vector.broadcast %add3A_188 : i32 to vector<16xi32>
        %add3A_190 = arith.addi %and3A_6, %add3A_189 : vector<16xi32>
        %gather3A_191 = tpu.vector_load_idx %arg15[%add3A_186, %add3A_190] : memref<64x8xf32, #tpu.memory_space<vmem>>[vector<16xi32>, vector<16xi32>], vector<16xf32>,
        %add3A_192 = arith.addf %gather3A_187, %gather3A_191 : vector<16xf32>
        %gt3A_193 = arith.constant 0.000000e+00 : f32
        %gt3A_194 = vector.broadcast %gt3A_193 : f32 to vector<16xf32>
        %gt3A_195 = arith.cmpf ogt, %add3A_192, %gt3A_194 : vector<16xf32>
        %mul3A_196 = arith.constant 2.000000e-01 : f32
        %mul3A_197 = vector.broadcast %mul3A_196 : f32 to vector<16xf32>
        %mul3A_198 = arith.mulf %mul3A_197, %add3A_192 : vector<16xf32>
        %select_n3A_199 = arith.select %gt3A_195, %add3A_192, %mul3A_198 : vector<16xi1>, vector<16xf32>
        %sub3A_200 = arith.subf %select_n3A_199, %get3A_7 : vector<16xf32>
        %exp3A_201 = math.exp %sub3A_200 : vector<16xf32>
        %add3A_202 = vector.broadcast %mul3A_76 : i32 to vector<16xi32>
        %add3A_203 = arith.addi %add3A_202, %add3A_186 : vector<16xi32>
        %gather3A_204 = tpu.vector_load_idx %arg13[%add3A_203] : memref<2064xi32, #tpu.memory_space<vmem>>[vector<16xi32>], vector<16xi32>,
        %sub3A_205 = vector.broadcast %mul3A_2 : i32 to vector<16xi32>
        %sub3A_206 = arith.subi %gather3A_204, %sub3A_205 : vector<16xi32>
        %jit3A_207 = arith.constant 0 : i32
        %jit3A_208 = arith.constant 319 : i32
        %max3A_209 = vector.broadcast %jit3A_207 : i32 to vector<16xi32>
        %max3A_210 = arith.maxsi %max3A_209, %sub3A_206 : vector<16xi32>
        %min3A_211 = vector.broadcast %jit3A_208 : i32 to vector<16xi32>
        %min3A_212 = arith.minsi %min3A_211, %max3A_210 : vector<16xi32>
        %add3A_213 = vector.broadcast %mul3A_76 : i32 to vector<16xi32>
        %add3A_214 = arith.addi %add3A_213, %add3A_186 : vector<16xi32>
        %lt3A_215 = vector.broadcast %scan3A_42 : i32 to vector<16xi32>
        %lt3A_216 = arith.cmpi slt, %add3A_214, %lt3A_215 : vector<16xi32>
        %eq3A_217 = arith.constant 0 : i32
        %eq3A_218 = vector.broadcast %eq3A_217 : i32 to vector<16xi32>
        %eq3A_219 = arith.cmpi eq, %shift_right_logical3A_4, %eq3A_218 : vector<16xi32>
        %and3A_220 = arith.andi %eq3A_219, %lt3A_216 : vector<16xi1>
        tpu.vector_store_idx %arg18[%min3A_212, %and3A_6], %exp3A_201 masked %and3A_220 {add = true} : memref<320x4xf32, #tpu.memory_space<vmem>>[vector<16xi32>, vector<16xi32>], vector<16xf32>, vector<16xi1>
        %eq3A_221 = arith.constant 1 : i32
        %eq3A_222 = vector.broadcast %eq3A_221 : i32 to vector<16xi32>
        %eq3A_223 = arith.cmpi eq, %shift_right_logical3A_4, %eq3A_222 : vector<16xi32>
        %and3A_224 = arith.andi %eq3A_223, %lt3A_216 : vector<16xi1>
        tpu.vector_store_idx %arg18[%min3A_212, %and3A_6], %exp3A_201 masked %and3A_224 {add = true} : memref<320x4xf32, #tpu.memory_space<vmem>>[vector<16xi32>, vector<16xi32>], vector<16xf32>, vector<16xi1>
        %eq3A_225 = arith.constant 2 : i32
        %eq3A_226 = vector.broadcast %eq3A_225 : i32 to vector<16xi32>
        %eq3A_227 = arith.cmpi eq, %shift_right_logical3A_4, %eq3A_226 : vector<16xi32>
        %and3A_228 = arith.andi %eq3A_227, %lt3A_216 : vector<16xi1>
        tpu.vector_store_idx %arg18[%min3A_212, %and3A_6], %exp3A_201 masked %and3A_228 {add = true} : memref<320x4xf32, #tpu.memory_space<vmem>>[vector<16xi32>, vector<16xi32>], vector<16xf32>, vector<16xi1>
        %eq3A_229 = arith.constant 3 : i32
        %eq3A_230 = vector.broadcast %eq3A_229 : i32 to vector<16xi32>
        %eq3A_231 = arith.cmpi eq, %shift_right_logical3A_4, %eq3A_230 : vector<16xi32>
        %and3A_232 = arith.andi %eq3A_231, %lt3A_216 : vector<16xi1>
        tpu.vector_store_idx %arg18[%min3A_212, %and3A_6], %exp3A_201 masked %and3A_232 {add = true} : memref<320x4xf32, #tpu.memory_space<vmem>>[vector<16xi32>, vector<16xi32>], vector<16xf32>, vector<16xi1>
        %add3A_233 = arith.constant 12 : i32
        %add3A_234 = vector.broadcast %add3A_233 : i32 to vector<16xi32>
        %add3A_235 = arith.addi %shift_right_logical3A_4, %add3A_234 : vector<16xi32>
        %gather3A_236 = tpu.vector_load_idx %arg14[%add3A_235, %and3A_6] : memref<64x8xf32, #tpu.memory_space<vmem>>[vector<16xi32>, vector<16xi32>], vector<16xf32>,
        %add3A_237 = arith.constant 4 : i32
        %add3A_238 = vector.broadcast %add3A_237 : i32 to vector<16xi32>
        %add3A_239 = arith.addi %and3A_6, %add3A_238 : vector<16xi32>
        %gather3A_240 = tpu.vector_load_idx %arg15[%add3A_235, %add3A_239] : memref<64x8xf32, #tpu.memory_space<vmem>>[vector<16xi32>, vector<16xi32>], vector<16xf32>,
        %add3A_241 = arith.addf %gather3A_236, %gather3A_240 : vector<16xf32>
        %gt3A_242 = arith.constant 0.000000e+00 : f32
        %gt3A_243 = vector.broadcast %gt3A_242 : f32 to vector<16xf32>
        %gt3A_244 = arith.cmpf ogt, %add3A_241, %gt3A_243 : vector<16xf32>
        %mul3A_245 = arith.constant 2.000000e-01 : f32
        %mul3A_246 = vector.broadcast %mul3A_245 : f32 to vector<16xf32>
        %mul3A_247 = arith.mulf %mul3A_246, %add3A_241 : vector<16xf32>
        %select_n3A_248 = arith.select %gt3A_244, %add3A_241, %mul3A_247 : vector<16xi1>, vector<16xf32>
        %sub3A_249 = arith.subf %select_n3A_248, %get3A_7 : vector<16xf32>
        %exp3A_250 = math.exp %sub3A_249 : vector<16xf32>
        %add3A_251 = vector.broadcast %mul3A_76 : i32 to vector<16xi32>
        %add3A_252 = arith.addi %add3A_251, %add3A_235 : vector<16xi32>
        %gather3A_253 = tpu.vector_load_idx %arg13[%add3A_252] : memref<2064xi32, #tpu.memory_space<vmem>>[vector<16xi32>], vector<16xi32>,
        %sub3A_254 = vector.broadcast %mul3A_2 : i32 to vector<16xi32>
        %sub3A_255 = arith.subi %gather3A_253, %sub3A_254 : vector<16xi32>
        %jit3A_256 = arith.constant 0 : i32
        %jit3A_257 = arith.constant 319 : i32
        %max3A_258 = vector.broadcast %jit3A_256 : i32 to vector<16xi32>
        %max3A_259 = arith.maxsi %max3A_258, %sub3A_255 : vector<16xi32>
        %min3A_260 = vector.broadcast %jit3A_257 : i32 to vector<16xi32>
        %min3A_261 = arith.minsi %min3A_260, %max3A_259 : vector<16xi32>
        %add3A_262 = vector.broadcast %mul3A_76 : i32 to vector<16xi32>
        %add3A_263 = arith.addi %add3A_262, %add3A_235 : vector<16xi32>
        %lt3A_264 = vector.broadcast %scan3A_42 : i32 to vector<16xi32>
        %lt3A_265 = arith.cmpi slt, %add3A_263, %lt3A_264 : vector<16xi32>
        %eq3A_266 = arith.constant 0 : i32
        %eq3A_267 = vector.broadcast %eq3A_266 : i32 to vector<16xi32>
        %eq3A_268 = arith.cmpi eq, %shift_right_logical3A_4, %eq3A_267 : vector<16xi32>
        %and3A_269 = arith.andi %eq3A_268, %lt3A_265 : vector<16xi1>
        tpu.vector_store_idx %arg18[%min3A_261, %and3A_6], %exp3A_250 masked %and3A_269 {add = true} : memref<320x4xf32, #tpu.memory_space<vmem>>[vector<16xi32>, vector<16xi32>], vector<16xf32>, vector<16xi1>
        %eq3A_270 = arith.constant 1 : i32
        %eq3A_271 = vector.broadcast %eq3A_270 : i32 to vector<16xi32>
        %eq3A_272 = arith.cmpi eq, %shift_right_logical3A_4, %eq3A_271 : vector<16xi32>
        %and3A_273 = arith.andi %eq3A_272, %lt3A_265 : vector<16xi1>
        tpu.vector_store_idx %arg18[%min3A_261, %and3A_6], %exp3A_250 masked %and3A_273 {add = true} : memref<320x4xf32, #tpu.memory_space<vmem>>[vector<16xi32>, vector<16xi32>], vector<16xf32>, vector<16xi1>
        %eq3A_274 = arith.constant 2 : i32
        %eq3A_275 = vector.broadcast %eq3A_274 : i32 to vector<16xi32>
        %eq3A_276 = arith.cmpi eq, %shift_right_logical3A_4, %eq3A_275 : vector<16xi32>
        %and3A_277 = arith.andi %eq3A_276, %lt3A_265 : vector<16xi1>
        tpu.vector_store_idx %arg18[%min3A_261, %and3A_6], %exp3A_250 masked %and3A_277 {add = true} : memref<320x4xf32, #tpu.memory_space<vmem>>[vector<16xi32>, vector<16xi32>], vector<16xf32>, vector<16xi1>
        %eq3A_278 = arith.constant 3 : i32
        %eq3A_279 = vector.broadcast %eq3A_278 : i32 to vector<16xi32>
        %eq3A_280 = arith.cmpi eq, %shift_right_logical3A_4, %eq3A_279 : vector<16xi32>
        %and3A_281 = arith.andi %eq3A_280, %lt3A_265 : vector<16xi1>
        tpu.vector_store_idx %arg18[%min3A_261, %and3A_6], %exp3A_250 masked %and3A_281 {add = true} : memref<320x4xf32, #tpu.memory_space<vmem>>[vector<16xi32>, vector<16xi32>], vector<16xf32>, vector<16xi1>
        %add3A_282 = arith.constant 16 : i32
        %add3A_283 = vector.broadcast %add3A_282 : i32 to vector<16xi32>
        %add3A_284 = arith.addi %shift_right_logical3A_4, %add3A_283 : vector<16xi32>
        %gather3A_285 = tpu.vector_load_idx %arg14[%add3A_284, %and3A_6] : memref<64x8xf32, #tpu.memory_space<vmem>>[vector<16xi32>, vector<16xi32>], vector<16xf32>,
        %add3A_286 = arith.constant 4 : i32
        %add3A_287 = vector.broadcast %add3A_286 : i32 to vector<16xi32>
        %add3A_288 = arith.addi %and3A_6, %add3A_287 : vector<16xi32>
        %gather3A_289 = tpu.vector_load_idx %arg15[%add3A_284, %add3A_288] : memref<64x8xf32, #tpu.memory_space<vmem>>[vector<16xi32>, vector<16xi32>], vector<16xf32>,
        %add3A_290 = arith.addf %gather3A_285, %gather3A_289 : vector<16xf32>
        %gt3A_291 = arith.constant 0.000000e+00 : f32
        %gt3A_292 = vector.broadcast %gt3A_291 : f32 to vector<16xf32>
        %gt3A_293 = arith.cmpf ogt, %add3A_290, %gt3A_292 : vector<16xf32>
        %mul3A_294 = arith.constant 2.000000e-01 : f32
        %mul3A_295 = vector.broadcast %mul3A_294 : f32 to vector<16xf32>
        %mul3A_296 = arith.mulf %mul3A_295, %add3A_290 : vector<16xf32>
        %select_n3A_297 = arith.select %gt3A_293, %add3A_290, %mul3A_296 : vector<16xi1>, vector<16xf32>
        %sub3A_298 = arith.subf %select_n3A_297, %get3A_7 : vector<16xf32>
        %exp3A_299 = math.exp %sub3A_298 : vector<16xf32>
        %add3A_300 = vector.broadcast %mul3A_76 : i32 to vector<16xi32>
        %add3A_301 = arith.addi %add3A_300, %add3A_284 : vector<16xi32>
        %gather3A_302 = tpu.vector_load_idx %arg13[%add3A_301] : memref<2064xi32, #tpu.memory_space<vmem>>[vector<16xi32>], vector<16xi32>,
        %sub3A_303 = vector.broadcast %mul3A_2 : i32 to vector<16xi32>
        %sub3A_304 = arith.subi %gather3A_302, %sub3A_303 : vector<16xi32>
        %jit3A_305 = arith.constant 0 : i32
        %jit3A_306 = arith.constant 319 : i32
        %max3A_307 = vector.broadcast %jit3A_305 : i32 to vector<16xi32>
        %max3A_308 = arith.maxsi %max3A_307, %sub3A_304 : vector<16xi32>
        %min3A_309 = vector.broadcast %jit3A_306 : i32 to vector<16xi32>
        %min3A_310 = arith.minsi %min3A_309, %max3A_308 : vector<16xi32>
        %add3A_311 = vector.broadcast %mul3A_76 : i32 to vector<16xi32>
        %add3A_312 = arith.addi %add3A_311, %add3A_284 : vector<16xi32>
        %lt3A_313 = vector.broadcast %scan3A_42 : i32 to vector<16xi32>
        %lt3A_314 = arith.cmpi slt, %add3A_312, %lt3A_313 : vector<16xi32>
        %eq3A_315 = arith.constant 0 : i32
        %eq3A_316 = vector.broadcast %eq3A_315 : i32 to vector<16xi32>
        %eq3A_317 = arith.cmpi eq, %shift_right_logical3A_4, %eq3A_316 : vector<16xi32>
        %and3A_318 = arith.andi %eq3A_317, %lt3A_314 : vector<16xi1>
        tpu.vector_store_idx %arg18[%min3A_310, %and3A_6], %exp3A_299 masked %and3A_318 {add = true} : memref<320x4xf32, #tpu.memory_space<vmem>>[vector<16xi32>, vector<16xi32>], vector<16xf32>, vector<16xi1>
        %eq3A_319 = arith.constant 1 : i32
        %eq3A_320 = vector.broadcast %eq3A_319 : i32 to vector<16xi32>
        %eq3A_321 = arith.cmpi eq, %shift_right_logical3A_4, %eq3A_320 : vector<16xi32>
        %and3A_322 = arith.andi %eq3A_321, %lt3A_314 : vector<16xi1>
        tpu.vector_store_idx %arg18[%min3A_310, %and3A_6], %exp3A_299 masked %and3A_322 {add = true} : memref<320x4xf32, #tpu.memory_space<vmem>>[vector<16xi32>, vector<16xi32>], vector<16xf32>, vector<16xi1>
        %eq3A_323 = arith.constant 2 : i32
        %eq3A_324 = vector.broadcast %eq3A_323 : i32 to vector<16xi32>
        %eq3A_325 = arith.cmpi eq, %shift_right_logical3A_4, %eq3A_324 : vector<16xi32>
        %and3A_326 = arith.andi %eq3A_325, %lt3A_314 : vector<16xi1>
        tpu.vector_store_idx %arg18[%min3A_310, %and3A_6], %exp3A_299 masked %and3A_326 {add = true} : memref<320x4xf32, #tpu.memory_space<vmem>>[vector<16xi32>, vector<16xi32>], vector<16xf32>, vector<16xi1>
        %eq3A_327 = arith.constant 3 : i32
        %eq3A_328 = vector.broadcast %eq3A_327 : i32 to vector<16xi32>
        %eq3A_329 = arith.cmpi eq, %shift_right_logical3A_4, %eq3A_328 : vector<16xi32>
        %and3A_330 = arith.andi %eq3A_329, %lt3A_314 : vector<16xi1>
        tpu.vector_store_idx %arg18[%min3A_310, %and3A_6], %exp3A_299 masked %and3A_330 {add = true} : memref<320x4xf32, #tpu.memory_space<vmem>>[vector<16xi32>, vector<16xi32>], vector<16xf32>, vector<16xi1>
        %add3A_331 = arith.constant 20 : i32
        %add3A_332 = vector.broadcast %add3A_331 : i32 to vector<16xi32>
        %add3A_333 = arith.addi %shift_right_logical3A_4, %add3A_332 : vector<16xi32>
        %gather3A_334 = tpu.vector_load_idx %arg14[%add3A_333, %and3A_6] : memref<64x8xf32, #tpu.memory_space<vmem>>[vector<16xi32>, vector<16xi32>], vector<16xf32>,
        %add3A_335 = arith.constant 4 : i32
        %add3A_336 = vector.broadcast %add3A_335 : i32 to vector<16xi32>
        %add3A_337 = arith.addi %and3A_6, %add3A_336 : vector<16xi32>
        %gather3A_338 = tpu.vector_load_idx %arg15[%add3A_333, %add3A_337] : memref<64x8xf32, #tpu.memory_space<vmem>>[vector<16xi32>, vector<16xi32>], vector<16xf32>,
        %add3A_339 = arith.addf %gather3A_334, %gather3A_338 : vector<16xf32>
        %gt3A_340 = arith.constant 0.000000e+00 : f32
        %gt3A_341 = vector.broadcast %gt3A_340 : f32 to vector<16xf32>
        %gt3A_342 = arith.cmpf ogt, %add3A_339, %gt3A_341 : vector<16xf32>
        %mul3A_343 = arith.constant 2.000000e-01 : f32
        %mul3A_344 = vector.broadcast %mul3A_343 : f32 to vector<16xf32>
        %mul3A_345 = arith.mulf %mul3A_344, %add3A_339 : vector<16xf32>
        %select_n3A_346 = arith.select %gt3A_342, %add3A_339, %mul3A_345 : vector<16xi1>, vector<16xf32>
        %sub3A_347 = arith.subf %select_n3A_346, %get3A_7 : vector<16xf32>
        %exp3A_348 = math.exp %sub3A_347 : vector<16xf32>
        %add3A_349 = vector.broadcast %mul3A_76 : i32 to vector<16xi32>
        %add3A_350 = arith.addi %add3A_349, %add3A_333 : vector<16xi32>
        %gather3A_351 = tpu.vector_load_idx %arg13[%add3A_350] : memref<2064xi32, #tpu.memory_space<vmem>>[vector<16xi32>], vector<16xi32>,
        %sub3A_352 = vector.broadcast %mul3A_2 : i32 to vector<16xi32>
        %sub3A_353 = arith.subi %gather3A_351, %sub3A_352 : vector<16xi32>
        %jit3A_354 = arith.constant 0 : i32
        %jit3A_355 = arith.constant 319 : i32
        %max3A_356 = vector.broadcast %jit3A_354 : i32 to vector<16xi32>
        %max3A_357 = arith.maxsi %max3A_356, %sub3A_353 : vector<16xi32>
        %min3A_358 = vector.broadcast %jit3A_355 : i32 to vector<16xi32>
        %min3A_359 = arith.minsi %min3A_358, %max3A_357 : vector<16xi32>
        %add3A_360 = vector.broadcast %mul3A_76 : i32 to vector<16xi32>
        %add3A_361 = arith.addi %add3A_360, %add3A_333 : vector<16xi32>
        %lt3A_362 = vector.broadcast %scan3A_42 : i32 to vector<16xi32>
        %lt3A_363 = arith.cmpi slt, %add3A_361, %lt3A_362 : vector<16xi32>
        %eq3A_364 = arith.constant 0 : i32
        %eq3A_365 = vector.broadcast %eq3A_364 : i32 to vector<16xi32>
        %eq3A_366 = arith.cmpi eq, %shift_right_logical3A_4, %eq3A_365 : vector<16xi32>
        %and3A_367 = arith.andi %eq3A_366, %lt3A_363 : vector<16xi1>
        tpu.vector_store_idx %arg18[%min3A_359, %and3A_6], %exp3A_348 masked %and3A_367 {add = true} : memref<320x4xf32, #tpu.memory_space<vmem>>[vector<16xi32>, vector<16xi32>], vector<16xf32>, vector<16xi1>
        %eq3A_368 = arith.constant 1 : i32
        %eq3A_369 = vector.broadcast %eq3A_368 : i32 to vector<16xi32>
        %eq3A_370 = arith.cmpi eq, %shift_right_logical3A_4, %eq3A_369 : vector<16xi32>
        %and3A_371 = arith.andi %eq3A_370, %lt3A_363 : vector<16xi1>
        tpu.vector_store_idx %arg18[%min3A_359, %and3A_6], %exp3A_348 masked %and3A_371 {add = true} : memref<320x4xf32, #tpu.memory_space<vmem>>[vector<16xi32>, vector<16xi32>], vector<16xf32>, vector<16xi1>
        %eq3A_372 = arith.constant 2 : i32
        %eq3A_373 = vector.broadcast %eq3A_372 : i32 to vector<16xi32>
        %eq3A_374 = arith.cmpi eq, %shift_right_logical3A_4, %eq3A_373 : vector<16xi32>
        %and3A_375 = arith.andi %eq3A_374, %lt3A_363 : vector<16xi1>
        tpu.vector_store_idx %arg18[%min3A_359, %and3A_6], %exp3A_348 masked %and3A_375 {add = true} : memref<320x4xf32, #tpu.memory_space<vmem>>[vector<16xi32>, vector<16xi32>], vector<16xf32>, vector<16xi1>
        %eq3A_376 = arith.constant 3 : i32
        %eq3A_377 = vector.broadcast %eq3A_376 : i32 to vector<16xi32>
        %eq3A_378 = arith.cmpi eq, %shift_right_logical3A_4, %eq3A_377 : vector<16xi32>
        %and3A_379 = arith.andi %eq3A_378, %lt3A_363 : vector<16xi1>
        tpu.vector_store_idx %arg18[%min3A_359, %and3A_6], %exp3A_348 masked %and3A_379 {add = true} : memref<320x4xf32, #tpu.memory_space<vmem>>[vector<16xi32>, vector<16xi32>], vector<16xf32>, vector<16xi1>
        %add3A_380 = arith.constant 24 : i32
        %add3A_381 = vector.broadcast %add3A_380 : i32 to vector<16xi32>
        %add3A_382 = arith.addi %shift_right_logical3A_4, %add3A_381 : vector<16xi32>
        %gather3A_383 = tpu.vector_load_idx %arg14[%add3A_382, %and3A_6] : memref<64x8xf32, #tpu.memory_space<vmem>>[vector<16xi32>, vector<16xi32>], vector<16xf32>,
        %add3A_384 = arith.constant 4 : i32
        %add3A_385 = vector.broadcast %add3A_384 : i32 to vector<16xi32>
        %add3A_386 = arith.addi %and3A_6, %add3A_385 : vector<16xi32>
        %gather3A_387 = tpu.vector_load_idx %arg15[%add3A_382, %add3A_386] : memref<64x8xf32, #tpu.memory_space<vmem>>[vector<16xi32>, vector<16xi32>], vector<16xf32>,
        %add3A_388 = arith.addf %gather3A_383, %gather3A_387 : vector<16xf32>
        %gt3A_389 = arith.constant 0.000000e+00 : f32
        %gt3A_390 = vector.broadcast %gt3A_389 : f32 to vector<16xf32>
        %gt3A_391 = arith.cmpf ogt, %add3A_388, %gt3A_390 : vector<16xf32>
        %mul3A_392 = arith.constant 2.000000e-01 : f32
        %mul3A_393 = vector.broadcast %mul3A_392 : f32 to vector<16xf32>
        %mul3A_394 = arith.mulf %mul3A_393, %add3A_388 : vector<16xf32>
        %select_n3A_395 = arith.select %gt3A_391, %add3A_388, %mul3A_394 : vector<16xi1>, vector<16xf32>
        %sub3A_396 = arith.subf %select_n3A_395, %get3A_7 : vector<16xf32>
        %exp3A_397 = math.exp %sub3A_396 : vector<16xf32>
        %add3A_398 = vector.broadcast %mul3A_76 : i32 to vector<16xi32>
        %add3A_399 = arith.addi %add3A_398, %add3A_382 : vector<16xi32>
        %gather3A_400 = tpu.vector_load_idx %arg13[%add3A_399] : memref<2064xi32, #tpu.memory_space<vmem>>[vector<16xi32>], vector<16xi32>,
        %sub3A_401 = vector.broadcast %mul3A_2 : i32 to vector<16xi32>
        %sub3A_402 = arith.subi %gather3A_400, %sub3A_401 : vector<16xi32>
        %jit3A_403 = arith.constant 0 : i32
        %jit3A_404 = arith.constant 319 : i32
        %max3A_405 = vector.broadcast %jit3A_403 : i32 to vector<16xi32>
        %max3A_406 = arith.maxsi %max3A_405, %sub3A_402 : vector<16xi32>
        %min3A_407 = vector.broadcast %jit3A_404 : i32 to vector<16xi32>
        %min3A_408 = arith.minsi %min3A_407, %max3A_406 : vector<16xi32>
        %add3A_409 = vector.broadcast %mul3A_76 : i32 to vector<16xi32>
        %add3A_410 = arith.addi %add3A_409, %add3A_382 : vector<16xi32>
        %lt3A_411 = vector.broadcast %scan3A_42 : i32 to vector<16xi32>
        %lt3A_412 = arith.cmpi slt, %add3A_410, %lt3A_411 : vector<16xi32>
        %eq3A_413 = arith.constant 0 : i32
        %eq3A_414 = vector.broadcast %eq3A_413 : i32 to vector<16xi32>
        %eq3A_415 = arith.cmpi eq, %shift_right_logical3A_4, %eq3A_414 : vector<16xi32>
        %and3A_416 = arith.andi %eq3A_415, %lt3A_412 : vector<16xi1>
        tpu.vector_store_idx %arg18[%min3A_408, %and3A_6], %exp3A_397 masked %and3A_416 {add = true} : memref<320x4xf32, #tpu.memory_space<vmem>>[vector<16xi32>, vector<16xi32>], vector<16xf32>, vector<16xi1>
        %eq3A_417 = arith.constant 1 : i32
        %eq3A_418 = vector.broadcast %eq3A_417 : i32 to vector<16xi32>
        %eq3A_419 = arith.cmpi eq, %shift_right_logical3A_4, %eq3A_418 : vector<16xi32>
        %and3A_420 = arith.andi %eq3A_419, %lt3A_412 : vector<16xi1>
        tpu.vector_store_idx %arg18[%min3A_408, %and3A_6], %exp3A_397 masked %and3A_420 {add = true} : memref<320x4xf32, #tpu.memory_space<vmem>>[vector<16xi32>, vector<16xi32>], vector<16xf32>, vector<16xi1>
        %eq3A_421 = arith.constant 2 : i32
        %eq3A_422 = vector.broadcast %eq3A_421 : i32 to vector<16xi32>
        %eq3A_423 = arith.cmpi eq, %shift_right_logical3A_4, %eq3A_422 : vector<16xi32>
        %and3A_424 = arith.andi %eq3A_423, %lt3A_412 : vector<16xi1>
        tpu.vector_store_idx %arg18[%min3A_408, %and3A_6], %exp3A_397 masked %and3A_424 {add = true} : memref<320x4xf32, #tpu.memory_space<vmem>>[vector<16xi32>, vector<16xi32>], vector<16xf32>, vector<16xi1>
        %eq3A_425 = arith.constant 3 : i32
        %eq3A_426 = vector.broadcast %eq3A_425 : i32 to vector<16xi32>
        %eq3A_427 = arith.cmpi eq, %shift_right_logical3A_4, %eq3A_426 : vector<16xi32>
        %and3A_428 = arith.andi %eq3A_427, %lt3A_412 : vector<16xi1>
        tpu.vector_store_idx %arg18[%min3A_408, %and3A_6], %exp3A_397 masked %and3A_428 {add = true} : memref<320x4xf32, #tpu.memory_space<vmem>>[vector<16xi32>, vector<16xi32>], vector<16xf32>, vector<16xi1>
        %add3A_429 = arith.constant 28 : i32
        %add3A_430 = vector.broadcast %add3A_429 : i32 to vector<16xi32>
        %add3A_431 = arith.addi %shift_right_logical3A_4, %add3A_430 : vector<16xi32>
        %gather3A_432 = tpu.vector_load_idx %arg14[%add3A_431, %and3A_6] : memref<64x8xf32, #tpu.memory_space<vmem>>[vector<16xi32>, vector<16xi32>], vector<16xf32>,
        %add3A_433 = arith.constant 4 : i32
        %add3A_434 = vector.broadcast %add3A_433 : i32 to vector<16xi32>
        %add3A_435 = arith.addi %and3A_6, %add3A_434 : vector<16xi32>
        %gather3A_436 = tpu.vector_load_idx %arg15[%add3A_431, %add3A_435] : memref<64x8xf32, #tpu.memory_space<vmem>>[vector<16xi32>, vector<16xi32>], vector<16xf32>,
        %add3A_437 = arith.addf %gather3A_432, %gather3A_436 : vector<16xf32>
        %gt3A_438 = arith.constant 0.000000e+00 : f32
        %gt3A_439 = vector.broadcast %gt3A_438 : f32 to vector<16xf32>
        %gt3A_440 = arith.cmpf ogt, %add3A_437, %gt3A_439 : vector<16xf32>
        %mul3A_441 = arith.constant 2.000000e-01 : f32
        %mul3A_442 = vector.broadcast %mul3A_441 : f32 to vector<16xf32>
        %mul3A_443 = arith.mulf %mul3A_442, %add3A_437 : vector<16xf32>
        %select_n3A_444 = arith.select %gt3A_440, %add3A_437, %mul3A_443 : vector<16xi1>, vector<16xf32>
        %sub3A_445 = arith.subf %select_n3A_444, %get3A_7 : vector<16xf32>
        %exp3A_446 = math.exp %sub3A_445 : vector<16xf32>
        %add3A_447 = vector.broadcast %mul3A_76 : i32 to vector<16xi32>
        %add3A_448 = arith.addi %add3A_447, %add3A_431 : vector<16xi32>
        %gather3A_449 = tpu.vector_load_idx %arg13[%add3A_448] : memref<2064xi32, #tpu.memory_space<vmem>>[vector<16xi32>], vector<16xi32>,
        %sub3A_450 = vector.broadcast %mul3A_2 : i32 to vector<16xi32>
        %sub3A_451 = arith.subi %gather3A_449, %sub3A_450 : vector<16xi32>
        %jit3A_452 = arith.constant 0 : i32
        %jit3A_453 = arith.constant 319 : i32
        %max3A_454 = vector.broadcast %jit3A_452 : i32 to vector<16xi32>
        %max3A_455 = arith.maxsi %max3A_454, %sub3A_451 : vector<16xi32>
        %min3A_456 = vector.broadcast %jit3A_453 : i32 to vector<16xi32>
        %min3A_457 = arith.minsi %min3A_456, %max3A_455 : vector<16xi32>
        %add3A_458 = vector.broadcast %mul3A_76 : i32 to vector<16xi32>
        %add3A_459 = arith.addi %add3A_458, %add3A_431 : vector<16xi32>
        %lt3A_460 = vector.broadcast %scan3A_42 : i32 to vector<16xi32>
        %lt3A_461 = arith.cmpi slt, %add3A_459, %lt3A_460 : vector<16xi32>
        %eq3A_462 = arith.constant 0 : i32
        %eq3A_463 = vector.broadcast %eq3A_462 : i32 to vector<16xi32>
        %eq3A_464 = arith.cmpi eq, %shift_right_logical3A_4, %eq3A_463 : vector<16xi32>
        %and3A_465 = arith.andi %eq3A_464, %lt3A_461 : vector<16xi1>
        tpu.vector_store_idx %arg18[%min3A_457, %and3A_6], %exp3A_446 masked %and3A_465 {add = true} : memref<320x4xf32, #tpu.memory_space<vmem>>[vector<16xi32>, vector<16xi32>], vector<16xf32>, vector<16xi1>
        %eq3A_466 = arith.constant 1 : i32
        %eq3A_467 = vector.broadcast %eq3A_466 : i32 to vector<16xi32>
        %eq3A_468 = arith.cmpi eq, %shift_right_logical3A_4, %eq3A_467 : vector<16xi32>
        %and3A_469 = arith.andi %eq3A_468, %lt3A_461 : vector<16xi1>
        tpu.vector_store_idx %arg18[%min3A_457, %and3A_6], %exp3A_446 masked %and3A_469 {add = true} : memref<320x4xf32, #tpu.memory_space<vmem>>[vector<16xi32>, vector<16xi32>], vector<16xf32>, vector<16xi1>
        %eq3A_470 = arith.constant 2 : i32
        %eq3A_471 = vector.broadcast %eq3A_470 : i32 to vector<16xi32>
        %eq3A_472 = arith.cmpi eq, %shift_right_logical3A_4, %eq3A_471 : vector<16xi32>
        %and3A_473 = arith.andi %eq3A_472, %lt3A_461 : vector<16xi1>
        tpu.vector_store_idx %arg18[%min3A_457, %and3A_6], %exp3A_446 masked %and3A_473 {add = true} : memref<320x4xf32, #tpu.memory_space<vmem>>[vector<16xi32>, vector<16xi32>], vector<16xf32>, vector<16xi1>
        %eq3A_474 = arith.constant 3 : i32
        %eq3A_475 = vector.broadcast %eq3A_474 : i32 to vector<16xi32>
        %eq3A_476 = arith.cmpi eq, %shift_right_logical3A_4, %eq3A_475 : vector<16xi32>
        %and3A_477 = arith.andi %eq3A_476, %lt3A_461 : vector<16xi1>
        tpu.vector_store_idx %arg18[%min3A_457, %and3A_6], %exp3A_446 masked %and3A_477 {add = true} : memref<320x4xf32, #tpu.memory_space<vmem>>[vector<16xi32>, vector<16xi32>], vector<16xf32>, vector<16xi1>
        %add3A_478 = arith.constant 32 : i32
        %add3A_479 = vector.broadcast %add3A_478 : i32 to vector<16xi32>
        %add3A_480 = arith.addi %shift_right_logical3A_4, %add3A_479 : vector<16xi32>
        %gather3A_481 = tpu.vector_load_idx %arg14[%add3A_480, %and3A_6] : memref<64x8xf32, #tpu.memory_space<vmem>>[vector<16xi32>, vector<16xi32>], vector<16xf32>,
        %add3A_482 = arith.constant 4 : i32
        %add3A_483 = vector.broadcast %add3A_482 : i32 to vector<16xi32>
        %add3A_484 = arith.addi %and3A_6, %add3A_483 : vector<16xi32>
        %gather3A_485 = tpu.vector_load_idx %arg15[%add3A_480, %add3A_484] : memref<64x8xf32, #tpu.memory_space<vmem>>[vector<16xi32>, vector<16xi32>], vector<16xf32>,
        %add3A_486 = arith.addf %gather3A_481, %gather3A_485 : vector<16xf32>
        %gt3A_487 = arith.constant 0.000000e+00 : f32
        %gt3A_488 = vector.broadcast %gt3A_487 : f32 to vector<16xf32>
        %gt3A_489 = arith.cmpf ogt, %add3A_486, %gt3A_488 : vector<16xf32>
        %mul3A_490 = arith.constant 2.000000e-01 : f32
        %mul3A_491 = vector.broadcast %mul3A_490 : f32 to vector<16xf32>
        %mul3A_492 = arith.mulf %mul3A_491, %add3A_486 : vector<16xf32>
        %select_n3A_493 = arith.select %gt3A_489, %add3A_486, %mul3A_492 : vector<16xi1>, vector<16xf32>
        %sub3A_494 = arith.subf %select_n3A_493, %get3A_7 : vector<16xf32>
        %exp3A_495 = math.exp %sub3A_494 : vector<16xf32>
        %add3A_496 = vector.broadcast %mul3A_76 : i32 to vector<16xi32>
        %add3A_497 = arith.addi %add3A_496, %add3A_480 : vector<16xi32>
        %gather3A_498 = tpu.vector_load_idx %arg13[%add3A_497] : memref<2064xi32, #tpu.memory_space<vmem>>[vector<16xi32>], vector<16xi32>,
        %sub3A_499 = vector.broadcast %mul3A_2 : i32 to vector<16xi32>
        %sub3A_500 = arith.subi %gather3A_498, %sub3A_499 : vector<16xi32>
        %jit3A_501 = arith.constant 0 : i32
        %jit3A_502 = arith.constant 319 : i32
        %max3A_503 = vector.broadcast %jit3A_501 : i32 to vector<16xi32>
        %max3A_504 = arith.maxsi %max3A_503, %sub3A_500 : vector<16xi32>
        %min3A_505 = vector.broadcast %jit3A_502 : i32 to vector<16xi32>
        %min3A_506 = arith.minsi %min3A_505, %max3A_504 : vector<16xi32>
        %add3A_507 = vector.broadcast %mul3A_76 : i32 to vector<16xi32>
        %add3A_508 = arith.addi %add3A_507, %add3A_480 : vector<16xi32>
        %lt3A_509 = vector.broadcast %scan3A_42 : i32 to vector<16xi32>
        %lt3A_510 = arith.cmpi slt, %add3A_508, %lt3A_509 : vector<16xi32>
        %eq3A_511 = arith.constant 0 : i32
        %eq3A_512 = vector.broadcast %eq3A_511 : i32 to vector<16xi32>
        %eq3A_513 = arith.cmpi eq, %shift_right_logical3A_4, %eq3A_512 : vector<16xi32>
        %and3A_514 = arith.andi %eq3A_513, %lt3A_510 : vector<16xi1>
        tpu.vector_store_idx %arg18[%min3A_506, %and3A_6], %exp3A_495 masked %and3A_514 {add = true} : memref<320x4xf32, #tpu.memory_space<vmem>>[vector<16xi32>, vector<16xi32>], vector<16xf32>, vector<16xi1>
        %eq3A_515 = arith.constant 1 : i32
        %eq3A_516 = vector.broadcast %eq3A_515 : i32 to vector<16xi32>
        %eq3A_517 = arith.cmpi eq, %shift_right_logical3A_4, %eq3A_516 : vector<16xi32>
        %and3A_518 = arith.andi %eq3A_517, %lt3A_510 : vector<16xi1>
        tpu.vector_store_idx %arg18[%min3A_506, %and3A_6], %exp3A_495 masked %and3A_518 {add = true} : memref<320x4xf32, #tpu.memory_space<vmem>>[vector<16xi32>, vector<16xi32>], vector<16xf32>, vector<16xi1>
        %eq3A_519 = arith.constant 2 : i32
        %eq3A_520 = vector.broadcast %eq3A_519 : i32 to vector<16xi32>
        %eq3A_521 = arith.cmpi eq, %shift_right_logical3A_4, %eq3A_520 : vector<16xi32>
        %and3A_522 = arith.andi %eq3A_521, %lt3A_510 : vector<16xi1>
        tpu.vector_store_idx %arg18[%min3A_506, %and3A_6], %exp3A_495 masked %and3A_522 {add = true} : memref<320x4xf32, #tpu.memory_space<vmem>>[vector<16xi32>, vector<16xi32>], vector<16xf32>, vector<16xi1>
        %eq3A_523 = arith.constant 3 : i32
        %eq3A_524 = vector.broadcast %eq3A_523 : i32 to vector<16xi32>
        %eq3A_525 = arith.cmpi eq, %shift_right_logical3A_4, %eq3A_524 : vector<16xi32>
        %and3A_526 = arith.andi %eq3A_525, %lt3A_510 : vector<16xi1>
        tpu.vector_store_idx %arg18[%min3A_506, %and3A_6], %exp3A_495 masked %and3A_526 {add = true} : memref<320x4xf32, #tpu.memory_space<vmem>>[vector<16xi32>, vector<16xi32>], vector<16xf32>, vector<16xi1>
        %add3A_527 = arith.constant 36 : i32
        %add3A_528 = vector.broadcast %add3A_527 : i32 to vector<16xi32>
        %add3A_529 = arith.addi %shift_right_logical3A_4, %add3A_528 : vector<16xi32>
        %gather3A_530 = tpu.vector_load_idx %arg14[%add3A_529, %and3A_6] : memref<64x8xf32, #tpu.memory_space<vmem>>[vector<16xi32>, vector<16xi32>], vector<16xf32>,
        %add3A_531 = arith.constant 4 : i32
        %add3A_532 = vector.broadcast %add3A_531 : i32 to vector<16xi32>
        %add3A_533 = arith.addi %and3A_6, %add3A_532 : vector<16xi32>
        %gather3A_534 = tpu.vector_load_idx %arg15[%add3A_529, %add3A_533] : memref<64x8xf32, #tpu.memory_space<vmem>>[vector<16xi32>, vector<16xi32>], vector<16xf32>,
        %add3A_535 = arith.addf %gather3A_530, %gather3A_534 : vector<16xf32>
        %gt3A_536 = arith.constant 0.000000e+00 : f32
        %gt3A_537 = vector.broadcast %gt3A_536 : f32 to vector<16xf32>
        %gt3A_538 = arith.cmpf ogt, %add3A_535, %gt3A_537 : vector<16xf32>
        %mul3A_539 = arith.constant 2.000000e-01 : f32
        %mul3A_540 = vector.broadcast %mul3A_539 : f32 to vector<16xf32>
        %mul3A_541 = arith.mulf %mul3A_540, %add3A_535 : vector<16xf32>
        %select_n3A_542 = arith.select %gt3A_538, %add3A_535, %mul3A_541 : vector<16xi1>, vector<16xf32>
        %sub3A_543 = arith.subf %select_n3A_542, %get3A_7 : vector<16xf32>
        %exp3A_544 = math.exp %sub3A_543 : vector<16xf32>
        %add3A_545 = vector.broadcast %mul3A_76 : i32 to vector<16xi32>
        %add3A_546 = arith.addi %add3A_545, %add3A_529 : vector<16xi32>
        %gather3A_547 = tpu.vector_load_idx %arg13[%add3A_546] : memref<2064xi32, #tpu.memory_space<vmem>>[vector<16xi32>], vector<16xi32>,
        %sub3A_548 = vector.broadcast %mul3A_2 : i32 to vector<16xi32>
        %sub3A_549 = arith.subi %gather3A_547, %sub3A_548 : vector<16xi32>
        %jit3A_550 = arith.constant 0 : i32
        %jit3A_551 = arith.constant 319 : i32
        %max3A_552 = vector.broadcast %jit3A_550 : i32 to vector<16xi32>
        %max3A_553 = arith.maxsi %max3A_552, %sub3A_549 : vector<16xi32>
        %min3A_554 = vector.broadcast %jit3A_551 : i32 to vector<16xi32>
        %min3A_555 = arith.minsi %min3A_554, %max3A_553 : vector<16xi32>
        %add3A_556 = vector.broadcast %mul3A_76 : i32 to vector<16xi32>
        %add3A_557 = arith.addi %add3A_556, %add3A_529 : vector<16xi32>
        %lt3A_558 = vector.broadcast %scan3A_42 : i32 to vector<16xi32>
        %lt3A_559 = arith.cmpi slt, %add3A_557, %lt3A_558 : vector<16xi32>
        %eq3A_560 = arith.constant 0 : i32
        %eq3A_561 = vector.broadcast %eq3A_560 : i32 to vector<16xi32>
        %eq3A_562 = arith.cmpi eq, %shift_right_logical3A_4, %eq3A_561 : vector<16xi32>
        %and3A_563 = arith.andi %eq3A_562, %lt3A_559 : vector<16xi1>
        tpu.vector_store_idx %arg18[%min3A_555, %and3A_6], %exp3A_544 masked %and3A_563 {add = true} : memref<320x4xf32, #tpu.memory_space<vmem>>[vector<16xi32>, vector<16xi32>], vector<16xf32>, vector<16xi1>
        %eq3A_564 = arith.constant 1 : i32
        %eq3A_565 = vector.broadcast %eq3A_564 : i32 to vector<16xi32>
        %eq3A_566 = arith.cmpi eq, %shift_right_logical3A_4, %eq3A_565 : vector<16xi32>
        %and3A_567 = arith.andi %eq3A_566, %lt3A_559 : vector<16xi1>
        tpu.vector_store_idx %arg18[%min3A_555, %and3A_6], %exp3A_544 masked %and3A_567 {add = true} : memref<320x4xf32, #tpu.memory_space<vmem>>[vector<16xi32>, vector<16xi32>], vector<16xf32>, vector<16xi1>
        %eq3A_568 = arith.constant 2 : i32
        %eq3A_569 = vector.broadcast %eq3A_568 : i32 to vector<16xi32>
        %eq3A_570 = arith.cmpi eq, %shift_right_logical3A_4, %eq3A_569 : vector<16xi32>
        %and3A_571 = arith.andi %eq3A_570, %lt3A_559 : vector<16xi1>
        tpu.vector_store_idx %arg18[%min3A_555, %and3A_6], %exp3A_544 masked %and3A_571 {add = true} : memref<320x4xf32, #tpu.memory_space<vmem>>[vector<16xi32>, vector<16xi32>], vector<16xf32>, vector<16xi1>
        %eq3A_572 = arith.constant 3 : i32
        %eq3A_573 = vector.broadcast %eq3A_572 : i32 to vector<16xi32>
        %eq3A_574 = arith.cmpi eq, %shift_right_logical3A_4, %eq3A_573 : vector<16xi32>
        %and3A_575 = arith.andi %eq3A_574, %lt3A_559 : vector<16xi1>
        tpu.vector_store_idx %arg18[%min3A_555, %and3A_6], %exp3A_544 masked %and3A_575 {add = true} : memref<320x4xf32, #tpu.memory_space<vmem>>[vector<16xi32>, vector<16xi32>], vector<16xf32>, vector<16xi1>
        %add3A_576 = arith.constant 40 : i32
        %add3A_577 = vector.broadcast %add3A_576 : i32 to vector<16xi32>
        %add3A_578 = arith.addi %shift_right_logical3A_4, %add3A_577 : vector<16xi32>
        %gather3A_579 = tpu.vector_load_idx %arg14[%add3A_578, %and3A_6] : memref<64x8xf32, #tpu.memory_space<vmem>>[vector<16xi32>, vector<16xi32>], vector<16xf32>,
        %add3A_580 = arith.constant 4 : i32
        %add3A_581 = vector.broadcast %add3A_580 : i32 to vector<16xi32>
        %add3A_582 = arith.addi %and3A_6, %add3A_581 : vector<16xi32>
        %gather3A_583 = tpu.vector_load_idx %arg15[%add3A_578, %add3A_582] : memref<64x8xf32, #tpu.memory_space<vmem>>[vector<16xi32>, vector<16xi32>], vector<16xf32>,
        %add3A_584 = arith.addf %gather3A_579, %gather3A_583 : vector<16xf32>
        %gt3A_585 = arith.constant 0.000000e+00 : f32
        %gt3A_586 = vector.broadcast %gt3A_585 : f32 to vector<16xf32>
        %gt3A_587 = arith.cmpf ogt, %add3A_584, %gt3A_586 : vector<16xf32>
        %mul3A_588 = arith.constant 2.000000e-01 : f32
        %mul3A_589 = vector.broadcast %mul3A_588 : f32 to vector<16xf32>
        %mul3A_590 = arith.mulf %mul3A_589, %add3A_584 : vector<16xf32>
        %select_n3A_591 = arith.select %gt3A_587, %add3A_584, %mul3A_590 : vector<16xi1>, vector<16xf32>
        %sub3A_592 = arith.subf %select_n3A_591, %get3A_7 : vector<16xf32>
        %exp3A_593 = math.exp %sub3A_592 : vector<16xf32>
        %add3A_594 = vector.broadcast %mul3A_76 : i32 to vector<16xi32>
        %add3A_595 = arith.addi %add3A_594, %add3A_578 : vector<16xi32>
        %gather3A_596 = tpu.vector_load_idx %arg13[%add3A_595] : memref<2064xi32, #tpu.memory_space<vmem>>[vector<16xi32>], vector<16xi32>,
        %sub3A_597 = vector.broadcast %mul3A_2 : i32 to vector<16xi32>
        %sub3A_598 = arith.subi %gather3A_596, %sub3A_597 : vector<16xi32>
        %jit3A_599 = arith.constant 0 : i32
        %jit3A_600 = arith.constant 319 : i32
        %max3A_601 = vector.broadcast %jit3A_599 : i32 to vector<16xi32>
        %max3A_602 = arith.maxsi %max3A_601, %sub3A_598 : vector<16xi32>
        %min3A_603 = vector.broadcast %jit3A_600 : i32 to vector<16xi32>
        %min3A_604 = arith.minsi %min3A_603, %max3A_602 : vector<16xi32>
        %add3A_605 = vector.broadcast %mul3A_76 : i32 to vector<16xi32>
        %add3A_606 = arith.addi %add3A_605, %add3A_578 : vector<16xi32>
        %lt3A_607 = vector.broadcast %scan3A_42 : i32 to vector<16xi32>
        %lt3A_608 = arith.cmpi slt, %add3A_606, %lt3A_607 : vector<16xi32>
        %eq3A_609 = arith.constant 0 : i32
        %eq3A_610 = vector.broadcast %eq3A_609 : i32 to vector<16xi32>
        %eq3A_611 = arith.cmpi eq, %shift_right_logical3A_4, %eq3A_610 : vector<16xi32>
        %and3A_612 = arith.andi %eq3A_611, %lt3A_608 : vector<16xi1>
        tpu.vector_store_idx %arg18[%min3A_604, %and3A_6], %exp3A_593 masked %and3A_612 {add = true} : memref<320x4xf32, #tpu.memory_space<vmem>>[vector<16xi32>, vector<16xi32>], vector<16xf32>, vector<16xi1>
        %eq3A_613 = arith.constant 1 : i32
        %eq3A_614 = vector.broadcast %eq3A_613 : i32 to vector<16xi32>
        %eq3A_615 = arith.cmpi eq, %shift_right_logical3A_4, %eq3A_614 : vector<16xi32>
        %and3A_616 = arith.andi %eq3A_615, %lt3A_608 : vector<16xi1>
        tpu.vector_store_idx %arg18[%min3A_604, %and3A_6], %exp3A_593 masked %and3A_616 {add = true} : memref<320x4xf32, #tpu.memory_space<vmem>>[vector<16xi32>, vector<16xi32>], vector<16xf32>, vector<16xi1>
        %eq3A_617 = arith.constant 2 : i32
        %eq3A_618 = vector.broadcast %eq3A_617 : i32 to vector<16xi32>
        %eq3A_619 = arith.cmpi eq, %shift_right_logical3A_4, %eq3A_618 : vector<16xi32>
        %and3A_620 = arith.andi %eq3A_619, %lt3A_608 : vector<16xi1>
        tpu.vector_store_idx %arg18[%min3A_604, %and3A_6], %exp3A_593 masked %and3A_620 {add = true} : memref<320x4xf32, #tpu.memory_space<vmem>>[vector<16xi32>, vector<16xi32>], vector<16xf32>, vector<16xi1>
        %eq3A_621 = arith.constant 3 : i32
        %eq3A_622 = vector.broadcast %eq3A_621 : i32 to vector<16xi32>
        %eq3A_623 = arith.cmpi eq, %shift_right_logical3A_4, %eq3A_622 : vector<16xi32>
        %and3A_624 = arith.andi %eq3A_623, %lt3A_608 : vector<16xi1>
        tpu.vector_store_idx %arg18[%min3A_604, %and3A_6], %exp3A_593 masked %and3A_624 {add = true} : memref<320x4xf32, #tpu.memory_space<vmem>>[vector<16xi32>, vector<16xi32>], vector<16xf32>, vector<16xi1>
        %add3A_625 = arith.constant 44 : i32
        %add3A_626 = vector.broadcast %add3A_625 : i32 to vector<16xi32>
        %add3A_627 = arith.addi %shift_right_logical3A_4, %add3A_626 : vector<16xi32>
        %gather3A_628 = tpu.vector_load_idx %arg14[%add3A_627, %and3A_6] : memref<64x8xf32, #tpu.memory_space<vmem>>[vector<16xi32>, vector<16xi32>], vector<16xf32>,
        %add3A_629 = arith.constant 4 : i32
        %add3A_630 = vector.broadcast %add3A_629 : i32 to vector<16xi32>
        %add3A_631 = arith.addi %and3A_6, %add3A_630 : vector<16xi32>
        %gather3A_632 = tpu.vector_load_idx %arg15[%add3A_627, %add3A_631] : memref<64x8xf32, #tpu.memory_space<vmem>>[vector<16xi32>, vector<16xi32>], vector<16xf32>,
        %add3A_633 = arith.addf %gather3A_628, %gather3A_632 : vector<16xf32>
        %gt3A_634 = arith.constant 0.000000e+00 : f32
        %gt3A_635 = vector.broadcast %gt3A_634 : f32 to vector<16xf32>
        %gt3A_636 = arith.cmpf ogt, %add3A_633, %gt3A_635 : vector<16xf32>
        %mul3A_637 = arith.constant 2.000000e-01 : f32
        %mul3A_638 = vector.broadcast %mul3A_637 : f32 to vector<16xf32>
        %mul3A_639 = arith.mulf %mul3A_638, %add3A_633 : vector<16xf32>
        %select_n3A_640 = arith.select %gt3A_636, %add3A_633, %mul3A_639 : vector<16xi1>, vector<16xf32>
        %sub3A_641 = arith.subf %select_n3A_640, %get3A_7 : vector<16xf32>
        %exp3A_642 = math.exp %sub3A_641 : vector<16xf32>
        %add3A_643 = vector.broadcast %mul3A_76 : i32 to vector<16xi32>
        %add3A_644 = arith.addi %add3A_643, %add3A_627 : vector<16xi32>
        %gather3A_645 = tpu.vector_load_idx %arg13[%add3A_644] : memref<2064xi32, #tpu.memory_space<vmem>>[vector<16xi32>], vector<16xi32>,
        %sub3A_646 = vector.broadcast %mul3A_2 : i32 to vector<16xi32>
        %sub3A_647 = arith.subi %gather3A_645, %sub3A_646 : vector<16xi32>
        %jit3A_648 = arith.constant 0 : i32
        %jit3A_649 = arith.constant 319 : i32
        %max3A_650 = vector.broadcast %jit3A_648 : i32 to vector<16xi32>
        %max3A_651 = arith.maxsi %max3A_650, %sub3A_647 : vector<16xi32>
        %min3A_652 = vector.broadcast %jit3A_649 : i32 to vector<16xi32>
        %min3A_653 = arith.minsi %min3A_652, %max3A_651 : vector<16xi32>
        %add3A_654 = vector.broadcast %mul3A_76 : i32 to vector<16xi32>
        %add3A_655 = arith.addi %add3A_654, %add3A_627 : vector<16xi32>
        %lt3A_656 = vector.broadcast %scan3A_42 : i32 to vector<16xi32>
        %lt3A_657 = arith.cmpi slt, %add3A_655, %lt3A_656 : vector<16xi32>
        %eq3A_658 = arith.constant 0 : i32
        %eq3A_659 = vector.broadcast %eq3A_658 : i32 to vector<16xi32>
        %eq3A_660 = arith.cmpi eq, %shift_right_logical3A_4, %eq3A_659 : vector<16xi32>
        %and3A_661 = arith.andi %eq3A_660, %lt3A_657 : vector<16xi1>
        tpu.vector_store_idx %arg18[%min3A_653, %and3A_6], %exp3A_642 masked %and3A_661 {add = true} : memref<320x4xf32, #tpu.memory_space<vmem>>[vector<16xi32>, vector<16xi32>], vector<16xf32>, vector<16xi1>
        %eq3A_662 = arith.constant 1 : i32
        %eq3A_663 = vector.broadcast %eq3A_662 : i32 to vector<16xi32>
        %eq3A_664 = arith.cmpi eq, %shift_right_logical3A_4, %eq3A_663 : vector<16xi32>
        %and3A_665 = arith.andi %eq3A_664, %lt3A_657 : vector<16xi1>
        tpu.vector_store_idx %arg18[%min3A_653, %and3A_6], %exp3A_642 masked %and3A_665 {add = true} : memref<320x4xf32, #tpu.memory_space<vmem>>[vector<16xi32>, vector<16xi32>], vector<16xf32>, vector<16xi1>
        %eq3A_666 = arith.constant 2 : i32
        %eq3A_667 = vector.broadcast %eq3A_666 : i32 to vector<16xi32>
        %eq3A_668 = arith.cmpi eq, %shift_right_logical3A_4, %eq3A_667 : vector<16xi32>
        %and3A_669 = arith.andi %eq3A_668, %lt3A_657 : vector<16xi1>
        tpu.vector_store_idx %arg18[%min3A_653, %and3A_6], %exp3A_642 masked %and3A_669 {add = true} : memref<320x4xf32, #tpu.memory_space<vmem>>[vector<16xi32>, vector<16xi32>], vector<16xf32>, vector<16xi1>
        %eq3A_670 = arith.constant 3 : i32
        %eq3A_671 = vector.broadcast %eq3A_670 : i32 to vector<16xi32>
        %eq3A_672 = arith.cmpi eq, %shift_right_logical3A_4, %eq3A_671 : vector<16xi32>
        %and3A_673 = arith.andi %eq3A_672, %lt3A_657 : vector<16xi1>
        tpu.vector_store_idx %arg18[%min3A_653, %and3A_6], %exp3A_642 masked %and3A_673 {add = true} : memref<320x4xf32, #tpu.memory_space<vmem>>[vector<16xi32>, vector<16xi32>], vector<16xf32>, vector<16xi1>
        %add3A_674 = arith.constant 48 : i32
        %add3A_675 = vector.broadcast %add3A_674 : i32 to vector<16xi32>
        %add3A_676 = arith.addi %shift_right_logical3A_4, %add3A_675 : vector<16xi32>
        %gather3A_677 = tpu.vector_load_idx %arg14[%add3A_676, %and3A_6] : memref<64x8xf32, #tpu.memory_space<vmem>>[vector<16xi32>, vector<16xi32>], vector<16xf32>,
        %add3A_678 = arith.constant 4 : i32
        %add3A_679 = vector.broadcast %add3A_678 : i32 to vector<16xi32>
        %add3A_680 = arith.addi %and3A_6, %add3A_679 : vector<16xi32>
        %gather3A_681 = tpu.vector_load_idx %arg15[%add3A_676, %add3A_680] : memref<64x8xf32, #tpu.memory_space<vmem>>[vector<16xi32>, vector<16xi32>], vector<16xf32>,
        %add3A_682 = arith.addf %gather3A_677, %gather3A_681 : vector<16xf32>
        %gt3A_683 = arith.constant 0.000000e+00 : f32
        %gt3A_684 = vector.broadcast %gt3A_683 : f32 to vector<16xf32>
        %gt3A_685 = arith.cmpf ogt, %add3A_682, %gt3A_684 : vector<16xf32>
        %mul3A_686 = arith.constant 2.000000e-01 : f32
        %mul3A_687 = vector.broadcast %mul3A_686 : f32 to vector<16xf32>
        %mul3A_688 = arith.mulf %mul3A_687, %add3A_682 : vector<16xf32>
        %select_n3A_689 = arith.select %gt3A_685, %add3A_682, %mul3A_688 : vector<16xi1>, vector<16xf32>
        %sub3A_690 = arith.subf %select_n3A_689, %get3A_7 : vector<16xf32>
        %exp3A_691 = math.exp %sub3A_690 : vector<16xf32>
        %add3A_692 = vector.broadcast %mul3A_76 : i32 to vector<16xi32>
        %add3A_693 = arith.addi %add3A_692, %add3A_676 : vector<16xi32>
        %gather3A_694 = tpu.vector_load_idx %arg13[%add3A_693] : memref<2064xi32, #tpu.memory_space<vmem>>[vector<16xi32>], vector<16xi32>,
        %sub3A_695 = vector.broadcast %mul3A_2 : i32 to vector<16xi32>
        %sub3A_696 = arith.subi %gather3A_694, %sub3A_695 : vector<16xi32>
        %jit3A_697 = arith.constant 0 : i32
        %jit3A_698 = arith.constant 319 : i32
        %max3A_699 = vector.broadcast %jit3A_697 : i32 to vector<16xi32>
        %max3A_700 = arith.maxsi %max3A_699, %sub3A_696 : vector<16xi32>
        %min3A_701 = vector.broadcast %jit3A_698 : i32 to vector<16xi32>
        %min3A_702 = arith.minsi %min3A_701, %max3A_700 : vector<16xi32>
        %add3A_703 = vector.broadcast %mul3A_76 : i32 to vector<16xi32>
        %add3A_704 = arith.addi %add3A_703, %add3A_676 : vector<16xi32>
        %lt3A_705 = vector.broadcast %scan3A_42 : i32 to vector<16xi32>
        %lt3A_706 = arith.cmpi slt, %add3A_704, %lt3A_705 : vector<16xi32>
        %eq3A_707 = arith.constant 0 : i32
        %eq3A_708 = vector.broadcast %eq3A_707 : i32 to vector<16xi32>
        %eq3A_709 = arith.cmpi eq, %shift_right_logical3A_4, %eq3A_708 : vector<16xi32>
        %and3A_710 = arith.andi %eq3A_709, %lt3A_706 : vector<16xi1>
        tpu.vector_store_idx %arg18[%min3A_702, %and3A_6], %exp3A_691 masked %and3A_710 {add = true} : memref<320x4xf32, #tpu.memory_space<vmem>>[vector<16xi32>, vector<16xi32>], vector<16xf32>, vector<16xi1>
        %eq3A_711 = arith.constant 1 : i32
        %eq3A_712 = vector.broadcast %eq3A_711 : i32 to vector<16xi32>
        %eq3A_713 = arith.cmpi eq, %shift_right_logical3A_4, %eq3A_712 : vector<16xi32>
        %and3A_714 = arith.andi %eq3A_713, %lt3A_706 : vector<16xi1>
        tpu.vector_store_idx %arg18[%min3A_702, %and3A_6], %exp3A_691 masked %and3A_714 {add = true} : memref<320x4xf32, #tpu.memory_space<vmem>>[vector<16xi32>, vector<16xi32>], vector<16xf32>, vector<16xi1>
        %eq3A_715 = arith.constant 2 : i32
        %eq3A_716 = vector.broadcast %eq3A_715 : i32 to vector<16xi32>
        %eq3A_717 = arith.cmpi eq, %shift_right_logical3A_4, %eq3A_716 : vector<16xi32>
        %and3A_718 = arith.andi %eq3A_717, %lt3A_706 : vector<16xi1>
        tpu.vector_store_idx %arg18[%min3A_702, %and3A_6], %exp3A_691 masked %and3A_718 {add = true} : memref<320x4xf32, #tpu.memory_space<vmem>>[vector<16xi32>, vector<16xi32>], vector<16xf32>, vector<16xi1>
        %eq3A_719 = arith.constant 3 : i32
        %eq3A_720 = vector.broadcast %eq3A_719 : i32 to vector<16xi32>
        %eq3A_721 = arith.cmpi eq, %shift_right_logical3A_4, %eq3A_720 : vector<16xi32>
        %and3A_722 = arith.andi %eq3A_721, %lt3A_706 : vector<16xi1>
        tpu.vector_store_idx %arg18[%min3A_702, %and3A_6], %exp3A_691 masked %and3A_722 {add = true} : memref<320x4xf32, #tpu.memory_space<vmem>>[vector<16xi32>, vector<16xi32>], vector<16xf32>, vector<16xi1>
        %add3A_723 = arith.constant 52 : i32
        %add3A_724 = vector.broadcast %add3A_723 : i32 to vector<16xi32>
        %add3A_725 = arith.addi %shift_right_logical3A_4, %add3A_724 : vector<16xi32>
        %gather3A_726 = tpu.vector_load_idx %arg14[%add3A_725, %and3A_6] : memref<64x8xf32, #tpu.memory_space<vmem>>[vector<16xi32>, vector<16xi32>], vector<16xf32>,
        %add3A_727 = arith.constant 4 : i32
        %add3A_728 = vector.broadcast %add3A_727 : i32 to vector<16xi32>
        %add3A_729 = arith.addi %and3A_6, %add3A_728 : vector<16xi32>
        %gather3A_730 = tpu.vector_load_idx %arg15[%add3A_725, %add3A_729] : memref<64x8xf32, #tpu.memory_space<vmem>>[vector<16xi32>, vector<16xi32>], vector<16xf32>,
        %add3A_731 = arith.addf %gather3A_726, %gather3A_730 : vector<16xf32>
        %gt3A_732 = arith.constant 0.000000e+00 : f32
        %gt3A_733 = vector.broadcast %gt3A_732 : f32 to vector<16xf32>
        %gt3A_734 = arith.cmpf ogt, %add3A_731, %gt3A_733 : vector<16xf32>
        %mul3A_735 = arith.constant 2.000000e-01 : f32
        %mul3A_736 = vector.broadcast %mul3A_735 : f32 to vector<16xf32>
        %mul3A_737 = arith.mulf %mul3A_736, %add3A_731 : vector<16xf32>
        %select_n3A_738 = arith.select %gt3A_734, %add3A_731, %mul3A_737 : vector<16xi1>, vector<16xf32>
        %sub3A_739 = arith.subf %select_n3A_738, %get3A_7 : vector<16xf32>
        %exp3A_740 = math.exp %sub3A_739 : vector<16xf32>
        %add3A_741 = vector.broadcast %mul3A_76 : i32 to vector<16xi32>
        %add3A_742 = arith.addi %add3A_741, %add3A_725 : vector<16xi32>
        %gather3A_743 = tpu.vector_load_idx %arg13[%add3A_742] : memref<2064xi32, #tpu.memory_space<vmem>>[vector<16xi32>], vector<16xi32>,
        %sub3A_744 = vector.broadcast %mul3A_2 : i32 to vector<16xi32>
        %sub3A_745 = arith.subi %gather3A_743, %sub3A_744 : vector<16xi32>
        %jit3A_746 = arith.constant 0 : i32
        %jit3A_747 = arith.constant 319 : i32
        %max3A_748 = vector.broadcast %jit3A_746 : i32 to vector<16xi32>
        %max3A_749 = arith.maxsi %max3A_748, %sub3A_745 : vector<16xi32>
        %min3A_750 = vector.broadcast %jit3A_747 : i32 to vector<16xi32>
        %min3A_751 = arith.minsi %min3A_750, %max3A_749 : vector<16xi32>
        %add3A_752 = vector.broadcast %mul3A_76 : i32 to vector<16xi32>
        %add3A_753 = arith.addi %add3A_752, %add3A_725 : vector<16xi32>
        %lt3A_754 = vector.broadcast %scan3A_42 : i32 to vector<16xi32>
        %lt3A_755 = arith.cmpi slt, %add3A_753, %lt3A_754 : vector<16xi32>
        %eq3A_756 = arith.constant 0 : i32
        %eq3A_757 = vector.broadcast %eq3A_756 : i32 to vector<16xi32>
        %eq3A_758 = arith.cmpi eq, %shift_right_logical3A_4, %eq3A_757 : vector<16xi32>
        %and3A_759 = arith.andi %eq3A_758, %lt3A_755 : vector<16xi1>
        tpu.vector_store_idx %arg18[%min3A_751, %and3A_6], %exp3A_740 masked %and3A_759 {add = true} : memref<320x4xf32, #tpu.memory_space<vmem>>[vector<16xi32>, vector<16xi32>], vector<16xf32>, vector<16xi1>
        %eq3A_760 = arith.constant 1 : i32
        %eq3A_761 = vector.broadcast %eq3A_760 : i32 to vector<16xi32>
        %eq3A_762 = arith.cmpi eq, %shift_right_logical3A_4, %eq3A_761 : vector<16xi32>
        %and3A_763 = arith.andi %eq3A_762, %lt3A_755 : vector<16xi1>
        tpu.vector_store_idx %arg18[%min3A_751, %and3A_6], %exp3A_740 masked %and3A_763 {add = true} : memref<320x4xf32, #tpu.memory_space<vmem>>[vector<16xi32>, vector<16xi32>], vector<16xf32>, vector<16xi1>
        %eq3A_764 = arith.constant 2 : i32
        %eq3A_765 = vector.broadcast %eq3A_764 : i32 to vector<16xi32>
        %eq3A_766 = arith.cmpi eq, %shift_right_logical3A_4, %eq3A_765 : vector<16xi32>
        %and3A_767 = arith.andi %eq3A_766, %lt3A_755 : vector<16xi1>
        tpu.vector_store_idx %arg18[%min3A_751, %and3A_6], %exp3A_740 masked %and3A_767 {add = true} : memref<320x4xf32, #tpu.memory_space<vmem>>[vector<16xi32>, vector<16xi32>], vector<16xf32>, vector<16xi1>
        %eq3A_768 = arith.constant 3 : i32
        %eq3A_769 = vector.broadcast %eq3A_768 : i32 to vector<16xi32>
        %eq3A_770 = arith.cmpi eq, %shift_right_logical3A_4, %eq3A_769 : vector<16xi32>
        %and3A_771 = arith.andi %eq3A_770, %lt3A_755 : vector<16xi1>
        tpu.vector_store_idx %arg18[%min3A_751, %and3A_6], %exp3A_740 masked %and3A_771 {add = true} : memref<320x4xf32, #tpu.memory_space<vmem>>[vector<16xi32>, vector<16xi32>], vector<16xf32>, vector<16xi1>
        %add3A_772 = arith.constant 56 : i32
        %add3A_773 = vector.broadcast %add3A_772 : i32 to vector<16xi32>
        %add3A_774 = arith.addi %shift_right_logical3A_4, %add3A_773 : vector<16xi32>
        %gather3A_775 = tpu.vector_load_idx %arg14[%add3A_774, %and3A_6] : memref<64x8xf32, #tpu.memory_space<vmem>>[vector<16xi32>, vector<16xi32>], vector<16xf32>,
        %add3A_776 = arith.constant 4 : i32
        %add3A_777 = vector.broadcast %add3A_776 : i32 to vector<16xi32>
        %add3A_778 = arith.addi %and3A_6, %add3A_777 : vector<16xi32>
        %gather3A_779 = tpu.vector_load_idx %arg15[%add3A_774, %add3A_778] : memref<64x8xf32, #tpu.memory_space<vmem>>[vector<16xi32>, vector<16xi32>], vector<16xf32>,
        %add3A_780 = arith.addf %gather3A_775, %gather3A_779 : vector<16xf32>
        %gt3A_781 = arith.constant 0.000000e+00 : f32
        %gt3A_782 = vector.broadcast %gt3A_781 : f32 to vector<16xf32>
        %gt3A_783 = arith.cmpf ogt, %add3A_780, %gt3A_782 : vector<16xf32>
        %mul3A_784 = arith.constant 2.000000e-01 : f32
        %mul3A_785 = vector.broadcast %mul3A_784 : f32 to vector<16xf32>
        %mul3A_786 = arith.mulf %mul3A_785, %add3A_780 : vector<16xf32>
        %select_n3A_787 = arith.select %gt3A_783, %add3A_780, %mul3A_786 : vector<16xi1>, vector<16xf32>
        %sub3A_788 = arith.subf %select_n3A_787, %get3A_7 : vector<16xf32>
        %exp3A_789 = math.exp %sub3A_788 : vector<16xf32>
        %add3A_790 = vector.broadcast %mul3A_76 : i32 to vector<16xi32>
        %add3A_791 = arith.addi %add3A_790, %add3A_774 : vector<16xi32>
        %gather3A_792 = tpu.vector_load_idx %arg13[%add3A_791] : memref<2064xi32, #tpu.memory_space<vmem>>[vector<16xi32>], vector<16xi32>,
        %sub3A_793 = vector.broadcast %mul3A_2 : i32 to vector<16xi32>
        %sub3A_794 = arith.subi %gather3A_792, %sub3A_793 : vector<16xi32>
        %jit3A_795 = arith.constant 0 : i32
        %jit3A_796 = arith.constant 319 : i32
        %max3A_797 = vector.broadcast %jit3A_795 : i32 to vector<16xi32>
        %max3A_798 = arith.maxsi %max3A_797, %sub3A_794 : vector<16xi32>
        %min3A_799 = vector.broadcast %jit3A_796 : i32 to vector<16xi32>
        %min3A_800 = arith.minsi %min3A_799, %max3A_798 : vector<16xi32>
        %add3A_801 = vector.broadcast %mul3A_76 : i32 to vector<16xi32>
        %add3A_802 = arith.addi %add3A_801, %add3A_774 : vector<16xi32>
        %lt3A_803 = vector.broadcast %scan3A_42 : i32 to vector<16xi32>
        %lt3A_804 = arith.cmpi slt, %add3A_802, %lt3A_803 : vector<16xi32>
        %eq3A_805 = arith.constant 0 : i32
        %eq3A_806 = vector.broadcast %eq3A_805 : i32 to vector<16xi32>
        %eq3A_807 = arith.cmpi eq, %shift_right_logical3A_4, %eq3A_806 : vector<16xi32>
        %and3A_808 = arith.andi %eq3A_807, %lt3A_804 : vector<16xi1>
        tpu.vector_store_idx %arg18[%min3A_800, %and3A_6], %exp3A_789 masked %and3A_808 {add = true} : memref<320x4xf32, #tpu.memory_space<vmem>>[vector<16xi32>, vector<16xi32>], vector<16xf32>, vector<16xi1>
        %eq3A_809 = arith.constant 1 : i32
        %eq3A_810 = vector.broadcast %eq3A_809 : i32 to vector<16xi32>
        %eq3A_811 = arith.cmpi eq, %shift_right_logical3A_4, %eq3A_810 : vector<16xi32>
        %and3A_812 = arith.andi %eq3A_811, %lt3A_804 : vector<16xi1>
        tpu.vector_store_idx %arg18[%min3A_800, %and3A_6], %exp3A_789 masked %and3A_812 {add = true} : memref<320x4xf32, #tpu.memory_space<vmem>>[vector<16xi32>, vector<16xi32>], vector<16xf32>, vector<16xi1>
        %eq3A_813 = arith.constant 2 : i32
        %eq3A_814 = vector.broadcast %eq3A_813 : i32 to vector<16xi32>
        %eq3A_815 = arith.cmpi eq, %shift_right_logical3A_4, %eq3A_814 : vector<16xi32>
        %and3A_816 = arith.andi %eq3A_815, %lt3A_804 : vector<16xi1>
        tpu.vector_store_idx %arg18[%min3A_800, %and3A_6], %exp3A_789 masked %and3A_816 {add = true} : memref<320x4xf32, #tpu.memory_space<vmem>>[vector<16xi32>, vector<16xi32>], vector<16xf32>, vector<16xi1>
        %eq3A_817 = arith.constant 3 : i32
        %eq3A_818 = vector.broadcast %eq3A_817 : i32 to vector<16xi32>
        %eq3A_819 = arith.cmpi eq, %shift_right_logical3A_4, %eq3A_818 : vector<16xi32>
        %and3A_820 = arith.andi %eq3A_819, %lt3A_804 : vector<16xi1>
        tpu.vector_store_idx %arg18[%min3A_800, %and3A_6], %exp3A_789 masked %and3A_820 {add = true} : memref<320x4xf32, #tpu.memory_space<vmem>>[vector<16xi32>, vector<16xi32>], vector<16xf32>, vector<16xi1>
        %add3A_821 = arith.constant 60 : i32
        %add3A_822 = vector.broadcast %add3A_821 : i32 to vector<16xi32>
        %add3A_823 = arith.addi %shift_right_logical3A_4, %add3A_822 : vector<16xi32>
        %gather3A_824 = tpu.vector_load_idx %arg14[%add3A_823, %and3A_6] : memref<64x8xf32, #tpu.memory_space<vmem>>[vector<16xi32>, vector<16xi32>], vector<16xf32>,
        %add3A_825 = arith.constant 4 : i32
        %add3A_826 = vector.broadcast %add3A_825 : i32 to vector<16xi32>
        %add3A_827 = arith.addi %and3A_6, %add3A_826 : vector<16xi32>
        %gather3A_828 = tpu.vector_load_idx %arg15[%add3A_823, %add3A_827] : memref<64x8xf32, #tpu.memory_space<vmem>>[vector<16xi32>, vector<16xi32>], vector<16xf32>,
        %add3A_829 = arith.addf %gather3A_824, %gather3A_828 : vector<16xf32>
        %gt3A_830 = arith.constant 0.000000e+00 : f32
        %gt3A_831 = vector.broadcast %gt3A_830 : f32 to vector<16xf32>
        %gt3A_832 = arith.cmpf ogt, %add3A_829, %gt3A_831 : vector<16xf32>
        %mul3A_833 = arith.constant 2.000000e-01 : f32
        %mul3A_834 = vector.broadcast %mul3A_833 : f32 to vector<16xf32>
        %mul3A_835 = arith.mulf %mul3A_834, %add3A_829 : vector<16xf32>
        %select_n3A_836 = arith.select %gt3A_832, %add3A_829, %mul3A_835 : vector<16xi1>, vector<16xf32>
        %sub3A_837 = arith.subf %select_n3A_836, %get3A_7 : vector<16xf32>
        %exp3A_838 = math.exp %sub3A_837 : vector<16xf32>
        %add3A_839 = vector.broadcast %mul3A_76 : i32 to vector<16xi32>
        %add3A_840 = arith.addi %add3A_839, %add3A_823 : vector<16xi32>
        %gather3A_841 = tpu.vector_load_idx %arg13[%add3A_840] : memref<2064xi32, #tpu.memory_space<vmem>>[vector<16xi32>], vector<16xi32>,
        %sub3A_842 = vector.broadcast %mul3A_2 : i32 to vector<16xi32>
        %sub3A_843 = arith.subi %gather3A_841, %sub3A_842 : vector<16xi32>
        %jit3A_844 = arith.constant 0 : i32
        %jit3A_845 = arith.constant 319 : i32
        %max3A_846 = vector.broadcast %jit3A_844 : i32 to vector<16xi32>
        %max3A_847 = arith.maxsi %max3A_846, %sub3A_843 : vector<16xi32>
        %min3A_848 = vector.broadcast %jit3A_845 : i32 to vector<16xi32>
        %min3A_849 = arith.minsi %min3A_848, %max3A_847 : vector<16xi32>
        %add3A_850 = vector.broadcast %mul3A_76 : i32 to vector<16xi32>
        %add3A_851 = arith.addi %add3A_850, %add3A_823 : vector<16xi32>
        %lt3A_852 = vector.broadcast %scan3A_42 : i32 to vector<16xi32>
        %lt3A_853 = arith.cmpi slt, %add3A_851, %lt3A_852 : vector<16xi32>
        %eq3A_854 = arith.constant 0 : i32
        %eq3A_855 = vector.broadcast %eq3A_854 : i32 to vector<16xi32>
        %eq3A_856 = arith.cmpi eq, %shift_right_logical3A_4, %eq3A_855 : vector<16xi32>
        %and3A_857 = arith.andi %eq3A_856, %lt3A_853 : vector<16xi1>
        tpu.vector_store_idx %arg18[%min3A_849, %and3A_6], %exp3A_838 masked %and3A_857 {add = true} : memref<320x4xf32, #tpu.memory_space<vmem>>[vector<16xi32>, vector<16xi32>], vector<16xf32>, vector<16xi1>
        %eq3A_858 = arith.constant 1 : i32
        %eq3A_859 = vector.broadcast %eq3A_858 : i32 to vector<16xi32>
        %eq3A_860 = arith.cmpi eq, %shift_right_logical3A_4, %eq3A_859 : vector<16xi32>
        %and3A_861 = arith.andi %eq3A_860, %lt3A_853 : vector<16xi1>
        tpu.vector_store_idx %arg18[%min3A_849, %and3A_6], %exp3A_838 masked %and3A_861 {add = true} : memref<320x4xf32, #tpu.memory_space<vmem>>[vector<16xi32>, vector<16xi32>], vector<16xf32>, vector<16xi1>
        %eq3A_862 = arith.constant 2 : i32
        %eq3A_863 = vector.broadcast %eq3A_862 : i32 to vector<16xi32>
        %eq3A_864 = arith.cmpi eq, %shift_right_logical3A_4, %eq3A_863 : vector<16xi32>
        %and3A_865 = arith.andi %eq3A_864, %lt3A_853 : vector<16xi1>
        tpu.vector_store_idx %arg18[%min3A_849, %and3A_6], %exp3A_838 masked %and3A_865 {add = true} : memref<320x4xf32, #tpu.memory_space<vmem>>[vector<16xi32>, vector<16xi32>], vector<16xf32>, vector<16xi1>
        %eq3A_866 = arith.constant 3 : i32
        %eq3A_867 = vector.broadcast %eq3A_866 : i32 to vector<16xi32>
        %eq3A_868 = arith.cmpi eq, %shift_right_logical3A_4, %eq3A_867 : vector<16xi32>
        %and3A_869 = arith.andi %eq3A_868, %lt3A_853 : vector<16xi1>
        tpu.vector_store_idx %arg18[%min3A_849, %and3A_6], %exp3A_838 masked %and3A_869 {add = true} : memref<320x4xf32, #tpu.memory_space<vmem>>[vector<16xi32>, vector<16xi32>], vector<16xf32>, vector<16xi1>
      }
    }
    %scan3A_21 = arith.constant 157 : i32
    %scan3A_22 = arith.constant 0 : i32
    %scan3A_23 = arith.constant 0 : i32
    %scan3A_24 = arith.constant 157 : i32
    %scan3A_25 = arith.addi %scan3A_23, %scan3A_24 : i32
    %scan3A_26 = arith.constant 1 : i32
    scf.for %scan3A_28 = %scan3A_23 to %scan3A_25 step %scan3A_26  : i32 {
      %mul3A_29 = arith.constant 2048 : i32
      %mul3A_30 = arith.muli %scan3A_28, %mul3A_29 : i32
      %dma_start3A = tpu.memref_slice %arg4[%mul3A_30] : memref<321536xi32, #tpu.memory_space<hbm>> -> memref<2048xi32, #tpu.memory_space<hbm>>
      %dma_start3A_31 = tpu.memref_slice %arg4[%mul3A_30] : memref<321536xi32, #tpu.memory_space<hbm>> -> memref<2048xi32, #tpu.memory_space<hbm>>
      tpu.enqueue_dma source(%dma_start3A_31 : memref<2048xi32, #tpu.memory_space<hbm>>) target(%arg10 : memref<2048xi32, #tpu.memory_space<vmem>>) target_semaphore(%arg21 : memref<!tpu.dma_semaphore, #tpu.memory_space<semaphore_mem>>)
      %dma_start3A_32 = tpu.memref_slice %arg5[%mul3A_30] : memref<321536xi32, #tpu.memory_space<hbm>> -> memref<2048xi32, #tpu.memory_space<hbm>>
      %dma_start3A_33 = tpu.memref_slice %arg5[%mul3A_30] : memref<321536xi32, #tpu.memory_space<hbm>> -> memref<2048xi32, #tpu.memory_space<hbm>>
      tpu.enqueue_dma source(%dma_start3A_33 : memref<2048xi32, #tpu.memory_space<hbm>>) target(%arg11 : memref<2048xi32, #tpu.memory_space<vmem>>) target_semaphore(%arg21 : memref<!tpu.dma_semaphore, #tpu.memory_space<semaphore_mem>>)
      %dma_wait3A = tpu.memref_slice %arg4[%mul3A_30] : memref<321536xi32, #tpu.memory_space<hbm>> -> memref<2048xi32, #tpu.memory_space<hbm>>
      %dma_wait3A_34 = tpu.memref_slice %arg4[%mul3A_30] : memref<321536xi32, #tpu.memory_space<hbm>> -> memref<2048xi32, #tpu.memory_space<hbm>>
      tpu.wait_dma2 semaphore(%arg21 : memref<!tpu.dma_semaphore, #tpu.memory_space<semaphore_mem>>) src(%dma_wait3A_34 : memref<2048xi32, #tpu.memory_space<hbm>>) dst(%arg10 : memref<2048xi32, #tpu.memory_space<vmem>>)
      %dma_wait3A_35 = tpu.memref_slice %arg5[%mul3A_30] : memref<321536xi32, #tpu.memory_space<hbm>> -> memref<2048xi32, #tpu.memory_space<hbm>>
      %dma_wait3A_36 = tpu.memref_slice %arg5[%mul3A_30] : memref<321536xi32, #tpu.memory_space<hbm>> -> memref<2048xi32, #tpu.memory_space<hbm>>
      tpu.wait_dma2 semaphore(%arg21 : memref<!tpu.dma_semaphore, #tpu.memory_space<semaphore_mem>>) src(%dma_wait3A_36 : memref<2048xi32, #tpu.memory_space<hbm>>) dst(%arg11 : memref<2048xi32, #tpu.memory_space<vmem>>)
      %scan3A_37 = arith.constant 0 : i32
      %scan3A_38 = arith.constant 0 : i32
      %scan3A_39 = arith.constant 128 : i32
      %scan3A_40 = arith.addi %scan3A_38, %scan3A_39 : i32
      %scan3A_41 = arith.constant 1 : i32
      %scan3A_42 = scf.for %scan3A_74 = %scan3A_38 to %scan3A_40 step %scan3A_41 iter_args(%scan3A_75 = %scan3A_37) -> (i32)  : i32 {
        %mul3A_76 = arith.constant 16 : i32
        %mul3A_77 = arith.muli %scan3A_74, %mul3A_76 : i32
        %get3A_78 = arith.index_cast %mul3A_77 : i32 to index
        %get3A_79 = tpu.vector_load %arg11[%get3A_78] {strides = array<i32>} : memref<2048xi32, #tpu.memory_space<vmem>>, vector<16xi32>,
        %mul3A_80 = arith.constant 16 : i32
        %mul3A_81 = arith.muli %scan3A_74, %mul3A_80 : i32
        %get3A_82 = arith.index_cast %mul3A_81 : i32 to index
        %get3A_83 = tpu.vector_load %arg10[%get3A_82] {strides = array<i32>} : memref<2048xi32, #tpu.memory_space<vmem>>, vector<16xi32>,
        %ge3A = vector.broadcast %mul3A_2 : i32 to vector<16xi32>
        %ge3A_84 = arith.cmpi sge, %get3A_79, %ge3A : vector<16xi32>
        %add3A_85 = arith.constant 320 : i32
        %add3A_86 = arith.addi %mul3A_2, %add3A_85 : i32
        %lt3A = vector.broadcast %add3A_86 : i32 to vector<16xi32>
        %lt3A_87 = arith.cmpi slt, %get3A_79, %lt3A : vector<16xi32>
        %and3A_88 = arith.andi %ge3A_84, %lt3A_87 : vector<16xi1>
        %swap3A = arith.index_cast %scan3A_75 : i32 to index
        %swap3A_89 = tpu.vector_load %arg13[%swap3A] masked %and3A_88 {strides = array<i32>} : memref<2064xi32, #tpu.memory_space<vmem>>, vector<16xi32>, vector<16xi1>
        tpu.vector_store %arg13[%swap3A], %get3A_79 masked %and3A_88 {strides = array<i32>} : memref<2064xi32, #tpu.memory_space<vmem>>, vector<16xi32>, vector<16xi1>
        %swap3A_90 = arith.index_cast %scan3A_75 : i32 to index
        %swap3A_91 = tpu.vector_load %arg12[%swap3A_90] masked %and3A_88 {strides = array<i32>} : memref<2064xi32, #tpu.memory_space<vmem>>, vector<16xi32>, vector<16xi1>
        tpu.vector_store %arg12[%swap3A_90], %get3A_83 masked %and3A_88 {strides = array<i32>} : memref<2064xi32, #tpu.memory_space<vmem>>, vector<16xi32>, vector<16xi1>
        %all_reduce_population_count3A = tpu.all_reduce %and3A_88 {dim = 0 : i64, kind = #tpu.reduction_kind<sum>} : vector<16xi1> -> vector<16xi32>
        %reduce_max3A = arith.constant true
        %reduce_max3A_92 = vector.broadcast %reduce_max3A : i1 to vector<16xi1>
        %reduce_max3A_93 = arith.constant -2147483648 : i32
        %reduce_max3A_94 = vector.broadcast %reduce_max3A_93 : i32 to vector<16xi32>
        %reduce_max3A_95 = arith.xori %all_reduce_population_count3A, %reduce_max3A_94 : vector<16xi32>
        %reduce_max3A_96 = tpu.scan <max>, %reduce_max3A_95 masked %reduce_max3A_92 : vector<16xi32>, vector<16xi1> -> vector<16xi32>
        %reduce_max3A_97 = arith.xori %reduce_max3A_96, %reduce_max3A_94 : vector<16xi32>
        %reduce_max3A_98 = vector.extract %reduce_max3A_97[15] : i32 from vector<16xi32>
        %add3A_99 = arith.addi %scan3A_75, %reduce_max3A_98 : i32
        scf.yield %add3A_99 : i32
      }
      %scan3A_43 = arith.constant 128 : i32
      %add3A_44 = arith.constant 64 : i32
      %add3A_45 = arith.addi %scan3A_42, %add3A_44 : i32
      %sub3A = arith.constant 1 : i32
      %sub3A_46 = arith.subi %add3A_45, %sub3A : i32
      %jit3A = arith.constant 64 : i32
      %div3A = arith.divsi %sub3A_46, %jit3A : i32
      %sign3A = arith.constant 0 : i32
      %sign3A_47 = arith.cmpi sgt, %sub3A_46, %sign3A : i32
      %sign3A_48 = arith.extui %sign3A_47 : i1 to i32
      %sign3A_49 = arith.constant 0 : i32
      %sign3A_50 = arith.cmpi slt, %sub3A_46, %sign3A_49 : i32
      %sign3A_51 = arith.extui %sign3A_50 : i1 to i32
      %sign3A_52 = arith.subi %sign3A_48, %sign3A_51 : i32
      %sign3A_53 = arith.constant 0 : i32
      %sign3A_54 = arith.cmpi sgt, %jit3A, %sign3A_53 : i32
      %sign3A_55 = arith.extui %sign3A_54 : i1 to i32
      %sign3A_56 = arith.constant 0 : i32
      %sign3A_57 = arith.cmpi slt, %jit3A, %sign3A_56 : i32
      %sign3A_58 = arith.extui %sign3A_57 : i1 to i32
      %sign3A_59 = arith.subi %sign3A_55, %sign3A_58 : i32
      %ne3A = arith.cmpi ne, %sign3A_52, %sign3A_59 : i32
      %rem3A = arith.remsi %sub3A_46, %jit3A : i32
      %ne3A_60 = arith.constant 0 : i32
      %ne3A_61 = arith.cmpi ne, %rem3A, %ne3A_60 : i32
      %and3A_62 = arith.andi %ne3A, %ne3A_61 : i1
      %sub3A_63 = arith.constant 1 : i32
      %sub3A_64 = arith.subi %div3A, %sub3A_63 : i32
      %select_n3A = arith.select %and3A_62, %sub3A_64, %div3A : i32
      %while3A = arith.constant 0 : i32
      %while3A_65 = arith.constant 0 : i32
      %while3A_66 = arith.subi %select_n3A, %while3A_65 : i32
      %while3A_67 = arith.addi %while3A_65, %while3A_66 : i32
      %while3A_68 = arith.constant 1 : i32
      %while3A_69 = arith.divsi %while3A_66, %while3A_68 : i32
      %while3A_70 = arith.muli %while3A_69, %while3A_68 : i32
      %while3A_71 = arith.addi %while3A_65, %while3A_70 : i32
      %while3A_72 = arith.constant 1 : i32
      scf.for %while3A_74 = %while3A_65 to %while3A_71 step %while3A_72  : i32 {
        %mul3A_75 = arith.constant 64 : i32
        %mul3A_76 = arith.muli %while3A_74, %mul3A_75 : i32
        %dma_start3A_77 = tpu.memref_slice %arg12[%mul3A_76] : memref<2064xi32, #tpu.memory_space<vmem>> -> memref<64xi32, #tpu.memory_space<vmem>>
        %dma_start3A_78 = arith.constant 0 : i32
        %dma_start3A_79 = arith.constant 0 : i32
        %dma_start3A_80 = tpu.memref_slice %arg2[%dma_start3A_78, %dma_start3A_79] : memref<10240x8xf32, #tpu.memory_space<hbm>> -> memref<10240x8xf32, #tpu.memory_space<hbm>>
        tpu.enqueue_indirect_dma source(%dma_start3A_80 : memref<10240x8xf32, #tpu.memory_space<hbm>>) target(%arg14 : memref<64x8xf32, #tpu.memory_space<vmem>>) offsets(%dma_start3A_77 : memref<64xi32, #tpu.memory_space<vmem>>) semaphore(%arg21 : memref<!tpu.dma_semaphore, #tpu.memory_space<semaphore_mem>>)
        %dma_start3A_81 = tpu.memref_slice %arg13[%mul3A_76] : memref<2064xi32, #tpu.memory_space<vmem>> -> memref<64xi32, #tpu.memory_space<vmem>>
        %dma_start3A_82 = arith.constant 0 : i32
        %dma_start3A_83 = arith.constant 0 : i32
        %dma_start3A_84 = tpu.memref_slice %arg2[%dma_start3A_82, %dma_start3A_83] : memref<10240x8xf32, #tpu.memory_space<hbm>> -> memref<10240x8xf32, #tpu.memory_space<hbm>>
        tpu.enqueue_indirect_dma source(%dma_start3A_84 : memref<10240x8xf32, #tpu.memory_space<hbm>>) target(%arg15 : memref<64x8xf32, #tpu.memory_space<vmem>>) offsets(%dma_start3A_81 : memref<64xi32, #tpu.memory_space<vmem>>) semaphore(%arg21 : memref<!tpu.dma_semaphore, #tpu.memory_space<semaphore_mem>>)
        %dma_start3A_85 = tpu.memref_slice %arg12[%mul3A_76] : memref<2064xi32, #tpu.memory_space<vmem>> -> memref<64xi32, #tpu.memory_space<vmem>>
        %dma_start3A_86 = arith.constant 0 : i32
        %dma_start3A_87 = arith.constant 0 : i32
        %dma_start3A_88 = tpu.memref_slice %arg3[%dma_start3A_86, %dma_start3A_87] : memref<10000x512xf32, #tpu.memory_space<hbm>> -> memref<10000x512xf32, #tpu.memory_space<hbm>>
        tpu.enqueue_indirect_dma source(%dma_start3A_88 : memref<10000x512xf32, #tpu.memory_space<hbm>>) target(%arg16 : memref<64x512xf32, #tpu.memory_space<vmem>>) offsets(%dma_start3A_85 : memref<64xi32, #tpu.memory_space<vmem>>) semaphore(%arg21 : memref<!tpu.dma_semaphore, #tpu.memory_space<semaphore_mem>>)
        %dma_wait3A_89 = tpu.memref_slice %arg12[%mul3A_76] : memref<2064xi32, #tpu.memory_space<vmem>> -> memref<64xi32, #tpu.memory_space<vmem>>
        %dma_wait3A_90 = arith.constant 0 : i32
        %dma_wait3A_91 = arith.constant 0 : i32
        %dma_wait3A_92 = tpu.memref_slice %arg2[%dma_wait3A_90, %dma_wait3A_91] : memref<10240x8xf32, #tpu.memory_space<hbm>> -> memref<10240x8xf32, #tpu.memory_space<hbm>>
        tpu.wait_indirect_dma semaphore(%arg21 : memref<!tpu.dma_semaphore, #tpu.memory_space<semaphore_mem>>) src(%dma_wait3A_92 : memref<10240x8xf32, #tpu.memory_space<hbm>>) dst(%arg14 : memref<64x8xf32, #tpu.memory_space<vmem>>)
        %dma_wait3A_93 = tpu.memref_slice %arg13[%mul3A_76] : memref<2064xi32, #tpu.memory_space<vmem>> -> memref<64xi32, #tpu.memory_space<vmem>>
        %dma_wait3A_94 = arith.constant 0 : i32
        %dma_wait3A_95 = arith.constant 0 : i32
        %dma_wait3A_96 = tpu.memref_slice %arg2[%dma_wait3A_94, %dma_wait3A_95] : memref<10240x8xf32, #tpu.memory_space<hbm>> -> memref<10240x8xf32, #tpu.memory_space<hbm>>
        tpu.wait_indirect_dma semaphore(%arg21 : memref<!tpu.dma_semaphore, #tpu.memory_space<semaphore_mem>>) src(%dma_wait3A_96 : memref<10240x8xf32, #tpu.memory_space<hbm>>) dst(%arg15 : memref<64x8xf32, #tpu.memory_space<vmem>>)
        %dma_wait3A_97 = tpu.memref_slice %arg12[%mul3A_76] : memref<2064xi32, #tpu.memory_space<vmem>> -> memref<64xi32, #tpu.memory_space<vmem>>
        %dma_wait3A_98 = arith.constant 0 : i32
        %dma_wait3A_99 = arith.constant 0 : i32
        %dma_wait3A_100 = tpu.memref_slice %arg3[%dma_wait3A_98, %dma_wait3A_99] : memref<10000x512xf32, #tpu.memory_space<hbm>> -> memref<10000x512xf32, #tpu.memory_space<hbm>>
        tpu.wait_indirect_dma semaphore(%arg21 : memref<!tpu.dma_semaphore, #tpu.memory_space<semaphore_mem>>) src(%dma_wait3A_100 : memref<10000x512xf32, #tpu.memory_space<hbm>>) dst(%arg16 : memref<64x512xf32, #tpu.memory_space<vmem>>)
        %add3A_101 = arith.constant 0 : i32
        %add3A_102 = vector.broadcast %add3A_101 : i32 to vector<16xi32>
        %add3A_103 = arith.addi %shift_right_logical3A_4, %add3A_102 : vector<16xi32>
        %gather3A = tpu.vector_load_idx %arg14[%add3A_103, %and3A_6] : memref<64x8xf32, #tpu.memory_space<vmem>>[vector<16xi32>, vector<16xi32>], vector<16xf32>,
        %add3A_104 = arith.constant 4 : i32
        %add3A_105 = vector.broadcast %add3A_104 : i32 to vector<16xi32>
        %add3A_106 = arith.addi %and3A_6, %add3A_105 : vector<16xi32>
        %gather3A_107 = tpu.vector_load_idx %arg15[%add3A_103, %add3A_106] : memref<64x8xf32, #tpu.memory_space<vmem>>[vector<16xi32>, vector<16xi32>], vector<16xf32>,
        %add3A_108 = arith.addf %gather3A, %gather3A_107 : vector<16xf32>
        %gt3A = arith.constant 0.000000e+00 : f32
        %gt3A_109 = vector.broadcast %gt3A : f32 to vector<16xf32>
        %gt3A_110 = arith.cmpf ogt, %add3A_108, %gt3A_109 : vector<16xf32>
        %mul3A_111 = arith.constant 2.000000e-01 : f32
        %mul3A_112 = vector.broadcast %mul3A_111 : f32 to vector<16xf32>
        %mul3A_113 = arith.mulf %mul3A_112, %add3A_108 : vector<16xf32>
        %select_n3A_114 = arith.select %gt3A_110, %add3A_108, %mul3A_113 : vector<16xi1>, vector<16xf32>
        %sub3A_115 = arith.subf %select_n3A_114, %get3A_7 : vector<16xf32>
        %exp3A = math.exp %sub3A_115 : vector<16xf32>
        %add3A_116 = vector.broadcast %mul3A_76 : i32 to vector<16xi32>
        %add3A_117 = arith.addi %add3A_116, %add3A_103 : vector<16xi32>
        %gather3A_118 = tpu.vector_load_idx %arg13[%add3A_117] : memref<2064xi32, #tpu.memory_space<vmem>>[vector<16xi32>], vector<16xi32>,
        %sub3A_119 = vector.broadcast %mul3A_2 : i32 to vector<16xi32>
        %sub3A_120 = arith.subi %gather3A_118, %sub3A_119 : vector<16xi32>
        %jit3A_121 = arith.constant 0 : i32
        %jit3A_122 = arith.constant 319 : i32
        %max3A = vector.broadcast %jit3A_121 : i32 to vector<16xi32>
        %max3A_123 = arith.maxsi %max3A, %sub3A_120 : vector<16xi32>
        %min3A = vector.broadcast %jit3A_122 : i32 to vector<16xi32>
        %min3A_124 = arith.minsi %min3A, %max3A_123 : vector<16xi32>
        %gather3A_125 = tpu.vector_load_idx %arg18[%min3A_124, %and3A_6] : memref<320x4xf32, #tpu.memory_space<vmem>>[vector<16xi32>, vector<16xi32>], vector<16xf32>,
        %add3A_126 = arith.constant 1.000000e-16 : f32
        %add3A_127 = vector.broadcast %add3A_126 : f32 to vector<16xf32>
        %add3A_128 = arith.addf %gather3A_125, %add3A_127 : vector<16xf32>
        %div3A_129 = arith.divf %exp3A, %add3A_128 : vector<16xf32>
        %swap3A = arith.constant 0 : index
        %swap3A_130 = tpu.vector_load %arg17[%swap3A] {strides = array<i32>} : memref<256xf32, #tpu.memory_space<vmem>>, vector<16xf32>,
        tpu.vector_store %arg17[%swap3A], %div3A_129 {strides = array<i32>} : memref<256xf32, #tpu.memory_space<vmem>>, vector<16xf32>,
        %add3A_131 = arith.constant 4 : i32
        %add3A_132 = vector.broadcast %add3A_131 : i32 to vector<16xi32>
        %add3A_133 = arith.addi %shift_right_logical3A_4, %add3A_132 : vector<16xi32>
        %gather3A_134 = tpu.vector_load_idx %arg14[%add3A_133, %and3A_6] : memref<64x8xf32, #tpu.memory_space<vmem>>[vector<16xi32>, vector<16xi32>], vector<16xf32>,
        %add3A_135 = arith.constant 4 : i32
        %add3A_136 = vector.broadcast %add3A_135 : i32 to vector<16xi32>
        %add3A_137 = arith.addi %and3A_6, %add3A_136 : vector<16xi32>
        %gather3A_138 = tpu.vector_load_idx %arg15[%add3A_133, %add3A_137] : memref<64x8xf32, #tpu.memory_space<vmem>>[vector<16xi32>, vector<16xi32>], vector<16xf32>,
        %add3A_139 = arith.addf %gather3A_134, %gather3A_138 : vector<16xf32>
        %gt3A_140 = arith.constant 0.000000e+00 : f32
        %gt3A_141 = vector.broadcast %gt3A_140 : f32 to vector<16xf32>
        %gt3A_142 = arith.cmpf ogt, %add3A_139, %gt3A_141 : vector<16xf32>
        %mul3A_143 = arith.constant 2.000000e-01 : f32
        %mul3A_144 = vector.broadcast %mul3A_143 : f32 to vector<16xf32>
        %mul3A_145 = arith.mulf %mul3A_144, %add3A_139 : vector<16xf32>
        %select_n3A_146 = arith.select %gt3A_142, %add3A_139, %mul3A_145 : vector<16xi1>, vector<16xf32>
        %sub3A_147 = arith.subf %select_n3A_146, %get3A_7 : vector<16xf32>
        %exp3A_148 = math.exp %sub3A_147 : vector<16xf32>
        %add3A_149 = vector.broadcast %mul3A_76 : i32 to vector<16xi32>
        %add3A_150 = arith.addi %add3A_149, %add3A_133 : vector<16xi32>
        %gather3A_151 = tpu.vector_load_idx %arg13[%add3A_150] : memref<2064xi32, #tpu.memory_space<vmem>>[vector<16xi32>], vector<16xi32>,
        %sub3A_152 = vector.broadcast %mul3A_2 : i32 to vector<16xi32>
        %sub3A_153 = arith.subi %gather3A_151, %sub3A_152 : vector<16xi32>
        %jit3A_154 = arith.constant 0 : i32
        %jit3A_155 = arith.constant 319 : i32
        %max3A_156 = vector.broadcast %jit3A_154 : i32 to vector<16xi32>
        %max3A_157 = arith.maxsi %max3A_156, %sub3A_153 : vector<16xi32>
        %min3A_158 = vector.broadcast %jit3A_155 : i32 to vector<16xi32>
        %min3A_159 = arith.minsi %min3A_158, %max3A_157 : vector<16xi32>
        %gather3A_160 = tpu.vector_load_idx %arg18[%min3A_159, %and3A_6] : memref<320x4xf32, #tpu.memory_space<vmem>>[vector<16xi32>, vector<16xi32>], vector<16xf32>,
        %add3A_161 = arith.constant 1.000000e-16 : f32
        %add3A_162 = vector.broadcast %add3A_161 : f32 to vector<16xf32>
        %add3A_163 = arith.addf %gather3A_160, %add3A_162 : vector<16xf32>
        %div3A_164 = arith.divf %exp3A_148, %add3A_163 : vector<16xf32>
        %swap3A_165 = arith.constant 16 : index
        %swap3A_166 = tpu.vector_load %arg17[%swap3A_165] {strides = array<i32>} : memref<256xf32, #tpu.memory_space<vmem>>, vector<16xf32>,
        tpu.vector_store %arg17[%swap3A_165], %div3A_164 {strides = array<i32>} : memref<256xf32, #tpu.memory_space<vmem>>, vector<16xf32>,
        %add3A_167 = arith.constant 8 : i32
        %add3A_168 = vector.broadcast %add3A_167 : i32 to vector<16xi32>
        %add3A_169 = arith.addi %shift_right_logical3A_4, %add3A_168 : vector<16xi32>
        %gather3A_170 = tpu.vector_load_idx %arg14[%add3A_169, %and3A_6] : memref<64x8xf32, #tpu.memory_space<vmem>>[vector<16xi32>, vector<16xi32>], vector<16xf32>,
        %add3A_171 = arith.constant 4 : i32
        %add3A_172 = vector.broadcast %add3A_171 : i32 to vector<16xi32>
        %add3A_173 = arith.addi %and3A_6, %add3A_172 : vector<16xi32>
        %gather3A_174 = tpu.vector_load_idx %arg15[%add3A_169, %add3A_173] : memref<64x8xf32, #tpu.memory_space<vmem>>[vector<16xi32>, vector<16xi32>], vector<16xf32>,
        %add3A_175 = arith.addf %gather3A_170, %gather3A_174 : vector<16xf32>
        %gt3A_176 = arith.constant 0.000000e+00 : f32
        %gt3A_177 = vector.broadcast %gt3A_176 : f32 to vector<16xf32>
        %gt3A_178 = arith.cmpf ogt, %add3A_175, %gt3A_177 : vector<16xf32>
        %mul3A_179 = arith.constant 2.000000e-01 : f32
        %mul3A_180 = vector.broadcast %mul3A_179 : f32 to vector<16xf32>
        %mul3A_181 = arith.mulf %mul3A_180, %add3A_175 : vector<16xf32>
        %select_n3A_182 = arith.select %gt3A_178, %add3A_175, %mul3A_181 : vector<16xi1>, vector<16xf32>
        %sub3A_183 = arith.subf %select_n3A_182, %get3A_7 : vector<16xf32>
        %exp3A_184 = math.exp %sub3A_183 : vector<16xf32>
        %add3A_185 = vector.broadcast %mul3A_76 : i32 to vector<16xi32>
        %add3A_186 = arith.addi %add3A_185, %add3A_169 : vector<16xi32>
        %gather3A_187 = tpu.vector_load_idx %arg13[%add3A_186] : memref<2064xi32, #tpu.memory_space<vmem>>[vector<16xi32>], vector<16xi32>,
        %sub3A_188 = vector.broadcast %mul3A_2 : i32 to vector<16xi32>
        %sub3A_189 = arith.subi %gather3A_187, %sub3A_188 : vector<16xi32>
        %jit3A_190 = arith.constant 0 : i32
        %jit3A_191 = arith.constant 319 : i32
        %max3A_192 = vector.broadcast %jit3A_190 : i32 to vector<16xi32>
        %max3A_193 = arith.maxsi %max3A_192, %sub3A_189 : vector<16xi32>
        %min3A_194 = vector.broadcast %jit3A_191 : i32 to vector<16xi32>
        %min3A_195 = arith.minsi %min3A_194, %max3A_193 : vector<16xi32>
        %gather3A_196 = tpu.vector_load_idx %arg18[%min3A_195, %and3A_6] : memref<320x4xf32, #tpu.memory_space<vmem>>[vector<16xi32>, vector<16xi32>], vector<16xf32>,
        %add3A_197 = arith.constant 1.000000e-16 : f32
        %add3A_198 = vector.broadcast %add3A_197 : f32 to vector<16xf32>
        %add3A_199 = arith.addf %gather3A_196, %add3A_198 : vector<16xf32>
        %div3A_200 = arith.divf %exp3A_184, %add3A_199 : vector<16xf32>
        %swap3A_201 = arith.constant 32 : index
        %swap3A_202 = tpu.vector_load %arg17[%swap3A_201] {strides = array<i32>} : memref<256xf32, #tpu.memory_space<vmem>>, vector<16xf32>,
        tpu.vector_store %arg17[%swap3A_201], %div3A_200 {strides = array<i32>} : memref<256xf32, #tpu.memory_space<vmem>>, vector<16xf32>,
        %add3A_203 = arith.constant 12 : i32
        %add3A_204 = vector.broadcast %add3A_203 : i32 to vector<16xi32>
        %add3A_205 = arith.addi %shift_right_logical3A_4, %add3A_204 : vector<16xi32>
        %gather3A_206 = tpu.vector_load_idx %arg14[%add3A_205, %and3A_6] : memref<64x8xf32, #tpu.memory_space<vmem>>[vector<16xi32>, vector<16xi32>], vector<16xf32>,
        %add3A_207 = arith.constant 4 : i32
        %add3A_208 = vector.broadcast %add3A_207 : i32 to vector<16xi32>
        %add3A_209 = arith.addi %and3A_6, %add3A_208 : vector<16xi32>
        %gather3A_210 = tpu.vector_load_idx %arg15[%add3A_205, %add3A_209] : memref<64x8xf32, #tpu.memory_space<vmem>>[vector<16xi32>, vector<16xi32>], vector<16xf32>,
        %add3A_211 = arith.addf %gather3A_206, %gather3A_210 : vector<16xf32>
        %gt3A_212 = arith.constant 0.000000e+00 : f32
        %gt3A_213 = vector.broadcast %gt3A_212 : f32 to vector<16xf32>
        %gt3A_214 = arith.cmpf ogt, %add3A_211, %gt3A_213 : vector<16xf32>
        %mul3A_215 = arith.constant 2.000000e-01 : f32
        %mul3A_216 = vector.broadcast %mul3A_215 : f32 to vector<16xf32>
        %mul3A_217 = arith.mulf %mul3A_216, %add3A_211 : vector<16xf32>
        %select_n3A_218 = arith.select %gt3A_214, %add3A_211, %mul3A_217 : vector<16xi1>, vector<16xf32>
        %sub3A_219 = arith.subf %select_n3A_218, %get3A_7 : vector<16xf32>
        %exp3A_220 = math.exp %sub3A_219 : vector<16xf32>
        %add3A_221 = vector.broadcast %mul3A_76 : i32 to vector<16xi32>
        %add3A_222 = arith.addi %add3A_221, %add3A_205 : vector<16xi32>
        %gather3A_223 = tpu.vector_load_idx %arg13[%add3A_222] : memref<2064xi32, #tpu.memory_space<vmem>>[vector<16xi32>], vector<16xi32>,
        %sub3A_224 = vector.broadcast %mul3A_2 : i32 to vector<16xi32>
        %sub3A_225 = arith.subi %gather3A_223, %sub3A_224 : vector<16xi32>
        %jit3A_226 = arith.constant 0 : i32
        %jit3A_227 = arith.constant 319 : i32
        %max3A_228 = vector.broadcast %jit3A_226 : i32 to vector<16xi32>
        %max3A_229 = arith.maxsi %max3A_228, %sub3A_225 : vector<16xi32>
        %min3A_230 = vector.broadcast %jit3A_227 : i32 to vector<16xi32>
        %min3A_231 = arith.minsi %min3A_230, %max3A_229 : vector<16xi32>
        %gather3A_232 = tpu.vector_load_idx %arg18[%min3A_231, %and3A_6] : memref<320x4xf32, #tpu.memory_space<vmem>>[vector<16xi32>, vector<16xi32>], vector<16xf32>,
        %add3A_233 = arith.constant 1.000000e-16 : f32
        %add3A_234 = vector.broadcast %add3A_233 : f32 to vector<16xf32>
        %add3A_235 = arith.addf %gather3A_232, %add3A_234 : vector<16xf32>
        %div3A_236 = arith.divf %exp3A_220, %add3A_235 : vector<16xf32>
        %swap3A_237 = arith.constant 48 : index
        %swap3A_238 = tpu.vector_load %arg17[%swap3A_237] {strides = array<i32>} : memref<256xf32, #tpu.memory_space<vmem>>, vector<16xf32>,
        tpu.vector_store %arg17[%swap3A_237], %div3A_236 {strides = array<i32>} : memref<256xf32, #tpu.memory_space<vmem>>, vector<16xf32>,
        %add3A_239 = arith.constant 16 : i32
        %add3A_240 = vector.broadcast %add3A_239 : i32 to vector<16xi32>
        %add3A_241 = arith.addi %shift_right_logical3A_4, %add3A_240 : vector<16xi32>
        %gather3A_242 = tpu.vector_load_idx %arg14[%add3A_241, %and3A_6] : memref<64x8xf32, #tpu.memory_space<vmem>>[vector<16xi32>, vector<16xi32>], vector<16xf32>,
        %add3A_243 = arith.constant 4 : i32
        %add3A_244 = vector.broadcast %add3A_243 : i32 to vector<16xi32>
        %add3A_245 = arith.addi %and3A_6, %add3A_244 : vector<16xi32>
        %gather3A_246 = tpu.vector_load_idx %arg15[%add3A_241, %add3A_245] : memref<64x8xf32, #tpu.memory_space<vmem>>[vector<16xi32>, vector<16xi32>], vector<16xf32>,
        %add3A_247 = arith.addf %gather3A_242, %gather3A_246 : vector<16xf32>
        %gt3A_248 = arith.constant 0.000000e+00 : f32
        %gt3A_249 = vector.broadcast %gt3A_248 : f32 to vector<16xf32>
        %gt3A_250 = arith.cmpf ogt, %add3A_247, %gt3A_249 : vector<16xf32>
        %mul3A_251 = arith.constant 2.000000e-01 : f32
        %mul3A_252 = vector.broadcast %mul3A_251 : f32 to vector<16xf32>
        %mul3A_253 = arith.mulf %mul3A_252, %add3A_247 : vector<16xf32>
        %select_n3A_254 = arith.select %gt3A_250, %add3A_247, %mul3A_253 : vector<16xi1>, vector<16xf32>
        %sub3A_255 = arith.subf %select_n3A_254, %get3A_7 : vector<16xf32>
        %exp3A_256 = math.exp %sub3A_255 : vector<16xf32>
        %add3A_257 = vector.broadcast %mul3A_76 : i32 to vector<16xi32>
        %add3A_258 = arith.addi %add3A_257, %add3A_241 : vector<16xi32>
        %gather3A_259 = tpu.vector_load_idx %arg13[%add3A_258] : memref<2064xi32, #tpu.memory_space<vmem>>[vector<16xi32>], vector<16xi32>,
        %sub3A_260 = vector.broadcast %mul3A_2 : i32 to vector<16xi32>
        %sub3A_261 = arith.subi %gather3A_259, %sub3A_260 : vector<16xi32>
        %jit3A_262 = arith.constant 0 : i32
        %jit3A_263 = arith.constant 319 : i32
        %max3A_264 = vector.broadcast %jit3A_262 : i32 to vector<16xi32>
        %max3A_265 = arith.maxsi %max3A_264, %sub3A_261 : vector<16xi32>
        %min3A_266 = vector.broadcast %jit3A_263 : i32 to vector<16xi32>
        %min3A_267 = arith.minsi %min3A_266, %max3A_265 : vector<16xi32>
        %gather3A_268 = tpu.vector_load_idx %arg18[%min3A_267, %and3A_6] : memref<320x4xf32, #tpu.memory_space<vmem>>[vector<16xi32>, vector<16xi32>], vector<16xf32>,
        %add3A_269 = arith.constant 1.000000e-16 : f32
        %add3A_270 = vector.broadcast %add3A_269 : f32 to vector<16xf32>
        %add3A_271 = arith.addf %gather3A_268, %add3A_270 : vector<16xf32>
        %div3A_272 = arith.divf %exp3A_256, %add3A_271 : vector<16xf32>
        %swap3A_273 = arith.constant 64 : index
        %swap3A_274 = tpu.vector_load %arg17[%swap3A_273] {strides = array<i32>} : memref<256xf32, #tpu.memory_space<vmem>>, vector<16xf32>,
        tpu.vector_store %arg17[%swap3A_273], %div3A_272 {strides = array<i32>} : memref<256xf32, #tpu.memory_space<vmem>>, vector<16xf32>,
        %add3A_275 = arith.constant 20 : i32
        %add3A_276 = vector.broadcast %add3A_275 : i32 to vector<16xi32>
        %add3A_277 = arith.addi %shift_right_logical3A_4, %add3A_276 : vector<16xi32>
        %gather3A_278 = tpu.vector_load_idx %arg14[%add3A_277, %and3A_6] : memref<64x8xf32, #tpu.memory_space<vmem>>[vector<16xi32>, vector<16xi32>], vector<16xf32>,
        %add3A_279 = arith.constant 4 : i32
        %add3A_280 = vector.broadcast %add3A_279 : i32 to vector<16xi32>
        %add3A_281 = arith.addi %and3A_6, %add3A_280 : vector<16xi32>
        %gather3A_282 = tpu.vector_load_idx %arg15[%add3A_277, %add3A_281] : memref<64x8xf32, #tpu.memory_space<vmem>>[vector<16xi32>, vector<16xi32>], vector<16xf32>,
        %add3A_283 = arith.addf %gather3A_278, %gather3A_282 : vector<16xf32>
        %gt3A_284 = arith.constant 0.000000e+00 : f32
        %gt3A_285 = vector.broadcast %gt3A_284 : f32 to vector<16xf32>
        %gt3A_286 = arith.cmpf ogt, %add3A_283, %gt3A_285 : vector<16xf32>
        %mul3A_287 = arith.constant 2.000000e-01 : f32
        %mul3A_288 = vector.broadcast %mul3A_287 : f32 to vector<16xf32>
        %mul3A_289 = arith.mulf %mul3A_288, %add3A_283 : vector<16xf32>
        %select_n3A_290 = arith.select %gt3A_286, %add3A_283, %mul3A_289 : vector<16xi1>, vector<16xf32>
        %sub3A_291 = arith.subf %select_n3A_290, %get3A_7 : vector<16xf32>
        %exp3A_292 = math.exp %sub3A_291 : vector<16xf32>
        %add3A_293 = vector.broadcast %mul3A_76 : i32 to vector<16xi32>
        %add3A_294 = arith.addi %add3A_293, %add3A_277 : vector<16xi32>
        %gather3A_295 = tpu.vector_load_idx %arg13[%add3A_294] : memref<2064xi32, #tpu.memory_space<vmem>>[vector<16xi32>], vector<16xi32>,
        %sub3A_296 = vector.broadcast %mul3A_2 : i32 to vector<16xi32>
        %sub3A_297 = arith.subi %gather3A_295, %sub3A_296 : vector<16xi32>
        %jit3A_298 = arith.constant 0 : i32
        %jit3A_299 = arith.constant 319 : i32
        %max3A_300 = vector.broadcast %jit3A_298 : i32 to vector<16xi32>
        %max3A_301 = arith.maxsi %max3A_300, %sub3A_297 : vector<16xi32>
        %min3A_302 = vector.broadcast %jit3A_299 : i32 to vector<16xi32>
        %min3A_303 = arith.minsi %min3A_302, %max3A_301 : vector<16xi32>
        %gather3A_304 = tpu.vector_load_idx %arg18[%min3A_303, %and3A_6] : memref<320x4xf32, #tpu.memory_space<vmem>>[vector<16xi32>, vector<16xi32>], vector<16xf32>,
        %add3A_305 = arith.constant 1.000000e-16 : f32
        %add3A_306 = vector.broadcast %add3A_305 : f32 to vector<16xf32>
        %add3A_307 = arith.addf %gather3A_304, %add3A_306 : vector<16xf32>
        %div3A_308 = arith.divf %exp3A_292, %add3A_307 : vector<16xf32>
        %swap3A_309 = arith.constant 80 : index
        %swap3A_310 = tpu.vector_load %arg17[%swap3A_309] {strides = array<i32>} : memref<256xf32, #tpu.memory_space<vmem>>, vector<16xf32>,
        tpu.vector_store %arg17[%swap3A_309], %div3A_308 {strides = array<i32>} : memref<256xf32, #tpu.memory_space<vmem>>, vector<16xf32>,
        %add3A_311 = arith.constant 24 : i32
        %add3A_312 = vector.broadcast %add3A_311 : i32 to vector<16xi32>
        %add3A_313 = arith.addi %shift_right_logical3A_4, %add3A_312 : vector<16xi32>
        %gather3A_314 = tpu.vector_load_idx %arg14[%add3A_313, %and3A_6] : memref<64x8xf32, #tpu.memory_space<vmem>>[vector<16xi32>, vector<16xi32>], vector<16xf32>,
        %add3A_315 = arith.constant 4 : i32
        %add3A_316 = vector.broadcast %add3A_315 : i32 to vector<16xi32>
        %add3A_317 = arith.addi %and3A_6, %add3A_316 : vector<16xi32>
        %gather3A_318 = tpu.vector_load_idx %arg15[%add3A_313, %add3A_317] : memref<64x8xf32, #tpu.memory_space<vmem>>[vector<16xi32>, vector<16xi32>], vector<16xf32>,
        %add3A_319 = arith.addf %gather3A_314, %gather3A_318 : vector<16xf32>
        %gt3A_320 = arith.constant 0.000000e+00 : f32
        %gt3A_321 = vector.broadcast %gt3A_320 : f32 to vector<16xf32>
        %gt3A_322 = arith.cmpf ogt, %add3A_319, %gt3A_321 : vector<16xf32>
        %mul3A_323 = arith.constant 2.000000e-01 : f32
        %mul3A_324 = vector.broadcast %mul3A_323 : f32 to vector<16xf32>
        %mul3A_325 = arith.mulf %mul3A_324, %add3A_319 : vector<16xf32>
        %select_n3A_326 = arith.select %gt3A_322, %add3A_319, %mul3A_325 : vector<16xi1>, vector<16xf32>
        %sub3A_327 = arith.subf %select_n3A_326, %get3A_7 : vector<16xf32>
        %exp3A_328 = math.exp %sub3A_327 : vector<16xf32>
        %add3A_329 = vector.broadcast %mul3A_76 : i32 to vector<16xi32>
        %add3A_330 = arith.addi %add3A_329, %add3A_313 : vector<16xi32>
        %gather3A_331 = tpu.vector_load_idx %arg13[%add3A_330] : memref<2064xi32, #tpu.memory_space<vmem>>[vector<16xi32>], vector<16xi32>,
        %sub3A_332 = vector.broadcast %mul3A_2 : i32 to vector<16xi32>
        %sub3A_333 = arith.subi %gather3A_331, %sub3A_332 : vector<16xi32>
        %jit3A_334 = arith.constant 0 : i32
        %jit3A_335 = arith.constant 319 : i32
        %max3A_336 = vector.broadcast %jit3A_334 : i32 to vector<16xi32>
        %max3A_337 = arith.maxsi %max3A_336, %sub3A_333 : vector<16xi32>
        %min3A_338 = vector.broadcast %jit3A_335 : i32 to vector<16xi32>
        %min3A_339 = arith.minsi %min3A_338, %max3A_337 : vector<16xi32>
        %gather3A_340 = tpu.vector_load_idx %arg18[%min3A_339, %and3A_6] : memref<320x4xf32, #tpu.memory_space<vmem>>[vector<16xi32>, vector<16xi32>], vector<16xf32>,
        %add3A_341 = arith.constant 1.000000e-16 : f32
        %add3A_342 = vector.broadcast %add3A_341 : f32 to vector<16xf32>
        %add3A_343 = arith.addf %gather3A_340, %add3A_342 : vector<16xf32>
        %div3A_344 = arith.divf %exp3A_328, %add3A_343 : vector<16xf32>
        %swap3A_345 = arith.constant 96 : index
        %swap3A_346 = tpu.vector_load %arg17[%swap3A_345] {strides = array<i32>} : memref<256xf32, #tpu.memory_space<vmem>>, vector<16xf32>,
        tpu.vector_store %arg17[%swap3A_345], %div3A_344 {strides = array<i32>} : memref<256xf32, #tpu.memory_space<vmem>>, vector<16xf32>,
        %add3A_347 = arith.constant 28 : i32
        %add3A_348 = vector.broadcast %add3A_347 : i32 to vector<16xi32>
        %add3A_349 = arith.addi %shift_right_logical3A_4, %add3A_348 : vector<16xi32>
        %gather3A_350 = tpu.vector_load_idx %arg14[%add3A_349, %and3A_6] : memref<64x8xf32, #tpu.memory_space<vmem>>[vector<16xi32>, vector<16xi32>], vector<16xf32>,
        %add3A_351 = arith.constant 4 : i32
        %add3A_352 = vector.broadcast %add3A_351 : i32 to vector<16xi32>
        %add3A_353 = arith.addi %and3A_6, %add3A_352 : vector<16xi32>
        %gather3A_354 = tpu.vector_load_idx %arg15[%add3A_349, %add3A_353] : memref<64x8xf32, #tpu.memory_space<vmem>>[vector<16xi32>, vector<16xi32>], vector<16xf32>,
        %add3A_355 = arith.addf %gather3A_350, %gather3A_354 : vector<16xf32>
        %gt3A_356 = arith.constant 0.000000e+00 : f32
        %gt3A_357 = vector.broadcast %gt3A_356 : f32 to vector<16xf32>
        %gt3A_358 = arith.cmpf ogt, %add3A_355, %gt3A_357 : vector<16xf32>
        %mul3A_359 = arith.constant 2.000000e-01 : f32
        %mul3A_360 = vector.broadcast %mul3A_359 : f32 to vector<16xf32>
        %mul3A_361 = arith.mulf %mul3A_360, %add3A_355 : vector<16xf32>
        %select_n3A_362 = arith.select %gt3A_358, %add3A_355, %mul3A_361 : vector<16xi1>, vector<16xf32>
        %sub3A_363 = arith.subf %select_n3A_362, %get3A_7 : vector<16xf32>
        %exp3A_364 = math.exp %sub3A_363 : vector<16xf32>
        %add3A_365 = vector.broadcast %mul3A_76 : i32 to vector<16xi32>
        %add3A_366 = arith.addi %add3A_365, %add3A_349 : vector<16xi32>
        %gather3A_367 = tpu.vector_load_idx %arg13[%add3A_366] : memref<2064xi32, #tpu.memory_space<vmem>>[vector<16xi32>], vector<16xi32>,
        %sub3A_368 = vector.broadcast %mul3A_2 : i32 to vector<16xi32>
        %sub3A_369 = arith.subi %gather3A_367, %sub3A_368 : vector<16xi32>
        %jit3A_370 = arith.constant 0 : i32
        %jit3A_371 = arith.constant 319 : i32
        %max3A_372 = vector.broadcast %jit3A_370 : i32 to vector<16xi32>
        %max3A_373 = arith.maxsi %max3A_372, %sub3A_369 : vector<16xi32>
        %min3A_374 = vector.broadcast %jit3A_371 : i32 to vector<16xi32>
        %min3A_375 = arith.minsi %min3A_374, %max3A_373 : vector<16xi32>
        %gather3A_376 = tpu.vector_load_idx %arg18[%min3A_375, %and3A_6] : memref<320x4xf32, #tpu.memory_space<vmem>>[vector<16xi32>, vector<16xi32>], vector<16xf32>,
        %add3A_377 = arith.constant 1.000000e-16 : f32
        %add3A_378 = vector.broadcast %add3A_377 : f32 to vector<16xf32>
        %add3A_379 = arith.addf %gather3A_376, %add3A_378 : vector<16xf32>
        %div3A_380 = arith.divf %exp3A_364, %add3A_379 : vector<16xf32>
        %swap3A_381 = arith.constant 112 : index
        %swap3A_382 = tpu.vector_load %arg17[%swap3A_381] {strides = array<i32>} : memref<256xf32, #tpu.memory_space<vmem>>, vector<16xf32>,
        tpu.vector_store %arg17[%swap3A_381], %div3A_380 {strides = array<i32>} : memref<256xf32, #tpu.memory_space<vmem>>, vector<16xf32>,
        %add3A_383 = arith.constant 32 : i32
        %add3A_384 = vector.broadcast %add3A_383 : i32 to vector<16xi32>
        %add3A_385 = arith.addi %shift_right_logical3A_4, %add3A_384 : vector<16xi32>
        %gather3A_386 = tpu.vector_load_idx %arg14[%add3A_385, %and3A_6] : memref<64x8xf32, #tpu.memory_space<vmem>>[vector<16xi32>, vector<16xi32>], vector<16xf32>,
        %add3A_387 = arith.constant 4 : i32
        %add3A_388 = vector.broadcast %add3A_387 : i32 to vector<16xi32>
        %add3A_389 = arith.addi %and3A_6, %add3A_388 : vector<16xi32>
        %gather3A_390 = tpu.vector_load_idx %arg15[%add3A_385, %add3A_389] : memref<64x8xf32, #tpu.memory_space<vmem>>[vector<16xi32>, vector<16xi32>], vector<16xf32>,
        %add3A_391 = arith.addf %gather3A_386, %gather3A_390 : vector<16xf32>
        %gt3A_392 = arith.constant 0.000000e+00 : f32
        %gt3A_393 = vector.broadcast %gt3A_392 : f32 to vector<16xf32>
        %gt3A_394 = arith.cmpf ogt, %add3A_391, %gt3A_393 : vector<16xf32>
        %mul3A_395 = arith.constant 2.000000e-01 : f32
        %mul3A_396 = vector.broadcast %mul3A_395 : f32 to vector<16xf32>
        %mul3A_397 = arith.mulf %mul3A_396, %add3A_391 : vector<16xf32>
        %select_n3A_398 = arith.select %gt3A_394, %add3A_391, %mul3A_397 : vector<16xi1>, vector<16xf32>
        %sub3A_399 = arith.subf %select_n3A_398, %get3A_7 : vector<16xf32>
        %exp3A_400 = math.exp %sub3A_399 : vector<16xf32>
        %add3A_401 = vector.broadcast %mul3A_76 : i32 to vector<16xi32>
        %add3A_402 = arith.addi %add3A_401, %add3A_385 : vector<16xi32>
        %gather3A_403 = tpu.vector_load_idx %arg13[%add3A_402] : memref<2064xi32, #tpu.memory_space<vmem>>[vector<16xi32>], vector<16xi32>,
        %sub3A_404 = vector.broadcast %mul3A_2 : i32 to vector<16xi32>
        %sub3A_405 = arith.subi %gather3A_403, %sub3A_404 : vector<16xi32>
        %jit3A_406 = arith.constant 0 : i32
        %jit3A_407 = arith.constant 319 : i32
        %max3A_408 = vector.broadcast %jit3A_406 : i32 to vector<16xi32>
        %max3A_409 = arith.maxsi %max3A_408, %sub3A_405 : vector<16xi32>
        %min3A_410 = vector.broadcast %jit3A_407 : i32 to vector<16xi32>
        %min3A_411 = arith.minsi %min3A_410, %max3A_409 : vector<16xi32>
        %gather3A_412 = tpu.vector_load_idx %arg18[%min3A_411, %and3A_6] : memref<320x4xf32, #tpu.memory_space<vmem>>[vector<16xi32>, vector<16xi32>], vector<16xf32>,
        %add3A_413 = arith.constant 1.000000e-16 : f32
        %add3A_414 = vector.broadcast %add3A_413 : f32 to vector<16xf32>
        %add3A_415 = arith.addf %gather3A_412, %add3A_414 : vector<16xf32>
        %div3A_416 = arith.divf %exp3A_400, %add3A_415 : vector<16xf32>
        %swap3A_417 = arith.constant 128 : index
        %swap3A_418 = tpu.vector_load %arg17[%swap3A_417] {strides = array<i32>} : memref<256xf32, #tpu.memory_space<vmem>>, vector<16xf32>,
        tpu.vector_store %arg17[%swap3A_417], %div3A_416 {strides = array<i32>} : memref<256xf32, #tpu.memory_space<vmem>>, vector<16xf32>,
        %add3A_419 = arith.constant 36 : i32
        %add3A_420 = vector.broadcast %add3A_419 : i32 to vector<16xi32>
        %add3A_421 = arith.addi %shift_right_logical3A_4, %add3A_420 : vector<16xi32>
        %gather3A_422 = tpu.vector_load_idx %arg14[%add3A_421, %and3A_6] : memref<64x8xf32, #tpu.memory_space<vmem>>[vector<16xi32>, vector<16xi32>], vector<16xf32>,
        %add3A_423 = arith.constant 4 : i32
        %add3A_424 = vector.broadcast %add3A_423 : i32 to vector<16xi32>
        %add3A_425 = arith.addi %and3A_6, %add3A_424 : vector<16xi32>
        %gather3A_426 = tpu.vector_load_idx %arg15[%add3A_421, %add3A_425] : memref<64x8xf32, #tpu.memory_space<vmem>>[vector<16xi32>, vector<16xi32>], vector<16xf32>,
        %add3A_427 = arith.addf %gather3A_422, %gather3A_426 : vector<16xf32>
        %gt3A_428 = arith.constant 0.000000e+00 : f32
        %gt3A_429 = vector.broadcast %gt3A_428 : f32 to vector<16xf32>
        %gt3A_430 = arith.cmpf ogt, %add3A_427, %gt3A_429 : vector<16xf32>
        %mul3A_431 = arith.constant 2.000000e-01 : f32
        %mul3A_432 = vector.broadcast %mul3A_431 : f32 to vector<16xf32>
        %mul3A_433 = arith.mulf %mul3A_432, %add3A_427 : vector<16xf32>
        %select_n3A_434 = arith.select %gt3A_430, %add3A_427, %mul3A_433 : vector<16xi1>, vector<16xf32>
        %sub3A_435 = arith.subf %select_n3A_434, %get3A_7 : vector<16xf32>
        %exp3A_436 = math.exp %sub3A_435 : vector<16xf32>
        %add3A_437 = vector.broadcast %mul3A_76 : i32 to vector<16xi32>
        %add3A_438 = arith.addi %add3A_437, %add3A_421 : vector<16xi32>
        %gather3A_439 = tpu.vector_load_idx %arg13[%add3A_438] : memref<2064xi32, #tpu.memory_space<vmem>>[vector<16xi32>], vector<16xi32>,
        %sub3A_440 = vector.broadcast %mul3A_2 : i32 to vector<16xi32>
        %sub3A_441 = arith.subi %gather3A_439, %sub3A_440 : vector<16xi32>
        %jit3A_442 = arith.constant 0 : i32
        %jit3A_443 = arith.constant 319 : i32
        %max3A_444 = vector.broadcast %jit3A_442 : i32 to vector<16xi32>
        %max3A_445 = arith.maxsi %max3A_444, %sub3A_441 : vector<16xi32>
        %min3A_446 = vector.broadcast %jit3A_443 : i32 to vector<16xi32>
        %min3A_447 = arith.minsi %min3A_446, %max3A_445 : vector<16xi32>
        %gather3A_448 = tpu.vector_load_idx %arg18[%min3A_447, %and3A_6] : memref<320x4xf32, #tpu.memory_space<vmem>>[vector<16xi32>, vector<16xi32>], vector<16xf32>,
        %add3A_449 = arith.constant 1.000000e-16 : f32
        %add3A_450 = vector.broadcast %add3A_449 : f32 to vector<16xf32>
        %add3A_451 = arith.addf %gather3A_448, %add3A_450 : vector<16xf32>
        %div3A_452 = arith.divf %exp3A_436, %add3A_451 : vector<16xf32>
        %swap3A_453 = arith.constant 144 : index
        %swap3A_454 = tpu.vector_load %arg17[%swap3A_453] {strides = array<i32>} : memref<256xf32, #tpu.memory_space<vmem>>, vector<16xf32>,
        tpu.vector_store %arg17[%swap3A_453], %div3A_452 {strides = array<i32>} : memref<256xf32, #tpu.memory_space<vmem>>, vector<16xf32>,
        %add3A_455 = arith.constant 40 : i32
        %add3A_456 = vector.broadcast %add3A_455 : i32 to vector<16xi32>
        %add3A_457 = arith.addi %shift_right_logical3A_4, %add3A_456 : vector<16xi32>
        %gather3A_458 = tpu.vector_load_idx %arg14[%add3A_457, %and3A_6] : memref<64x8xf32, #tpu.memory_space<vmem>>[vector<16xi32>, vector<16xi32>], vector<16xf32>,
        %add3A_459 = arith.constant 4 : i32
        %add3A_460 = vector.broadcast %add3A_459 : i32 to vector<16xi32>
        %add3A_461 = arith.addi %and3A_6, %add3A_460 : vector<16xi32>
        %gather3A_462 = tpu.vector_load_idx %arg15[%add3A_457, %add3A_461] : memref<64x8xf32, #tpu.memory_space<vmem>>[vector<16xi32>, vector<16xi32>], vector<16xf32>,
        %add3A_463 = arith.addf %gather3A_458, %gather3A_462 : vector<16xf32>
        %gt3A_464 = arith.constant 0.000000e+00 : f32
        %gt3A_465 = vector.broadcast %gt3A_464 : f32 to vector<16xf32>
        %gt3A_466 = arith.cmpf ogt, %add3A_463, %gt3A_465 : vector<16xf32>
        %mul3A_467 = arith.constant 2.000000e-01 : f32
        %mul3A_468 = vector.broadcast %mul3A_467 : f32 to vector<16xf32>
        %mul3A_469 = arith.mulf %mul3A_468, %add3A_463 : vector<16xf32>
        %select_n3A_470 = arith.select %gt3A_466, %add3A_463, %mul3A_469 : vector<16xi1>, vector<16xf32>
        %sub3A_471 = arith.subf %select_n3A_470, %get3A_7 : vector<16xf32>
        %exp3A_472 = math.exp %sub3A_471 : vector<16xf32>
        %add3A_473 = vector.broadcast %mul3A_76 : i32 to vector<16xi32>
        %add3A_474 = arith.addi %add3A_473, %add3A_457 : vector<16xi32>
        %gather3A_475 = tpu.vector_load_idx %arg13[%add3A_474] : memref<2064xi32, #tpu.memory_space<vmem>>[vector<16xi32>], vector<16xi32>,
        %sub3A_476 = vector.broadcast %mul3A_2 : i32 to vector<16xi32>
        %sub3A_477 = arith.subi %gather3A_475, %sub3A_476 : vector<16xi32>
        %jit3A_478 = arith.constant 0 : i32
        %jit3A_479 = arith.constant 319 : i32
        %max3A_480 = vector.broadcast %jit3A_478 : i32 to vector<16xi32>
        %max3A_481 = arith.maxsi %max3A_480, %sub3A_477 : vector<16xi32>
        %min3A_482 = vector.broadcast %jit3A_479 : i32 to vector<16xi32>
        %min3A_483 = arith.minsi %min3A_482, %max3A_481 : vector<16xi32>
        %gather3A_484 = tpu.vector_load_idx %arg18[%min3A_483, %and3A_6] : memref<320x4xf32, #tpu.memory_space<vmem>>[vector<16xi32>, vector<16xi32>], vector<16xf32>,
        %add3A_485 = arith.constant 1.000000e-16 : f32
        %add3A_486 = vector.broadcast %add3A_485 : f32 to vector<16xf32>
        %add3A_487 = arith.addf %gather3A_484, %add3A_486 : vector<16xf32>
        %div3A_488 = arith.divf %exp3A_472, %add3A_487 : vector<16xf32>
        %swap3A_489 = arith.constant 160 : index
        %swap3A_490 = tpu.vector_load %arg17[%swap3A_489] {strides = array<i32>} : memref<256xf32, #tpu.memory_space<vmem>>, vector<16xf32>,
        tpu.vector_store %arg17[%swap3A_489], %div3A_488 {strides = array<i32>} : memref<256xf32, #tpu.memory_space<vmem>>, vector<16xf32>,
        %add3A_491 = arith.constant 44 : i32
        %add3A_492 = vector.broadcast %add3A_491 : i32 to vector<16xi32>
        %add3A_493 = arith.addi %shift_right_logical3A_4, %add3A_492 : vector<16xi32>
        %gather3A_494 = tpu.vector_load_idx %arg14[%add3A_493, %and3A_6] : memref<64x8xf32, #tpu.memory_space<vmem>>[vector<16xi32>, vector<16xi32>], vector<16xf32>,
        %add3A_495 = arith.constant 4 : i32
        %add3A_496 = vector.broadcast %add3A_495 : i32 to vector<16xi32>
        %add3A_497 = arith.addi %and3A_6, %add3A_496 : vector<16xi32>
        %gather3A_498 = tpu.vector_load_idx %arg15[%add3A_493, %add3A_497] : memref<64x8xf32, #tpu.memory_space<vmem>>[vector<16xi32>, vector<16xi32>], vector<16xf32>,
        %add3A_499 = arith.addf %gather3A_494, %gather3A_498 : vector<16xf32>
        %gt3A_500 = arith.constant 0.000000e+00 : f32
        %gt3A_501 = vector.broadcast %gt3A_500 : f32 to vector<16xf32>
        %gt3A_502 = arith.cmpf ogt, %add3A_499, %gt3A_501 : vector<16xf32>
        %mul3A_503 = arith.constant 2.000000e-01 : f32
        %mul3A_504 = vector.broadcast %mul3A_503 : f32 to vector<16xf32>
        %mul3A_505 = arith.mulf %mul3A_504, %add3A_499 : vector<16xf32>
        %select_n3A_506 = arith.select %gt3A_502, %add3A_499, %mul3A_505 : vector<16xi1>, vector<16xf32>
        %sub3A_507 = arith.subf %select_n3A_506, %get3A_7 : vector<16xf32>
        %exp3A_508 = math.exp %sub3A_507 : vector<16xf32>
        %add3A_509 = vector.broadcast %mul3A_76 : i32 to vector<16xi32>
        %add3A_510 = arith.addi %add3A_509, %add3A_493 : vector<16xi32>
        %gather3A_511 = tpu.vector_load_idx %arg13[%add3A_510] : memref<2064xi32, #tpu.memory_space<vmem>>[vector<16xi32>], vector<16xi32>,
        %sub3A_512 = vector.broadcast %mul3A_2 : i32 to vector<16xi32>
        %sub3A_513 = arith.subi %gather3A_511, %sub3A_512 : vector<16xi32>
        %jit3A_514 = arith.constant 0 : i32
        %jit3A_515 = arith.constant 319 : i32
        %max3A_516 = vector.broadcast %jit3A_514 : i32 to vector<16xi32>
        %max3A_517 = arith.maxsi %max3A_516, %sub3A_513 : vector<16xi32>
        %min3A_518 = vector.broadcast %jit3A_515 : i32 to vector<16xi32>
        %min3A_519 = arith.minsi %min3A_518, %max3A_517 : vector<16xi32>
        %gather3A_520 = tpu.vector_load_idx %arg18[%min3A_519, %and3A_6] : memref<320x4xf32, #tpu.memory_space<vmem>>[vector<16xi32>, vector<16xi32>], vector<16xf32>,
        %add3A_521 = arith.constant 1.000000e-16 : f32
        %add3A_522 = vector.broadcast %add3A_521 : f32 to vector<16xf32>
        %add3A_523 = arith.addf %gather3A_520, %add3A_522 : vector<16xf32>
        %div3A_524 = arith.divf %exp3A_508, %add3A_523 : vector<16xf32>
        %swap3A_525 = arith.constant 176 : index
        %swap3A_526 = tpu.vector_load %arg17[%swap3A_525] {strides = array<i32>} : memref<256xf32, #tpu.memory_space<vmem>>, vector<16xf32>,
        tpu.vector_store %arg17[%swap3A_525], %div3A_524 {strides = array<i32>} : memref<256xf32, #tpu.memory_space<vmem>>, vector<16xf32>,
        %add3A_527 = arith.constant 48 : i32
        %add3A_528 = vector.broadcast %add3A_527 : i32 to vector<16xi32>
        %add3A_529 = arith.addi %shift_right_logical3A_4, %add3A_528 : vector<16xi32>
        %gather3A_530 = tpu.vector_load_idx %arg14[%add3A_529, %and3A_6] : memref<64x8xf32, #tpu.memory_space<vmem>>[vector<16xi32>, vector<16xi32>], vector<16xf32>,
        %add3A_531 = arith.constant 4 : i32
        %add3A_532 = vector.broadcast %add3A_531 : i32 to vector<16xi32>
        %add3A_533 = arith.addi %and3A_6, %add3A_532 : vector<16xi32>
        %gather3A_534 = tpu.vector_load_idx %arg15[%add3A_529, %add3A_533] : memref<64x8xf32, #tpu.memory_space<vmem>>[vector<16xi32>, vector<16xi32>], vector<16xf32>,
        %add3A_535 = arith.addf %gather3A_530, %gather3A_534 : vector<16xf32>
        %gt3A_536 = arith.constant 0.000000e+00 : f32
        %gt3A_537 = vector.broadcast %gt3A_536 : f32 to vector<16xf32>
        %gt3A_538 = arith.cmpf ogt, %add3A_535, %gt3A_537 : vector<16xf32>
        %mul3A_539 = arith.constant 2.000000e-01 : f32
        %mul3A_540 = vector.broadcast %mul3A_539 : f32 to vector<16xf32>
        %mul3A_541 = arith.mulf %mul3A_540, %add3A_535 : vector<16xf32>
        %select_n3A_542 = arith.select %gt3A_538, %add3A_535, %mul3A_541 : vector<16xi1>, vector<16xf32>
        %sub3A_543 = arith.subf %select_n3A_542, %get3A_7 : vector<16xf32>
        %exp3A_544 = math.exp %sub3A_543 : vector<16xf32>
        %add3A_545 = vector.broadcast %mul3A_76 : i32 to vector<16xi32>
        %add3A_546 = arith.addi %add3A_545, %add3A_529 : vector<16xi32>
        %gather3A_547 = tpu.vector_load_idx %arg13[%add3A_546] : memref<2064xi32, #tpu.memory_space<vmem>>[vector<16xi32>], vector<16xi32>,
        %sub3A_548 = vector.broadcast %mul3A_2 : i32 to vector<16xi32>
        %sub3A_549 = arith.subi %gather3A_547, %sub3A_548 : vector<16xi32>
        %jit3A_550 = arith.constant 0 : i32
        %jit3A_551 = arith.constant 319 : i32
        %max3A_552 = vector.broadcast %jit3A_550 : i32 to vector<16xi32>
        %max3A_553 = arith.maxsi %max3A_552, %sub3A_549 : vector<16xi32>
        %min3A_554 = vector.broadcast %jit3A_551 : i32 to vector<16xi32>
        %min3A_555 = arith.minsi %min3A_554, %max3A_553 : vector<16xi32>
        %gather3A_556 = tpu.vector_load_idx %arg18[%min3A_555, %and3A_6] : memref<320x4xf32, #tpu.memory_space<vmem>>[vector<16xi32>, vector<16xi32>], vector<16xf32>,
        %add3A_557 = arith.constant 1.000000e-16 : f32
        %add3A_558 = vector.broadcast %add3A_557 : f32 to vector<16xf32>
        %add3A_559 = arith.addf %gather3A_556, %add3A_558 : vector<16xf32>
        %div3A_560 = arith.divf %exp3A_544, %add3A_559 : vector<16xf32>
        %swap3A_561 = arith.constant 192 : index
        %swap3A_562 = tpu.vector_load %arg17[%swap3A_561] {strides = array<i32>} : memref<256xf32, #tpu.memory_space<vmem>>, vector<16xf32>,
        tpu.vector_store %arg17[%swap3A_561], %div3A_560 {strides = array<i32>} : memref<256xf32, #tpu.memory_space<vmem>>, vector<16xf32>,
        %add3A_563 = arith.constant 52 : i32
        %add3A_564 = vector.broadcast %add3A_563 : i32 to vector<16xi32>
        %add3A_565 = arith.addi %shift_right_logical3A_4, %add3A_564 : vector<16xi32>
        %gather3A_566 = tpu.vector_load_idx %arg14[%add3A_565, %and3A_6] : memref<64x8xf32, #tpu.memory_space<vmem>>[vector<16xi32>, vector<16xi32>], vector<16xf32>,
        %add3A_567 = arith.constant 4 : i32
        %add3A_568 = vector.broadcast %add3A_567 : i32 to vector<16xi32>
        %add3A_569 = arith.addi %and3A_6, %add3A_568 : vector<16xi32>
        %gather3A_570 = tpu.vector_load_idx %arg15[%add3A_565, %add3A_569] : memref<64x8xf32, #tpu.memory_space<vmem>>[vector<16xi32>, vector<16xi32>], vector<16xf32>,
        %add3A_571 = arith.addf %gather3A_566, %gather3A_570 : vector<16xf32>
        %gt3A_572 = arith.constant 0.000000e+00 : f32
        %gt3A_573 = vector.broadcast %gt3A_572 : f32 to vector<16xf32>
        %gt3A_574 = arith.cmpf ogt, %add3A_571, %gt3A_573 : vector<16xf32>
        %mul3A_575 = arith.constant 2.000000e-01 : f32
        %mul3A_576 = vector.broadcast %mul3A_575 : f32 to vector<16xf32>
        %mul3A_577 = arith.mulf %mul3A_576, %add3A_571 : vector<16xf32>
        %select_n3A_578 = arith.select %gt3A_574, %add3A_571, %mul3A_577 : vector<16xi1>, vector<16xf32>
        %sub3A_579 = arith.subf %select_n3A_578, %get3A_7 : vector<16xf32>
        %exp3A_580 = math.exp %sub3A_579 : vector<16xf32>
        %add3A_581 = vector.broadcast %mul3A_76 : i32 to vector<16xi32>
        %add3A_582 = arith.addi %add3A_581, %add3A_565 : vector<16xi32>
        %gather3A_583 = tpu.vector_load_idx %arg13[%add3A_582] : memref<2064xi32, #tpu.memory_space<vmem>>[vector<16xi32>], vector<16xi32>,
        %sub3A_584 = vector.broadcast %mul3A_2 : i32 to vector<16xi32>
        %sub3A_585 = arith.subi %gather3A_583, %sub3A_584 : vector<16xi32>
        %jit3A_586 = arith.constant 0 : i32
        %jit3A_587 = arith.constant 319 : i32
        %max3A_588 = vector.broadcast %jit3A_586 : i32 to vector<16xi32>
        %max3A_589 = arith.maxsi %max3A_588, %sub3A_585 : vector<16xi32>
        %min3A_590 = vector.broadcast %jit3A_587 : i32 to vector<16xi32>
        %min3A_591 = arith.minsi %min3A_590, %max3A_589 : vector<16xi32>
        %gather3A_592 = tpu.vector_load_idx %arg18[%min3A_591, %and3A_6] : memref<320x4xf32, #tpu.memory_space<vmem>>[vector<16xi32>, vector<16xi32>], vector<16xf32>,
        %add3A_593 = arith.constant 1.000000e-16 : f32
        %add3A_594 = vector.broadcast %add3A_593 : f32 to vector<16xf32>
        %add3A_595 = arith.addf %gather3A_592, %add3A_594 : vector<16xf32>
        %div3A_596 = arith.divf %exp3A_580, %add3A_595 : vector<16xf32>
        %swap3A_597 = arith.constant 208 : index
        %swap3A_598 = tpu.vector_load %arg17[%swap3A_597] {strides = array<i32>} : memref<256xf32, #tpu.memory_space<vmem>>, vector<16xf32>,
        tpu.vector_store %arg17[%swap3A_597], %div3A_596 {strides = array<i32>} : memref<256xf32, #tpu.memory_space<vmem>>, vector<16xf32>,
        %add3A_599 = arith.constant 56 : i32
        %add3A_600 = vector.broadcast %add3A_599 : i32 to vector<16xi32>
        %add3A_601 = arith.addi %shift_right_logical3A_4, %add3A_600 : vector<16xi32>
        %gather3A_602 = tpu.vector_load_idx %arg14[%add3A_601, %and3A_6] : memref<64x8xf32, #tpu.memory_space<vmem>>[vector<16xi32>, vector<16xi32>], vector<16xf32>,
        %add3A_603 = arith.constant 4 : i32
        %add3A_604 = vector.broadcast %add3A_603 : i32 to vector<16xi32>
        %add3A_605 = arith.addi %and3A_6, %add3A_604 : vector<16xi32>
        %gather3A_606 = tpu.vector_load_idx %arg15[%add3A_601, %add3A_605] : memref<64x8xf32, #tpu.memory_space<vmem>>[vector<16xi32>, vector<16xi32>], vector<16xf32>,
        %add3A_607 = arith.addf %gather3A_602, %gather3A_606 : vector<16xf32>
        %gt3A_608 = arith.constant 0.000000e+00 : f32
        %gt3A_609 = vector.broadcast %gt3A_608 : f32 to vector<16xf32>
        %gt3A_610 = arith.cmpf ogt, %add3A_607, %gt3A_609 : vector<16xf32>
        %mul3A_611 = arith.constant 2.000000e-01 : f32
        %mul3A_612 = vector.broadcast %mul3A_611 : f32 to vector<16xf32>
        %mul3A_613 = arith.mulf %mul3A_612, %add3A_607 : vector<16xf32>
        %select_n3A_614 = arith.select %gt3A_610, %add3A_607, %mul3A_613 : vector<16xi1>, vector<16xf32>
        %sub3A_615 = arith.subf %select_n3A_614, %get3A_7 : vector<16xf32>
        %exp3A_616 = math.exp %sub3A_615 : vector<16xf32>
        %add3A_617 = vector.broadcast %mul3A_76 : i32 to vector<16xi32>
        %add3A_618 = arith.addi %add3A_617, %add3A_601 : vector<16xi32>
        %gather3A_619 = tpu.vector_load_idx %arg13[%add3A_618] : memref<2064xi32, #tpu.memory_space<vmem>>[vector<16xi32>], vector<16xi32>,
        %sub3A_620 = vector.broadcast %mul3A_2 : i32 to vector<16xi32>
        %sub3A_621 = arith.subi %gather3A_619, %sub3A_620 : vector<16xi32>
        %jit3A_622 = arith.constant 0 : i32
        %jit3A_623 = arith.constant 319 : i32
        %max3A_624 = vector.broadcast %jit3A_622 : i32 to vector<16xi32>
        %max3A_625 = arith.maxsi %max3A_624, %sub3A_621 : vector<16xi32>
        %min3A_626 = vector.broadcast %jit3A_623 : i32 to vector<16xi32>
        %min3A_627 = arith.minsi %min3A_626, %max3A_625 : vector<16xi32>
        %gather3A_628 = tpu.vector_load_idx %arg18[%min3A_627, %and3A_6] : memref<320x4xf32, #tpu.memory_space<vmem>>[vector<16xi32>, vector<16xi32>], vector<16xf32>,
        %add3A_629 = arith.constant 1.000000e-16 : f32
        %add3A_630 = vector.broadcast %add3A_629 : f32 to vector<16xf32>
        %add3A_631 = arith.addf %gather3A_628, %add3A_630 : vector<16xf32>
        %div3A_632 = arith.divf %exp3A_616, %add3A_631 : vector<16xf32>
        %swap3A_633 = arith.constant 224 : index
        %swap3A_634 = tpu.vector_load %arg17[%swap3A_633] {strides = array<i32>} : memref<256xf32, #tpu.memory_space<vmem>>, vector<16xf32>,
        tpu.vector_store %arg17[%swap3A_633], %div3A_632 {strides = array<i32>} : memref<256xf32, #tpu.memory_space<vmem>>, vector<16xf32>,
        %add3A_635 = arith.constant 60 : i32
        %add3A_636 = vector.broadcast %add3A_635 : i32 to vector<16xi32>
        %add3A_637 = arith.addi %shift_right_logical3A_4, %add3A_636 : vector<16xi32>
        %gather3A_638 = tpu.vector_load_idx %arg14[%add3A_637, %and3A_6] : memref<64x8xf32, #tpu.memory_space<vmem>>[vector<16xi32>, vector<16xi32>], vector<16xf32>,
        %add3A_639 = arith.constant 4 : i32
        %add3A_640 = vector.broadcast %add3A_639 : i32 to vector<16xi32>
        %add3A_641 = arith.addi %and3A_6, %add3A_640 : vector<16xi32>
        %gather3A_642 = tpu.vector_load_idx %arg15[%add3A_637, %add3A_641] : memref<64x8xf32, #tpu.memory_space<vmem>>[vector<16xi32>, vector<16xi32>], vector<16xf32>,
        %add3A_643 = arith.addf %gather3A_638, %gather3A_642 : vector<16xf32>
        %gt3A_644 = arith.constant 0.000000e+00 : f32
        %gt3A_645 = vector.broadcast %gt3A_644 : f32 to vector<16xf32>
        %gt3A_646 = arith.cmpf ogt, %add3A_643, %gt3A_645 : vector<16xf32>
        %mul3A_647 = arith.constant 2.000000e-01 : f32
        %mul3A_648 = vector.broadcast %mul3A_647 : f32 to vector<16xf32>
        %mul3A_649 = arith.mulf %mul3A_648, %add3A_643 : vector<16xf32>
        %select_n3A_650 = arith.select %gt3A_646, %add3A_643, %mul3A_649 : vector<16xi1>, vector<16xf32>
        %sub3A_651 = arith.subf %select_n3A_650, %get3A_7 : vector<16xf32>
        %exp3A_652 = math.exp %sub3A_651 : vector<16xf32>
        %add3A_653 = vector.broadcast %mul3A_76 : i32 to vector<16xi32>
        %add3A_654 = arith.addi %add3A_653, %add3A_637 : vector<16xi32>
        %gather3A_655 = tpu.vector_load_idx %arg13[%add3A_654] : memref<2064xi32, #tpu.memory_space<vmem>>[vector<16xi32>], vector<16xi32>,
        %sub3A_656 = vector.broadcast %mul3A_2 : i32 to vector<16xi32>
        %sub3A_657 = arith.subi %gather3A_655, %sub3A_656 : vector<16xi32>
        %jit3A_658 = arith.constant 0 : i32
        %jit3A_659 = arith.constant 319 : i32
        %max3A_660 = vector.broadcast %jit3A_658 : i32 to vector<16xi32>
        %max3A_661 = arith.maxsi %max3A_660, %sub3A_657 : vector<16xi32>
        %min3A_662 = vector.broadcast %jit3A_659 : i32 to vector<16xi32>
        %min3A_663 = arith.minsi %min3A_662, %max3A_661 : vector<16xi32>
        %gather3A_664 = tpu.vector_load_idx %arg18[%min3A_663, %and3A_6] : memref<320x4xf32, #tpu.memory_space<vmem>>[vector<16xi32>, vector<16xi32>], vector<16xf32>,
        %add3A_665 = arith.constant 1.000000e-16 : f32
        %add3A_666 = vector.broadcast %add3A_665 : f32 to vector<16xf32>
        %add3A_667 = arith.addf %gather3A_664, %add3A_666 : vector<16xf32>
        %div3A_668 = arith.divf %exp3A_652, %add3A_667 : vector<16xf32>
        %swap3A_669 = arith.constant 240 : index
        %swap3A_670 = tpu.vector_load %arg17[%swap3A_669] {strides = array<i32>} : memref<256xf32, #tpu.memory_space<vmem>>, vector<16xf32>,
        tpu.vector_store %arg17[%swap3A_669], %div3A_668 {strides = array<i32>} : memref<256xf32, #tpu.memory_space<vmem>>, vector<16xf32>,
        %scan3A_671 = arith.constant 0 : i32
        %scan3A_672 = arith.constant 0 : i32
        %scan3A_673 = arith.constant 64 : i32
        %scan3A_674 = arith.addi %scan3A_672, %scan3A_673 : i32
        %scan3A_675 = arith.constant 1 : i32
        scf.for %scan3A_677 = %scan3A_672 to %scan3A_674 step %scan3A_675  : i32 {
          %add3A_678 = arith.addi %mul3A_76, %scan3A_677 : i32
          %lt3A = arith.cmpi slt, %add3A_678, %scan3A_42 : i32
          %convert_element_type3A = arith.extui %lt3A : i1 to i32
          %cond3A = arith.constant 0 : i32
          %cond3A_679 = arith.cmpi ne, %convert_element_type3A, %cond3A : i32
          scf.if %cond3A_679 {
            %broadcast_in_dim3A = vector.broadcast %add3A_678 : i32 to vector<16xi32>
            %gather3A_680 = tpu.vector_load_idx %arg13[%broadcast_in_dim3A] : memref<2064xi32, #tpu.memory_space<vmem>>[vector<16xi32>], vector<16xi32>,
            %reduce_max3A = arith.constant true
            %reduce_max3A_681 = vector.broadcast %reduce_max3A : i1 to vector<16xi1>
            %reduce_max3A_682 = arith.constant -2147483648 : i32
            %reduce_max3A_683 = vector.broadcast %reduce_max3A_682 : i32 to vector<16xi32>
            %reduce_max3A_684 = arith.xori %gather3A_680, %reduce_max3A_683 : vector<16xi32>
            %reduce_max3A_685 = tpu.scan <max>, %reduce_max3A_684 masked %reduce_max3A_681 : vector<16xi32>, vector<16xi1> -> vector<16xi32>
            %reduce_max3A_686 = arith.xori %reduce_max3A_685, %reduce_max3A_683 : vector<16xi32>
            %reduce_max3A_687 = vector.extract %reduce_max3A_686[15] : i32 from vector<16xi32>
            %sub3A_688 = arith.subi %reduce_max3A_687, %mul3A_2 : i32
            %mul3A_689 = arith.constant 4 : i32
            %mul3A_690 = arith.muli %scan3A_677, %mul3A_689 : i32
            %add3A_691 = arith.constant 0 : i32
            %add3A_692 = arith.addi %mul3A_690, %add3A_691 : i32
            %broadcast_in_dim3A_693 = vector.broadcast %add3A_692 : i32 to vector<16xi32>
            %gather3A_694 = tpu.vector_load_idx %arg17[%broadcast_in_dim3A_693] : memref<256xf32, #tpu.memory_space<vmem>>[vector<16xi32>], vector<16xf32>,
            %mul3A_695 = arith.constant 4 : i32
            %mul3A_696 = arith.muli %scan3A_677, %mul3A_695 : i32
            %add3A_697 = arith.constant 1 : i32
            %add3A_698 = arith.addi %mul3A_696, %add3A_697 : i32
            %broadcast_in_dim3A_699 = vector.broadcast %add3A_698 : i32 to vector<16xi32>
            %gather3A_700 = tpu.vector_load_idx %arg17[%broadcast_in_dim3A_699] : memref<256xf32, #tpu.memory_space<vmem>>[vector<16xi32>], vector<16xf32>,
            %mul3A_701 = arith.constant 4 : i32
            %mul3A_702 = arith.muli %scan3A_677, %mul3A_701 : i32
            %add3A_703 = arith.constant 2 : i32
            %add3A_704 = arith.addi %mul3A_702, %add3A_703 : i32
            %broadcast_in_dim3A_705 = vector.broadcast %add3A_704 : i32 to vector<16xi32>
            %gather3A_706 = tpu.vector_load_idx %arg17[%broadcast_in_dim3A_705] : memref<256xf32, #tpu.memory_space<vmem>>[vector<16xi32>], vector<16xf32>,
            %mul3A_707 = arith.constant 4 : i32
            %mul3A_708 = arith.muli %scan3A_677, %mul3A_707 : i32
            %add3A_709 = arith.constant 3 : i32
            %add3A_710 = arith.addi %mul3A_708, %add3A_709 : i32
            %broadcast_in_dim3A_711 = vector.broadcast %add3A_710 : i32 to vector<16xi32>
            %gather3A_712 = tpu.vector_load_idx %arg17[%broadcast_in_dim3A_711] : memref<256xf32, #tpu.memory_space<vmem>>[vector<16xi32>], vector<16xf32>,
            %get3A_713 = arith.index_cast %scan3A_677 : i32 to index
            %get3A_714 = arith.constant 0 : index
            %get3A_715 = tpu.vector_load %arg16[%get3A_713, %get3A_714] {strides = array<i32>} : memref<64x512xf32, #tpu.memory_space<vmem>>, vector<16xf32>,
            %mul3A_716 = arith.mulf %gather3A_694, %get3A_715 : vector<16xf32>
            %get3A_717 = arith.index_cast %scan3A_677 : i32 to index
            %get3A_718 = arith.constant 128 : index
            %get3A_719 = tpu.vector_load %arg16[%get3A_717, %get3A_718] {strides = array<i32>} : memref<64x512xf32, #tpu.memory_space<vmem>>, vector<16xf32>,
            %mul3A_720 = arith.mulf %gather3A_700, %get3A_719 : vector<16xf32>
            %add3A_721 = arith.addf %mul3A_716, %mul3A_720 : vector<16xf32>
            %get3A_722 = arith.index_cast %scan3A_677 : i32 to index
            %get3A_723 = arith.constant 256 : index
            %get3A_724 = tpu.vector_load %arg16[%get3A_722, %get3A_723] {strides = array<i32>} : memref<64x512xf32, #tpu.memory_space<vmem>>, vector<16xf32>,
            %mul3A_725 = arith.mulf %gather3A_706, %get3A_724 : vector<16xf32>
            %add3A_726 = arith.addf %add3A_721, %mul3A_725 : vector<16xf32>
            %get3A_727 = arith.index_cast %scan3A_677 : i32 to index
            %get3A_728 = arith.constant 384 : index
            %get3A_729 = tpu.vector_load %arg16[%get3A_727, %get3A_728] {strides = array<i32>} : memref<64x512xf32, #tpu.memory_space<vmem>>, vector<16xf32>,
            %mul3A_730 = arith.mulf %gather3A_712, %get3A_729 : vector<16xf32>
            %add3A_731 = arith.addf %add3A_726, %mul3A_730 : vector<16xf32>
            %get3A_732 = arith.index_cast %sub3A_688 : i32 to index
            %get3A_733 = arith.constant 0 : index
            %get3A_734 = tpu.vector_load %arg19[%get3A_732, %get3A_733] {strides = array<i32>} : memref<320x128xf32, #tpu.memory_space<vmem>>, vector<16xf32>,
            %add3A_735 = arith.addf %get3A_734, %add3A_731 : vector<16xf32>
            %swap3A_736 = arith.index_cast %sub3A_688 : i32 to index
            %swap3A_737 = arith.constant 0 : index
            %swap3A_738 = tpu.vector_load %arg19[%swap3A_736, %swap3A_737] {strides = array<i32>} : memref<320x128xf32, #tpu.memory_space<vmem>>, vector<16xf32>,
            tpu.vector_store %arg19[%swap3A_736, %swap3A_737], %add3A_735 {strides = array<i32>} : memref<320x128xf32, #tpu.memory_space<vmem>>, vector<16xf32>,
            %get3A_739 = arith.index_cast %scan3A_677 : i32 to index
            %get3A_740 = arith.constant 16 : index
            %get3A_741 = tpu.vector_load %arg16[%get3A_739, %get3A_740] {strides = array<i32>} : memref<64x512xf32, #tpu.memory_space<vmem>>, vector<16xf32>,
            %mul3A_742 = arith.mulf %gather3A_694, %get3A_741 : vector<16xf32>
            %get3A_743 = arith.index_cast %scan3A_677 : i32 to index
            %get3A_744 = arith.constant 144 : index
            %get3A_745 = tpu.vector_load %arg16[%get3A_743, %get3A_744] {strides = array<i32>} : memref<64x512xf32, #tpu.memory_space<vmem>>, vector<16xf32>,
            %mul3A_746 = arith.mulf %gather3A_700, %get3A_745 : vector<16xf32>
            %add3A_747 = arith.addf %mul3A_742, %mul3A_746 : vector<16xf32>
            %get3A_748 = arith.index_cast %scan3A_677 : i32 to index
            %get3A_749 = arith.constant 272 : index
            %get3A_750 = tpu.vector_load %arg16[%get3A_748, %get3A_749] {strides = array<i32>} : memref<64x512xf32, #tpu.memory_space<vmem>>, vector<16xf32>,
            %mul3A_751 = arith.mulf %gather3A_706, %get3A_750 : vector<16xf32>
            %add3A_752 = arith.addf %add3A_747, %mul3A_751 : vector<16xf32>
            %get3A_753 = arith.index_cast %scan3A_677 : i32 to index
            %get3A_754 = arith.constant 400 : index
            %get3A_755 = tpu.vector_load %arg16[%get3A_753, %get3A_754] {strides = array<i32>} : memref<64x512xf32, #tpu.memory_space<vmem>>, vector<16xf32>,
            %mul3A_756 = arith.mulf %gather3A_712, %get3A_755 : vector<16xf32>
            %add3A_757 = arith.addf %add3A_752, %mul3A_756 : vector<16xf32>
            %get3A_758 = arith.index_cast %sub3A_688 : i32 to index
            %get3A_759 = arith.constant 16 : index
            %get3A_760 = tpu.vector_load %arg19[%get3A_758, %get3A_759] {strides = array<i32>} : memref<320x128xf32, #tpu.memory_space<vmem>>, vector<16xf32>,
            %add3A_761 = arith.addf %get3A_760, %add3A_757 : vector<16xf32>
            %swap3A_762 = arith.index_cast %sub3A_688 : i32 to index
            %swap3A_763 = arith.constant 16 : index
            %swap3A_764 = tpu.vector_load %arg19[%swap3A_762, %swap3A_763] {strides = array<i32>} : memref<320x128xf32, #tpu.memory_space<vmem>>, vector<16xf32>,
            tpu.vector_store %arg19[%swap3A_762, %swap3A_763], %add3A_761 {strides = array<i32>} : memref<320x128xf32, #tpu.memory_space<vmem>>, vector<16xf32>,
            %get3A_765 = arith.index_cast %scan3A_677 : i32 to index
            %get3A_766 = arith.constant 32 : index
            %get3A_767 = tpu.vector_load %arg16[%get3A_765, %get3A_766] {strides = array<i32>} : memref<64x512xf32, #tpu.memory_space<vmem>>, vector<16xf32>,
            %mul3A_768 = arith.mulf %gather3A_694, %get3A_767 : vector<16xf32>
            %get3A_769 = arith.index_cast %scan3A_677 : i32 to index
            %get3A_770 = arith.constant 160 : index
            %get3A_771 = tpu.vector_load %arg16[%get3A_769, %get3A_770] {strides = array<i32>} : memref<64x512xf32, #tpu.memory_space<vmem>>, vector<16xf32>,
            %mul3A_772 = arith.mulf %gather3A_700, %get3A_771 : vector<16xf32>
            %add3A_773 = arith.addf %mul3A_768, %mul3A_772 : vector<16xf32>
            %get3A_774 = arith.index_cast %scan3A_677 : i32 to index
            %get3A_775 = arith.constant 288 : index
            %get3A_776 = tpu.vector_load %arg16[%get3A_774, %get3A_775] {strides = array<i32>} : memref<64x512xf32, #tpu.memory_space<vmem>>, vector<16xf32>,
            %mul3A_777 = arith.mulf %gather3A_706, %get3A_776 : vector<16xf32>
            %add3A_778 = arith.addf %add3A_773, %mul3A_777 : vector<16xf32>
            %get3A_779 = arith.index_cast %scan3A_677 : i32 to index
            %get3A_780 = arith.constant 416 : index
            %get3A_781 = tpu.vector_load %arg16[%get3A_779, %get3A_780] {strides = array<i32>} : memref<64x512xf32, #tpu.memory_space<vmem>>, vector<16xf32>,
            %mul3A_782 = arith.mulf %gather3A_712, %get3A_781 : vector<16xf32>
            %add3A_783 = arith.addf %add3A_778, %mul3A_782 : vector<16xf32>
            %get3A_784 = arith.index_cast %sub3A_688 : i32 to index
            %get3A_785 = arith.constant 32 : index
            %get3A_786 = tpu.vector_load %arg19[%get3A_784, %get3A_785] {strides = array<i32>} : memref<320x128xf32, #tpu.memory_space<vmem>>, vector<16xf32>,
            %add3A_787 = arith.addf %get3A_786, %add3A_783 : vector<16xf32>
            %swap3A_788 = arith.index_cast %sub3A_688 : i32 to index
            %swap3A_789 = arith.constant 32 : index
            %swap3A_790 = tpu.vector_load %arg19[%swap3A_788, %swap3A_789] {strides = array<i32>} : memref<320x128xf32, #tpu.memory_space<vmem>>, vector<16xf32>,
            tpu.vector_store %arg19[%swap3A_788, %swap3A_789], %add3A_787 {strides = array<i32>} : memref<320x128xf32, #tpu.memory_space<vmem>>, vector<16xf32>,
            %get3A_791 = arith.index_cast %scan3A_677 : i32 to index
            %get3A_792 = arith.constant 48 : index
            %get3A_793 = tpu.vector_load %arg16[%get3A_791, %get3A_792] {strides = array<i32>} : memref<64x512xf32, #tpu.memory_space<vmem>>, vector<16xf32>,
            %mul3A_794 = arith.mulf %gather3A_694, %get3A_793 : vector<16xf32>
            %get3A_795 = arith.index_cast %scan3A_677 : i32 to index
            %get3A_796 = arith.constant 176 : index
            %get3A_797 = tpu.vector_load %arg16[%get3A_795, %get3A_796] {strides = array<i32>} : memref<64x512xf32, #tpu.memory_space<vmem>>, vector<16xf32>,
            %mul3A_798 = arith.mulf %gather3A_700, %get3A_797 : vector<16xf32>
            %add3A_799 = arith.addf %mul3A_794, %mul3A_798 : vector<16xf32>
            %get3A_800 = arith.index_cast %scan3A_677 : i32 to index
            %get3A_801 = arith.constant 304 : index
            %get3A_802 = tpu.vector_load %arg16[%get3A_800, %get3A_801] {strides = array<i32>} : memref<64x512xf32, #tpu.memory_space<vmem>>, vector<16xf32>,
            %mul3A_803 = arith.mulf %gather3A_706, %get3A_802 : vector<16xf32>
            %add3A_804 = arith.addf %add3A_799, %mul3A_803 : vector<16xf32>
            %get3A_805 = arith.index_cast %scan3A_677 : i32 to index
            %get3A_806 = arith.constant 432 : index
            %get3A_807 = tpu.vector_load %arg16[%get3A_805, %get3A_806] {strides = array<i32>} : memref<64x512xf32, #tpu.memory_space<vmem>>, vector<16xf32>,
            %mul3A_808 = arith.mulf %gather3A_712, %get3A_807 : vector<16xf32>
            %add3A_809 = arith.addf %add3A_804, %mul3A_808 : vector<16xf32>
            %get3A_810 = arith.index_cast %sub3A_688 : i32 to index
            %get3A_811 = arith.constant 48 : index
            %get3A_812 = tpu.vector_load %arg19[%get3A_810, %get3A_811] {strides = array<i32>} : memref<320x128xf32, #tpu.memory_space<vmem>>, vector<16xf32>,
            %add3A_813 = arith.addf %get3A_812, %add3A_809 : vector<16xf32>
            %swap3A_814 = arith.index_cast %sub3A_688 : i32 to index
            %swap3A_815 = arith.constant 48 : index
            %swap3A_816 = tpu.vector_load %arg19[%swap3A_814, %swap3A_815] {strides = array<i32>} : memref<320x128xf32, #tpu.memory_space<vmem>>, vector<16xf32>,
            tpu.vector_store %arg19[%swap3A_814, %swap3A_815], %add3A_813 {strides = array<i32>} : memref<320x128xf32, #tpu.memory_space<vmem>>, vector<16xf32>,
            %get3A_817 = arith.index_cast %scan3A_677 : i32 to index
            %get3A_818 = arith.constant 64 : index
            %get3A_819 = tpu.vector_load %arg16[%get3A_817, %get3A_818] {strides = array<i32>} : memref<64x512xf32, #tpu.memory_space<vmem>>, vector<16xf32>,
            %mul3A_820 = arith.mulf %gather3A_694, %get3A_819 : vector<16xf32>
            %get3A_821 = arith.index_cast %scan3A_677 : i32 to index
            %get3A_822 = arith.constant 192 : index
            %get3A_823 = tpu.vector_load %arg16[%get3A_821, %get3A_822] {strides = array<i32>} : memref<64x512xf32, #tpu.memory_space<vmem>>, vector<16xf32>,
            %mul3A_824 = arith.mulf %gather3A_700, %get3A_823 : vector<16xf32>
            %add3A_825 = arith.addf %mul3A_820, %mul3A_824 : vector<16xf32>
            %get3A_826 = arith.index_cast %scan3A_677 : i32 to index
            %get3A_827 = arith.constant 320 : index
            %get3A_828 = tpu.vector_load %arg16[%get3A_826, %get3A_827] {strides = array<i32>} : memref<64x512xf32, #tpu.memory_space<vmem>>, vector<16xf32>,
            %mul3A_829 = arith.mulf %gather3A_706, %get3A_828 : vector<16xf32>
            %add3A_830 = arith.addf %add3A_825, %mul3A_829 : vector<16xf32>
            %get3A_831 = arith.index_cast %scan3A_677 : i32 to index
            %get3A_832 = arith.constant 448 : index
            %get3A_833 = tpu.vector_load %arg16[%get3A_831, %get3A_832] {strides = array<i32>} : memref<64x512xf32, #tpu.memory_space<vmem>>, vector<16xf32>,
            %mul3A_834 = arith.mulf %gather3A_712, %get3A_833 : vector<16xf32>
            %add3A_835 = arith.addf %add3A_830, %mul3A_834 : vector<16xf32>
            %get3A_836 = arith.index_cast %sub3A_688 : i32 to index
            %get3A_837 = arith.constant 64 : index
            %get3A_838 = tpu.vector_load %arg19[%get3A_836, %get3A_837] {strides = array<i32>} : memref<320x128xf32, #tpu.memory_space<vmem>>, vector<16xf32>,
            %add3A_839 = arith.addf %get3A_838, %add3A_835 : vector<16xf32>
            %swap3A_840 = arith.index_cast %sub3A_688 : i32 to index
            %swap3A_841 = arith.constant 64 : index
            %swap3A_842 = tpu.vector_load %arg19[%swap3A_840, %swap3A_841] {strides = array<i32>} : memref<320x128xf32, #tpu.memory_space<vmem>>, vector<16xf32>,
            tpu.vector_store %arg19[%swap3A_840, %swap3A_841], %add3A_839 {strides = array<i32>} : memref<320x128xf32, #tpu.memory_space<vmem>>, vector<16xf32>,
            %get3A_843 = arith.index_cast %scan3A_677 : i32 to index
            %get3A_844 = arith.constant 80 : index
            %get3A_845 = tpu.vector_load %arg16[%get3A_843, %get3A_844] {strides = array<i32>} : memref<64x512xf32, #tpu.memory_space<vmem>>, vector<16xf32>,
            %mul3A_846 = arith.mulf %gather3A_694, %get3A_845 : vector<16xf32>
            %get3A_847 = arith.index_cast %scan3A_677 : i32 to index
            %get3A_848 = arith.constant 208 : index
            %get3A_849 = tpu.vector_load %arg16[%get3A_847, %get3A_848] {strides = array<i32>} : memref<64x512xf32, #tpu.memory_space<vmem>>, vector<16xf32>,
            %mul3A_850 = arith.mulf %gather3A_700, %get3A_849 : vector<16xf32>
            %add3A_851 = arith.addf %mul3A_846, %mul3A_850 : vector<16xf32>
            %get3A_852 = arith.index_cast %scan3A_677 : i32 to index
            %get3A_853 = arith.constant 336 : index
            %get3A_854 = tpu.vector_load %arg16[%get3A_852, %get3A_853] {strides = array<i32>} : memref<64x512xf32, #tpu.memory_space<vmem>>, vector<16xf32>,
            %mul3A_855 = arith.mulf %gather3A_706, %get3A_854 : vector<16xf32>
            %add3A_856 = arith.addf %add3A_851, %mul3A_855 : vector<16xf32>
            %get3A_857 = arith.index_cast %scan3A_677 : i32 to index
            %get3A_858 = arith.constant 464 : index
            %get3A_859 = tpu.vector_load %arg16[%get3A_857, %get3A_858] {strides = array<i32>} : memref<64x512xf32, #tpu.memory_space<vmem>>, vector<16xf32>,
            %mul3A_860 = arith.mulf %gather3A_712, %get3A_859 : vector<16xf32>
            %add3A_861 = arith.addf %add3A_856, %mul3A_860 : vector<16xf32>
            %get3A_862 = arith.index_cast %sub3A_688 : i32 to index
            %get3A_863 = arith.constant 80 : index
            %get3A_864 = tpu.vector_load %arg19[%get3A_862, %get3A_863] {strides = array<i32>} : memref<320x128xf32, #tpu.memory_space<vmem>>, vector<16xf32>,
            %add3A_865 = arith.addf %get3A_864, %add3A_861 : vector<16xf32>
            %swap3A_866 = arith.index_cast %sub3A_688 : i32 to index
            %swap3A_867 = arith.constant 80 : index
            %swap3A_868 = tpu.vector_load %arg19[%swap3A_866, %swap3A_867] {strides = array<i32>} : memref<320x128xf32, #tpu.memory_space<vmem>>, vector<16xf32>,
            tpu.vector_store %arg19[%swap3A_866, %swap3A_867], %add3A_865 {strides = array<i32>} : memref<320x128xf32, #tpu.memory_space<vmem>>, vector<16xf32>,
            %get3A_869 = arith.index_cast %scan3A_677 : i32 to index
            %get3A_870 = arith.constant 96 : index
            %get3A_871 = tpu.vector_load %arg16[%get3A_869, %get3A_870] {strides = array<i32>} : memref<64x512xf32, #tpu.memory_space<vmem>>, vector<16xf32>,
            %mul3A_872 = arith.mulf %gather3A_694, %get3A_871 : vector<16xf32>
            %get3A_873 = arith.index_cast %scan3A_677 : i32 to index
            %get3A_874 = arith.constant 224 : index
            %get3A_875 = tpu.vector_load %arg16[%get3A_873, %get3A_874] {strides = array<i32>} : memref<64x512xf32, #tpu.memory_space<vmem>>, vector<16xf32>,
            %mul3A_876 = arith.mulf %gather3A_700, %get3A_875 : vector<16xf32>
            %add3A_877 = arith.addf %mul3A_872, %mul3A_876 : vector<16xf32>
            %get3A_878 = arith.index_cast %scan3A_677 : i32 to index
            %get3A_879 = arith.constant 352 : index
            %get3A_880 = tpu.vector_load %arg16[%get3A_878, %get3A_879] {strides = array<i32>} : memref<64x512xf32, #tpu.memory_space<vmem>>, vector<16xf32>,
            %mul3A_881 = arith.mulf %gather3A_706, %get3A_880 : vector<16xf32>
            %add3A_882 = arith.addf %add3A_877, %mul3A_881 : vector<16xf32>
            %get3A_883 = arith.index_cast %scan3A_677 : i32 to index
            %get3A_884 = arith.constant 480 : index
            %get3A_885 = tpu.vector_load %arg16[%get3A_883, %get3A_884] {strides = array<i32>} : memref<64x512xf32, #tpu.memory_space<vmem>>, vector<16xf32>,
            %mul3A_886 = arith.mulf %gather3A_712, %get3A_885 : vector<16xf32>
            %add3A_887 = arith.addf %add3A_882, %mul3A_886 : vector<16xf32>
            %get3A_888 = arith.index_cast %sub3A_688 : i32 to index
            %get3A_889 = arith.constant 96 : index
            %get3A_890 = tpu.vector_load %arg19[%get3A_888, %get3A_889] {strides = array<i32>} : memref<320x128xf32, #tpu.memory_space<vmem>>, vector<16xf32>,
            %add3A_891 = arith.addf %get3A_890, %add3A_887 : vector<16xf32>
            %swap3A_892 = arith.index_cast %sub3A_688 : i32 to index
            %swap3A_893 = arith.constant 96 : index
            %swap3A_894 = tpu.vector_load %arg19[%swap3A_892, %swap3A_893] {strides = array<i32>} : memref<320x128xf32, #tpu.memory_space<vmem>>, vector<16xf32>,
            tpu.vector_store %arg19[%swap3A_892, %swap3A_893], %add3A_891 {strides = array<i32>} : memref<320x128xf32, #tpu.memory_space<vmem>>, vector<16xf32>,
            %get3A_895 = arith.index_cast %scan3A_677 : i32 to index
            %get3A_896 = arith.constant 112 : index
            %get3A_897 = tpu.vector_load %arg16[%get3A_895, %get3A_896] {strides = array<i32>} : memref<64x512xf32, #tpu.memory_space<vmem>>, vector<16xf32>,
            %mul3A_898 = arith.mulf %gather3A_694, %get3A_897 : vector<16xf32>
            %get3A_899 = arith.index_cast %scan3A_677 : i32 to index
            %get3A_900 = arith.constant 240 : index
            %get3A_901 = tpu.vector_load %arg16[%get3A_899, %get3A_900] {strides = array<i32>} : memref<64x512xf32, #tpu.memory_space<vmem>>, vector<16xf32>,
            %mul3A_902 = arith.mulf %gather3A_700, %get3A_901 : vector<16xf32>
            %add3A_903 = arith.addf %mul3A_898, %mul3A_902 : vector<16xf32>
            %get3A_904 = arith.index_cast %scan3A_677 : i32 to index
            %get3A_905 = arith.constant 368 : index
            %get3A_906 = tpu.vector_load %arg16[%get3A_904, %get3A_905] {strides = array<i32>} : memref<64x512xf32, #tpu.memory_space<vmem>>, vector<16xf32>,
            %mul3A_907 = arith.mulf %gather3A_706, %get3A_906 : vector<16xf32>
            %add3A_908 = arith.addf %add3A_903, %mul3A_907 : vector<16xf32>
            %get3A_909 = arith.index_cast %scan3A_677 : i32 to index
            %get3A_910 = arith.constant 496 : index
            %get3A_911 = tpu.vector_load %arg16[%get3A_909, %get3A_910] {strides = array<i32>} : memref<64x512xf32, #tpu.memory_space<vmem>>, vector<16xf32>,
            %mul3A_912 = arith.mulf %gather3A_712, %get3A_911 : vector<16xf32>
            %add3A_913 = arith.addf %add3A_908, %mul3A_912 : vector<16xf32>
            %get3A_914 = arith.index_cast %sub3A_688 : i32 to index
            %get3A_915 = arith.constant 112 : index
            %get3A_916 = tpu.vector_load %arg19[%get3A_914, %get3A_915] {strides = array<i32>} : memref<320x128xf32, #tpu.memory_space<vmem>>, vector<16xf32>,
            %add3A_917 = arith.addf %get3A_916, %add3A_913 : vector<16xf32>
            %swap3A_918 = arith.index_cast %sub3A_688 : i32 to index
            %swap3A_919 = arith.constant 112 : index
            %swap3A_920 = tpu.vector_load %arg19[%swap3A_918, %swap3A_919] {strides = array<i32>} : memref<320x128xf32, #tpu.memory_space<vmem>>, vector<16xf32>,
            tpu.vector_store %arg19[%swap3A_918, %swap3A_919], %add3A_917 {strides = array<i32>} : memref<320x128xf32, #tpu.memory_space<vmem>>, vector<16xf32>,
          } else {
          }
        }
        %scan3A_676 = arith.constant 64 : i32
      }
      %while3A_73 = arith.constant 1 : i32
      scf.for %while3A_74 = %while3A_71 to %while3A_67 step %while3A_73  : i32 {
        %mul3A_75 = arith.constant 64 : i32
        %mul3A_76 = arith.muli %while3A_74, %mul3A_75 : i32
        %dma_start3A_77 = tpu.memref_slice %arg12[%mul3A_76] : memref<2064xi32, #tpu.memory_space<vmem>> -> memref<64xi32, #tpu.memory_space<vmem>>
        %dma_start3A_78 = arith.constant 0 : i32
        %dma_start3A_79 = arith.constant 0 : i32
        %dma_start3A_80 = tpu.memref_slice %arg2[%dma_start3A_78, %dma_start3A_79] : memref<10240x8xf32, #tpu.memory_space<hbm>> -> memref<10240x8xf32, #tpu.memory_space<hbm>>
        tpu.enqueue_indirect_dma source(%dma_start3A_80 : memref<10240x8xf32, #tpu.memory_space<hbm>>) target(%arg14 : memref<64x8xf32, #tpu.memory_space<vmem>>) offsets(%dma_start3A_77 : memref<64xi32, #tpu.memory_space<vmem>>) semaphore(%arg21 : memref<!tpu.dma_semaphore, #tpu.memory_space<semaphore_mem>>)
        %dma_start3A_81 = tpu.memref_slice %arg13[%mul3A_76] : memref<2064xi32, #tpu.memory_space<vmem>> -> memref<64xi32, #tpu.memory_space<vmem>>
        %dma_start3A_82 = arith.constant 0 : i32
        %dma_start3A_83 = arith.constant 0 : i32
        %dma_start3A_84 = tpu.memref_slice %arg2[%dma_start3A_82, %dma_start3A_83] : memref<10240x8xf32, #tpu.memory_space<hbm>> -> memref<10240x8xf32, #tpu.memory_space<hbm>>
        tpu.enqueue_indirect_dma source(%dma_start3A_84 : memref<10240x8xf32, #tpu.memory_space<hbm>>) target(%arg15 : memref<64x8xf32, #tpu.memory_space<vmem>>) offsets(%dma_start3A_81 : memref<64xi32, #tpu.memory_space<vmem>>) semaphore(%arg21 : memref<!tpu.dma_semaphore, #tpu.memory_space<semaphore_mem>>)
        %dma_start3A_85 = tpu.memref_slice %arg12[%mul3A_76] : memref<2064xi32, #tpu.memory_space<vmem>> -> memref<64xi32, #tpu.memory_space<vmem>>
        %dma_start3A_86 = arith.constant 0 : i32
        %dma_start3A_87 = arith.constant 0 : i32
        %dma_start3A_88 = tpu.memref_slice %arg3[%dma_start3A_86, %dma_start3A_87] : memref<10000x512xf32, #tpu.memory_space<hbm>> -> memref<10000x512xf32, #tpu.memory_space<hbm>>
        tpu.enqueue_indirect_dma source(%dma_start3A_88 : memref<10000x512xf32, #tpu.memory_space<hbm>>) target(%arg16 : memref<64x512xf32, #tpu.memory_space<vmem>>) offsets(%dma_start3A_85 : memref<64xi32, #tpu.memory_space<vmem>>) semaphore(%arg21 : memref<!tpu.dma_semaphore, #tpu.memory_space<semaphore_mem>>)
        %dma_wait3A_89 = tpu.memref_slice %arg12[%mul3A_76] : memref<2064xi32, #tpu.memory_space<vmem>> -> memref<64xi32, #tpu.memory_space<vmem>>
        %dma_wait3A_90 = arith.constant 0 : i32
        %dma_wait3A_91 = arith.constant 0 : i32
        %dma_wait3A_92 = tpu.memref_slice %arg2[%dma_wait3A_90, %dma_wait3A_91] : memref<10240x8xf32, #tpu.memory_space<hbm>> -> memref<10240x8xf32, #tpu.memory_space<hbm>>
        tpu.wait_indirect_dma semaphore(%arg21 : memref<!tpu.dma_semaphore, #tpu.memory_space<semaphore_mem>>) src(%dma_wait3A_92 : memref<10240x8xf32, #tpu.memory_space<hbm>>) dst(%arg14 : memref<64x8xf32, #tpu.memory_space<vmem>>)
        %dma_wait3A_93 = tpu.memref_slice %arg13[%mul3A_76] : memref<2064xi32, #tpu.memory_space<vmem>> -> memref<64xi32, #tpu.memory_space<vmem>>
        %dma_wait3A_94 = arith.constant 0 : i32
        %dma_wait3A_95 = arith.constant 0 : i32
        %dma_wait3A_96 = tpu.memref_slice %arg2[%dma_wait3A_94, %dma_wait3A_95] : memref<10240x8xf32, #tpu.memory_space<hbm>> -> memref<10240x8xf32, #tpu.memory_space<hbm>>
        tpu.wait_indirect_dma semaphore(%arg21 : memref<!tpu.dma_semaphore, #tpu.memory_space<semaphore_mem>>) src(%dma_wait3A_96 : memref<10240x8xf32, #tpu.memory_space<hbm>>) dst(%arg15 : memref<64x8xf32, #tpu.memory_space<vmem>>)
        %dma_wait3A_97 = tpu.memref_slice %arg12[%mul3A_76] : memref<2064xi32, #tpu.memory_space<vmem>> -> memref<64xi32, #tpu.memory_space<vmem>>
        %dma_wait3A_98 = arith.constant 0 : i32
        %dma_wait3A_99 = arith.constant 0 : i32
        %dma_wait3A_100 = tpu.memref_slice %arg3[%dma_wait3A_98, %dma_wait3A_99] : memref<10000x512xf32, #tpu.memory_space<hbm>> -> memref<10000x512xf32, #tpu.memory_space<hbm>>
        tpu.wait_indirect_dma semaphore(%arg21 : memref<!tpu.dma_semaphore, #tpu.memory_space<semaphore_mem>>) src(%dma_wait3A_100 : memref<10000x512xf32, #tpu.memory_space<hbm>>) dst(%arg16 : memref<64x512xf32, #tpu.memory_space<vmem>>)
        %add3A_101 = arith.constant 0 : i32
        %add3A_102 = vector.broadcast %add3A_101 : i32 to vector<16xi32>
        %add3A_103 = arith.addi %shift_right_logical3A_4, %add3A_102 : vector<16xi32>
        %gather3A = tpu.vector_load_idx %arg14[%add3A_103, %and3A_6] : memref<64x8xf32, #tpu.memory_space<vmem>>[vector<16xi32>, vector<16xi32>], vector<16xf32>,
        %add3A_104 = arith.constant 4 : i32
        %add3A_105 = vector.broadcast %add3A_104 : i32 to vector<16xi32>
        %add3A_106 = arith.addi %and3A_6, %add3A_105 : vector<16xi32>
        %gather3A_107 = tpu.vector_load_idx %arg15[%add3A_103, %add3A_106] : memref<64x8xf32, #tpu.memory_space<vmem>>[vector<16xi32>, vector<16xi32>], vector<16xf32>,
        %add3A_108 = arith.addf %gather3A, %gather3A_107 : vector<16xf32>
        %gt3A = arith.constant 0.000000e+00 : f32
        %gt3A_109 = vector.broadcast %gt3A : f32 to vector<16xf32>
        %gt3A_110 = arith.cmpf ogt, %add3A_108, %gt3A_109 : vector<16xf32>
        %mul3A_111 = arith.constant 2.000000e-01 : f32
        %mul3A_112 = vector.broadcast %mul3A_111 : f32 to vector<16xf32>
        %mul3A_113 = arith.mulf %mul3A_112, %add3A_108 : vector<16xf32>
        %select_n3A_114 = arith.select %gt3A_110, %add3A_108, %mul3A_113 : vector<16xi1>, vector<16xf32>
        %sub3A_115 = arith.subf %select_n3A_114, %get3A_7 : vector<16xf32>
        %exp3A = math.exp %sub3A_115 : vector<16xf32>
        %add3A_116 = vector.broadcast %mul3A_76 : i32 to vector<16xi32>
        %add3A_117 = arith.addi %add3A_116, %add3A_103 : vector<16xi32>
        %gather3A_118 = tpu.vector_load_idx %arg13[%add3A_117] : memref<2064xi32, #tpu.memory_space<vmem>>[vector<16xi32>], vector<16xi32>,
        %sub3A_119 = vector.broadcast %mul3A_2 : i32 to vector<16xi32>
        %sub3A_120 = arith.subi %gather3A_118, %sub3A_119 : vector<16xi32>
        %jit3A_121 = arith.constant 0 : i32
        %jit3A_122 = arith.constant 319 : i32
        %max3A = vector.broadcast %jit3A_121 : i32 to vector<16xi32>
        %max3A_123 = arith.maxsi %max3A, %sub3A_120 : vector<16xi32>
        %min3A = vector.broadcast %jit3A_122 : i32 to vector<16xi32>
        %min3A_124 = arith.minsi %min3A, %max3A_123 : vector<16xi32>
        %gather3A_125 = tpu.vector_load_idx %arg18[%min3A_124, %and3A_6] : memref<320x4xf32, #tpu.memory_space<vmem>>[vector<16xi32>, vector<16xi32>], vector<16xf32>,
        %add3A_126 = arith.constant 1.000000e-16 : f32
        %add3A_127 = vector.broadcast %add3A_126 : f32 to vector<16xf32>
        %add3A_128 = arith.addf %gather3A_125, %add3A_127 : vector<16xf32>
        %div3A_129 = arith.divf %exp3A, %add3A_128 : vector<16xf32>
        %swap3A = arith.constant 0 : index
        %swap3A_130 = tpu.vector_load %arg17[%swap3A] {strides = array<i32>} : memref<256xf32, #tpu.memory_space<vmem>>, vector<16xf32>,
        tpu.vector_store %arg17[%swap3A], %div3A_129 {strides = array<i32>} : memref<256xf32, #tpu.memory_space<vmem>>, vector<16xf32>,
        %add3A_131 = arith.constant 4 : i32
        %add3A_132 = vector.broadcast %add3A_131 : i32 to vector<16xi32>
        %add3A_133 = arith.addi %shift_right_logical3A_4, %add3A_132 : vector<16xi32>
        %gather3A_134 = tpu.vector_load_idx %arg14[%add3A_133, %and3A_6] : memref<64x8xf32, #tpu.memory_space<vmem>>[vector<16xi32>, vector<16xi32>], vector<16xf32>,
        %add3A_135 = arith.constant 4 : i32
        %add3A_136 = vector.broadcast %add3A_135 : i32 to vector<16xi32>
        %add3A_137 = arith.addi %and3A_6, %add3A_136 : vector<16xi32>
        %gather3A_138 = tpu.vector_load_idx %arg15[%add3A_133, %add3A_137] : memref<64x8xf32, #tpu.memory_space<vmem>>[vector<16xi32>, vector<16xi32>], vector<16xf32>,
        %add3A_139 = arith.addf %gather3A_134, %gather3A_138 : vector<16xf32>
        %gt3A_140 = arith.constant 0.000000e+00 : f32
        %gt3A_141 = vector.broadcast %gt3A_140 : f32 to vector<16xf32>
        %gt3A_142 = arith.cmpf ogt, %add3A_139, %gt3A_141 : vector<16xf32>
        %mul3A_143 = arith.constant 2.000000e-01 : f32
        %mul3A_144 = vector.broadcast %mul3A_143 : f32 to vector<16xf32>
        %mul3A_145 = arith.mulf %mul3A_144, %add3A_139 : vector<16xf32>
        %select_n3A_146 = arith.select %gt3A_142, %add3A_139, %mul3A_145 : vector<16xi1>, vector<16xf32>
        %sub3A_147 = arith.subf %select_n3A_146, %get3A_7 : vector<16xf32>
        %exp3A_148 = math.exp %sub3A_147 : vector<16xf32>
        %add3A_149 = vector.broadcast %mul3A_76 : i32 to vector<16xi32>
        %add3A_150 = arith.addi %add3A_149, %add3A_133 : vector<16xi32>
        %gather3A_151 = tpu.vector_load_idx %arg13[%add3A_150] : memref<2064xi32, #tpu.memory_space<vmem>>[vector<16xi32>], vector<16xi32>,
        %sub3A_152 = vector.broadcast %mul3A_2 : i32 to vector<16xi32>
        %sub3A_153 = arith.subi %gather3A_151, %sub3A_152 : vector<16xi32>
        %jit3A_154 = arith.constant 0 : i32
        %jit3A_155 = arith.constant 319 : i32
        %max3A_156 = vector.broadcast %jit3A_154 : i32 to vector<16xi32>
        %max3A_157 = arith.maxsi %max3A_156, %sub3A_153 : vector<16xi32>
        %min3A_158 = vector.broadcast %jit3A_155 : i32 to vector<16xi32>
        %min3A_159 = arith.minsi %min3A_158, %max3A_157 : vector<16xi32>
        %gather3A_160 = tpu.vector_load_idx %arg18[%min3A_159, %and3A_6] : memref<320x4xf32, #tpu.memory_space<vmem>>[vector<16xi32>, vector<16xi32>], vector<16xf32>,
        %add3A_161 = arith.constant 1.000000e-16 : f32
        %add3A_162 = vector.broadcast %add3A_161 : f32 to vector<16xf32>
        %add3A_163 = arith.addf %gather3A_160, %add3A_162 : vector<16xf32>
        %div3A_164 = arith.divf %exp3A_148, %add3A_163 : vector<16xf32>
        %swap3A_165 = arith.constant 16 : index
        %swap3A_166 = tpu.vector_load %arg17[%swap3A_165] {strides = array<i32>} : memref<256xf32, #tpu.memory_space<vmem>>, vector<16xf32>,
        tpu.vector_store %arg17[%swap3A_165], %div3A_164 {strides = array<i32>} : memref<256xf32, #tpu.memory_space<vmem>>, vector<16xf32>,
        %add3A_167 = arith.constant 8 : i32
        %add3A_168 = vector.broadcast %add3A_167 : i32 to vector<16xi32>
        %add3A_169 = arith.addi %shift_right_logical3A_4, %add3A_168 : vector<16xi32>
        %gather3A_170 = tpu.vector_load_idx %arg14[%add3A_169, %and3A_6] : memref<64x8xf32, #tpu.memory_space<vmem>>[vector<16xi32>, vector<16xi32>], vector<16xf32>,
        %add3A_171 = arith.constant 4 : i32
        %add3A_172 = vector.broadcast %add3A_171 : i32 to vector<16xi32>
        %add3A_173 = arith.addi %and3A_6, %add3A_172 : vector<16xi32>
        %gather3A_174 = tpu.vector_load_idx %arg15[%add3A_169, %add3A_173] : memref<64x8xf32, #tpu.memory_space<vmem>>[vector<16xi32>, vector<16xi32>], vector<16xf32>,
        %add3A_175 = arith.addf %gather3A_170, %gather3A_174 : vector<16xf32>
        %gt3A_176 = arith.constant 0.000000e+00 : f32
        %gt3A_177 = vector.broadcast %gt3A_176 : f32 to vector<16xf32>
        %gt3A_178 = arith.cmpf ogt, %add3A_175, %gt3A_177 : vector<16xf32>
        %mul3A_179 = arith.constant 2.000000e-01 : f32
        %mul3A_180 = vector.broadcast %mul3A_179 : f32 to vector<16xf32>
        %mul3A_181 = arith.mulf %mul3A_180, %add3A_175 : vector<16xf32>
        %select_n3A_182 = arith.select %gt3A_178, %add3A_175, %mul3A_181 : vector<16xi1>, vector<16xf32>
        %sub3A_183 = arith.subf %select_n3A_182, %get3A_7 : vector<16xf32>
        %exp3A_184 = math.exp %sub3A_183 : vector<16xf32>
        %add3A_185 = vector.broadcast %mul3A_76 : i32 to vector<16xi32>
        %add3A_186 = arith.addi %add3A_185, %add3A_169 : vector<16xi32>
        %gather3A_187 = tpu.vector_load_idx %arg13[%add3A_186] : memref<2064xi32, #tpu.memory_space<vmem>>[vector<16xi32>], vector<16xi32>,
        %sub3A_188 = vector.broadcast %mul3A_2 : i32 to vector<16xi32>
        %sub3A_189 = arith.subi %gather3A_187, %sub3A_188 : vector<16xi32>
        %jit3A_190 = arith.constant 0 : i32
        %jit3A_191 = arith.constant 319 : i32
        %max3A_192 = vector.broadcast %jit3A_190 : i32 to vector<16xi32>
        %max3A_193 = arith.maxsi %max3A_192, %sub3A_189 : vector<16xi32>
        %min3A_194 = vector.broadcast %jit3A_191 : i32 to vector<16xi32>
        %min3A_195 = arith.minsi %min3A_194, %max3A_193 : vector<16xi32>
        %gather3A_196 = tpu.vector_load_idx %arg18[%min3A_195, %and3A_6] : memref<320x4xf32, #tpu.memory_space<vmem>>[vector<16xi32>, vector<16xi32>], vector<16xf32>,
        %add3A_197 = arith.constant 1.000000e-16 : f32
        %add3A_198 = vector.broadcast %add3A_197 : f32 to vector<16xf32>
        %add3A_199 = arith.addf %gather3A_196, %add3A_198 : vector<16xf32>
        %div3A_200 = arith.divf %exp3A_184, %add3A_199 : vector<16xf32>
        %swap3A_201 = arith.constant 32 : index
        %swap3A_202 = tpu.vector_load %arg17[%swap3A_201] {strides = array<i32>} : memref<256xf32, #tpu.memory_space<vmem>>, vector<16xf32>,
        tpu.vector_store %arg17[%swap3A_201], %div3A_200 {strides = array<i32>} : memref<256xf32, #tpu.memory_space<vmem>>, vector<16xf32>,
        %add3A_203 = arith.constant 12 : i32
        %add3A_204 = vector.broadcast %add3A_203 : i32 to vector<16xi32>
        %add3A_205 = arith.addi %shift_right_logical3A_4, %add3A_204 : vector<16xi32>
        %gather3A_206 = tpu.vector_load_idx %arg14[%add3A_205, %and3A_6] : memref<64x8xf32, #tpu.memory_space<vmem>>[vector<16xi32>, vector<16xi32>], vector<16xf32>,
        %add3A_207 = arith.constant 4 : i32
        %add3A_208 = vector.broadcast %add3A_207 : i32 to vector<16xi32>
        %add3A_209 = arith.addi %and3A_6, %add3A_208 : vector<16xi32>
        %gather3A_210 = tpu.vector_load_idx %arg15[%add3A_205, %add3A_209] : memref<64x8xf32, #tpu.memory_space<vmem>>[vector<16xi32>, vector<16xi32>], vector<16xf32>,
        %add3A_211 = arith.addf %gather3A_206, %gather3A_210 : vector<16xf32>
        %gt3A_212 = arith.constant 0.000000e+00 : f32
        %gt3A_213 = vector.broadcast %gt3A_212 : f32 to vector<16xf32>
        %gt3A_214 = arith.cmpf ogt, %add3A_211, %gt3A_213 : vector<16xf32>
        %mul3A_215 = arith.constant 2.000000e-01 : f32
        %mul3A_216 = vector.broadcast %mul3A_215 : f32 to vector<16xf32>
        %mul3A_217 = arith.mulf %mul3A_216, %add3A_211 : vector<16xf32>
        %select_n3A_218 = arith.select %gt3A_214, %add3A_211, %mul3A_217 : vector<16xi1>, vector<16xf32>
        %sub3A_219 = arith.subf %select_n3A_218, %get3A_7 : vector<16xf32>
        %exp3A_220 = math.exp %sub3A_219 : vector<16xf32>
        %add3A_221 = vector.broadcast %mul3A_76 : i32 to vector<16xi32>
        %add3A_222 = arith.addi %add3A_221, %add3A_205 : vector<16xi32>
        %gather3A_223 = tpu.vector_load_idx %arg13[%add3A_222] : memref<2064xi32, #tpu.memory_space<vmem>>[vector<16xi32>], vector<16xi32>,
        %sub3A_224 = vector.broadcast %mul3A_2 : i32 to vector<16xi32>
        %sub3A_225 = arith.subi %gather3A_223, %sub3A_224 : vector<16xi32>
        %jit3A_226 = arith.constant 0 : i32
        %jit3A_227 = arith.constant 319 : i32
        %max3A_228 = vector.broadcast %jit3A_226 : i32 to vector<16xi32>
        %max3A_229 = arith.maxsi %max3A_228, %sub3A_225 : vector<16xi32>
        %min3A_230 = vector.broadcast %jit3A_227 : i32 to vector<16xi32>
        %min3A_231 = arith.minsi %min3A_230, %max3A_229 : vector<16xi32>
        %gather3A_232 = tpu.vector_load_idx %arg18[%min3A_231, %and3A_6] : memref<320x4xf32, #tpu.memory_space<vmem>>[vector<16xi32>, vector<16xi32>], vector<16xf32>,
        %add3A_233 = arith.constant 1.000000e-16 : f32
        %add3A_234 = vector.broadcast %add3A_233 : f32 to vector<16xf32>
        %add3A_235 = arith.addf %gather3A_232, %add3A_234 : vector<16xf32>
        %div3A_236 = arith.divf %exp3A_220, %add3A_235 : vector<16xf32>
        %swap3A_237 = arith.constant 48 : index
        %swap3A_238 = tpu.vector_load %arg17[%swap3A_237] {strides = array<i32>} : memref<256xf32, #tpu.memory_space<vmem>>, vector<16xf32>,
        tpu.vector_store %arg17[%swap3A_237], %div3A_236 {strides = array<i32>} : memref<256xf32, #tpu.memory_space<vmem>>, vector<16xf32>,
        %add3A_239 = arith.constant 16 : i32
        %add3A_240 = vector.broadcast %add3A_239 : i32 to vector<16xi32>
        %add3A_241 = arith.addi %shift_right_logical3A_4, %add3A_240 : vector<16xi32>
        %gather3A_242 = tpu.vector_load_idx %arg14[%add3A_241, %and3A_6] : memref<64x8xf32, #tpu.memory_space<vmem>>[vector<16xi32>, vector<16xi32>], vector<16xf32>,
        %add3A_243 = arith.constant 4 : i32
        %add3A_244 = vector.broadcast %add3A_243 : i32 to vector<16xi32>
        %add3A_245 = arith.addi %and3A_6, %add3A_244 : vector<16xi32>
        %gather3A_246 = tpu.vector_load_idx %arg15[%add3A_241, %add3A_245] : memref<64x8xf32, #tpu.memory_space<vmem>>[vector<16xi32>, vector<16xi32>], vector<16xf32>,
        %add3A_247 = arith.addf %gather3A_242, %gather3A_246 : vector<16xf32>
        %gt3A_248 = arith.constant 0.000000e+00 : f32
        %gt3A_249 = vector.broadcast %gt3A_248 : f32 to vector<16xf32>
        %gt3A_250 = arith.cmpf ogt, %add3A_247, %gt3A_249 : vector<16xf32>
        %mul3A_251 = arith.constant 2.000000e-01 : f32
        %mul3A_252 = vector.broadcast %mul3A_251 : f32 to vector<16xf32>
        %mul3A_253 = arith.mulf %mul3A_252, %add3A_247 : vector<16xf32>
        %select_n3A_254 = arith.select %gt3A_250, %add3A_247, %mul3A_253 : vector<16xi1>, vector<16xf32>
        %sub3A_255 = arith.subf %select_n3A_254, %get3A_7 : vector<16xf32>
        %exp3A_256 = math.exp %sub3A_255 : vector<16xf32>
        %add3A_257 = vector.broadcast %mul3A_76 : i32 to vector<16xi32>
        %add3A_258 = arith.addi %add3A_257, %add3A_241 : vector<16xi32>
        %gather3A_259 = tpu.vector_load_idx %arg13[%add3A_258] : memref<2064xi32, #tpu.memory_space<vmem>>[vector<16xi32>], vector<16xi32>,
        %sub3A_260 = vector.broadcast %mul3A_2 : i32 to vector<16xi32>
        %sub3A_261 = arith.subi %gather3A_259, %sub3A_260 : vector<16xi32>
        %jit3A_262 = arith.constant 0 : i32
        %jit3A_263 = arith.constant 319 : i32
        %max3A_264 = vector.broadcast %jit3A_262 : i32 to vector<16xi32>
        %max3A_265 = arith.maxsi %max3A_264, %sub3A_261 : vector<16xi32>
        %min3A_266 = vector.broadcast %jit3A_263 : i32 to vector<16xi32>
        %min3A_267 = arith.minsi %min3A_266, %max3A_265 : vector<16xi32>
        %gather3A_268 = tpu.vector_load_idx %arg18[%min3A_267, %and3A_6] : memref<320x4xf32, #tpu.memory_space<vmem>>[vector<16xi32>, vector<16xi32>], vector<16xf32>,
        %add3A_269 = arith.constant 1.000000e-16 : f32
        %add3A_270 = vector.broadcast %add3A_269 : f32 to vector<16xf32>
        %add3A_271 = arith.addf %gather3A_268, %add3A_270 : vector<16xf32>
        %div3A_272 = arith.divf %exp3A_256, %add3A_271 : vector<16xf32>
        %swap3A_273 = arith.constant 64 : index
        %swap3A_274 = tpu.vector_load %arg17[%swap3A_273] {strides = array<i32>} : memref<256xf32, #tpu.memory_space<vmem>>, vector<16xf32>,
        tpu.vector_store %arg17[%swap3A_273], %div3A_272 {strides = array<i32>} : memref<256xf32, #tpu.memory_space<vmem>>, vector<16xf32>,
        %add3A_275 = arith.constant 20 : i32
        %add3A_276 = vector.broadcast %add3A_275 : i32 to vector<16xi32>
        %add3A_277 = arith.addi %shift_right_logical3A_4, %add3A_276 : vector<16xi32>
        %gather3A_278 = tpu.vector_load_idx %arg14[%add3A_277, %and3A_6] : memref<64x8xf32, #tpu.memory_space<vmem>>[vector<16xi32>, vector<16xi32>], vector<16xf32>,
        %add3A_279 = arith.constant 4 : i32
        %add3A_280 = vector.broadcast %add3A_279 : i32 to vector<16xi32>
        %add3A_281 = arith.addi %and3A_6, %add3A_280 : vector<16xi32>
        %gather3A_282 = tpu.vector_load_idx %arg15[%add3A_277, %add3A_281] : memref<64x8xf32, #tpu.memory_space<vmem>>[vector<16xi32>, vector<16xi32>], vector<16xf32>,
        %add3A_283 = arith.addf %gather3A_278, %gather3A_282 : vector<16xf32>
        %gt3A_284 = arith.constant 0.000000e+00 : f32
        %gt3A_285 = vector.broadcast %gt3A_284 : f32 to vector<16xf32>
        %gt3A_286 = arith.cmpf ogt, %add3A_283, %gt3A_285 : vector<16xf32>
        %mul3A_287 = arith.constant 2.000000e-01 : f32
        %mul3A_288 = vector.broadcast %mul3A_287 : f32 to vector<16xf32>
        %mul3A_289 = arith.mulf %mul3A_288, %add3A_283 : vector<16xf32>
        %select_n3A_290 = arith.select %gt3A_286, %add3A_283, %mul3A_289 : vector<16xi1>, vector<16xf32>
        %sub3A_291 = arith.subf %select_n3A_290, %get3A_7 : vector<16xf32>
        %exp3A_292 = math.exp %sub3A_291 : vector<16xf32>
        %add3A_293 = vector.broadcast %mul3A_76 : i32 to vector<16xi32>
        %add3A_294 = arith.addi %add3A_293, %add3A_277 : vector<16xi32>
        %gather3A_295 = tpu.vector_load_idx %arg13[%add3A_294] : memref<2064xi32, #tpu.memory_space<vmem>>[vector<16xi32>], vector<16xi32>,
        %sub3A_296 = vector.broadcast %mul3A_2 : i32 to vector<16xi32>
        %sub3A_297 = arith.subi %gather3A_295, %sub3A_296 : vector<16xi32>
        %jit3A_298 = arith.constant 0 : i32
        %jit3A_299 = arith.constant 319 : i32
        %max3A_300 = vector.broadcast %jit3A_298 : i32 to vector<16xi32>
        %max3A_301 = arith.maxsi %max3A_300, %sub3A_297 : vector<16xi32>
        %min3A_302 = vector.broadcast %jit3A_299 : i32 to vector<16xi32>
        %min3A_303 = arith.minsi %min3A_302, %max3A_301 : vector<16xi32>
        %gather3A_304 = tpu.vector_load_idx %arg18[%min3A_303, %and3A_6] : memref<320x4xf32, #tpu.memory_space<vmem>>[vector<16xi32>, vector<16xi32>], vector<16xf32>,
        %add3A_305 = arith.constant 1.000000e-16 : f32
        %add3A_306 = vector.broadcast %add3A_305 : f32 to vector<16xf32>
        %add3A_307 = arith.addf %gather3A_304, %add3A_306 : vector<16xf32>
        %div3A_308 = arith.divf %exp3A_292, %add3A_307 : vector<16xf32>
        %swap3A_309 = arith.constant 80 : index
        %swap3A_310 = tpu.vector_load %arg17[%swap3A_309] {strides = array<i32>} : memref<256xf32, #tpu.memory_space<vmem>>, vector<16xf32>,
        tpu.vector_store %arg17[%swap3A_309], %div3A_308 {strides = array<i32>} : memref<256xf32, #tpu.memory_space<vmem>>, vector<16xf32>,
        %add3A_311 = arith.constant 24 : i32
        %add3A_312 = vector.broadcast %add3A_311 : i32 to vector<16xi32>
        %add3A_313 = arith.addi %shift_right_logical3A_4, %add3A_312 : vector<16xi32>
        %gather3A_314 = tpu.vector_load_idx %arg14[%add3A_313, %and3A_6] : memref<64x8xf32, #tpu.memory_space<vmem>>[vector<16xi32>, vector<16xi32>], vector<16xf32>,
        %add3A_315 = arith.constant 4 : i32
        %add3A_316 = vector.broadcast %add3A_315 : i32 to vector<16xi32>
        %add3A_317 = arith.addi %and3A_6, %add3A_316 : vector<16xi32>
        %gather3A_318 = tpu.vector_load_idx %arg15[%add3A_313, %add3A_317] : memref<64x8xf32, #tpu.memory_space<vmem>>[vector<16xi32>, vector<16xi32>], vector<16xf32>,
        %add3A_319 = arith.addf %gather3A_314, %gather3A_318 : vector<16xf32>
        %gt3A_320 = arith.constant 0.000000e+00 : f32
        %gt3A_321 = vector.broadcast %gt3A_320 : f32 to vector<16xf32>
        %gt3A_322 = arith.cmpf ogt, %add3A_319, %gt3A_321 : vector<16xf32>
        %mul3A_323 = arith.constant 2.000000e-01 : f32
        %mul3A_324 = vector.broadcast %mul3A_323 : f32 to vector<16xf32>
        %mul3A_325 = arith.mulf %mul3A_324, %add3A_319 : vector<16xf32>
        %select_n3A_326 = arith.select %gt3A_322, %add3A_319, %mul3A_325 : vector<16xi1>, vector<16xf32>
        %sub3A_327 = arith.subf %select_n3A_326, %get3A_7 : vector<16xf32>
        %exp3A_328 = math.exp %sub3A_327 : vector<16xf32>
        %add3A_329 = vector.broadcast %mul3A_76 : i32 to vector<16xi32>
        %add3A_330 = arith.addi %add3A_329, %add3A_313 : vector<16xi32>
        %gather3A_331 = tpu.vector_load_idx %arg13[%add3A_330] : memref<2064xi32, #tpu.memory_space<vmem>>[vector<16xi32>], vector<16xi32>,
        %sub3A_332 = vector.broadcast %mul3A_2 : i32 to vector<16xi32>
        %sub3A_333 = arith.subi %gather3A_331, %sub3A_332 : vector<16xi32>
        %jit3A_334 = arith.constant 0 : i32
        %jit3A_335 = arith.constant 319 : i32
        %max3A_336 = vector.broadcast %jit3A_334 : i32 to vector<16xi32>
        %max3A_337 = arith.maxsi %max3A_336, %sub3A_333 : vector<16xi32>
        %min3A_338 = vector.broadcast %jit3A_335 : i32 to vector<16xi32>
        %min3A_339 = arith.minsi %min3A_338, %max3A_337 : vector<16xi32>
        %gather3A_340 = tpu.vector_load_idx %arg18[%min3A_339, %and3A_6] : memref<320x4xf32, #tpu.memory_space<vmem>>[vector<16xi32>, vector<16xi32>], vector<16xf32>,
        %add3A_341 = arith.constant 1.000000e-16 : f32
        %add3A_342 = vector.broadcast %add3A_341 : f32 to vector<16xf32>
        %add3A_343 = arith.addf %gather3A_340, %add3A_342 : vector<16xf32>
        %div3A_344 = arith.divf %exp3A_328, %add3A_343 : vector<16xf32>
        %swap3A_345 = arith.constant 96 : index
        %swap3A_346 = tpu.vector_load %arg17[%swap3A_345] {strides = array<i32>} : memref<256xf32, #tpu.memory_space<vmem>>, vector<16xf32>,
        tpu.vector_store %arg17[%swap3A_345], %div3A_344 {strides = array<i32>} : memref<256xf32, #tpu.memory_space<vmem>>, vector<16xf32>,
        %add3A_347 = arith.constant 28 : i32
        %add3A_348 = vector.broadcast %add3A_347 : i32 to vector<16xi32>
        %add3A_349 = arith.addi %shift_right_logical3A_4, %add3A_348 : vector<16xi32>
        %gather3A_350 = tpu.vector_load_idx %arg14[%add3A_349, %and3A_6] : memref<64x8xf32, #tpu.memory_space<vmem>>[vector<16xi32>, vector<16xi32>], vector<16xf32>,
        %add3A_351 = arith.constant 4 : i32
        %add3A_352 = vector.broadcast %add3A_351 : i32 to vector<16xi32>
        %add3A_353 = arith.addi %and3A_6, %add3A_352 : vector<16xi32>
        %gather3A_354 = tpu.vector_load_idx %arg15[%add3A_349, %add3A_353] : memref<64x8xf32, #tpu.memory_space<vmem>>[vector<16xi32>, vector<16xi32>], vector<16xf32>,
        %add3A_355 = arith.addf %gather3A_350, %gather3A_354 : vector<16xf32>
        %gt3A_356 = arith.constant 0.000000e+00 : f32
        %gt3A_357 = vector.broadcast %gt3A_356 : f32 to vector<16xf32>
        %gt3A_358 = arith.cmpf ogt, %add3A_355, %gt3A_357 : vector<16xf32>
        %mul3A_359 = arith.constant 2.000000e-01 : f32
        %mul3A_360 = vector.broadcast %mul3A_359 : f32 to vector<16xf32>
        %mul3A_361 = arith.mulf %mul3A_360, %add3A_355 : vector<16xf32>
        %select_n3A_362 = arith.select %gt3A_358, %add3A_355, %mul3A_361 : vector<16xi1>, vector<16xf32>
        %sub3A_363 = arith.subf %select_n3A_362, %get3A_7 : vector<16xf32>
        %exp3A_364 = math.exp %sub3A_363 : vector<16xf32>
        %add3A_365 = vector.broadcast %mul3A_76 : i32 to vector<16xi32>
        %add3A_366 = arith.addi %add3A_365, %add3A_349 : vector<16xi32>
        %gather3A_367 = tpu.vector_load_idx %arg13[%add3A_366] : memref<2064xi32, #tpu.memory_space<vmem>>[vector<16xi32>], vector<16xi32>,
        %sub3A_368 = vector.broadcast %mul3A_2 : i32 to vector<16xi32>
        %sub3A_369 = arith.subi %gather3A_367, %sub3A_368 : vector<16xi32>
        %jit3A_370 = arith.constant 0 : i32
        %jit3A_371 = arith.constant 319 : i32
        %max3A_372 = vector.broadcast %jit3A_370 : i32 to vector<16xi32>
        %max3A_373 = arith.maxsi %max3A_372, %sub3A_369 : vector<16xi32>
        %min3A_374 = vector.broadcast %jit3A_371 : i32 to vector<16xi32>
        %min3A_375 = arith.minsi %min3A_374, %max3A_373 : vector<16xi32>
        %gather3A_376 = tpu.vector_load_idx %arg18[%min3A_375, %and3A_6] : memref<320x4xf32, #tpu.memory_space<vmem>>[vector<16xi32>, vector<16xi32>], vector<16xf32>,
        %add3A_377 = arith.constant 1.000000e-16 : f32
        %add3A_378 = vector.broadcast %add3A_377 : f32 to vector<16xf32>
        %add3A_379 = arith.addf %gather3A_376, %add3A_378 : vector<16xf32>
        %div3A_380 = arith.divf %exp3A_364, %add3A_379 : vector<16xf32>
        %swap3A_381 = arith.constant 112 : index
        %swap3A_382 = tpu.vector_load %arg17[%swap3A_381] {strides = array<i32>} : memref<256xf32, #tpu.memory_space<vmem>>, vector<16xf32>,
        tpu.vector_store %arg17[%swap3A_381], %div3A_380 {strides = array<i32>} : memref<256xf32, #tpu.memory_space<vmem>>, vector<16xf32>,
        %add3A_383 = arith.constant 32 : i32
        %add3A_384 = vector.broadcast %add3A_383 : i32 to vector<16xi32>
        %add3A_385 = arith.addi %shift_right_logical3A_4, %add3A_384 : vector<16xi32>
        %gather3A_386 = tpu.vector_load_idx %arg14[%add3A_385, %and3A_6] : memref<64x8xf32, #tpu.memory_space<vmem>>[vector<16xi32>, vector<16xi32>], vector<16xf32>,
        %add3A_387 = arith.constant 4 : i32
        %add3A_388 = vector.broadcast %add3A_387 : i32 to vector<16xi32>
        %add3A_389 = arith.addi %and3A_6, %add3A_388 : vector<16xi32>
        %gather3A_390 = tpu.vector_load_idx %arg15[%add3A_385, %add3A_389] : memref<64x8xf32, #tpu.memory_space<vmem>>[vector<16xi32>, vector<16xi32>], vector<16xf32>,
        %add3A_391 = arith.addf %gather3A_386, %gather3A_390 : vector<16xf32>
        %gt3A_392 = arith.constant 0.000000e+00 : f32
        %gt3A_393 = vector.broadcast %gt3A_392 : f32 to vector<16xf32>
        %gt3A_394 = arith.cmpf ogt, %add3A_391, %gt3A_393 : vector<16xf32>
        %mul3A_395 = arith.constant 2.000000e-01 : f32
        %mul3A_396 = vector.broadcast %mul3A_395 : f32 to vector<16xf32>
        %mul3A_397 = arith.mulf %mul3A_396, %add3A_391 : vector<16xf32>
        %select_n3A_398 = arith.select %gt3A_394, %add3A_391, %mul3A_397 : vector<16xi1>, vector<16xf32>
        %sub3A_399 = arith.subf %select_n3A_398, %get3A_7 : vector<16xf32>
        %exp3A_400 = math.exp %sub3A_399 : vector<16xf32>
        %add3A_401 = vector.broadcast %mul3A_76 : i32 to vector<16xi32>
        %add3A_402 = arith.addi %add3A_401, %add3A_385 : vector<16xi32>
        %gather3A_403 = tpu.vector_load_idx %arg13[%add3A_402] : memref<2064xi32, #tpu.memory_space<vmem>>[vector<16xi32>], vector<16xi32>,
        %sub3A_404 = vector.broadcast %mul3A_2 : i32 to vector<16xi32>
        %sub3A_405 = arith.subi %gather3A_403, %sub3A_404 : vector<16xi32>
        %jit3A_406 = arith.constant 0 : i32
        %jit3A_407 = arith.constant 319 : i32
        %max3A_408 = vector.broadcast %jit3A_406 : i32 to vector<16xi32>
        %max3A_409 = arith.maxsi %max3A_408, %sub3A_405 : vector<16xi32>
        %min3A_410 = vector.broadcast %jit3A_407 : i32 to vector<16xi32>
        %min3A_411 = arith.minsi %min3A_410, %max3A_409 : vector<16xi32>
        %gather3A_412 = tpu.vector_load_idx %arg18[%min3A_411, %and3A_6] : memref<320x4xf32, #tpu.memory_space<vmem>>[vector<16xi32>, vector<16xi32>], vector<16xf32>,
        %add3A_413 = arith.constant 1.000000e-16 : f32
        %add3A_414 = vector.broadcast %add3A_413 : f32 to vector<16xf32>
        %add3A_415 = arith.addf %gather3A_412, %add3A_414 : vector<16xf32>
        %div3A_416 = arith.divf %exp3A_400, %add3A_415 : vector<16xf32>
        %swap3A_417 = arith.constant 128 : index
        %swap3A_418 = tpu.vector_load %arg17[%swap3A_417] {strides = array<i32>} : memref<256xf32, #tpu.memory_space<vmem>>, vector<16xf32>,
        tpu.vector_store %arg17[%swap3A_417], %div3A_416 {strides = array<i32>} : memref<256xf32, #tpu.memory_space<vmem>>, vector<16xf32>,
        %add3A_419 = arith.constant 36 : i32
        %add3A_420 = vector.broadcast %add3A_419 : i32 to vector<16xi32>
        %add3A_421 = arith.addi %shift_right_logical3A_4, %add3A_420 : vector<16xi32>
        %gather3A_422 = tpu.vector_load_idx %arg14[%add3A_421, %and3A_6] : memref<64x8xf32, #tpu.memory_space<vmem>>[vector<16xi32>, vector<16xi32>], vector<16xf32>,
        %add3A_423 = arith.constant 4 : i32
        %add3A_424 = vector.broadcast %add3A_423 : i32 to vector<16xi32>
        %add3A_425 = arith.addi %and3A_6, %add3A_424 : vector<16xi32>
        %gather3A_426 = tpu.vector_load_idx %arg15[%add3A_421, %add3A_425] : memref<64x8xf32, #tpu.memory_space<vmem>>[vector<16xi32>, vector<16xi32>], vector<16xf32>,
        %add3A_427 = arith.addf %gather3A_422, %gather3A_426 : vector<16xf32>
        %gt3A_428 = arith.constant 0.000000e+00 : f32
        %gt3A_429 = vector.broadcast %gt3A_428 : f32 to vector<16xf32>
        %gt3A_430 = arith.cmpf ogt, %add3A_427, %gt3A_429 : vector<16xf32>
        %mul3A_431 = arith.constant 2.000000e-01 : f32
        %mul3A_432 = vector.broadcast %mul3A_431 : f32 to vector<16xf32>
        %mul3A_433 = arith.mulf %mul3A_432, %add3A_427 : vector<16xf32>
        %select_n3A_434 = arith.select %gt3A_430, %add3A_427, %mul3A_433 : vector<16xi1>, vector<16xf32>
        %sub3A_435 = arith.subf %select_n3A_434, %get3A_7 : vector<16xf32>
        %exp3A_436 = math.exp %sub3A_435 : vector<16xf32>
        %add3A_437 = vector.broadcast %mul3A_76 : i32 to vector<16xi32>
        %add3A_438 = arith.addi %add3A_437, %add3A_421 : vector<16xi32>
        %gather3A_439 = tpu.vector_load_idx %arg13[%add3A_438] : memref<2064xi32, #tpu.memory_space<vmem>>[vector<16xi32>], vector<16xi32>,
        %sub3A_440 = vector.broadcast %mul3A_2 : i32 to vector<16xi32>
        %sub3A_441 = arith.subi %gather3A_439, %sub3A_440 : vector<16xi32>
        %jit3A_442 = arith.constant 0 : i32
        %jit3A_443 = arith.constant 319 : i32
        %max3A_444 = vector.broadcast %jit3A_442 : i32 to vector<16xi32>
        %max3A_445 = arith.maxsi %max3A_444, %sub3A_441 : vector<16xi32>
        %min3A_446 = vector.broadcast %jit3A_443 : i32 to vector<16xi32>
        %min3A_447 = arith.minsi %min3A_446, %max3A_445 : vector<16xi32>
        %gather3A_448 = tpu.vector_load_idx %arg18[%min3A_447, %and3A_6] : memref<320x4xf32, #tpu.memory_space<vmem>>[vector<16xi32>, vector<16xi32>], vector<16xf32>,
        %add3A_449 = arith.constant 1.000000e-16 : f32
        %add3A_450 = vector.broadcast %add3A_449 : f32 to vector<16xf32>
        %add3A_451 = arith.addf %gather3A_448, %add3A_450 : vector<16xf32>
        %div3A_452 = arith.divf %exp3A_436, %add3A_451 : vector<16xf32>
        %swap3A_453 = arith.constant 144 : index
        %swap3A_454 = tpu.vector_load %arg17[%swap3A_453] {strides = array<i32>} : memref<256xf32, #tpu.memory_space<vmem>>, vector<16xf32>,
        tpu.vector_store %arg17[%swap3A_453], %div3A_452 {strides = array<i32>} : memref<256xf32, #tpu.memory_space<vmem>>, vector<16xf32>,
        %add3A_455 = arith.constant 40 : i32
        %add3A_456 = vector.broadcast %add3A_455 : i32 to vector<16xi32>
        %add3A_457 = arith.addi %shift_right_logical3A_4, %add3A_456 : vector<16xi32>
        %gather3A_458 = tpu.vector_load_idx %arg14[%add3A_457, %and3A_6] : memref<64x8xf32, #tpu.memory_space<vmem>>[vector<16xi32>, vector<16xi32>], vector<16xf32>,
        %add3A_459 = arith.constant 4 : i32
        %add3A_460 = vector.broadcast %add3A_459 : i32 to vector<16xi32>
        %add3A_461 = arith.addi %and3A_6, %add3A_460 : vector<16xi32>
        %gather3A_462 = tpu.vector_load_idx %arg15[%add3A_457, %add3A_461] : memref<64x8xf32, #tpu.memory_space<vmem>>[vector<16xi32>, vector<16xi32>], vector<16xf32>,
        %add3A_463 = arith.addf %gather3A_458, %gather3A_462 : vector<16xf32>
        %gt3A_464 = arith.constant 0.000000e+00 : f32
        %gt3A_465 = vector.broadcast %gt3A_464 : f32 to vector<16xf32>
        %gt3A_466 = arith.cmpf ogt, %add3A_463, %gt3A_465 : vector<16xf32>
        %mul3A_467 = arith.constant 2.000000e-01 : f32
        %mul3A_468 = vector.broadcast %mul3A_467 : f32 to vector<16xf32>
        %mul3A_469 = arith.mulf %mul3A_468, %add3A_463 : vector<16xf32>
        %select_n3A_470 = arith.select %gt3A_466, %add3A_463, %mul3A_469 : vector<16xi1>, vector<16xf32>
        %sub3A_471 = arith.subf %select_n3A_470, %get3A_7 : vector<16xf32>
        %exp3A_472 = math.exp %sub3A_471 : vector<16xf32>
        %add3A_473 = vector.broadcast %mul3A_76 : i32 to vector<16xi32>
        %add3A_474 = arith.addi %add3A_473, %add3A_457 : vector<16xi32>
        %gather3A_475 = tpu.vector_load_idx %arg13[%add3A_474] : memref<2064xi32, #tpu.memory_space<vmem>>[vector<16xi32>], vector<16xi32>,
        %sub3A_476 = vector.broadcast %mul3A_2 : i32 to vector<16xi32>
        %sub3A_477 = arith.subi %gather3A_475, %sub3A_476 : vector<16xi32>
        %jit3A_478 = arith.constant 0 : i32
        %jit3A_479 = arith.constant 319 : i32
        %max3A_480 = vector.broadcast %jit3A_478 : i32 to vector<16xi32>
        %max3A_481 = arith.maxsi %max3A_480, %sub3A_477 : vector<16xi32>
        %min3A_482 = vector.broadcast %jit3A_479 : i32 to vector<16xi32>
        %min3A_483 = arith.minsi %min3A_482, %max3A_481 : vector<16xi32>
        %gather3A_484 = tpu.vector_load_idx %arg18[%min3A_483, %and3A_6] : memref<320x4xf32, #tpu.memory_space<vmem>>[vector<16xi32>, vector<16xi32>], vector<16xf32>,
        %add3A_485 = arith.constant 1.000000e-16 : f32
        %add3A_486 = vector.broadcast %add3A_485 : f32 to vector<16xf32>
        %add3A_487 = arith.addf %gather3A_484, %add3A_486 : vector<16xf32>
        %div3A_488 = arith.divf %exp3A_472, %add3A_487 : vector<16xf32>
        %swap3A_489 = arith.constant 160 : index
        %swap3A_490 = tpu.vector_load %arg17[%swap3A_489] {strides = array<i32>} : memref<256xf32, #tpu.memory_space<vmem>>, vector<16xf32>,
        tpu.vector_store %arg17[%swap3A_489], %div3A_488 {strides = array<i32>} : memref<256xf32, #tpu.memory_space<vmem>>, vector<16xf32>,
        %add3A_491 = arith.constant 44 : i32
        %add3A_492 = vector.broadcast %add3A_491 : i32 to vector<16xi32>
        %add3A_493 = arith.addi %shift_right_logical3A_4, %add3A_492 : vector<16xi32>
        %gather3A_494 = tpu.vector_load_idx %arg14[%add3A_493, %and3A_6] : memref<64x8xf32, #tpu.memory_space<vmem>>[vector<16xi32>, vector<16xi32>], vector<16xf32>,
        %add3A_495 = arith.constant 4 : i32
        %add3A_496 = vector.broadcast %add3A_495 : i32 to vector<16xi32>
        %add3A_497 = arith.addi %and3A_6, %add3A_496 : vector<16xi32>
        %gather3A_498 = tpu.vector_load_idx %arg15[%add3A_493, %add3A_497] : memref<64x8xf32, #tpu.memory_space<vmem>>[vector<16xi32>, vector<16xi32>], vector<16xf32>,
        %add3A_499 = arith.addf %gather3A_494, %gather3A_498 : vector<16xf32>
        %gt3A_500 = arith.constant 0.000000e+00 : f32
        %gt3A_501 = vector.broadcast %gt3A_500 : f32 to vector<16xf32>
        %gt3A_502 = arith.cmpf ogt, %add3A_499, %gt3A_501 : vector<16xf32>
        %mul3A_503 = arith.constant 2.000000e-01 : f32
        %mul3A_504 = vector.broadcast %mul3A_503 : f32 to vector<16xf32>
        %mul3A_505 = arith.mulf %mul3A_504, %add3A_499 : vector<16xf32>
        %select_n3A_506 = arith.select %gt3A_502, %add3A_499, %mul3A_505 : vector<16xi1>, vector<16xf32>
        %sub3A_507 = arith.subf %select_n3A_506, %get3A_7 : vector<16xf32>
        %exp3A_508 = math.exp %sub3A_507 : vector<16xf32>
        %add3A_509 = vector.broadcast %mul3A_76 : i32 to vector<16xi32>
        %add3A_510 = arith.addi %add3A_509, %add3A_493 : vector<16xi32>
        %gather3A_511 = tpu.vector_load_idx %arg13[%add3A_510] : memref<2064xi32, #tpu.memory_space<vmem>>[vector<16xi32>], vector<16xi32>,
        %sub3A_512 = vector.broadcast %mul3A_2 : i32 to vector<16xi32>
        %sub3A_513 = arith.subi %gather3A_511, %sub3A_512 : vector<16xi32>
        %jit3A_514 = arith.constant 0 : i32
        %jit3A_515 = arith.constant 319 : i32
        %max3A_516 = vector.broadcast %jit3A_514 : i32 to vector<16xi32>
        %max3A_517 = arith.maxsi %max3A_516, %sub3A_513 : vector<16xi32>
        %min3A_518 = vector.broadcast %jit3A_515 : i32 to vector<16xi32>
        %min3A_519 = arith.minsi %min3A_518, %max3A_517 : vector<16xi32>
        %gather3A_520 = tpu.vector_load_idx %arg18[%min3A_519, %and3A_6] : memref<320x4xf32, #tpu.memory_space<vmem>>[vector<16xi32>, vector<16xi32>], vector<16xf32>,
        %add3A_521 = arith.constant 1.000000e-16 : f32
        %add3A_522 = vector.broadcast %add3A_521 : f32 to vector<16xf32>
        %add3A_523 = arith.addf %gather3A_520, %add3A_522 : vector<16xf32>
        %div3A_524 = arith.divf %exp3A_508, %add3A_523 : vector<16xf32>
        %swap3A_525 = arith.constant 176 : index
        %swap3A_526 = tpu.vector_load %arg17[%swap3A_525] {strides = array<i32>} : memref<256xf32, #tpu.memory_space<vmem>>, vector<16xf32>,
        tpu.vector_store %arg17[%swap3A_525], %div3A_524 {strides = array<i32>} : memref<256xf32, #tpu.memory_space<vmem>>, vector<16xf32>,
        %add3A_527 = arith.constant 48 : i32
        %add3A_528 = vector.broadcast %add3A_527 : i32 to vector<16xi32>
        %add3A_529 = arith.addi %shift_right_logical3A_4, %add3A_528 : vector<16xi32>
        %gather3A_530 = tpu.vector_load_idx %arg14[%add3A_529, %and3A_6] : memref<64x8xf32, #tpu.memory_space<vmem>>[vector<16xi32>, vector<16xi32>], vector<16xf32>,
        %add3A_531 = arith.constant 4 : i32
        %add3A_532 = vector.broadcast %add3A_531 : i32 to vector<16xi32>
        %add3A_533 = arith.addi %and3A_6, %add3A_532 : vector<16xi32>
        %gather3A_534 = tpu.vector_load_idx %arg15[%add3A_529, %add3A_533] : memref<64x8xf32, #tpu.memory_space<vmem>>[vector<16xi32>, vector<16xi32>], vector<16xf32>,
        %add3A_535 = arith.addf %gather3A_530, %gather3A_534 : vector<16xf32>
        %gt3A_536 = arith.constant 0.000000e+00 : f32
        %gt3A_537 = vector.broadcast %gt3A_536 : f32 to vector<16xf32>
        %gt3A_538 = arith.cmpf ogt, %add3A_535, %gt3A_537 : vector<16xf32>
        %mul3A_539 = arith.constant 2.000000e-01 : f32
        %mul3A_540 = vector.broadcast %mul3A_539 : f32 to vector<16xf32>
        %mul3A_541 = arith.mulf %mul3A_540, %add3A_535 : vector<16xf32>
        %select_n3A_542 = arith.select %gt3A_538, %add3A_535, %mul3A_541 : vector<16xi1>, vector<16xf32>
        %sub3A_543 = arith.subf %select_n3A_542, %get3A_7 : vector<16xf32>
        %exp3A_544 = math.exp %sub3A_543 : vector<16xf32>
        %add3A_545 = vector.broadcast %mul3A_76 : i32 to vector<16xi32>
        %add3A_546 = arith.addi %add3A_545, %add3A_529 : vector<16xi32>
        %gather3A_547 = tpu.vector_load_idx %arg13[%add3A_546] : memref<2064xi32, #tpu.memory_space<vmem>>[vector<16xi32>], vector<16xi32>,
        %sub3A_548 = vector.broadcast %mul3A_2 : i32 to vector<16xi32>
        %sub3A_549 = arith.subi %gather3A_547, %sub3A_548 : vector<16xi32>
        %jit3A_550 = arith.constant 0 : i32
        %jit3A_551 = arith.constant 319 : i32
        %max3A_552 = vector.broadcast %jit3A_550 : i32 to vector<16xi32>
        %max3A_553 = arith.maxsi %max3A_552, %sub3A_549 : vector<16xi32>
        %min3A_554 = vector.broadcast %jit3A_551 : i32 to vector<16xi32>
        %min3A_555 = arith.minsi %min3A_554, %max3A_553 : vector<16xi32>
        %gather3A_556 = tpu.vector_load_idx %arg18[%min3A_555, %and3A_6] : memref<320x4xf32, #tpu.memory_space<vmem>>[vector<16xi32>, vector<16xi32>], vector<16xf32>,
        %add3A_557 = arith.constant 1.000000e-16 : f32
        %add3A_558 = vector.broadcast %add3A_557 : f32 to vector<16xf32>
        %add3A_559 = arith.addf %gather3A_556, %add3A_558 : vector<16xf32>
        %div3A_560 = arith.divf %exp3A_544, %add3A_559 : vector<16xf32>
        %swap3A_561 = arith.constant 192 : index
        %swap3A_562 = tpu.vector_load %arg17[%swap3A_561] {strides = array<i32>} : memref<256xf32, #tpu.memory_space<vmem>>, vector<16xf32>,
        tpu.vector_store %arg17[%swap3A_561], %div3A_560 {strides = array<i32>} : memref<256xf32, #tpu.memory_space<vmem>>, vector<16xf32>,
        %add3A_563 = arith.constant 52 : i32
        %add3A_564 = vector.broadcast %add3A_563 : i32 to vector<16xi32>
        %add3A_565 = arith.addi %shift_right_logical3A_4, %add3A_564 : vector<16xi32>
        %gather3A_566 = tpu.vector_load_idx %arg14[%add3A_565, %and3A_6] : memref<64x8xf32, #tpu.memory_space<vmem>>[vector<16xi32>, vector<16xi32>], vector<16xf32>,
        %add3A_567 = arith.constant 4 : i32
        %add3A_568 = vector.broadcast %add3A_567 : i32 to vector<16xi32>
        %add3A_569 = arith.addi %and3A_6, %add3A_568 : vector<16xi32>
        %gather3A_570 = tpu.vector_load_idx %arg15[%add3A_565, %add3A_569] : memref<64x8xf32, #tpu.memory_space<vmem>>[vector<16xi32>, vector<16xi32>], vector<16xf32>,
        %add3A_571 = arith.addf %gather3A_566, %gather3A_570 : vector<16xf32>
        %gt3A_572 = arith.constant 0.000000e+00 : f32
        %gt3A_573 = vector.broadcast %gt3A_572 : f32 to vector<16xf32>
        %gt3A_574 = arith.cmpf ogt, %add3A_571, %gt3A_573 : vector<16xf32>
        %mul3A_575 = arith.constant 2.000000e-01 : f32
        %mul3A_576 = vector.broadcast %mul3A_575 : f32 to vector<16xf32>
        %mul3A_577 = arith.mulf %mul3A_576, %add3A_571 : vector<16xf32>
        %select_n3A_578 = arith.select %gt3A_574, %add3A_571, %mul3A_577 : vector<16xi1>, vector<16xf32>
        %sub3A_579 = arith.subf %select_n3A_578, %get3A_7 : vector<16xf32>
        %exp3A_580 = math.exp %sub3A_579 : vector<16xf32>
        %add3A_581 = vector.broadcast %mul3A_76 : i32 to vector<16xi32>
        %add3A_582 = arith.addi %add3A_581, %add3A_565 : vector<16xi32>
        %gather3A_583 = tpu.vector_load_idx %arg13[%add3A_582] : memref<2064xi32, #tpu.memory_space<vmem>>[vector<16xi32>], vector<16xi32>,
        %sub3A_584 = vector.broadcast %mul3A_2 : i32 to vector<16xi32>
        %sub3A_585 = arith.subi %gather3A_583, %sub3A_584 : vector<16xi32>
        %jit3A_586 = arith.constant 0 : i32
        %jit3A_587 = arith.constant 319 : i32
        %max3A_588 = vector.broadcast %jit3A_586 : i32 to vector<16xi32>
        %max3A_589 = arith.maxsi %max3A_588, %sub3A_585 : vector<16xi32>
        %min3A_590 = vector.broadcast %jit3A_587 : i32 to vector<16xi32>
        %min3A_591 = arith.minsi %min3A_590, %max3A_589 : vector<16xi32>
        %gather3A_592 = tpu.vector_load_idx %arg18[%min3A_591, %and3A_6] : memref<320x4xf32, #tpu.memory_space<vmem>>[vector<16xi32>, vector<16xi32>], vector<16xf32>,
        %add3A_593 = arith.constant 1.000000e-16 : f32
        %add3A_594 = vector.broadcast %add3A_593 : f32 to vector<16xf32>
        %add3A_595 = arith.addf %gather3A_592, %add3A_594 : vector<16xf32>
        %div3A_596 = arith.divf %exp3A_580, %add3A_595 : vector<16xf32>
        %swap3A_597 = arith.constant 208 : index
        %swap3A_598 = tpu.vector_load %arg17[%swap3A_597] {strides = array<i32>} : memref<256xf32, #tpu.memory_space<vmem>>, vector<16xf32>,
        tpu.vector_store %arg17[%swap3A_597], %div3A_596 {strides = array<i32>} : memref<256xf32, #tpu.memory_space<vmem>>, vector<16xf32>,
        %add3A_599 = arith.constant 56 : i32
        %add3A_600 = vector.broadcast %add3A_599 : i32 to vector<16xi32>
        %add3A_601 = arith.addi %shift_right_logical3A_4, %add3A_600 : vector<16xi32>
        %gather3A_602 = tpu.vector_load_idx %arg14[%add3A_601, %and3A_6] : memref<64x8xf32, #tpu.memory_space<vmem>>[vector<16xi32>, vector<16xi32>], vector<16xf32>,
        %add3A_603 = arith.constant 4 : i32
        %add3A_604 = vector.broadcast %add3A_603 : i32 to vector<16xi32>
        %add3A_605 = arith.addi %and3A_6, %add3A_604 : vector<16xi32>
        %gather3A_606 = tpu.vector_load_idx %arg15[%add3A_601, %add3A_605] : memref<64x8xf32, #tpu.memory_space<vmem>>[vector<16xi32>, vector<16xi32>], vector<16xf32>,
        %add3A_607 = arith.addf %gather3A_602, %gather3A_606 : vector<16xf32>
        %gt3A_608 = arith.constant 0.000000e+00 : f32
        %gt3A_609 = vector.broadcast %gt3A_608 : f32 to vector<16xf32>
        %gt3A_610 = arith.cmpf ogt, %add3A_607, %gt3A_609 : vector<16xf32>
        %mul3A_611 = arith.constant 2.000000e-01 : f32
        %mul3A_612 = vector.broadcast %mul3A_611 : f32 to vector<16xf32>
        %mul3A_613 = arith.mulf %mul3A_612, %add3A_607 : vector<16xf32>
        %select_n3A_614 = arith.select %gt3A_610, %add3A_607, %mul3A_613 : vector<16xi1>, vector<16xf32>
        %sub3A_615 = arith.subf %select_n3A_614, %get3A_7 : vector<16xf32>
        %exp3A_616 = math.exp %sub3A_615 : vector<16xf32>
        %add3A_617 = vector.broadcast %mul3A_76 : i32 to vector<16xi32>
        %add3A_618 = arith.addi %add3A_617, %add3A_601 : vector<16xi32>
        %gather3A_619 = tpu.vector_load_idx %arg13[%add3A_618] : memref<2064xi32, #tpu.memory_space<vmem>>[vector<16xi32>], vector<16xi32>,
        %sub3A_620 = vector.broadcast %mul3A_2 : i32 to vector<16xi32>
        %sub3A_621 = arith.subi %gather3A_619, %sub3A_620 : vector<16xi32>
        %jit3A_622 = arith.constant 0 : i32
        %jit3A_623 = arith.constant 319 : i32
        %max3A_624 = vector.broadcast %jit3A_622 : i32 to vector<16xi32>
        %max3A_625 = arith.maxsi %max3A_624, %sub3A_621 : vector<16xi32>
        %min3A_626 = vector.broadcast %jit3A_623 : i32 to vector<16xi32>
        %min3A_627 = arith.minsi %min3A_626, %max3A_625 : vector<16xi32>
        %gather3A_628 = tpu.vector_load_idx %arg18[%min3A_627, %and3A_6] : memref<320x4xf32, #tpu.memory_space<vmem>>[vector<16xi32>, vector<16xi32>], vector<16xf32>,
        %add3A_629 = arith.constant 1.000000e-16 : f32
        %add3A_630 = vector.broadcast %add3A_629 : f32 to vector<16xf32>
        %add3A_631 = arith.addf %gather3A_628, %add3A_630 : vector<16xf32>
        %div3A_632 = arith.divf %exp3A_616, %add3A_631 : vector<16xf32>
        %swap3A_633 = arith.constant 224 : index
        %swap3A_634 = tpu.vector_load %arg17[%swap3A_633] {strides = array<i32>} : memref<256xf32, #tpu.memory_space<vmem>>, vector<16xf32>,
        tpu.vector_store %arg17[%swap3A_633], %div3A_632 {strides = array<i32>} : memref<256xf32, #tpu.memory_space<vmem>>, vector<16xf32>,
        %add3A_635 = arith.constant 60 : i32
        %add3A_636 = vector.broadcast %add3A_635 : i32 to vector<16xi32>
        %add3A_637 = arith.addi %shift_right_logical3A_4, %add3A_636 : vector<16xi32>
        %gather3A_638 = tpu.vector_load_idx %arg14[%add3A_637, %and3A_6] : memref<64x8xf32, #tpu.memory_space<vmem>>[vector<16xi32>, vector<16xi32>], vector<16xf32>,
        %add3A_639 = arith.constant 4 : i32
        %add3A_640 = vector.broadcast %add3A_639 : i32 to vector<16xi32>
        %add3A_641 = arith.addi %and3A_6, %add3A_640 : vector<16xi32>
        %gather3A_642 = tpu.vector_load_idx %arg15[%add3A_637, %add3A_641] : memref<64x8xf32, #tpu.memory_space<vmem>>[vector<16xi32>, vector<16xi32>], vector<16xf32>,
        %add3A_643 = arith.addf %gather3A_638, %gather3A_642 : vector<16xf32>
        %gt3A_644 = arith.constant 0.000000e+00 : f32
        %gt3A_645 = vector.broadcast %gt3A_644 : f32 to vector<16xf32>
        %gt3A_646 = arith.cmpf ogt, %add3A_643, %gt3A_645 : vector<16xf32>
        %mul3A_647 = arith.constant 2.000000e-01 : f32
        %mul3A_648 = vector.broadcast %mul3A_647 : f32 to vector<16xf32>
        %mul3A_649 = arith.mulf %mul3A_648, %add3A_643 : vector<16xf32>
        %select_n3A_650 = arith.select %gt3A_646, %add3A_643, %mul3A_649 : vector<16xi1>, vector<16xf32>
        %sub3A_651 = arith.subf %select_n3A_650, %get3A_7 : vector<16xf32>
        %exp3A_652 = math.exp %sub3A_651 : vector<16xf32>
        %add3A_653 = vector.broadcast %mul3A_76 : i32 to vector<16xi32>
        %add3A_654 = arith.addi %add3A_653, %add3A_637 : vector<16xi32>
        %gather3A_655 = tpu.vector_load_idx %arg13[%add3A_654] : memref<2064xi32, #tpu.memory_space<vmem>>[vector<16xi32>], vector<16xi32>,
        %sub3A_656 = vector.broadcast %mul3A_2 : i32 to vector<16xi32>
        %sub3A_657 = arith.subi %gather3A_655, %sub3A_656 : vector<16xi32>
        %jit3A_658 = arith.constant 0 : i32
        %jit3A_659 = arith.constant 319 : i32
        %max3A_660 = vector.broadcast %jit3A_658 : i32 to vector<16xi32>
        %max3A_661 = arith.maxsi %max3A_660, %sub3A_657 : vector<16xi32>
        %min3A_662 = vector.broadcast %jit3A_659 : i32 to vector<16xi32>
        %min3A_663 = arith.minsi %min3A_662, %max3A_661 : vector<16xi32>
        %gather3A_664 = tpu.vector_load_idx %arg18[%min3A_663, %and3A_6] : memref<320x4xf32, #tpu.memory_space<vmem>>[vector<16xi32>, vector<16xi32>], vector<16xf32>,
        %add3A_665 = arith.constant 1.000000e-16 : f32
        %add3A_666 = vector.broadcast %add3A_665 : f32 to vector<16xf32>
        %add3A_667 = arith.addf %gather3A_664, %add3A_666 : vector<16xf32>
        %div3A_668 = arith.divf %exp3A_652, %add3A_667 : vector<16xf32>
        %swap3A_669 = arith.constant 240 : index
        %swap3A_670 = tpu.vector_load %arg17[%swap3A_669] {strides = array<i32>} : memref<256xf32, #tpu.memory_space<vmem>>, vector<16xf32>,
        tpu.vector_store %arg17[%swap3A_669], %div3A_668 {strides = array<i32>} : memref<256xf32, #tpu.memory_space<vmem>>, vector<16xf32>,
        %scan3A_671 = arith.constant 0 : i32
        %scan3A_672 = arith.constant 0 : i32
        %scan3A_673 = arith.constant 64 : i32
        %scan3A_674 = arith.addi %scan3A_672, %scan3A_673 : i32
        %scan3A_675 = arith.constant 1 : i32
        scf.for %scan3A_677 = %scan3A_672 to %scan3A_674 step %scan3A_675  : i32 {
          %add3A_678 = arith.addi %mul3A_76, %scan3A_677 : i32
          %lt3A = arith.cmpi slt, %add3A_678, %scan3A_42 : i32
          %convert_element_type3A = arith.extui %lt3A : i1 to i32
          %cond3A = arith.constant 0 : i32
          %cond3A_679 = arith.cmpi ne, %convert_element_type3A, %cond3A : i32
          scf.if %cond3A_679 {
            %broadcast_in_dim3A = vector.broadcast %add3A_678 : i32 to vector<16xi32>
            %gather3A_680 = tpu.vector_load_idx %arg13[%broadcast_in_dim3A] : memref<2064xi32, #tpu.memory_space<vmem>>[vector<16xi32>], vector<16xi32>,
            %reduce_max3A = arith.constant true
            %reduce_max3A_681 = vector.broadcast %reduce_max3A : i1 to vector<16xi1>
            %reduce_max3A_682 = arith.constant -2147483648 : i32
            %reduce_max3A_683 = vector.broadcast %reduce_max3A_682 : i32 to vector<16xi32>
            %reduce_max3A_684 = arith.xori %gather3A_680, %reduce_max3A_683 : vector<16xi32>
            %reduce_max3A_685 = tpu.scan <max>, %reduce_max3A_684 masked %reduce_max3A_681 : vector<16xi32>, vector<16xi1> -> vector<16xi32>
            %reduce_max3A_686 = arith.xori %reduce_max3A_685, %reduce_max3A_683 : vector<16xi32>
            %reduce_max3A_687 = vector.extract %reduce_max3A_686[15] : i32 from vector<16xi32>
            %sub3A_688 = arith.subi %reduce_max3A_687, %mul3A_2 : i32
            %mul3A_689 = arith.constant 4 : i32
            %mul3A_690 = arith.muli %scan3A_677, %mul3A_689 : i32
            %add3A_691 = arith.constant 0 : i32
            %add3A_692 = arith.addi %mul3A_690, %add3A_691 : i32
            %broadcast_in_dim3A_693 = vector.broadcast %add3A_692 : i32 to vector<16xi32>
            %gather3A_694 = tpu.vector_load_idx %arg17[%broadcast_in_dim3A_693] : memref<256xf32, #tpu.memory_space<vmem>>[vector<16xi32>], vector<16xf32>,
            %mul3A_695 = arith.constant 4 : i32
            %mul3A_696 = arith.muli %scan3A_677, %mul3A_695 : i32
            %add3A_697 = arith.constant 1 : i32
            %add3A_698 = arith.addi %mul3A_696, %add3A_697 : i32
            %broadcast_in_dim3A_699 = vector.broadcast %add3A_698 : i32 to vector<16xi32>
            %gather3A_700 = tpu.vector_load_idx %arg17[%broadcast_in_dim3A_699] : memref<256xf32, #tpu.memory_space<vmem>>[vector<16xi32>], vector<16xf32>,
            %mul3A_701 = arith.constant 4 : i32
            %mul3A_702 = arith.muli %scan3A_677, %mul3A_701 : i32
            %add3A_703 = arith.constant 2 : i32
            %add3A_704 = arith.addi %mul3A_702, %add3A_703 : i32
            %broadcast_in_dim3A_705 = vector.broadcast %add3A_704 : i32 to vector<16xi32>
            %gather3A_706 = tpu.vector_load_idx %arg17[%broadcast_in_dim3A_705] : memref<256xf32, #tpu.memory_space<vmem>>[vector<16xi32>], vector<16xf32>,
            %mul3A_707 = arith.constant 4 : i32
            %mul3A_708 = arith.muli %scan3A_677, %mul3A_707 : i32
            %add3A_709 = arith.constant 3 : i32
            %add3A_710 = arith.addi %mul3A_708, %add3A_709 : i32
            %broadcast_in_dim3A_711 = vector.broadcast %add3A_710 : i32 to vector<16xi32>
            %gather3A_712 = tpu.vector_load_idx %arg17[%broadcast_in_dim3A_711] : memref<256xf32, #tpu.memory_space<vmem>>[vector<16xi32>], vector<16xf32>,
            %get3A_713 = arith.index_cast %scan3A_677 : i32 to index
            %get3A_714 = arith.constant 0 : index
            %get3A_715 = tpu.vector_load %arg16[%get3A_713, %get3A_714] {strides = array<i32>} : memref<64x512xf32, #tpu.memory_space<vmem>>, vector<16xf32>,
            %mul3A_716 = arith.mulf %gather3A_694, %get3A_715 : vector<16xf32>
            %get3A_717 = arith.index_cast %scan3A_677 : i32 to index
            %get3A_718 = arith.constant 128 : index
            %get3A_719 = tpu.vector_load %arg16[%get3A_717, %get3A_718] {strides = array<i32>} : memref<64x512xf32, #tpu.memory_space<vmem>>, vector<16xf32>,
            %mul3A_720 = arith.mulf %gather3A_700, %get3A_719 : vector<16xf32>
            %add3A_721 = arith.addf %mul3A_716, %mul3A_720 : vector<16xf32>
            %get3A_722 = arith.index_cast %scan3A_677 : i32 to index
            %get3A_723 = arith.constant 256 : index
            %get3A_724 = tpu.vector_load %arg16[%get3A_722, %get3A_723] {strides = array<i32>} : memref<64x512xf32, #tpu.memory_space<vmem>>, vector<16xf32>,
            %mul3A_725 = arith.mulf %gather3A_706, %get3A_724 : vector<16xf32>
            %add3A_726 = arith.addf %add3A_721, %mul3A_725 : vector<16xf32>
            %get3A_727 = arith.index_cast %scan3A_677 : i32 to index
            %get3A_728 = arith.constant 384 : index
            %get3A_729 = tpu.vector_load %arg16[%get3A_727, %get3A_728] {strides = array<i32>} : memref<64x512xf32, #tpu.memory_space<vmem>>, vector<16xf32>,
            %mul3A_730 = arith.mulf %gather3A_712, %get3A_729 : vector<16xf32>
            %add3A_731 = arith.addf %add3A_726, %mul3A_730 : vector<16xf32>
            %get3A_732 = arith.index_cast %sub3A_688 : i32 to index
            %get3A_733 = arith.constant 0 : index
            %get3A_734 = tpu.vector_load %arg19[%get3A_732, %get3A_733] {strides = array<i32>} : memref<320x128xf32, #tpu.memory_space<vmem>>, vector<16xf32>,
            %add3A_735 = arith.addf %get3A_734, %add3A_731 : vector<16xf32>
            %swap3A_736 = arith.index_cast %sub3A_688 : i32 to index
            %swap3A_737 = arith.constant 0 : index
            %swap3A_738 = tpu.vector_load %arg19[%swap3A_736, %swap3A_737] {strides = array<i32>} : memref<320x128xf32, #tpu.memory_space<vmem>>, vector<16xf32>,
            tpu.vector_store %arg19[%swap3A_736, %swap3A_737], %add3A_735 {strides = array<i32>} : memref<320x128xf32, #tpu.memory_space<vmem>>, vector<16xf32>,
            %get3A_739 = arith.index_cast %scan3A_677 : i32 to index
            %get3A_740 = arith.constant 16 : index
            %get3A_741 = tpu.vector_load %arg16[%get3A_739, %get3A_740] {strides = array<i32>} : memref<64x512xf32, #tpu.memory_space<vmem>>, vector<16xf32>,
            %mul3A_742 = arith.mulf %gather3A_694, %get3A_741 : vector<16xf32>
            %get3A_743 = arith.index_cast %scan3A_677 : i32 to index
            %get3A_744 = arith.constant 144 : index
            %get3A_745 = tpu.vector_load %arg16[%get3A_743, %get3A_744] {strides = array<i32>} : memref<64x512xf32, #tpu.memory_space<vmem>>, vector<16xf32>,
            %mul3A_746 = arith.mulf %gather3A_700, %get3A_745 : vector<16xf32>
            %add3A_747 = arith.addf %mul3A_742, %mul3A_746 : vector<16xf32>
            %get3A_748 = arith.index_cast %scan3A_677 : i32 to index
            %get3A_749 = arith.constant 272 : index
            %get3A_750 = tpu.vector_load %arg16[%get3A_748, %get3A_749] {strides = array<i32>} : memref<64x512xf32, #tpu.memory_space<vmem>>, vector<16xf32>,
            %mul3A_751 = arith.mulf %gather3A_706, %get3A_750 : vector<16xf32>
            %add3A_752 = arith.addf %add3A_747, %mul3A_751 : vector<16xf32>
            %get3A_753 = arith.index_cast %scan3A_677 : i32 to index
            %get3A_754 = arith.constant 400 : index
            %get3A_755 = tpu.vector_load %arg16[%get3A_753, %get3A_754] {strides = array<i32>} : memref<64x512xf32, #tpu.memory_space<vmem>>, vector<16xf32>,
            %mul3A_756 = arith.mulf %gather3A_712, %get3A_755 : vector<16xf32>
            %add3A_757 = arith.addf %add3A_752, %mul3A_756 : vector<16xf32>
            %get3A_758 = arith.index_cast %sub3A_688 : i32 to index
            %get3A_759 = arith.constant 16 : index
            %get3A_760 = tpu.vector_load %arg19[%get3A_758, %get3A_759] {strides = array<i32>} : memref<320x128xf32, #tpu.memory_space<vmem>>, vector<16xf32>,
            %add3A_761 = arith.addf %get3A_760, %add3A_757 : vector<16xf32>
            %swap3A_762 = arith.index_cast %sub3A_688 : i32 to index
            %swap3A_763 = arith.constant 16 : index
            %swap3A_764 = tpu.vector_load %arg19[%swap3A_762, %swap3A_763] {strides = array<i32>} : memref<320x128xf32, #tpu.memory_space<vmem>>, vector<16xf32>,
            tpu.vector_store %arg19[%swap3A_762, %swap3A_763], %add3A_761 {strides = array<i32>} : memref<320x128xf32, #tpu.memory_space<vmem>>, vector<16xf32>,
            %get3A_765 = arith.index_cast %scan3A_677 : i32 to index
            %get3A_766 = arith.constant 32 : index
            %get3A_767 = tpu.vector_load %arg16[%get3A_765, %get3A_766] {strides = array<i32>} : memref<64x512xf32, #tpu.memory_space<vmem>>, vector<16xf32>,
            %mul3A_768 = arith.mulf %gather3A_694, %get3A_767 : vector<16xf32>
            %get3A_769 = arith.index_cast %scan3A_677 : i32 to index
            %get3A_770 = arith.constant 160 : index
            %get3A_771 = tpu.vector_load %arg16[%get3A_769, %get3A_770] {strides = array<i32>} : memref<64x512xf32, #tpu.memory_space<vmem>>, vector<16xf32>,
            %mul3A_772 = arith.mulf %gather3A_700, %get3A_771 : vector<16xf32>
            %add3A_773 = arith.addf %mul3A_768, %mul3A_772 : vector<16xf32>
            %get3A_774 = arith.index_cast %scan3A_677 : i32 to index
            %get3A_775 = arith.constant 288 : index
            %get3A_776 = tpu.vector_load %arg16[%get3A_774, %get3A_775] {strides = array<i32>} : memref<64x512xf32, #tpu.memory_space<vmem>>, vector<16xf32>,
            %mul3A_777 = arith.mulf %gather3A_706, %get3A_776 : vector<16xf32>
            %add3A_778 = arith.addf %add3A_773, %mul3A_777 : vector<16xf32>
            %get3A_779 = arith.index_cast %scan3A_677 : i32 to index
            %get3A_780 = arith.constant 416 : index
            %get3A_781 = tpu.vector_load %arg16[%get3A_779, %get3A_780] {strides = array<i32>} : memref<64x512xf32, #tpu.memory_space<vmem>>, vector<16xf32>,
            %mul3A_782 = arith.mulf %gather3A_712, %get3A_781 : vector<16xf32>
            %add3A_783 = arith.addf %add3A_778, %mul3A_782 : vector<16xf32>
            %get3A_784 = arith.index_cast %sub3A_688 : i32 to index
            %get3A_785 = arith.constant 32 : index
            %get3A_786 = tpu.vector_load %arg19[%get3A_784, %get3A_785] {strides = array<i32>} : memref<320x128xf32, #tpu.memory_space<vmem>>, vector<16xf32>,
            %add3A_787 = arith.addf %get3A_786, %add3A_783 : vector<16xf32>
            %swap3A_788 = arith.index_cast %sub3A_688 : i32 to index
            %swap3A_789 = arith.constant 32 : index
            %swap3A_790 = tpu.vector_load %arg19[%swap3A_788, %swap3A_789] {strides = array<i32>} : memref<320x128xf32, #tpu.memory_space<vmem>>, vector<16xf32>,
            tpu.vector_store %arg19[%swap3A_788, %swap3A_789], %add3A_787 {strides = array<i32>} : memref<320x128xf32, #tpu.memory_space<vmem>>, vector<16xf32>,
            %get3A_791 = arith.index_cast %scan3A_677 : i32 to index
            %get3A_792 = arith.constant 48 : index
            %get3A_793 = tpu.vector_load %arg16[%get3A_791, %get3A_792] {strides = array<i32>} : memref<64x512xf32, #tpu.memory_space<vmem>>, vector<16xf32>,
            %mul3A_794 = arith.mulf %gather3A_694, %get3A_793 : vector<16xf32>
            %get3A_795 = arith.index_cast %scan3A_677 : i32 to index
            %get3A_796 = arith.constant 176 : index
            %get3A_797 = tpu.vector_load %arg16[%get3A_795, %get3A_796] {strides = array<i32>} : memref<64x512xf32, #tpu.memory_space<vmem>>, vector<16xf32>,
            %mul3A_798 = arith.mulf %gather3A_700, %get3A_797 : vector<16xf32>
            %add3A_799 = arith.addf %mul3A_794, %mul3A_798 : vector<16xf32>
            %get3A_800 = arith.index_cast %scan3A_677 : i32 to index
            %get3A_801 = arith.constant 304 : index
            %get3A_802 = tpu.vector_load %arg16[%get3A_800, %get3A_801] {strides = array<i32>} : memref<64x512xf32, #tpu.memory_space<vmem>>, vector<16xf32>,
            %mul3A_803 = arith.mulf %gather3A_706, %get3A_802 : vector<16xf32>
            %add3A_804 = arith.addf %add3A_799, %mul3A_803 : vector<16xf32>
            %get3A_805 = arith.index_cast %scan3A_677 : i32 to index
            %get3A_806 = arith.constant 432 : index
            %get3A_807 = tpu.vector_load %arg16[%get3A_805, %get3A_806] {strides = array<i32>} : memref<64x512xf32, #tpu.memory_space<vmem>>, vector<16xf32>,
            %mul3A_808 = arith.mulf %gather3A_712, %get3A_807 : vector<16xf32>
            %add3A_809 = arith.addf %add3A_804, %mul3A_808 : vector<16xf32>
            %get3A_810 = arith.index_cast %sub3A_688 : i32 to index
            %get3A_811 = arith.constant 48 : index
            %get3A_812 = tpu.vector_load %arg19[%get3A_810, %get3A_811] {strides = array<i32>} : memref<320x128xf32, #tpu.memory_space<vmem>>, vector<16xf32>,
            %add3A_813 = arith.addf %get3A_812, %add3A_809 : vector<16xf32>
            %swap3A_814 = arith.index_cast %sub3A_688 : i32 to index
            %swap3A_815 = arith.constant 48 : index
            %swap3A_816 = tpu.vector_load %arg19[%swap3A_814, %swap3A_815] {strides = array<i32>} : memref<320x128xf32, #tpu.memory_space<vmem>>, vector<16xf32>,
            tpu.vector_store %arg19[%swap3A_814, %swap3A_815], %add3A_813 {strides = array<i32>} : memref<320x128xf32, #tpu.memory_space<vmem>>, vector<16xf32>,
            %get3A_817 = arith.index_cast %scan3A_677 : i32 to index
            %get3A_818 = arith.constant 64 : index
            %get3A_819 = tpu.vector_load %arg16[%get3A_817, %get3A_818] {strides = array<i32>} : memref<64x512xf32, #tpu.memory_space<vmem>>, vector<16xf32>,
            %mul3A_820 = arith.mulf %gather3A_694, %get3A_819 : vector<16xf32>
            %get3A_821 = arith.index_cast %scan3A_677 : i32 to index
            %get3A_822 = arith.constant 192 : index
            %get3A_823 = tpu.vector_load %arg16[%get3A_821, %get3A_822] {strides = array<i32>} : memref<64x512xf32, #tpu.memory_space<vmem>>, vector<16xf32>,
            %mul3A_824 = arith.mulf %gather3A_700, %get3A_823 : vector<16xf32>
            %add3A_825 = arith.addf %mul3A_820, %mul3A_824 : vector<16xf32>
            %get3A_826 = arith.index_cast %scan3A_677 : i32 to index
            %get3A_827 = arith.constant 320 : index
            %get3A_828 = tpu.vector_load %arg16[%get3A_826, %get3A_827] {strides = array<i32>} : memref<64x512xf32, #tpu.memory_space<vmem>>, vector<16xf32>,
            %mul3A_829 = arith.mulf %gather3A_706, %get3A_828 : vector<16xf32>
            %add3A_830 = arith.addf %add3A_825, %mul3A_829 : vector<16xf32>
            %get3A_831 = arith.index_cast %scan3A_677 : i32 to index
            %get3A_832 = arith.constant 448 : index
            %get3A_833 = tpu.vector_load %arg16[%get3A_831, %get3A_832] {strides = array<i32>} : memref<64x512xf32, #tpu.memory_space<vmem>>, vector<16xf32>,
            %mul3A_834 = arith.mulf %gather3A_712, %get3A_833 : vector<16xf32>
            %add3A_835 = arith.addf %add3A_830, %mul3A_834 : vector<16xf32>
            %get3A_836 = arith.index_cast %sub3A_688 : i32 to index
            %get3A_837 = arith.constant 64 : index
            %get3A_838 = tpu.vector_load %arg19[%get3A_836, %get3A_837] {strides = array<i32>} : memref<320x128xf32, #tpu.memory_space<vmem>>, vector<16xf32>,
            %add3A_839 = arith.addf %get3A_838, %add3A_835 : vector<16xf32>
            %swap3A_840 = arith.index_cast %sub3A_688 : i32 to index
            %swap3A_841 = arith.constant 64 : index
            %swap3A_842 = tpu.vector_load %arg19[%swap3A_840, %swap3A_841] {strides = array<i32>} : memref<320x128xf32, #tpu.memory_space<vmem>>, vector<16xf32>,
            tpu.vector_store %arg19[%swap3A_840, %swap3A_841], %add3A_839 {strides = array<i32>} : memref<320x128xf32, #tpu.memory_space<vmem>>, vector<16xf32>,
            %get3A_843 = arith.index_cast %scan3A_677 : i32 to index
            %get3A_844 = arith.constant 80 : index
            %get3A_845 = tpu.vector_load %arg16[%get3A_843, %get3A_844] {strides = array<i32>} : memref<64x512xf32, #tpu.memory_space<vmem>>, vector<16xf32>,
            %mul3A_846 = arith.mulf %gather3A_694, %get3A_845 : vector<16xf32>
            %get3A_847 = arith.index_cast %scan3A_677 : i32 to index
            %get3A_848 = arith.constant 208 : index
            %get3A_849 = tpu.vector_load %arg16[%get3A_847, %get3A_848] {strides = array<i32>} : memref<64x512xf32, #tpu.memory_space<vmem>>, vector<16xf32>,
            %mul3A_850 = arith.mulf %gather3A_700, %get3A_849 : vector<16xf32>
            %add3A_851 = arith.addf %mul3A_846, %mul3A_850 : vector<16xf32>
            %get3A_852 = arith.index_cast %scan3A_677 : i32 to index
            %get3A_853 = arith.constant 336 : index
            %get3A_854 = tpu.vector_load %arg16[%get3A_852, %get3A_853] {strides = array<i32>} : memref<64x512xf32, #tpu.memory_space<vmem>>, vector<16xf32>,
            %mul3A_855 = arith.mulf %gather3A_706, %get3A_854 : vector<16xf32>
            %add3A_856 = arith.addf %add3A_851, %mul3A_855 : vector<16xf32>
            %get3A_857 = arith.index_cast %scan3A_677 : i32 to index
            %get3A_858 = arith.constant 464 : index
            %get3A_859 = tpu.vector_load %arg16[%get3A_857, %get3A_858] {strides = array<i32>} : memref<64x512xf32, #tpu.memory_space<vmem>>, vector<16xf32>,
            %mul3A_860 = arith.mulf %gather3A_712, %get3A_859 : vector<16xf32>
            %add3A_861 = arith.addf %add3A_856, %mul3A_860 : vector<16xf32>
            %get3A_862 = arith.index_cast %sub3A_688 : i32 to index
            %get3A_863 = arith.constant 80 : index
            %get3A_864 = tpu.vector_load %arg19[%get3A_862, %get3A_863] {strides = array<i32>} : memref<320x128xf32, #tpu.memory_space<vmem>>, vector<16xf32>,
            %add3A_865 = arith.addf %get3A_864, %add3A_861 : vector<16xf32>
            %swap3A_866 = arith.index_cast %sub3A_688 : i32 to index
            %swap3A_867 = arith.constant 80 : index
            %swap3A_868 = tpu.vector_load %arg19[%swap3A_866, %swap3A_867] {strides = array<i32>} : memref<320x128xf32, #tpu.memory_space<vmem>>, vector<16xf32>,
            tpu.vector_store %arg19[%swap3A_866, %swap3A_867], %add3A_865 {strides = array<i32>} : memref<320x128xf32, #tpu.memory_space<vmem>>, vector<16xf32>,
            %get3A_869 = arith.index_cast %scan3A_677 : i32 to index
            %get3A_870 = arith.constant 96 : index
            %get3A_871 = tpu.vector_load %arg16[%get3A_869, %get3A_870] {strides = array<i32>} : memref<64x512xf32, #tpu.memory_space<vmem>>, vector<16xf32>,
            %mul3A_872 = arith.mulf %gather3A_694, %get3A_871 : vector<16xf32>
            %get3A_873 = arith.index_cast %scan3A_677 : i32 to index
            %get3A_874 = arith.constant 224 : index
            %get3A_875 = tpu.vector_load %arg16[%get3A_873, %get3A_874] {strides = array<i32>} : memref<64x512xf32, #tpu.memory_space<vmem>>, vector<16xf32>,
            %mul3A_876 = arith.mulf %gather3A_700, %get3A_875 : vector<16xf32>
            %add3A_877 = arith.addf %mul3A_872, %mul3A_876 : vector<16xf32>
            %get3A_878 = arith.index_cast %scan3A_677 : i32 to index
            %get3A_879 = arith.constant 352 : index
            %get3A_880 = tpu.vector_load %arg16[%get3A_878, %get3A_879] {strides = array<i32>} : memref<64x512xf32, #tpu.memory_space<vmem>>, vector<16xf32>,
            %mul3A_881 = arith.mulf %gather3A_706, %get3A_880 : vector<16xf32>
            %add3A_882 = arith.addf %add3A_877, %mul3A_881 : vector<16xf32>
            %get3A_883 = arith.index_cast %scan3A_677 : i32 to index
            %get3A_884 = arith.constant 480 : index
            %get3A_885 = tpu.vector_load %arg16[%get3A_883, %get3A_884] {strides = array<i32>} : memref<64x512xf32, #tpu.memory_space<vmem>>, vector<16xf32>,
            %mul3A_886 = arith.mulf %gather3A_712, %get3A_885 : vector<16xf32>
            %add3A_887 = arith.addf %add3A_882, %mul3A_886 : vector<16xf32>
            %get3A_888 = arith.index_cast %sub3A_688 : i32 to index
            %get3A_889 = arith.constant 96 : index
            %get3A_890 = tpu.vector_load %arg19[%get3A_888, %get3A_889] {strides = array<i32>} : memref<320x128xf32, #tpu.memory_space<vmem>>, vector<16xf32>,
            %add3A_891 = arith.addf %get3A_890, %add3A_887 : vector<16xf32>
            %swap3A_892 = arith.index_cast %sub3A_688 : i32 to index
            %swap3A_893 = arith.constant 96 : index
            %swap3A_894 = tpu.vector_load %arg19[%swap3A_892, %swap3A_893] {strides = array<i32>} : memref<320x128xf32, #tpu.memory_space<vmem>>, vector<16xf32>,
            tpu.vector_store %arg19[%swap3A_892, %swap3A_893], %add3A_891 {strides = array<i32>} : memref<320x128xf32, #tpu.memory_space<vmem>>, vector<16xf32>,
            %get3A_895 = arith.index_cast %scan3A_677 : i32 to index
            %get3A_896 = arith.constant 112 : index
            %get3A_897 = tpu.vector_load %arg16[%get3A_895, %get3A_896] {strides = array<i32>} : memref<64x512xf32, #tpu.memory_space<vmem>>, vector<16xf32>,
            %mul3A_898 = arith.mulf %gather3A_694, %get3A_897 : vector<16xf32>
            %get3A_899 = arith.index_cast %scan3A_677 : i32 to index
            %get3A_900 = arith.constant 240 : index
            %get3A_901 = tpu.vector_load %arg16[%get3A_899, %get3A_900] {strides = array<i32>} : memref<64x512xf32, #tpu.memory_space<vmem>>, vector<16xf32>,
            %mul3A_902 = arith.mulf %gather3A_700, %get3A_901 : vector<16xf32>
            %add3A_903 = arith.addf %mul3A_898, %mul3A_902 : vector<16xf32>
            %get3A_904 = arith.index_cast %scan3A_677 : i32 to index
            %get3A_905 = arith.constant 368 : index
            %get3A_906 = tpu.vector_load %arg16[%get3A_904, %get3A_905] {strides = array<i32>} : memref<64x512xf32, #tpu.memory_space<vmem>>, vector<16xf32>,
            %mul3A_907 = arith.mulf %gather3A_706, %get3A_906 : vector<16xf32>
            %add3A_908 = arith.addf %add3A_903, %mul3A_907 : vector<16xf32>
            %get3A_909 = arith.index_cast %scan3A_677 : i32 to index
            %get3A_910 = arith.constant 496 : index
            %get3A_911 = tpu.vector_load %arg16[%get3A_909, %get3A_910] {strides = array<i32>} : memref<64x512xf32, #tpu.memory_space<vmem>>, vector<16xf32>,
            %mul3A_912 = arith.mulf %gather3A_712, %get3A_911 : vector<16xf32>
            %add3A_913 = arith.addf %add3A_908, %mul3A_912 : vector<16xf32>
            %get3A_914 = arith.index_cast %sub3A_688 : i32 to index
            %get3A_915 = arith.constant 112 : index
            %get3A_916 = tpu.vector_load %arg19[%get3A_914, %get3A_915] {strides = array<i32>} : memref<320x128xf32, #tpu.memory_space<vmem>>, vector<16xf32>,
            %add3A_917 = arith.addf %get3A_916, %add3A_913 : vector<16xf32>
            %swap3A_918 = arith.index_cast %sub3A_688 : i32 to index
            %swap3A_919 = arith.constant 112 : index
            %swap3A_920 = tpu.vector_load %arg19[%swap3A_918, %swap3A_919] {strides = array<i32>} : memref<320x128xf32, #tpu.memory_space<vmem>>, vector<16xf32>,
            tpu.vector_store %arg19[%swap3A_918, %swap3A_919], %add3A_917 {strides = array<i32>} : memref<320x128xf32, #tpu.memory_space<vmem>>, vector<16xf32>,
          } else {
          }
        }
        %scan3A_676 = arith.constant 64 : i32
      }
    }
    %scan3A_27 = arith.constant 157 : i32
    "tpu.region"() ({
      %run_scoped3A = tpu.sem_alloc : memref<!tpu.dma_semaphore, #tpu.memory_space<semaphore_mem>>
      %dma_start3A = arith.constant 0 : i32
      %dma_start3A_28 = tpu.memref_slice %arg9[%mul3A_2, %dma_start3A] : memref<10240x128xf32, #tpu.memory_space<hbm>> -> memref<320x128xf32, #tpu.memory_space<hbm>>
      %dma_start3A_29 = arith.constant 0 : i32
      %dma_start3A_30 = tpu.memref_slice %arg9[%mul3A_2, %dma_start3A_29] : memref<10240x128xf32, #tpu.memory_space<hbm>> -> memref<320x128xf32, #tpu.memory_space<hbm>>
      tpu.enqueue_dma source(%arg19 : memref<320x128xf32, #tpu.memory_space<vmem>>) target(%dma_start3A_30 : memref<320x128xf32, #tpu.memory_space<hbm>>) target_semaphore(%run_scoped3A : memref<!tpu.dma_semaphore, #tpu.memory_space<semaphore_mem>>)
      %dma_wait3A = arith.constant 0 : i32
      %dma_wait3A_31 = tpu.memref_slice %arg9[%mul3A_2, %dma_wait3A] : memref<10240x128xf32, #tpu.memory_space<hbm>> -> memref<320x128xf32, #tpu.memory_space<hbm>>
      %dma_wait3A_32 = arith.constant 0 : i32
      %dma_wait3A_33 = tpu.memref_slice %arg9[%mul3A_2, %dma_wait3A_32] : memref<10240x128xf32, #tpu.memory_space<hbm>> -> memref<320x128xf32, #tpu.memory_space<hbm>>
      tpu.wait_dma2 semaphore(%run_scoped3A : memref<!tpu.dma_semaphore, #tpu.memory_space<semaphore_mem>>) src(%arg19 : memref<320x128xf32, #tpu.memory_space<vmem>>) dst(%dma_wait3A_33 : memref<320x128xf32, #tpu.memory_space<hbm>>)
      tpu.yield
    }) : () -> ()
    return
  }
}

module attributes {stable_mosaic.version = 14 : i64} {
  func.func @_s1_body(%arg0: i32, %arg1: memref<400x128xf32, #tpu.memory_space<vmem>>, %arg2: memref<128x512xf32, #tpu.memory_space<vmem>>, %arg3: memref<512x8xf32, #tpu.memory_space<vmem>>, %arg4: memref<400x512xf32, #tpu.memory_space<vmem>>, %arg5: memref<400x8xf32, #tpu.memory_space<vmem>>) attributes {dimension_semantics = [#tpu.dimension_semantics<arbitrary>], iteration_bounds = array<i64: 25>, scalar_prefetch = 0 : i64, scratch_operands = 0 : i64, tpu.core_type = #tpu.core_type<tc>, window_params = [{transform_indices = @transform_0, window_bounds = array<i64: 400, 128>}, {pipeline_mode = #tpu.pipeline_mode<synchronous>, transform_indices = @transform_1, window_bounds = array<i64: 128, 512>}, {pipeline_mode = #tpu.pipeline_mode<synchronous>, transform_indices = @transform_2, window_bounds = array<i64: 512, 8>}, {transform_indices = @transform_3, window_bounds = array<i64: 400, 512>}, {transform_indices = @transform_4, window_bounds = array<i64: 400, 8>}]} {
    %get3A = arith.constant 0 : index
    %get3A_0 = arith.constant 0 : index
    %get3A_1 = vector.load %arg1[%get3A, %get3A_0] : memref<400x128xf32, #tpu.memory_space<vmem>>, vector<400x128xf32>
    %get3A_2 = arith.constant 0 : index
    %get3A_3 = arith.constant 0 : index
    %get3A_4 = vector.load %arg2[%get3A_2, %get3A_3] : memref<128x512xf32, #tpu.memory_space<vmem>>, vector<128x512xf32>
    %dot_general3A = arith.constant dense<0.000000e+00> : vector<400x512xf32>
    %dot_general3A_5 = tpu.matmul %get3A_1, %get3A_4, %dot_general3A {dimension_numbers = #tpu.dot_dimension_numbers<[1], [0], [0], [1], [0, 0, 1, 1], [], []>, transpose_lhs_hint = false} : vector<400x128xf32>, vector<128x512xf32>, vector<400x512xf32> -> vector<400x512xf32>
    %swap3A = arith.constant 0 : index
    %swap3A_6 = arith.constant 0 : index
    %swap3A_7 = vector.load %arg4[%swap3A, %swap3A_6] : memref<400x512xf32, #tpu.memory_space<vmem>>, vector<400x512xf32>
    tpu.vector_store %arg4[%swap3A, %swap3A_6], %dot_general3A_5 {strides = array<i32>} : memref<400x512xf32, #tpu.memory_space<vmem>>, vector<400x512xf32>,
    %get3A_8 = arith.constant 0 : index
    %get3A_9 = arith.constant 0 : index
    %get3A_10 = vector.load %arg3[%get3A_8, %get3A_9] : memref<512x8xf32, #tpu.memory_space<vmem>>, vector<512x8xf32>
    %dot_general3A_11 = arith.constant dense<0.000000e+00> : vector<400x8xf32>
    %dot_general3A_12 = tpu.matmul %dot_general3A_5, %get3A_10, %dot_general3A_11 {dimension_numbers = #tpu.dot_dimension_numbers<[1], [0], [0], [1], [0, 0, 1, 1], [], []>, transpose_lhs_hint = false} : vector<400x512xf32>, vector<512x8xf32>, vector<400x8xf32> -> vector<400x8xf32>
    %swap3A_13 = arith.constant 0 : index
    %swap3A_14 = arith.constant 0 : index
    %swap3A_15 = vector.load %arg5[%swap3A_13, %swap3A_14] : memref<400x8xf32, #tpu.memory_space<vmem>>, vector<400x8xf32>
    tpu.vector_store %arg5[%swap3A_13, %swap3A_14], %dot_general3A_12 {strides = array<i32>} : memref<400x8xf32, #tpu.memory_space<vmem>>, vector<400x8xf32>,
    return
  }
  func.func @transform_0(%arg0: i32) -> (i32, i32) {
    %c0_i32 = arith.constant 0 : i32
    %c0_i32_0 = arith.constant 0 : i32
    return %arg0, %c0_i32 : i32, i32
  }
  func.func @transform_1(%arg0: i32) -> (i32, i32) {
    %c0_i32 = arith.constant 0 : i32
    %c0_i32_0 = arith.constant 0 : i32
    %c0_i32_1 = arith.constant 0 : i32
    return %c0_i32, %c0_i32_0 : i32, i32
  }
  func.func @transform_2(%arg0: i32) -> (i32, i32) {
    %c0_i32 = arith.constant 0 : i32
    %c0_i32_0 = arith.constant 0 : i32
    %c0_i32_1 = arith.constant 0 : i32
    return %c0_i32, %c0_i32_0 : i32, i32
  }
  func.func @transform_3(%arg0: i32) -> (i32, i32) {
    %c0_i32 = arith.constant 0 : i32
    %c0_i32_0 = arith.constant 0 : i32
    return %arg0, %c0_i32 : i32, i32
  }
  func.func @transform_4(%arg0: i32) -> (i32, i32) {
    %c0_i32 = arith.constant 0 : i32
    %c0_i32_0 = arith.constant 0 : i32
    return %arg0, %c0_i32 : i32, i32
  }
}

module attributes {stable_mosaic.version = 14 : i64} {
  func.func @_s3_body(%arg0: i32, %arg1: memref<400x128xf32, #tpu.memory_space<vmem>>, %arg2: memref<400x768xf32, #tpu.memory_space<vmem>>, %arg3: memref<1x128xf32, #tpu.memory_space<vmem>>, %arg4: memref<128x128xf32, #tpu.memory_space<vmem>>, %arg5: memref<1x128xf32, #tpu.memory_space<vmem>>, %arg6: memref<768x128xf32, #tpu.memory_space<vmem>>, %arg7: memref<1x128xf32, #tpu.memory_space<vmem>>, %arg8: memref<768x128xf32, #tpu.memory_space<vmem>>, %arg9: memref<1x128xf32, #tpu.memory_space<vmem>>, %arg10: memref<128x128xf32, #tpu.memory_space<vmem>>, %arg11: memref<128x128xf32, #tpu.memory_space<vmem>>, %arg12: memref<1x128xf32, #tpu.memory_space<vmem>>, %arg13: memref<1x128xf32, #tpu.memory_space<vmem>>, %arg14: memref<1x128xf32, #tpu.memory_space<vmem>>, %arg15: memref<400x128xf32, #tpu.memory_space<vmem>>) attributes {dimension_semantics = [#tpu.dimension_semantics<arbitrary>], iteration_bounds = array<i64: 25>, scalar_prefetch = 0 : i64, scratch_operands = 0 : i64, tpu.core_type = #tpu.core_type<tc>, window_params = [{transform_indices = @transform_0, window_bounds = array<i64: 400, 128>}, {transform_indices = @transform_1, window_bounds = array<i64: 400, 768>}, {pipeline_mode = #tpu.pipeline_mode<synchronous>, transform_indices = @transform_2, window_bounds = array<i64: 1, 128>}, {pipeline_mode = #tpu.pipeline_mode<synchronous>, transform_indices = @transform_3, window_bounds = array<i64: 128, 128>}, {pipeline_mode = #tpu.pipeline_mode<synchronous>, transform_indices = @transform_4, window_bounds = array<i64: 1, 128>}, {pipeline_mode = #tpu.pipeline_mode<synchronous>, transform_indices = @transform_5, window_bounds = array<i64: 768, 128>}, {pipeline_mode = #tpu.pipeline_mode<synchronous>, transform_indices = @transform_6, window_bounds = array<i64: 1, 128>}, {pipeline_mode = #tpu.pipeline_mode<synchronous>, transform_indices = @transform_7, window_bounds = array<i64: 768, 128>}, {pipeline_mode = #tpu.pipeline_mode<synchronous>, transform_indices = @transform_8, window_bounds = array<i64: 1, 128>}, {pipeline_mode = #tpu.pipeline_mode<synchronous>, transform_indices = @transform_9, window_bounds = array<i64: 128, 128>}, {pipeline_mode = #tpu.pipeline_mode<synchronous>, transform_indices = @transform_10, window_bounds = array<i64: 128, 128>}, {pipeline_mode = #tpu.pipeline_mode<synchronous>, transform_indices = @transform_11, window_bounds = array<i64: 1, 128>}, {pipeline_mode = #tpu.pipeline_mode<synchronous>, transform_indices = @transform_12, window_bounds = array<i64: 1, 128>}, {pipeline_mode = #tpu.pipeline_mode<synchronous>, transform_indices = @transform_13, window_bounds = array<i64: 1, 128>}, {transform_indices = @transform_14, window_bounds = array<i64: 400, 128>}]} {
    %get3A = arith.constant 0 : index
    %get3A_0 = arith.constant 0 : index
    %get3A_1 = vector.load %arg1[%get3A, %get3A_0] : memref<400x128xf32, #tpu.memory_space<vmem>>, vector<400x128xf32>
    %mul3A = arith.constant 2.500000e-01 : f32
    %mul3A_2 = vector.broadcast %mul3A : f32 to vector<400x128xf32>
    %mul3A_3 = arith.mulf %get3A_1, %mul3A_2 : vector<400x128xf32>
    %get3A_4 = arith.constant 0 : index
    %get3A_5 = arith.constant 0 : index
    %get3A_6 = vector.load %arg3[%get3A_4, %get3A_5] : memref<1x128xf32, #tpu.memory_space<vmem>>, vector<1x128xf32>
    %add3A = vector.broadcast %get3A_6 : vector<1x128xf32> to vector<400x128xf32>
    %add3A_7 = arith.addf %mul3A_3, %add3A : vector<400x128xf32>
    %max3A = arith.constant 0.000000e+00 : f32
    %max3A_8 = vector.broadcast %max3A : f32 to vector<400x128xf32>
    %max3A_9 = arith.maximumf %add3A_7, %max3A_8 : vector<400x128xf32>
    %get3A_10 = arith.constant 0 : index
    %get3A_11 = arith.constant 0 : index
    %get3A_12 = vector.load %arg4[%get3A_10, %get3A_11] : memref<128x128xf32, #tpu.memory_space<vmem>>, vector<128x128xf32>
    %dot_general3A = arith.constant dense<0.000000e+00> : vector<400x128xf32>
    %dot_general3A_13 = tpu.matmul %max3A_9, %get3A_12, %dot_general3A {dimension_numbers = #tpu.dot_dimension_numbers<[1], [0], [0], [1], [0, 0, 1, 1], [], []>, transpose_lhs_hint = false} : vector<400x128xf32>, vector<128x128xf32>, vector<400x128xf32> -> vector<400x128xf32>
    %get3A_14 = arith.constant 0 : index
    %get3A_15 = arith.constant 0 : index
    %get3A_16 = vector.load %arg5[%get3A_14, %get3A_15] : memref<1x128xf32, #tpu.memory_space<vmem>>, vector<1x128xf32>
    %add3A_17 = vector.broadcast %get3A_16 : vector<1x128xf32> to vector<400x128xf32>
    %add3A_18 = arith.addf %dot_general3A_13, %add3A_17 : vector<400x128xf32>
    %get3A_19 = arith.constant 0 : index
    %get3A_20 = arith.constant 0 : index
    %get3A_21 = vector.load %arg2[%get3A_19, %get3A_20] : memref<400x768xf32, #tpu.memory_space<vmem>>, vector<400x768xf32>
    %get3A_22 = arith.constant 0 : index
    %get3A_23 = arith.constant 0 : index
    %get3A_24 = vector.load %arg6[%get3A_22, %get3A_23] : memref<768x128xf32, #tpu.memory_space<vmem>>, vector<768x128xf32>
    %dot_general3A_25 = arith.constant dense<0.000000e+00> : vector<400x128xf32>
    %dot_general3A_26 = tpu.matmul %get3A_21, %get3A_24, %dot_general3A_25 {dimension_numbers = #tpu.dot_dimension_numbers<[1], [0], [0], [1], [0, 0, 1, 1], [], []>, transpose_lhs_hint = false} : vector<400x768xf32>, vector<768x128xf32>, vector<400x128xf32> -> vector<400x128xf32>
    %get3A_27 = arith.constant 0 : index
    %get3A_28 = arith.constant 0 : index
    %get3A_29 = vector.load %arg7[%get3A_27, %get3A_28] : memref<1x128xf32, #tpu.memory_space<vmem>>, vector<1x128xf32>
    %add3A_30 = vector.broadcast %get3A_29 : vector<1x128xf32> to vector<400x128xf32>
    %add3A_31 = arith.addf %dot_general3A_26, %add3A_30 : vector<400x128xf32>
    %get3A_32 = arith.constant 0 : index
    %get3A_33 = arith.constant 0 : index
    %get3A_34 = vector.load %arg8[%get3A_32, %get3A_33] : memref<768x128xf32, #tpu.memory_space<vmem>>, vector<768x128xf32>
    %dot_general3A_35 = arith.constant dense<0.000000e+00> : vector<400x128xf32>
    %dot_general3A_36 = tpu.matmul %get3A_21, %get3A_34, %dot_general3A_35 {dimension_numbers = #tpu.dot_dimension_numbers<[1], [0], [0], [1], [0, 0, 1, 1], [], []>, transpose_lhs_hint = false} : vector<400x768xf32>, vector<768x128xf32>, vector<400x128xf32> -> vector<400x128xf32>
    %get3A_37 = arith.constant 0 : index
    %get3A_38 = arith.constant 0 : index
    %get3A_39 = vector.load %arg9[%get3A_37, %get3A_38] : memref<1x128xf32, #tpu.memory_space<vmem>>, vector<1x128xf32>
    %add3A_40 = vector.broadcast %get3A_39 : vector<1x128xf32> to vector<400x128xf32>
    %add3A_41 = arith.addf %dot_general3A_36, %add3A_40 : vector<400x128xf32>
    %sqrt3A = arith.constant 3.200000e+01 : f32
    %sqrt3A_42 = math.sqrt %sqrt3A : f32
    %div3A = arith.constant 1.000000e+00 : f32
    %div3A_43 = arith.divf %div3A, %sqrt3A_42 : f32
    %slice3A = vector.extract_strided_slice %add3A_18 {offsets = [0, 0], sizes = [400, 32], strides = [1, 1]} : vector<400x128xf32> to vector<400x32xf32>
    %slice3A_44 = vector.extract_strided_slice %add3A_31 {offsets = [0, 0], sizes = [400, 32], strides = [1, 1]} : vector<400x128xf32> to vector<400x32xf32>
    %mul3A_45 = arith.mulf %slice3A, %slice3A_44 : vector<400x32xf32>
    %reduce_sum3A = arith.constant dense<0.000000e+00> : vector<400xf32>
    %reduce_sum3A_46 = vector.multi_reduction <add>, %mul3A_45, %reduce_sum3A [1] : vector<400x32xf32> to vector<400xf32>
    %broadcast_in_dim3A = vector.shape_cast %reduce_sum3A_46 : vector<400xf32> to vector<400x1xf32>
    %mul3A_47 = vector.broadcast %div3A_43 : f32 to vector<400x1xf32>
    %mul3A_48 = arith.mulf %broadcast_in_dim3A, %mul3A_47 : vector<400x1xf32>
    %slice3A_49 = vector.extract_strided_slice %add3A_31 {offsets = [0, 32], sizes = [400, 32], strides = [1, 1]} : vector<400x128xf32> to vector<400x32xf32>
    %mul3A_50 = arith.mulf %slice3A, %slice3A_49 : vector<400x32xf32>
    %reduce_sum3A_51 = arith.constant dense<0.000000e+00> : vector<400xf32>
    %reduce_sum3A_52 = vector.multi_reduction <add>, %mul3A_50, %reduce_sum3A_51 [1] : vector<400x32xf32> to vector<400xf32>
    %broadcast_in_dim3A_53 = vector.shape_cast %reduce_sum3A_52 : vector<400xf32> to vector<400x1xf32>
    %mul3A_54 = vector.broadcast %div3A_43 : f32 to vector<400x1xf32>
    %mul3A_55 = arith.mulf %broadcast_in_dim3A_53, %mul3A_54 : vector<400x1xf32>
    %slice3A_56 = vector.extract_strided_slice %add3A_31 {offsets = [0, 64], sizes = [400, 32], strides = [1, 1]} : vector<400x128xf32> to vector<400x32xf32>
    %mul3A_57 = arith.mulf %slice3A, %slice3A_56 : vector<400x32xf32>
    %reduce_sum3A_58 = arith.constant dense<0.000000e+00> : vector<400xf32>
    %reduce_sum3A_59 = vector.multi_reduction <add>, %mul3A_57, %reduce_sum3A_58 [1] : vector<400x32xf32> to vector<400xf32>
    %broadcast_in_dim3A_60 = vector.shape_cast %reduce_sum3A_59 : vector<400xf32> to vector<400x1xf32>
    %mul3A_61 = vector.broadcast %div3A_43 : f32 to vector<400x1xf32>
    %mul3A_62 = arith.mulf %broadcast_in_dim3A_60, %mul3A_61 : vector<400x1xf32>
    %slice3A_63 = vector.extract_strided_slice %add3A_31 {offsets = [0, 96], sizes = [400, 32], strides = [1, 1]} : vector<400x128xf32> to vector<400x32xf32>
    %mul3A_64 = arith.mulf %slice3A, %slice3A_63 : vector<400x32xf32>
    %reduce_sum3A_65 = arith.constant dense<0.000000e+00> : vector<400xf32>
    %reduce_sum3A_66 = vector.multi_reduction <add>, %mul3A_64, %reduce_sum3A_65 [1] : vector<400x32xf32> to vector<400xf32>
    %broadcast_in_dim3A_67 = vector.shape_cast %reduce_sum3A_66 : vector<400xf32> to vector<400x1xf32>
    %mul3A_68 = vector.broadcast %div3A_43 : f32 to vector<400x1xf32>
    %mul3A_69 = arith.mulf %broadcast_in_dim3A_67, %mul3A_68 : vector<400x1xf32>
    %max3A_70 = arith.maximumf %mul3A_48, %mul3A_55 : vector<400x1xf32>
    %max3A_71 = arith.maximumf %mul3A_62, %mul3A_69 : vector<400x1xf32>
    %max3A_72 = arith.maximumf %max3A_70, %max3A_71 : vector<400x1xf32>
    %sub3A = arith.subf %mul3A_48, %max3A_72 : vector<400x1xf32>
    %exp3A = math.exp %sub3A : vector<400x1xf32>
    %sub3A_73 = arith.subf %mul3A_55, %max3A_72 : vector<400x1xf32>
    %exp3A_74 = math.exp %sub3A_73 : vector<400x1xf32>
    %sub3A_75 = arith.subf %mul3A_62, %max3A_72 : vector<400x1xf32>
    %exp3A_76 = math.exp %sub3A_75 : vector<400x1xf32>
    %sub3A_77 = arith.subf %mul3A_69, %max3A_72 : vector<400x1xf32>
    %exp3A_78 = math.exp %sub3A_77 : vector<400x1xf32>
    %add3A_79 = arith.addf %exp3A, %exp3A_74 : vector<400x1xf32>
    %add3A_80 = arith.addf %add3A_79, %exp3A_76 : vector<400x1xf32>
    %add3A_81 = arith.addf %add3A_80, %exp3A_78 : vector<400x1xf32>
    %div3A_82 = arith.divf %exp3A, %add3A_81 : vector<400x1xf32>
    %slice3A_83 = vector.extract_strided_slice %add3A_41 {offsets = [0, 0], sizes = [400, 32], strides = [1, 1]} : vector<400x128xf32> to vector<400x32xf32>
    %mul3A_84 = vector.broadcast %div3A_82 : vector<400x1xf32> to vector<400x32xf32>
    %mul3A_85 = arith.mulf %mul3A_84, %slice3A_83 : vector<400x32xf32>
    %div3A_86 = arith.divf %exp3A_74, %add3A_81 : vector<400x1xf32>
    %slice3A_87 = vector.extract_strided_slice %add3A_41 {offsets = [0, 32], sizes = [400, 32], strides = [1, 1]} : vector<400x128xf32> to vector<400x32xf32>
    %mul3A_88 = vector.broadcast %div3A_86 : vector<400x1xf32> to vector<400x32xf32>
    %mul3A_89 = arith.mulf %mul3A_88, %slice3A_87 : vector<400x32xf32>
    %add3A_90 = arith.addf %mul3A_85, %mul3A_89 : vector<400x32xf32>
    %div3A_91 = arith.divf %exp3A_76, %add3A_81 : vector<400x1xf32>
    %slice3A_92 = vector.extract_strided_slice %add3A_41 {offsets = [0, 64], sizes = [400, 32], strides = [1, 1]} : vector<400x128xf32> to vector<400x32xf32>
    %mul3A_93 = vector.broadcast %div3A_91 : vector<400x1xf32> to vector<400x32xf32>
    %mul3A_94 = arith.mulf %mul3A_93, %slice3A_92 : vector<400x32xf32>
    %add3A_95 = arith.addf %add3A_90, %mul3A_94 : vector<400x32xf32>
    %div3A_96 = arith.divf %exp3A_78, %add3A_81 : vector<400x1xf32>
    %slice3A_97 = vector.extract_strided_slice %add3A_41 {offsets = [0, 96], sizes = [400, 32], strides = [1, 1]} : vector<400x128xf32> to vector<400x32xf32>
    %mul3A_98 = vector.broadcast %div3A_96 : vector<400x1xf32> to vector<400x32xf32>
    %mul3A_99 = arith.mulf %mul3A_98, %slice3A_97 : vector<400x32xf32>
    %add3A_100 = arith.addf %add3A_95, %mul3A_99 : vector<400x32xf32>
    %slice3A_101 = vector.extract_strided_slice %add3A_18 {offsets = [0, 32], sizes = [400, 32], strides = [1, 1]} : vector<400x128xf32> to vector<400x32xf32>
    %slice3A_102 = vector.extract_strided_slice %add3A_31 {offsets = [0, 0], sizes = [400, 32], strides = [1, 1]} : vector<400x128xf32> to vector<400x32xf32>
    %mul3A_103 = arith.mulf %slice3A_101, %slice3A_102 : vector<400x32xf32>
    %reduce_sum3A_104 = arith.constant dense<0.000000e+00> : vector<400xf32>
    %reduce_sum3A_105 = vector.multi_reduction <add>, %mul3A_103, %reduce_sum3A_104 [1] : vector<400x32xf32> to vector<400xf32>
    %broadcast_in_dim3A_106 = vector.shape_cast %reduce_sum3A_105 : vector<400xf32> to vector<400x1xf32>
    %mul3A_107 = vector.broadcast %div3A_43 : f32 to vector<400x1xf32>
    %mul3A_108 = arith.mulf %broadcast_in_dim3A_106, %mul3A_107 : vector<400x1xf32>
    %slice3A_109 = vector.extract_strided_slice %add3A_31 {offsets = [0, 32], sizes = [400, 32], strides = [1, 1]} : vector<400x128xf32> to vector<400x32xf32>
    %mul3A_110 = arith.mulf %slice3A_101, %slice3A_109 : vector<400x32xf32>
    %reduce_sum3A_111 = arith.constant dense<0.000000e+00> : vector<400xf32>
    %reduce_sum3A_112 = vector.multi_reduction <add>, %mul3A_110, %reduce_sum3A_111 [1] : vector<400x32xf32> to vector<400xf32>
    %broadcast_in_dim3A_113 = vector.shape_cast %reduce_sum3A_112 : vector<400xf32> to vector<400x1xf32>
    %mul3A_114 = vector.broadcast %div3A_43 : f32 to vector<400x1xf32>
    %mul3A_115 = arith.mulf %broadcast_in_dim3A_113, %mul3A_114 : vector<400x1xf32>
    %slice3A_116 = vector.extract_strided_slice %add3A_31 {offsets = [0, 64], sizes = [400, 32], strides = [1, 1]} : vector<400x128xf32> to vector<400x32xf32>
    %mul3A_117 = arith.mulf %slice3A_101, %slice3A_116 : vector<400x32xf32>
    %reduce_sum3A_118 = arith.constant dense<0.000000e+00> : vector<400xf32>
    %reduce_sum3A_119 = vector.multi_reduction <add>, %mul3A_117, %reduce_sum3A_118 [1] : vector<400x32xf32> to vector<400xf32>
    %broadcast_in_dim3A_120 = vector.shape_cast %reduce_sum3A_119 : vector<400xf32> to vector<400x1xf32>
    %mul3A_121 = vector.broadcast %div3A_43 : f32 to vector<400x1xf32>
    %mul3A_122 = arith.mulf %broadcast_in_dim3A_120, %mul3A_121 : vector<400x1xf32>
    %slice3A_123 = vector.extract_strided_slice %add3A_31 {offsets = [0, 96], sizes = [400, 32], strides = [1, 1]} : vector<400x128xf32> to vector<400x32xf32>
    %mul3A_124 = arith.mulf %slice3A_101, %slice3A_123 : vector<400x32xf32>
    %reduce_sum3A_125 = arith.constant dense<0.000000e+00> : vector<400xf32>
    %reduce_sum3A_126 = vector.multi_reduction <add>, %mul3A_124, %reduce_sum3A_125 [1] : vector<400x32xf32> to vector<400xf32>
    %broadcast_in_dim3A_127 = vector.shape_cast %reduce_sum3A_126 : vector<400xf32> to vector<400x1xf32>
    %mul3A_128 = vector.broadcast %div3A_43 : f32 to vector<400x1xf32>
    %mul3A_129 = arith.mulf %broadcast_in_dim3A_127, %mul3A_128 : vector<400x1xf32>
    %max3A_130 = arith.maximumf %mul3A_108, %mul3A_115 : vector<400x1xf32>
    %max3A_131 = arith.maximumf %mul3A_122, %mul3A_129 : vector<400x1xf32>
    %max3A_132 = arith.maximumf %max3A_130, %max3A_131 : vector<400x1xf32>
    %sub3A_133 = arith.subf %mul3A_108, %max3A_132 : vector<400x1xf32>
    %exp3A_134 = math.exp %sub3A_133 : vector<400x1xf32>
    %sub3A_135 = arith.subf %mul3A_115, %max3A_132 : vector<400x1xf32>
    %exp3A_136 = math.exp %sub3A_135 : vector<400x1xf32>
    %sub3A_137 = arith.subf %mul3A_122, %max3A_132 : vector<400x1xf32>
    %exp3A_138 = math.exp %sub3A_137 : vector<400x1xf32>
    %sub3A_139 = arith.subf %mul3A_129, %max3A_132 : vector<400x1xf32>
    %exp3A_140 = math.exp %sub3A_139 : vector<400x1xf32>
    %add3A_141 = arith.addf %exp3A_134, %exp3A_136 : vector<400x1xf32>
    %add3A_142 = arith.addf %add3A_141, %exp3A_138 : vector<400x1xf32>
    %add3A_143 = arith.addf %add3A_142, %exp3A_140 : vector<400x1xf32>
    %div3A_144 = arith.divf %exp3A_134, %add3A_143 : vector<400x1xf32>
    %slice3A_145 = vector.extract_strided_slice %add3A_41 {offsets = [0, 0], sizes = [400, 32], strides = [1, 1]} : vector<400x128xf32> to vector<400x32xf32>
    %mul3A_146 = vector.broadcast %div3A_144 : vector<400x1xf32> to vector<400x32xf32>
    %mul3A_147 = arith.mulf %mul3A_146, %slice3A_145 : vector<400x32xf32>
    %div3A_148 = arith.divf %exp3A_136, %add3A_143 : vector<400x1xf32>
    %slice3A_149 = vector.extract_strided_slice %add3A_41 {offsets = [0, 32], sizes = [400, 32], strides = [1, 1]} : vector<400x128xf32> to vector<400x32xf32>
    %mul3A_150 = vector.broadcast %div3A_148 : vector<400x1xf32> to vector<400x32xf32>
    %mul3A_151 = arith.mulf %mul3A_150, %slice3A_149 : vector<400x32xf32>
    %add3A_152 = arith.addf %mul3A_147, %mul3A_151 : vector<400x32xf32>
    %div3A_153 = arith.divf %exp3A_138, %add3A_143 : vector<400x1xf32>
    %slice3A_154 = vector.extract_strided_slice %add3A_41 {offsets = [0, 64], sizes = [400, 32], strides = [1, 1]} : vector<400x128xf32> to vector<400x32xf32>
    %mul3A_155 = vector.broadcast %div3A_153 : vector<400x1xf32> to vector<400x32xf32>
    %mul3A_156 = arith.mulf %mul3A_155, %slice3A_154 : vector<400x32xf32>
    %add3A_157 = arith.addf %add3A_152, %mul3A_156 : vector<400x32xf32>
    %div3A_158 = arith.divf %exp3A_140, %add3A_143 : vector<400x1xf32>
    %slice3A_159 = vector.extract_strided_slice %add3A_41 {offsets = [0, 96], sizes = [400, 32], strides = [1, 1]} : vector<400x128xf32> to vector<400x32xf32>
    %mul3A_160 = vector.broadcast %div3A_158 : vector<400x1xf32> to vector<400x32xf32>
    %mul3A_161 = arith.mulf %mul3A_160, %slice3A_159 : vector<400x32xf32>
    %add3A_162 = arith.addf %add3A_157, %mul3A_161 : vector<400x32xf32>
    %slice3A_163 = vector.extract_strided_slice %add3A_18 {offsets = [0, 64], sizes = [400, 32], strides = [1, 1]} : vector<400x128xf32> to vector<400x32xf32>
    %slice3A_164 = vector.extract_strided_slice %add3A_31 {offsets = [0, 0], sizes = [400, 32], strides = [1, 1]} : vector<400x128xf32> to vector<400x32xf32>
    %mul3A_165 = arith.mulf %slice3A_163, %slice3A_164 : vector<400x32xf32>
    %reduce_sum3A_166 = arith.constant dense<0.000000e+00> : vector<400xf32>
    %reduce_sum3A_167 = vector.multi_reduction <add>, %mul3A_165, %reduce_sum3A_166 [1] : vector<400x32xf32> to vector<400xf32>
    %broadcast_in_dim3A_168 = vector.shape_cast %reduce_sum3A_167 : vector<400xf32> to vector<400x1xf32>
    %mul3A_169 = vector.broadcast %div3A_43 : f32 to vector<400x1xf32>
    %mul3A_170 = arith.mulf %broadcast_in_dim3A_168, %mul3A_169 : vector<400x1xf32>
    %slice3A_171 = vector.extract_strided_slice %add3A_31 {offsets = [0, 32], sizes = [400, 32], strides = [1, 1]} : vector<400x128xf32> to vector<400x32xf32>
    %mul3A_172 = arith.mulf %slice3A_163, %slice3A_171 : vector<400x32xf32>
    %reduce_sum3A_173 = arith.constant dense<0.000000e+00> : vector<400xf32>
    %reduce_sum3A_174 = vector.multi_reduction <add>, %mul3A_172, %reduce_sum3A_173 [1] : vector<400x32xf32> to vector<400xf32>
    %broadcast_in_dim3A_175 = vector.shape_cast %reduce_sum3A_174 : vector<400xf32> to vector<400x1xf32>
    %mul3A_176 = vector.broadcast %div3A_43 : f32 to vector<400x1xf32>
    %mul3A_177 = arith.mulf %broadcast_in_dim3A_175, %mul3A_176 : vector<400x1xf32>
    %slice3A_178 = vector.extract_strided_slice %add3A_31 {offsets = [0, 64], sizes = [400, 32], strides = [1, 1]} : vector<400x128xf32> to vector<400x32xf32>
    %mul3A_179 = arith.mulf %slice3A_163, %slice3A_178 : vector<400x32xf32>
    %reduce_sum3A_180 = arith.constant dense<0.000000e+00> : vector<400xf32>
    %reduce_sum3A_181 = vector.multi_reduction <add>, %mul3A_179, %reduce_sum3A_180 [1] : vector<400x32xf32> to vector<400xf32>
    %broadcast_in_dim3A_182 = vector.shape_cast %reduce_sum3A_181 : vector<400xf32> to vector<400x1xf32>
    %mul3A_183 = vector.broadcast %div3A_43 : f32 to vector<400x1xf32>
    %mul3A_184 = arith.mulf %broadcast_in_dim3A_182, %mul3A_183 : vector<400x1xf32>
    %slice3A_185 = vector.extract_strided_slice %add3A_31 {offsets = [0, 96], sizes = [400, 32], strides = [1, 1]} : vector<400x128xf32> to vector<400x32xf32>
    %mul3A_186 = arith.mulf %slice3A_163, %slice3A_185 : vector<400x32xf32>
    %reduce_sum3A_187 = arith.constant dense<0.000000e+00> : vector<400xf32>
    %reduce_sum3A_188 = vector.multi_reduction <add>, %mul3A_186, %reduce_sum3A_187 [1] : vector<400x32xf32> to vector<400xf32>
    %broadcast_in_dim3A_189 = vector.shape_cast %reduce_sum3A_188 : vector<400xf32> to vector<400x1xf32>
    %mul3A_190 = vector.broadcast %div3A_43 : f32 to vector<400x1xf32>
    %mul3A_191 = arith.mulf %broadcast_in_dim3A_189, %mul3A_190 : vector<400x1xf32>
    %max3A_192 = arith.maximumf %mul3A_170, %mul3A_177 : vector<400x1xf32>
    %max3A_193 = arith.maximumf %mul3A_184, %mul3A_191 : vector<400x1xf32>
    %max3A_194 = arith.maximumf %max3A_192, %max3A_193 : vector<400x1xf32>
    %sub3A_195 = arith.subf %mul3A_170, %max3A_194 : vector<400x1xf32>
    %exp3A_196 = math.exp %sub3A_195 : vector<400x1xf32>
    %sub3A_197 = arith.subf %mul3A_177, %max3A_194 : vector<400x1xf32>
    %exp3A_198 = math.exp %sub3A_197 : vector<400x1xf32>
    %sub3A_199 = arith.subf %mul3A_184, %max3A_194 : vector<400x1xf32>
    %exp3A_200 = math.exp %sub3A_199 : vector<400x1xf32>
    %sub3A_201 = arith.subf %mul3A_191, %max3A_194 : vector<400x1xf32>
    %exp3A_202 = math.exp %sub3A_201 : vector<400x1xf32>
    %add3A_203 = arith.addf %exp3A_196, %exp3A_198 : vector<400x1xf32>
    %add3A_204 = arith.addf %add3A_203, %exp3A_200 : vector<400x1xf32>
    %add3A_205 = arith.addf %add3A_204, %exp3A_202 : vector<400x1xf32>
    %div3A_206 = arith.divf %exp3A_196, %add3A_205 : vector<400x1xf32>
    %slice3A_207 = vector.extract_strided_slice %add3A_41 {offsets = [0, 0], sizes = [400, 32], strides = [1, 1]} : vector<400x128xf32> to vector<400x32xf32>
    %mul3A_208 = vector.broadcast %div3A_206 : vector<400x1xf32> to vector<400x32xf32>
    %mul3A_209 = arith.mulf %mul3A_208, %slice3A_207 : vector<400x32xf32>
    %div3A_210 = arith.divf %exp3A_198, %add3A_205 : vector<400x1xf32>
    %slice3A_211 = vector.extract_strided_slice %add3A_41 {offsets = [0, 32], sizes = [400, 32], strides = [1, 1]} : vector<400x128xf32> to vector<400x32xf32>
    %mul3A_212 = vector.broadcast %div3A_210 : vector<400x1xf32> to vector<400x32xf32>
    %mul3A_213 = arith.mulf %mul3A_212, %slice3A_211 : vector<400x32xf32>
    %add3A_214 = arith.addf %mul3A_209, %mul3A_213 : vector<400x32xf32>
    %div3A_215 = arith.divf %exp3A_200, %add3A_205 : vector<400x1xf32>
    %slice3A_216 = vector.extract_strided_slice %add3A_41 {offsets = [0, 64], sizes = [400, 32], strides = [1, 1]} : vector<400x128xf32> to vector<400x32xf32>
    %mul3A_217 = vector.broadcast %div3A_215 : vector<400x1xf32> to vector<400x32xf32>
    %mul3A_218 = arith.mulf %mul3A_217, %slice3A_216 : vector<400x32xf32>
    %add3A_219 = arith.addf %add3A_214, %mul3A_218 : vector<400x32xf32>
    %div3A_220 = arith.divf %exp3A_202, %add3A_205 : vector<400x1xf32>
    %slice3A_221 = vector.extract_strided_slice %add3A_41 {offsets = [0, 96], sizes = [400, 32], strides = [1, 1]} : vector<400x128xf32> to vector<400x32xf32>
    %mul3A_222 = vector.broadcast %div3A_220 : vector<400x1xf32> to vector<400x32xf32>
    %mul3A_223 = arith.mulf %mul3A_222, %slice3A_221 : vector<400x32xf32>
    %add3A_224 = arith.addf %add3A_219, %mul3A_223 : vector<400x32xf32>
    %slice3A_225 = vector.extract_strided_slice %add3A_18 {offsets = [0, 96], sizes = [400, 32], strides = [1, 1]} : vector<400x128xf32> to vector<400x32xf32>
    %slice3A_226 = vector.extract_strided_slice %add3A_31 {offsets = [0, 0], sizes = [400, 32], strides = [1, 1]} : vector<400x128xf32> to vector<400x32xf32>
    %mul3A_227 = arith.mulf %slice3A_225, %slice3A_226 : vector<400x32xf32>
    %reduce_sum3A_228 = arith.constant dense<0.000000e+00> : vector<400xf32>
    %reduce_sum3A_229 = vector.multi_reduction <add>, %mul3A_227, %reduce_sum3A_228 [1] : vector<400x32xf32> to vector<400xf32>
    %broadcast_in_dim3A_230 = vector.shape_cast %reduce_sum3A_229 : vector<400xf32> to vector<400x1xf32>
    %mul3A_231 = vector.broadcast %div3A_43 : f32 to vector<400x1xf32>
    %mul3A_232 = arith.mulf %broadcast_in_dim3A_230, %mul3A_231 : vector<400x1xf32>
    %slice3A_233 = vector.extract_strided_slice %add3A_31 {offsets = [0, 32], sizes = [400, 32], strides = [1, 1]} : vector<400x128xf32> to vector<400x32xf32>
    %mul3A_234 = arith.mulf %slice3A_225, %slice3A_233 : vector<400x32xf32>
    %reduce_sum3A_235 = arith.constant dense<0.000000e+00> : vector<400xf32>
    %reduce_sum3A_236 = vector.multi_reduction <add>, %mul3A_234, %reduce_sum3A_235 [1] : vector<400x32xf32> to vector<400xf32>
    %broadcast_in_dim3A_237 = vector.shape_cast %reduce_sum3A_236 : vector<400xf32> to vector<400x1xf32>
    %mul3A_238 = vector.broadcast %div3A_43 : f32 to vector<400x1xf32>
    %mul3A_239 = arith.mulf %broadcast_in_dim3A_237, %mul3A_238 : vector<400x1xf32>
    %slice3A_240 = vector.extract_strided_slice %add3A_31 {offsets = [0, 64], sizes = [400, 32], strides = [1, 1]} : vector<400x128xf32> to vector<400x32xf32>
    %mul3A_241 = arith.mulf %slice3A_225, %slice3A_240 : vector<400x32xf32>
    %reduce_sum3A_242 = arith.constant dense<0.000000e+00> : vector<400xf32>
    %reduce_sum3A_243 = vector.multi_reduction <add>, %mul3A_241, %reduce_sum3A_242 [1] : vector<400x32xf32> to vector<400xf32>
    %broadcast_in_dim3A_244 = vector.shape_cast %reduce_sum3A_243 : vector<400xf32> to vector<400x1xf32>
    %mul3A_245 = vector.broadcast %div3A_43 : f32 to vector<400x1xf32>
    %mul3A_246 = arith.mulf %broadcast_in_dim3A_244, %mul3A_245 : vector<400x1xf32>
    %slice3A_247 = vector.extract_strided_slice %add3A_31 {offsets = [0, 96], sizes = [400, 32], strides = [1, 1]} : vector<400x128xf32> to vector<400x32xf32>
    %mul3A_248 = arith.mulf %slice3A_225, %slice3A_247 : vector<400x32xf32>
    %reduce_sum3A_249 = arith.constant dense<0.000000e+00> : vector<400xf32>
    %reduce_sum3A_250 = vector.multi_reduction <add>, %mul3A_248, %reduce_sum3A_249 [1] : vector<400x32xf32> to vector<400xf32>
    %broadcast_in_dim3A_251 = vector.shape_cast %reduce_sum3A_250 : vector<400xf32> to vector<400x1xf32>
    %mul3A_252 = vector.broadcast %div3A_43 : f32 to vector<400x1xf32>
    %mul3A_253 = arith.mulf %broadcast_in_dim3A_251, %mul3A_252 : vector<400x1xf32>
    %max3A_254 = arith.maximumf %mul3A_232, %mul3A_239 : vector<400x1xf32>
    %max3A_255 = arith.maximumf %mul3A_246, %mul3A_253 : vector<400x1xf32>
    %max3A_256 = arith.maximumf %max3A_254, %max3A_255 : vector<400x1xf32>
    %sub3A_257 = arith.subf %mul3A_232, %max3A_256 : vector<400x1xf32>
    %exp3A_258 = math.exp %sub3A_257 : vector<400x1xf32>
    %sub3A_259 = arith.subf %mul3A_239, %max3A_256 : vector<400x1xf32>
    %exp3A_260 = math.exp %sub3A_259 : vector<400x1xf32>
    %sub3A_261 = arith.subf %mul3A_246, %max3A_256 : vector<400x1xf32>
    %exp3A_262 = math.exp %sub3A_261 : vector<400x1xf32>
    %sub3A_263 = arith.subf %mul3A_253, %max3A_256 : vector<400x1xf32>
    %exp3A_264 = math.exp %sub3A_263 : vector<400x1xf32>
    %add3A_265 = arith.addf %exp3A_258, %exp3A_260 : vector<400x1xf32>
    %add3A_266 = arith.addf %add3A_265, %exp3A_262 : vector<400x1xf32>
    %add3A_267 = arith.addf %add3A_266, %exp3A_264 : vector<400x1xf32>
    %div3A_268 = arith.divf %exp3A_258, %add3A_267 : vector<400x1xf32>
    %slice3A_269 = vector.extract_strided_slice %add3A_41 {offsets = [0, 0], sizes = [400, 32], strides = [1, 1]} : vector<400x128xf32> to vector<400x32xf32>
    %mul3A_270 = vector.broadcast %div3A_268 : vector<400x1xf32> to vector<400x32xf32>
    %mul3A_271 = arith.mulf %mul3A_270, %slice3A_269 : vector<400x32xf32>
    %div3A_272 = arith.divf %exp3A_260, %add3A_267 : vector<400x1xf32>
    %slice3A_273 = vector.extract_strided_slice %add3A_41 {offsets = [0, 32], sizes = [400, 32], strides = [1, 1]} : vector<400x128xf32> to vector<400x32xf32>
    %mul3A_274 = vector.broadcast %div3A_272 : vector<400x1xf32> to vector<400x32xf32>
    %mul3A_275 = arith.mulf %mul3A_274, %slice3A_273 : vector<400x32xf32>
    %add3A_276 = arith.addf %mul3A_271, %mul3A_275 : vector<400x32xf32>
    %div3A_277 = arith.divf %exp3A_262, %add3A_267 : vector<400x1xf32>
    %slice3A_278 = vector.extract_strided_slice %add3A_41 {offsets = [0, 64], sizes = [400, 32], strides = [1, 1]} : vector<400x128xf32> to vector<400x32xf32>
    %mul3A_279 = vector.broadcast %div3A_277 : vector<400x1xf32> to vector<400x32xf32>
    %mul3A_280 = arith.mulf %mul3A_279, %slice3A_278 : vector<400x32xf32>
    %add3A_281 = arith.addf %add3A_276, %mul3A_280 : vector<400x32xf32>
    %div3A_282 = arith.divf %exp3A_264, %add3A_267 : vector<400x1xf32>
    %slice3A_283 = vector.extract_strided_slice %add3A_41 {offsets = [0, 96], sizes = [400, 32], strides = [1, 1]} : vector<400x128xf32> to vector<400x32xf32>
    %mul3A_284 = vector.broadcast %div3A_282 : vector<400x1xf32> to vector<400x32xf32>
    %mul3A_285 = arith.mulf %mul3A_284, %slice3A_283 : vector<400x32xf32>
    %add3A_286 = arith.addf %add3A_281, %mul3A_285 : vector<400x32xf32>
    %concatenate3A = tpu.concatenate %add3A_100, %add3A_162, %add3A_224, %add3A_286 in 1 : vector<400x32xf32>, vector<400x32xf32>, vector<400x32xf32>, vector<400x32xf32> -> vector<400x128xf32>
    %get3A_287 = arith.constant 0 : index
    %get3A_288 = arith.constant 0 : index
    %get3A_289 = vector.load %arg10[%get3A_287, %get3A_288] : memref<128x128xf32, #tpu.memory_space<vmem>>, vector<128x128xf32>
    %dot_general3A_290 = arith.constant dense<0.000000e+00> : vector<400x128xf32>
    %dot_general3A_291 = tpu.matmul %max3A_9, %get3A_289, %dot_general3A_290 {dimension_numbers = #tpu.dot_dimension_numbers<[1], [0], [0], [1], [0, 0, 1, 1], [], []>, transpose_lhs_hint = false} : vector<400x128xf32>, vector<128x128xf32>, vector<400x128xf32> -> vector<400x128xf32>
    %get3A_292 = arith.constant 0 : index
    %get3A_293 = arith.constant 0 : index
    %get3A_294 = vector.load %arg11[%get3A_292, %get3A_293] : memref<128x128xf32, #tpu.memory_space<vmem>>, vector<128x128xf32>
    %dot_general3A_295 = arith.constant dense<0.000000e+00> : vector<400x128xf32>
    %dot_general3A_296 = tpu.matmul %concatenate3A, %get3A_294, %dot_general3A_295 {dimension_numbers = #tpu.dot_dimension_numbers<[1], [0], [0], [1], [0, 0, 1, 1], [], []>, transpose_lhs_hint = false} : vector<400x128xf32>, vector<128x128xf32>, vector<400x128xf32> -> vector<400x128xf32>
    %add3A_297 = arith.addf %dot_general3A_291, %dot_general3A_296 : vector<400x128xf32>
    %get3A_298 = arith.constant 0 : index
    %get3A_299 = arith.constant 0 : index
    %get3A_300 = vector.load %arg12[%get3A_298, %get3A_299] : memref<1x128xf32, #tpu.memory_space<vmem>>, vector<1x128xf32>
    %add3A_301 = vector.broadcast %get3A_300 : vector<1x128xf32> to vector<400x128xf32>
    %add3A_302 = arith.addf %add3A_297, %add3A_301 : vector<400x128xf32>
    %reduce_sum3A_303 = arith.constant dense<0.000000e+00> : vector<400xf32>
    %reduce_sum3A_304 = vector.multi_reduction <add>, %add3A_302, %reduce_sum3A_303 [1] : vector<400x128xf32> to vector<400xf32>
    %broadcast_in_dim3A_305 = vector.shape_cast %reduce_sum3A_304 : vector<400xf32> to vector<400x1xf32>
    %div3A_306 = arith.constant 1.280000e+02 : f32
    %div3A_307 = vector.broadcast %div3A_306 : f32 to vector<400x1xf32>
    %div3A_308 = arith.divf %broadcast_in_dim3A_305, %div3A_307 : vector<400x1xf32>
    %sub3A_309 = vector.broadcast %div3A_308 : vector<400x1xf32> to vector<400x128xf32>
    %sub3A_310 = arith.subf %add3A_302, %sub3A_309 : vector<400x128xf32>
    %mul3A_311 = arith.mulf %sub3A_310, %sub3A_310 : vector<400x128xf32>
    %reduce_sum3A_312 = arith.constant dense<0.000000e+00> : vector<400xf32>
    %reduce_sum3A_313 = vector.multi_reduction <add>, %mul3A_311, %reduce_sum3A_312 [1] : vector<400x128xf32> to vector<400xf32>
    %broadcast_in_dim3A_314 = vector.shape_cast %reduce_sum3A_313 : vector<400xf32> to vector<400x1xf32>
    %div3A_315 = arith.constant 1.280000e+02 : f32
    %div3A_316 = vector.broadcast %div3A_315 : f32 to vector<400x1xf32>
    %div3A_317 = arith.divf %broadcast_in_dim3A_314, %div3A_316 : vector<400x1xf32>
    %add3A_318 = arith.constant 9.99999974E-6 : f32
    %add3A_319 = vector.broadcast %add3A_318 : f32 to vector<400x1xf32>
    %add3A_320 = arith.addf %div3A_317, %add3A_319 : vector<400x1xf32>
    %sqrt3A_321 = math.sqrt %add3A_320 : vector<400x1xf32>
    %div3A_322 = vector.broadcast %sqrt3A_321 : vector<400x1xf32> to vector<400x128xf32>
    %div3A_323 = arith.divf %sub3A_310, %div3A_322 : vector<400x128xf32>
    %get3A_324 = arith.constant 0 : index
    %get3A_325 = arith.constant 0 : index
    %get3A_326 = vector.load %arg13[%get3A_324, %get3A_325] : memref<1x128xf32, #tpu.memory_space<vmem>>, vector<1x128xf32>
    %mul3A_327 = vector.broadcast %get3A_326 : vector<1x128xf32> to vector<400x128xf32>
    %mul3A_328 = arith.mulf %div3A_323, %mul3A_327 : vector<400x128xf32>
    %get3A_329 = arith.constant 0 : index
    %get3A_330 = arith.constant 0 : index
    %get3A_331 = vector.load %arg14[%get3A_329, %get3A_330] : memref<1x128xf32, #tpu.memory_space<vmem>>, vector<1x128xf32>
    %add3A_332 = vector.broadcast %get3A_331 : vector<1x128xf32> to vector<400x128xf32>
    %add3A_333 = arith.addf %mul3A_328, %add3A_332 : vector<400x128xf32>
    %max3A_334 = arith.constant 0.000000e+00 : f32
    %max3A_335 = vector.broadcast %max3A_334 : f32 to vector<400x128xf32>
    %max3A_336 = arith.maximumf %add3A_333, %max3A_335 : vector<400x128xf32>
    %swap3A = arith.constant 0 : index
    %swap3A_337 = arith.constant 0 : index
    %swap3A_338 = vector.load %arg15[%swap3A, %swap3A_337] : memref<400x128xf32, #tpu.memory_space<vmem>>, vector<400x128xf32>
    tpu.vector_store %arg15[%swap3A, %swap3A_337], %max3A_336 {strides = array<i32>} : memref<400x128xf32, #tpu.memory_space<vmem>>, vector<400x128xf32>,
    return
  }
  func.func @transform_0(%arg0: i32) -> (i32, i32) {
    %c0_i32 = arith.constant 0 : i32
    %c0_i32_0 = arith.constant 0 : i32
    return %arg0, %c0_i32 : i32, i32
  }
  func.func @transform_1(%arg0: i32) -> (i32, i32) {
    %c0_i32 = arith.constant 0 : i32
    %c0_i32_0 = arith.constant 0 : i32
    return %arg0, %c0_i32 : i32, i32
  }
  func.func @transform_2(%arg0: i32) -> (i32, i32) {
    %c0_i32 = arith.constant 0 : i32
    %c0_i32_0 = arith.constant 0 : i32
    %c0_i32_1 = arith.constant 0 : i32
    return %c0_i32, %c0_i32_0 : i32, i32
  }
  func.func @transform_3(%arg0: i32) -> (i32, i32) {
    %c0_i32 = arith.constant 0 : i32
    %c0_i32_0 = arith.constant 0 : i32
    %c0_i32_1 = arith.constant 0 : i32
    return %c0_i32, %c0_i32_0 : i32, i32
  }
  func.func @transform_4(%arg0: i32) -> (i32, i32) {
    %c0_i32 = arith.constant 0 : i32
    %c0_i32_0 = arith.constant 0 : i32
    %c0_i32_1 = arith.constant 0 : i32
    return %c0_i32, %c0_i32_0 : i32, i32
  }
  func.func @transform_5(%arg0: i32) -> (i32, i32) {
    %c0_i32 = arith.constant 0 : i32
    %c0_i32_0 = arith.constant 0 : i32
    %c0_i32_1 = arith.constant 0 : i32
    return %c0_i32, %c0_i32_0 : i32, i32
  }
  func.func @transform_6(%arg0: i32) -> (i32, i32) {
    %c0_i32 = arith.constant 0 : i32
    %c0_i32_0 = arith.constant 0 : i32
    %c0_i32_1 = arith.constant 0 : i32
    return %c0_i32, %c0_i32_0 : i32, i32
  }
  func.func @transform_7(%arg0: i32) -> (i32, i32) {
    %c0_i32 = arith.constant 0 : i32
    %c0_i32_0 = arith.constant 0 : i32
    %c0_i32_1 = arith.constant 0 : i32
    return %c0_i32, %c0_i32_0 : i32, i32
  }
  func.func @transform_8(%arg0: i32) -> (i32, i32) {
    %c0_i32 = arith.constant 0 : i32
    %c0_i32_0 = arith.constant 0 : i32
    %c0_i32_1 = arith.constant 0 : i32
    return %c0_i32, %c0_i32_0 : i32, i32
  }
  func.func @transform_9(%arg0: i32) -> (i32, i32) {
    %c0_i32 = arith.constant 0 : i32
    %c0_i32_0 = arith.constant 0 : i32
    %c0_i32_1 = arith.constant 0 : i32
    return %c0_i32, %c0_i32_0 : i32, i32
  }
  func.func @transform_10(%arg0: i32) -> (i32, i32) {
    %c0_i32 = arith.constant 0 : i32
    %c0_i32_0 = arith.constant 0 : i32
    %c0_i32_1 = arith.constant 0 : i32
    return %c0_i32, %c0_i32_0 : i32, i32
  }
  func.func @transform_11(%arg0: i32) -> (i32, i32) {
    %c0_i32 = arith.constant 0 : i32
    %c0_i32_0 = arith.constant 0 : i32
    %c0_i32_1 = arith.constant 0 : i32
    return %c0_i32, %c0_i32_0 : i32, i32
  }
  func.func @transform_12(%arg0: i32) -> (i32, i32) {
    %c0_i32 = arith.constant 0 : i32
    %c0_i32_0 = arith.constant 0 : i32
    %c0_i32_1 = arith.constant 0 : i32
    return %c0_i32, %c0_i32_0 : i32, i32
  }
  func.func @transform_13(%arg0: i32) -> (i32, i32) {
    %c0_i32 = arith.constant 0 : i32
    %c0_i32_0 = arith.constant 0 : i32
    %c0_i32_1 = arith.constant 0 : i32
    return %c0_i32, %c0_i32_0 : i32, i32
  }
  func.func @transform_14(%arg0: i32) -> (i32, i32) {
    %c0_i32 = arith.constant 0 : i32
    %c0_i32_0 = arith.constant 0 : i32
    return %arg0, %c0_i32 : i32, i32
  }
}

</mosaic_0001>

<sc_bundles>
// kernel: kernel.5.cloned.1.call-start
scs
__scs_entry_jumppad:
0x0: {  	(pc) =	sbr.rel $0x88, $3  }
0x1: {  	(tag) =	ssettag $0x0;
	lr =	simm.s32 $0x1  }
0x2: {  	[smem:$0x3F90] =	sst lr;
	_ =	strace $0xD0000000  }
0x3: {  	_ = 	snop  }
0x4: {  	_ = 	snop  }
0x5: {  	_ = 	snop  }
0x6: {  	_ = 	snop  }
0x7: {  	_ = 	snop  }
__scs_overlays_trampoline_lowered:
0x8: {  	[smem:$0x3F9F] =	sst s0  }
0x9: {  	[smem:$0x3FA0] =	sst s1  }
0xa: {  	[smem:$0x3FA1] =	sst s2  }
0xb: {  	[smem:$0x3FA2] =	sst s3  }
0xc: {  	[smem:$0x3FA3] =	sst s4  }
0xd: {  	[smem:$0x3FA4] =	sst s5  }
0xe: {  	[smem:$0x3FA5] =	sst s6  }
0xf: {  	[smem:$0x3FA6] =	sst s7  }
0x10: {  	[smem:$0x3FA7] =	sst s8  }
0x11: {  	[smem:$0x3FA8] =	sst s9;
	s0 =	simm.s32 @!p0 $0x0  }
0x12: {  	s1 =	sld [smem:$0x3F8E];
	s0 =	simm.s32 @p0 $0x1  }
0x13: {  	[smem:$0x3FA9] =	sst s0;
	s0 =	simm.s32 @!p1 $0x0  }
0x14: {  	s2 =	sld [smem:$0x3F8D];
	s0 =	simm.s32 @p1 $0x1  }
0x15: {  	[smem:$0x3FAA] =	sst s0;
	s0 =	simm.s32 @!p2 $0x0  }
0x16: {  	s3 =	sld [smem:$0x3FDB];
	s0 =	simm.s32 @p2 $0x1  }
0x17: {  	s4 =	simm.s32 $0x1BF5;
	[smem:$0x3FAC] =	sst s0  }
0x18: {  	s0 =	sld [smem:$0x3F8F];
	_ =	swait.ge [sflag:s4], $0x0  }
0x19: {  	s7 =	sld [smem:$0x3F90]  }
0x1a: {  	s8 =	sadd.s32 $0xFFFFE003, lr  }
0x1b: {  	s9 =	sadd.s32 $0xFFFFFEF7, lr;
	s5 =	simm.s32 $0xFFFFFFFF;
	p2 =	slt.u32 s8, $0xFFFFF086  }
0x1c: {  	p1 =	slt.u32 s9, $0xF7A;
	s5 =	simm.s32 @!p2 $0x0  }
0x1d: {  	s5 =	simm.s32 @p1 $0x1;
	p0 =	seq.s32 s7, s2  }
0x1e: {  	s7 =	smul.u32 @!p0 $0xF7A, s2;
	p2 =	seq.s32 @!p0 s5, $0x0  }
0x1f: {  	s9 =	smul.u32 $0xF7A, s1;
	s8 =	simm.s32 @!p0 $0x1BF5;
	p2 =	por !p2, p0  }
0x20: {  	[sflag:s8] =	ssyncset.s32 @!p0 $0xFFFFF086;
	s6 =	sadd.s32 @!p0 s3, s7;
	s7 =	simm.s32 @!p0 $0x108  }
0x21: {  	s3 =	sadd.s32 s3, s9;
	s6 =	sadd.s32 @!p0 $0x88, s6;
	s7 =	simm.s32 @p2 $0x1082  }
0x22: {  	[simem:s7], [sflag:s8] =	dma.local @!p0 [hbm:s6], $0xF7A  }
0x23: {  	s9 =	sor.u32 $0xD0000000, s2;
	s6 =	simm.s32 $0x108;
	_ =	swait.ge @!p0 [sflag:s8], $0x0  }
0x24: {  	s3 =	sadd.s32 $0x88, s3;
	s6 =	simm.s32 @!p1 $0x1082;
	[sflag:s4] =	ssyncset.s32 $0xFFFFF086  }
0x25: {  	[simem:s6], [sflag:s4] =	dma.local [hbm:s3], $0xF7A  }
0x26: {  	[smem:$0x3F90] =	sst s1;
	(tag) =	ssettag s2;
	_ =	strace s9  }
0x27: {  	s1 =	sld [smem:$0x3FA0]  }
0x28: {  	s2 =	sld [smem:$0x3FA1]  }
0x29: {  	s4 =	sld [smem:$0x3FA3]  }
0x2a: {  	p0 =	seq.s32 s5, $0x0;
	s5 =	sld [smem:$0x3FA4]  }
0x2b: {  	s6 =	sld [smem:$0x3FA5]  }
0x2c: {  	s7 =	sld [smem:$0x3FA6]  }
0x2d: {  	s3 =	simm.s32 $0x108;
	s8 =	sld [smem:$0x3FA7]  }
0x2e: {  	s3 =	simm.s32 @!p0 $0x1082;
	s9 =	sld [smem:$0x3FA8]  }
0x2f: {  	lr =	sadd.s32 s0, s3;
	s0 =	sld [smem:$0x3F9F]  }
0x30: {  	s3 =	sld [smem:$0x3FA2]  }
0x31: {  	[smem:$0x3FAB] =	sst s10  }
0x32: {  	s10 =	sld [smem:$0x3FA9];
	_ =	sdelay $0x3  }
0x33: {  	p0 =	seq.s32 s10, $0x1;
	s10 =	sld [smem:$0x3FAB];
	_ =	sdelay $0x3  }
0x34: {  	[smem:$0x3FAB] =	sst s10  }
0x35: {  	s10 =	sld [smem:$0x3FAA];
	_ =	sdelay $0x3  }
0x36: {  	p1 =	seq.s32 s10, $0x1;
	s10 =	sld [smem:$0x3FAB];
	_ =	sdelay $0x3  }
0x37: {  	[smem:$0x3FAB] =	sst s10  }
0x38: {  	s10 =	sld [smem:$0x3FAC]  }
0x39: {  	_ = 	snop;
	(pc) =	sbr.ind lr, $3  }
0x3a: {  	_ = 	snop  }
0x3b: {  	_ = 	snop  }
0x3c: {  	p2 =	seq.s32 s10, $0x1;
	s10 =	sld [smem:$0x3FAB]  }
0x3d: {  	_ =	shalt  }
0x3e: {  	_ =	shalt  }
0x3f: {  	_ =	shalt  }
0x40: {  	_ =	shalt  }
0x41: {  	_ =	shalt  }
0x42: {  	_ =	shalt  }
0x43: {  	_ =	shalt  }
0x44: {  	_ =	shalt  }
0x45: {  	_ =	shalt  }
0x46: {  	_ =	shalt  }
0x47: {  	_ =	shalt  }
0x48: {  	_ =	shalt  }
0x49: {  	_ =	shalt  }
0x4a: {  	_ =	shalt  }
0x4b: {  	_ =	shalt  }
0x4c: {  	_ =	shalt  }
0x4d: {  	_ =	shalt  }
0x4e: {  	_ =	shalt  }
0x4f: {  	_ =	shalt  }
0x50: {  	_ =	shalt  }
0x51: {  	_ =	shalt  }
0x52: {  	_ =	shalt  }
0x53: {  	_ =	shalt  }
0x54: {  	_ =	shalt  }
0x55: {  	_ =	shalt  }
0x56: {  	_ =	shalt  }
0x57: {  	_ =	shalt  }
0x58: {  	_ =	shalt  }
0x59: {  	_ =	shalt  }
0x5a: {  	_ =	shalt  }
0x5b: {  	_ =	shalt  }
0x5c: {  	_ =	shalt  }
0x5d: {  	_ =	shalt  }
0x5e: {  	_ =	shalt  }
0x5f: {  	_ =	shalt  }
0x60: {  	_ =	shalt  }
0x61: {  	_ =	shalt  }
0x62: {  	_ =	shalt  }
0x63: {  	_ =	shalt  }
0x64: {  	_ =	shalt  }
0x65: {  	_ =	shalt  }
0x66: {  	_ =	shalt  }
0x67: {  	_ =	shalt  }
0x68: {  	_ =	shalt  }
0x69: {  	_ =	shalt  }
0x6a: {  	_ =	shalt  }
0x6b: {  	_ =	shalt  }
0x6c: {  	_ =	shalt  }
0x6d: {  	_ =	shalt  }
0x6e: {  	_ =	shalt  }
0x6f: {  	_ =	shalt  }
0x70: {  	_ =	shalt  }
0x71: {  	_ =	shalt  }
0x72: {  	_ =	shalt  }
0x73: {  	_ =	shalt  }
0x74: {  	_ =	shalt  }
0x75: {  	_ =	shalt  }
0x76: {  	_ =	shalt  }
0x77: {  	_ =	shalt  }
0x78: {  	_ =	shalt  }
0x79: {  	_ =	shalt  }
0x7a: {  	_ =	shalt  }
0x7b: {  	_ =	shalt  }
0x7c: {  	_ =	shalt  }
0x7d: {  	_ =	shalt  }
0x7e: {  	_ =	shalt  }
0x7f: {  	_ =	shalt  }
0x80: {  	_ =	shalt  }
0x81: {  	_ =	shalt  }
0x82: {  	_ =	shalt  }
0x83: {  	_ =	shalt  }
0x84: {  	_ =	shalt  }
0x85: {  	_ =	shalt  }
0x86: {  	_ =	shalt  }
0x87: {  	_ =	shalt  }
.Lfunc_end0:
.L_simem_size_0:
called_computation_lowered:
.L_overlay_start_0:
0x88: {  	s2 =	sld [smem:$0x3FD9]  }
0x89: {  	s3 =	sld [smem:$0x3FFE];
	_ =	sdelay $0x1  }
0x8a: {  	s1 =	srdreg.scid  }
0x8b: {  	s0 =	sand.u32 $0x1, s1  }
0x8c: {  	s17 =	sshll.u32 s0, $0xA;
	s2 =	sadd.s32 s3, s2  }
0x8d: {  	s2 =	sadd.s32 s2, s17  }
0x8e: {  	[smem:$0x3FB7] =	sst s2  }
0x8f: {  	_ = 	snop  }
0x90: {  	s2 =	sld [smem:$0x3FD0];
	(tm) =	ssettm $0x1  }
0x91: {  	s18 =	sld [smem:$0x3FFB];
	_ =	sdelay $0x3  }
0x92: {  	_ =	strace s18  }
0x93: {  	s3 =	sld [smem:$0x3FFC];
	_ =	sdelay $0x3  }
0x94: {  	_ =	strace s3  }
0x95: {  	s3 =	sld [smem:$0x3FFD];
	_ =	sdelay $0x3  }
0x96: {  	_ =	strace s3  }
0x97: {  	_ =	strace $0x8FFFFFFF  }
0x98: {  	s19 =	sld [smem:$0x3FDB];
	_ =	sdelay $0x1  }
0x99: {  	s4 =	simm.s32 $_scs_section_size  }
0x9a: {  	s5 =	simm.s32 $_size__tile_overlayer_lowered;
	s6 =	simm.s32 $_tile_overlayer_lowered  }
0x9b: {  	s22 =	simm.s32 $0x1BFF;
	s21 =	sshll.u32 s6, $0x1;
	s3 =	sadd.s32 s4, s19  }
0x9c: {  	s7 =	simm.s32 $0x0;
	s20 =	sshll.u32 s5, $0x1;
	s5 =	sadd.s32 s21, s3  }
0x9d: {  	[timem:s7], [sflag:s22] =	dma.local [hbm:s5], s20  }
0x9e: {  	_ =	swait.ge [sflag:s22], s20  }
0x9f: {  	s4 =	ssub.s32 $0x0, s20;
	[sflag:s22] =	ssyncset.done $0x0  }
0xa0: {  	[sflag:s22] =	ssyncadd.s32 s4;
	_ =	sdelay $0x1  }
0xa1: {  	s23 =	simm.s32 $0x1B8B  }
0xa2: {  	_ =	swait.ge [sflag:s23], $0x1  }
0xa3: {  	[sflag:s23] =	ssyncset.done $0x0  }
0xa4: {  	s25 =	simm.s32 $0x1B8E;
	s24 =	sld [smem:$0x3FFE];
	[sflag:s23] =	ssyncadd.s32 $0xFFFFFFFF  }
0xa5: {  	s26 =	simm.s32 $execute0_lowered;
	[smem:$0x3FD2] =	sst s25  }
0xa6: {  	s5 =	sshll.u32 s26, $0x1;
	_ =	strace $0x80000046;
	[dreg:$0x1] =	wrdreg $0xFFFFFFFF  }
0xa7: {  	s28 =	simm.s32 $_size_execute0_lowered;
	s3 =	sadd.s32 s3, s5;
	[dreg:$0x0] =	wrdreg $0x0  }
0xa8: {  	s5 =	sshll.u32 s28, $0x1;
	[dreg:$0x2] =	wrdreg s3  }
0xa9: {  	[dreg:$0x3] =	wrdreg s5  }
0xaa: {  	[dreg:$0x4] =	wrdreg $0xC0  }
0xab: {  	_ =	task [dreg:s7], $0x5FFFF  }
0xac: {  	[dreg:$0x1] =	wrdreg $0xFFFFFFFF  }
0xad: {  	[dreg:$0x0] =	wrdreg $0x60  }
0xae: {  	[dreg:$0x2] =	wrdreg s24  }
0xaf: {  	[dreg:$0x3] =	wrdreg s2  }
0xb0: {  	[dreg:$0x4] =	wrdreg $0x9  }
0xb1: {  	_ =	task.clear_ibuf [dreg:s7], $0x5FFFF;
	_ =	strace $0x90000046  }
0xb2: {  	s29 =	simm.s32 $0x9;
	_ =	strace $0x80000048  }
0xb3: {  	_ =	swait.ge [sflag:s29], $0x1  }
0xb4: {  	[sflag:s29] =	ssyncadd.s32 $0xFFFFFFFF  }
0xb5: {  	_ =	strace $0x90000048  }
0xb6: {  	_ =	sfence  }
0xb7: {  	s30 =	sld [smem:$0x0];
	_ =	sdelay $0x2  }
0xb8: {  	s31 =	sshll.u32 s1, $0xD;
	s1 =	sshrl.u32 s1, $0x2  }
0xb9: {  	s3 =	sand.u32 $0x4000, s31;
	s1 =	sadd.s32 s1, s30  }
0xba: {  	s0 =	sor.u32 s3, s0;
	s1 =	sshll.u32 s1, $0x11  }
0xbb: {  	s0 =	sor.u32 s1, s0  }
0xbc: {  	s0 =	sadd.s32 $0x8F2B, s0  }
0xbd: {  	[sflag:s0] =	ssyncadd.remote.s32 $0x1  }
0xbe: {  	_ =	sfence.sel $0xFFFF  }
0xbf: {  	[dreg:$0x0] =	wrdreg $0xFFFFFFFF;
	(pc) =	sbr.abs _section_cstart, $3  }
0xc0: {  	[dreg:$0x1] =	wrdreg $0xFFFFFFFF  }
0xc1: {  	_ =	task.clear_ibuf [dreg:s7], $0x2FFFF;
	_ =	strace $0x9FFFFFFF  }
0xc2: {  	(tm) =	ssettm $0x7FFFFFFF  }
0xc3: {  	_ =	shalt  }
tec
execute0_lowered:
.L_overlay_start_1:
0x0: {  	(tag) =	ssettag $0x1  }
0x1: {  	v0 =	vimm.s32 $0xBA983210;
	v1 =	vimm.s32 $0x13121110  }
0x2: {  	v2 =	vimm.s32 $0x1B1A1918;
	vm0 =	vcmask $0x1F10;
	v5 =	vimm.s32 $0x11B  }
0x3: {  	vm3 =	vcmask $0x300;
	vm2 =	vcmask $0x704;
	v6 =	vimm.s32 $0x1F1E1D1C  }
0x4: {  	vm1 =	vcmask $0xB08;
	v7 =	vimm.s32 $0x11F;
	v8 =	vimm.s32 $0x13B  }
0x5: {  	v9 =	vimm.s32 $0x13F;
	v10 =	vimm.s32 $0x15B;
	v11 =	vimm.s32 $0x15F  }
0x6: {  	v12 =	vimm.s32 $0x17B;
	v13 =	vimm.s32 $0x17F;
	v14 =	vimm.s32 $0x19B  }
0x7: {  	v15 =	vimm.s32 $0x19F;
	v16 =	vimm.s32 $0x1BB;
	v17 =	vimm.s32 $0x1BF  }
0x8: {  	v18 =	vimm.s32 $0x1DB;
	v19 =	vimm.s32 $0x1DF;
	v20 =	vimm.s32 $0x1FB  }
0x9: {  	v21 =	vimm.s32 $0x1FF;
	v59 =	vimm.s32 $0xFEDC7654;
	v60 =	vlaneseq.u32  }
0xa: {  	vm4 =	vcmask $0x2F2C;
	v37 =	vimm.s32 $0x33323130;
	v38 =	vimm.s32 $0x3B3A3938  }
0xb: {  	v39 =	vimm.s32 $0x27262524;
	v40 =	vimm.s32 $0x2F2E2D2C;
	v42 =	vimm.s32 $0x53525150  }
0xc: {  	v45 =	vimm.s32 $0x5B5A5958;
	v46 =	vimm.s32 $0x43424140;
	v0 =	vunpack.c.l.s4.s8 v0  }
0xd: {  	v1 =	vunpack.c.0.s8.s32 v1;
	v2 =	vunpack.c.0.s8.s32 v2;
	v5 =	vsel vm3, $0x100, v5  }
0xe: {  	v6 =	vunpack.c.0.s8.s32 v6;
	v7 =	vsel vm3, $0x104, v7;
	v8 =	vsel vm3, $0x120, v8  }
0xf: {  	v9 =	vsel vm3, $0x124, v9;
	v10 =	vsel vm3, $0x140, v10;
	v11 =	vsel vm3, $0x144, v11  }
0x10: {  	v12 =	vsel vm3, $0x160, v12;
	v13 =	vsel vm3, $0x164, v13;
	v14 =	vsel vm3, $0x180, v14  }
0x11: {  	v15 =	vsel vm3, $0x184, v15;
	v16 =	vsel vm3, $0x1A0, v16;
	v17 =	vsel vm3, $0x1A4, v17  }
0x12: {  	v18 =	vsel vm3, $0x1C0, v18;
	v19 =	vsel vm3, $0x1C4, v19;
	v20 =	vsel vm3, $0x1E0, v20  }
0x13: {  	v21 =	vsel vm3, $0x1E4, v21;
	vm3 =	vcmask $0xF0C;
	v5 =	vsel vm2, $0x101, v5  }
0x14: {  	v47 =	vsel vm2, $0x141, v10;
	v48 =	vsel vm2, $0x145, v11;
	v49 =	vsel vm2, $0x161, v12  }
0x15: {  	v50 =	vsel vm2, $0x165, v13;
	v51 =	vsel vm2, $0x181, v14;
	v52 =	vsel vm2, $0x185, v15  }
0x16: {  	v53 =	vsel vm2, $0x1A1, v16;
	v54 =	vsel vm2, $0x1A5, v17;
	v55 =	vsel vm2, $0x1C1, v18  }
0x17: {  	v56 =	vsel vm2, $0x1C5, v19;
	v57 =	vsel vm2, $0x1E1, v20;
	v58 =	vsel vm2, $0x1E5, v21  }
0x18: {  	v21 =	vunpack.c.l.s4.s8 v59;
	v3 =	vunpack.c.0.s8.s32 v0;
	v4 =	vsel vm0, v2, v1  }
0x19: {  	v5 =	vsel vm1, $0x102, v5;
	v10 =	vsel vm1, $0x146, v48;
	v11 =	vsel vm1, $0x162, v49  }
0x1a: {  	v12 =	vsel vm1, $0x166, v50;
	v13 =	vsel vm1, $0x182, v51;
	v14 =	vsel vm1, $0x186, v52  }
0x1b: {  	v15 =	vsel vm1, $0x1A2, v53;
	v16 =	vsel vm1, $0x1A6, v54;
	v17 =	vsel vm1, $0x1C2, v55  }
0x1c: {  	v18 =	vsel vm1, $0x1C6, v56;
	v19 =	vsel vm1, $0x1E2, v57;
	v20 =	vsel vm1, $0x1E6, v58  }
0x1d: {  	v48 =	vimm.s32 $0x57565554;
	v52 =	vimm.s32 $0x5F5E5D5C;
	v53 =	vimm.s32 $0x47464544  }
0x1e: {  	v54 =	vimm.s32 $0x4F4E4D4C;
	v57 =	vimm.s32 $0x73727170;
	v5 =	vsel vm3, $0x103, v5  }
0x1f: {  	v10 =	vsel vm3, $0x147, v10;
	v11 =	vsel vm3, $0x163, v11;
	v12 =	vsel vm3, $0x167, v12  }
0x20: {  	v13 =	vsel vm3, $0x183, v13;
	v14 =	vsel vm3, $0x187, v14;
	v15 =	vsel vm3, $0x1A3, v15  }
0x21: {  	v16 =	vsel vm3, $0x1A7, v16;
	v17 =	vsel vm3, $0x1C3, v17;
	v18 =	vsel vm3, $0x1C7, v18  }
0x22: {  	v19 =	vsel vm3, $0x1E3, v19;
	v20 =	vsel vm3, $0x1E7, v20;
	v21 =	vunpack.c.0.s8.s32 v21  }
0x23: {  	v51 =	vunpack.c.0.s8.s32 v48;
	v55 =	vunpack.c.0.s8.s32 v52;
	v3 =	vand.u32 $0xF, v3  }
0x24: {  	v56 =	vunpack.c.0.s8.s32 v53;
	v2 =	vcombine.low v3, v4;
	v4 =	vimm.s32 $0x17161514  }
0x25: {  	v52 =	vimm.s32 $0x87868584;
	v53 =	vimm.s32 $0x8F8E8D8C;
	v4 =	vunpack.c.0.s8.s32 v4  }
0x26: {  	v21 =	vand.u32 $0xF, v21;
	v58 =	vsel vm0, v55, v51;
	v51 =	vimm.s32 $0x9F9E9D9C  }
0x27: {  	v4 =	vsel vm0, v6, v4;
	v6 =	vsel vm2, $0x105, v7;
	v7 =	vsel vm2, $0x121, v8  }
0x28: {  	v8 =	vsel vm2, $0x125, v9;
	vm2 =	vcmask $0x1310;
	v9 =	vsel vm1, $0x142, v47  }
0x29: {  	v47 =	vimm.s32 $0x4B4A4948;
	v5 =	vsel vm2, $0x108, v5;
	v6 =	vsel vm1, $0x106, v6  }
0x2a: {  	v7 =	vsel vm1, $0x122, v7;
	v8 =	vsel vm1, $0x126, v8;
	vm1 =	vcmask $0x1714  }
0x2b: {  	v9 =	vsel vm3, $0x143, v9;
	v10 =	vsel vm2, $0x14C, v10;
	v11 =	vsel vm2, $0x168, v11  }
0x2c: {  	v12 =	vsel vm2, $0x16C, v12;
	v13 =	vsel vm2, $0x188, v13;
	v14 =	vsel vm2, $0x18C, v14  }
0x2d: {  	v15 =	vsel vm2, $0x1A8, v15;
	v16 =	vsel vm2, $0x1AC, v16;
	v17 =	vsel vm2, $0x1C8, v17  }
0x2e: {  	v18 =	vsel vm2, $0x1CC, v18;
	v19 =	vsel vm2, $0x1E8, v19;
	v20 =	vsel vm2, $0x1EC, v20  }
0x2f: {  	[tilespmem:$0x1FCF0] =	vst v2;
	v2 =	vcombine.low v21, v4;
	v5 =	vsel vm1, $0x109, v5;
	v6 =	vsel vm3, $0x107, v6  }
0x30: {  	v7 =	vsel vm3, $0x123, v7;
	v8 =	vsel vm3, $0x127, v8;
	vm3 =	vcmask $0x1B18  }
0x31: {  	v9 =	vsel vm2, $0x148, v9;
	v10 =	vsel vm1, $0x14D, v10;
	v11 =	vsel vm1, $0x169, v11  }
0x32: {  	v12 =	vsel vm1, $0x16D, v12;
	v13 =	vsel vm1, $0x189, v13;
	v14 =	vsel vm1, $0x18D, v14  }
0x33: {  	v15 =	vsel vm1, $0x1A9, v15;
	v16 =	vsel vm1, $0x1AD, v16;
	v17 =	vsel vm1, $0x1C9, v17  }
0x34: {  	v18 =	vsel vm1, $0x1CD, v18;
	v19 =	vsel vm1, $0x1E9, v19;
	v20 =	vsel vm1, $0x1ED, v20  }
0x35: {  	v5 =	vsel vm3, $0x10A, v5;
	v6 =	vsel vm2, $0x10C, v6;
	v7 =	vsel vm2, $0x128, v7  }
0x36: {  	v8 =	vsel vm2, $0x12C, v8;
	vm2 =	vcmask $0x1F1C;
	v9 =	vsel vm1, $0x149, v9  }
0x37: {  	v10 =	vsel vm3, $0x14E, v10;
	v11 =	vsel vm3, $0x16A, v11;
	v12 =	vsel vm3, $0x16E, v12  }
0x38: {  	v13 =	vsel vm3, $0x18A, v13;
	v14 =	vsel vm3, $0x18E, v14;
	v15 =	vsel vm3, $0x1AA, v15  }
0x39: {  	v16 =	vsel vm3, $0x1AE, v16;
	v17 =	vsel vm3, $0x1CA, v17;
	v18 =	vsel vm3, $0x1CE, v18  }
0x3a: {  	v19 =	vsel vm3, $0x1EA, v19;
	v20 =	vsel vm3, $0x1EE, v20;
	v5 =	vsel vm2, $0x10B, v5  }
0x3b: {  	v6 =	vsel vm1, $0x10D, v6;
	v7 =	vsel vm1, $0x129, v7;
	v8 =	vsel vm1, $0x12D, v8  }
0x3c: {  	vm1 =	vcmask $0x2320;
	v9 =	vsel vm3, $0x14A, v9;
	v10 =	vsel vm2, $0x14F, v10  }
0x3d: {  	v11 =	vsel vm2, $0x16B, v11;
	v12 =	vsel vm2, $0x16F, v12;
	v13 =	vsel vm2, $0x18B, v13  }
0x3e: {  	v14 =	vsel vm2, $0x18F, v14;
	v15 =	vsel vm2, $0x1AB, v15;
	v16 =	vsel vm2, $0x1AF, v16  }
0x3f: {  	v17 =	vsel vm2, $0x1CB, v17;
	v18 =	vsel vm2, $0x1CF, v18;
	v19 =	vsel vm2, $0x1EB, v19  }
0x40: {  	v20 =	vsel vm2, $0x1EF, v20;
	v5 =	vsel vm1, $0x110, v5;
	v6 =	vsel vm3, $0x10E, v6  }
0x41: {  	v7 =	vsel vm3, $0x12A, v7;
	v8 =	vsel vm3, $0x12E, v8;
	vm3 =	vcmask $0x2724  }
0x42: {  	v9 =	vsel vm2, $0x14B, v9;
	v10 =	vsel vm1, $0x154, v10;
	v11 =	vsel vm1, $0x170, v11  }
0x43: {  	v12 =	vsel vm1, $0x174, v12;
	v13 =	vsel vm1, $0x190, v13;
	v14 =	vsel vm1, $0x194, v14  }
0x44: {  	v15 =	vsel vm1, $0x1B0, v15;
	v16 =	vsel vm1, $0x1B4, v16;
	v17 =	vsel vm1, $0x1D0, v17  }
0x45: {  	v18 =	vsel vm1, $0x1D4, v18;
	v19 =	vsel vm1, $0x1F0, v19;
	v20 =	vsel vm1, $0x1F4, v20  }
0x46: {  	v22 =	vsel vm3, $0x111, v5;
	v6 =	vsel vm2, $0x10F, v6;
	v7 =	vsel vm2, $0x12B, v7  }
0x47: {  	v8 =	vsel vm2, $0x12F, v8;
	vm2 =	vcmask $0x2B28;
	v5 =	vshrl.u32 v60, $0x2  }
0x48: {  	v9 =	vsel vm1, $0x150, v9;
	v10 =	vsel vm3, $0x155, v10;
	v11 =	vsel vm3, $0x171, v11  }
0x49: {  	v12 =	vsel vm3, $0x175, v12;
	v13 =	vsel vm3, $0x191, v13;
	v14 =	vsel vm3, $0x195, v14  }
0x4a: {  	v15 =	vsel vm3, $0x1B1, v15;
	v16 =	vsel vm3, $0x1B5, v16;
	v17 =	vsel vm3, $0x1D1, v17  }
0x4b: {  	v18 =	vsel vm3, $0x1D5, v18;
	v19 =	vsel vm3, $0x1F1, v19;
	v20 =	vsel vm3, $0x1F5, v20  }
0x4c: {  	v22 =	vsel vm2, $0x112, v22;
	v6 =	vsel vm1, $0x114, v6;
	v7 =	vsel vm1, $0x130, v7  }
0x4d: {  	v8 =	vsel vm1, $0x134, v8;
	v9 =	vsel vm3, $0x151, v9;
	v10 =	vsel vm2, $0x156, v10  }
0x4e: {  	v11 =	vsel vm2, $0x172, v11;
	v12 =	vsel vm2, $0x176, v12;
	v13 =	vsel vm2, $0x192, v13  }
0x4f: {  	v14 =	vsel vm2, $0x196, v14;
	v15 =	vsel vm2, $0x1B2, v15;
	v16 =	vsel vm2, $0x1B6, v16  }
0x50: {  	v17 =	vsel vm2, $0x1D2, v17;
	v18 =	vsel vm2, $0x1D6, v18;
	v19 =	vsel vm2, $0x1F2, v19  }
0x51: {  	v20 =	vsel vm2, $0x1F6, v20;
	v6 =	vsel vm3, $0x115, v6;
	v7 =	vsel vm3, $0x131, v7  }
0x52: {  	v8 =	vsel vm3, $0x135, v8;
	v22 =	vsel vm4, $0x113, v22;
	v9 =	vsel vm2, $0x152, v9  }
0x53: {  	v10 =	vsel vm4, $0x157, v10;
	v11 =	vsel vm4, $0x173, v11;
	v12 =	vsel vm4, $0x177, v12  }
0x54: {  	v13 =	vsel vm4, $0x193, v13;
	v14 =	vsel vm4, $0x197, v14;
	v15 =	vsel vm4, $0x1B3, v15  }
0x55: {  	v16 =	vsel vm4, $0x1B7, v16;
	v17 =	vsel vm4, $0x1D3, v17;
	v18 =	vsel vm4, $0x1D7, v18  }
0x56: {  	v19 =	vsel vm4, $0x1F3, v19;
	v20 =	vsel vm4, $0x1F7, v20;
	vm3 =	vcmask $0x3734  }
0x57: {  	v23 =	vsel vm2, $0x116, v6;
	v7 =	vsel vm2, $0x132, v7;
	v8 =	vsel vm2, $0x136, v8  }
0x58: {  	vm2 =	vcmask $0x3330;
	v6 =	vand.u32 $0x3, v60;
	v9 =	vsel vm4, $0x153, v9  }
0x59: {  	v60 =	vunpack.c.0.s8.s32 v57;
	v61 =	vsel vm2, $0x118, v22;
	v62 =	vsel vm4, $0x117, v23  }
0x5a: {  	v7 =	vsel vm4, $0x133, v7;
	v8 =	vsel vm4, $0x137, v8;
	v9 =	vsel vm2, $0x158, v9  }
0x5b: {  	v10 =	vsel vm2, $0x15C, v10;
	v11 =	vsel vm2, $0x178, v11;
	v12 =	vsel vm2, $0x17C, v12  }
0x5c: {  	v13 =	vsel vm2, $0x198, v13;
	v14 =	vsel vm2, $0x19C, v14;
	v15 =	vsel vm2, $0x1B8, v15  }
0x5d: {  	v16 =	vsel vm2, $0x1BC, v16;
	v17 =	vsel vm2, $0x1D8, v17;
	v18 =	vsel vm2, $0x1DC, v18  }
0x5e: {  	v19 =	vsel vm2, $0x1F8, v19;
	v20 =	vsel vm2, $0x1FC, v20;
	v22 =	vsel vm2, $0x11C, v62  }
0x5f: {  	v7 =	vsel vm2, $0x138, v7;
	v8 =	vsel vm2, $0x13C, v8;
	v21 =	vsel vm3, $0x119, v61  }
0x60: {  	v25 =	vsel vm3, $0x159, v9;
	v26 =	vsel vm3, $0x15D, v10;
	v27 =	vsel vm3, $0x179, v11  }
0x61: {  	v28 =	vsel vm3, $0x17D, v12;
	v29 =	vsel vm3, $0x199, v13;
	v30 =	vsel vm3, $0x19D, v14  }
0x62: {  	v31 =	vsel vm3, $0x1B9, v15;
	v32 =	vsel vm3, $0x1BD, v16;
	v33 =	vsel vm3, $0x1D9, v17  }
0x63: {  	v34 =	vsel vm3, $0x1DD, v18;
	v35 =	vsel vm3, $0x1F9, v19;
	v36 =	vsel vm3, $0x1FD, v20  }
0x64: {  	v61 =	vimm.s32 $0x7B7A7978;
	v62 =	vimm.s32 $0x63626160;
	v22 =	vsel vm3, $0x11D, v22  }
0x65: {  	v63 =	vsel vm3, $0x139, v7;
	v24 =	vsel vm3, $0x13D, v8;
	vm3 =	vcmask $0x3B38  }
0x66: {  	v8 =	vsel vm3, $0x11A, v21;
	v9 =	vsel vm3, $0x11E, v22;
	v10 =	vsel vm3, $0x13A, v63  }
0x67: {  	v11 =	vsel vm3, $0x13E, v24;
	v12 =	vsel vm3, $0x15A, v25;
	v13 =	vsel vm3, $0x15E, v26  }
0x68: {  	v14 =	vsel vm3, $0x17A, v27;
	v15 =	vsel vm3, $0x17E, v28;
	v16 =	vsel vm3, $0x19A, v29  }
0x69: {  	v17 =	vsel vm3, $0x19E, v30;
	v18 =	vsel vm3, $0x1BA, v31;
	v19 =	vsel vm3, $0x1BE, v32  }
0x6a: {  	v20 =	vsel vm3, $0x1DA, v33;
	v21 =	vsel vm3, $0x1DE, v34;
	v22 =	vsel vm3, $0x1FA, v35  }
0x6b: {  	[tilespmem:$0x1FD00] =	vst v2;
	v2 =	vsel vm3, $0x1FE, v36;
	v33 =	vunpack.c.0.s8.s32 v37;
	v34 =	vunpack.c.0.s8.s32 v38  }
0x6c: {  	v35 =	vimm.s32 $0x23222120;
	v36 =	vimm.s32 $0x2B2A2928;
	v37 =	vimm.s32 $0x37363534  }
0x6d: {  	v38 =	vimm.s32 $0x3F3E3D3C;
	v29 =	vunpack.c.0.s8.s32 v39;
	v30 =	vunpack.c.0.s8.s32 v40  }
0x6e: {  	v63 =	vimm.s32 $0x6B6A6968;
	v31 =	vunpack.c.0.s8.s32 v62;
	v39 =	vimm.s32 $0x7F7E7D7C  }
0x6f: {  	v40 =	vimm.s32 $0x67666564;
	v62 =	vimm.s32 $0xDBDAD9D8;
	v25 =	vunpack.c.0.s8.s32 v35  }
0x70: {  	v26 =	vunpack.c.0.s8.s32 v36;
	v27 =	vunpack.c.0.s8.s32 v37;
	v28 =	vunpack.c.0.s8.s32 v38  }
0x71: {  	v36 =	vunpack.c.0.s8.s32 v61;
	v32 =	vunpack.c.0.s8.s32 v63;
	v37 =	vimm.s32 $0x77767574  }
0x72: {  	v63 =	vunpack.c.0.s8.s32 v62;
	v23 =	vsel vm0, v34, v33;
	v44 =	vsel vm0, v30, v29  }
0x73: {  	v29 =	vunpack.c.0.s8.s32 v46;
	v30 =	vunpack.c.0.s8.s32 v47;
	v38 =	vunpack.c.0.s8.s32 v37  }
0x74: {  	v33 =	vunpack.c.0.s8.s32 v40;
	v46 =	vimm.s32 $0x83828180;
	v47 =	vimm.s32 $0x8B8A8988  }
0x75: {  	s31 =	rddreg [dreg:$0x0];
	s4 =	simm.s32 $0x0;
	v37 =	vunpack.c.0.s8.s32 v52;
	v40 =	vimm.s32 $0xABAAA9A8;
	v41 =	vsel vm0, v26, v25  }
0x76: {  	[smem:$0x7FF] =	sst s4;
	v43 =	vsel vm0, v28, v27;
	v25 =	vunpack.c.0.s8.s32 v42;
	v28 =	vunpack.c.0.s8.s32 v45  }
0x77: {  	s3 =	rddreg [dreg:$0x1];
	_ =	strace $0x80000047;
	v26 =	vor.u32 $0x4, v5;
	v31 =	vsel vm0, v32, v31;
	v42 =	vunpack.c.0.s8.s32 v39  }
0x78: {  	[tilespmem:$0x1FD40] =	vst v8;
	v45 =	vimm.s32 $0x9B9A9998;
	v35 =	vunpack.c.0.s8.s32 v46;
	v39 =	vimm.s32 $0xBBBAB9B8  }
0x79: {  	[tilespmem:$0x1FD50] =	vst v9;
	v40 =	vunpack.c.0.s8.s32 v40;
	v46 =	vimm.s32 $0xC7C6C5C4;
	v24 =	vcombine.low v41, v23  }
0x7a: {  	[tilespmem:$0x1FD60] =	vst v10;
	v50 =	vsel vm0, v30, v29;
	v30 =	vunpack.c.0.s8.s32 v54;
	v41 =	vimm.s32 $0x6F6E6D6C  }
0x7b: {  	[tilespmem:$0x1FD70] =	vst v11;
	v48 =	vunpack.c.0.s8.s32 v45;
	v54 =	vimm.s32 $0xB3B2B1B0;
	v55 =	vunpack.c.0.s8.s32 v39  }
0x7c: {  	[tilespmem:$0x1FD80] =	vst v12;
	v52 =	vunpack.c.0.s8.s32 v46;
	v23 =	vmovc v2;
	v2 =	vcombine.low v44, v43;
	v49 =	vsel vm0, v28, v25  }
0x7d: {  	[tilespmem:$0x1FD90] =	vst v13;
	v34 =	vunpack.c.0.s8.s32 v41;
	v43 =	vimm.s32 $0x93929190;
	v32 =	vsel vm0, v42, v38  }
0x7e: {  	[tilespmem:$0x1FDA0] =	vst v14;
	v38 =	vunpack.c.0.s8.s32 v53;
	v41 =	vimm.s32 $0xB7B6B5B4;
	v42 =	vimm.s32 $0xBFBEBDBC  }
0x7f: {  	[tilespmem:$0x1FDB0] =	vst v15;
	v59 =	vsel vm0, v30, v56;
	v30 =	vsel vm0, v36, v60;
	v44 =	vunpack.c.0.s8.s32 v43  }
0x80: {  	[tilespmem:$0x1FDC0] =	vst v16;
	v36 =	vunpack.c.0.s8.s32 v47;
	v56 =	vimm.s32 $0xA3A2A1A0;
	v41 =	vunpack.c.0.s8.s32 v41  }
0x81: {  	[tilespmem:$0x1FDD0] =	vst v17;
	v43 =	vimm.s32 $0xA7A6A5A4;
	v42 =	vunpack.c.0.s8.s32 v42;
	v60 =	vimm.s32 $0xD3D2D1D0  }
0x82: {  	[tilespmem:$0x1FDE0] =	vst v18;
	v47 =	vimm.s32 $0xCFCECDCC;
	v25 =	vmovc v2;
	v2 =	vcombine.low v50, v49;
	v28 =	vcombine.low v59, v58  }
0x83: {  	[tilespmem:$0x1FDF0] =	vst v19;
	v3 =	vcombine.low v31, v30;
	v33 =	vsel vm0, v34, v33;
	v49 =	vimm.s32 $0x97969594  }
0x84: {  	[tilespmem:$0x1FE00] =	vst v20;
	v37 =	vsel vm0, v38, v37;
	v39 =	vunpack.c.0.s8.s32 v56;
	v43 =	vunpack.c.0.s8.s32 v43  }
0x85: {  	[tilespmem:$0x1FE10] =	vst v21;
	v61 =	vunpack.c.0.s8.s32 v60;
	v56 =	vimm.s32 $0xFBFAF9F8;
	v32 =	vcombine.low v33, v32  }
0x86: {  	[tilespmem:$0x1FE20] =	vst v22;
	v33 =	vor.u32 $0xFFFFFFCC, v5;
	v34 =	vsel vm0, v48, v44;
	v35 =	vsel vm0, v36, v35  }
0x87: {  	[tilespmem:$0x1FE60] =	vst v26;
	v50 =	vunpack.c.0.s8.s32 v49;
	v36 =	vunpack.c.0.s8.s32 v51;
	v44 =	vimm.s32 $0xAFAEADAC  }
0x88: {  	[tilespmem:$0x1FE30] =	vst v23;
	v58 =	vsel vm0, v42, v41;
	v48 =	vimm.s32 $0xC3C2C1C0;
	v49 =	vimm.s32 $0xCBCAC9C8  }
0x89: {  	[tilespmem:$0x1FE40] =	vst v24;
	v51 =	vimm.s32 $0xDFDEDDDC;
	v27 =	vmovc v2;
	v2 =	vor.u32 $0x8, v5;
	v34 =	vcombine.low v35, v34  }
0x8a: {  	[tilespmem:$0x1FE50] =	vst v25;
	v44 =	vunpack.c.0.s8.s32 v44;
	v57 =	vsel vm0, v40, v39;
	v45 =	vunpack.c.0.s8.s32 v48  }
0x8b: {  	v42 =	vsel vm0, v63, v61;
	v48 =	vimm.s32 $0xEBEAE9E8;
	[tilespmem:$0x1FD20] =	vst v33;
	v30 =	vmovc v2;
	v2 =	vor.u32 $0xC, v5  }
0x8c: {  	[tilespmem:$0x1FE80] =	vst v28;
	v35 =	vsel vm0, v36, v50;
	v36 =	vunpack.c.0.s8.s32 v54;
	v50 =	vimm.s32 $0xD7D6D5D4  }
0x8d: {  	v31 =	vmovc v3;
	v54 =	vunpack.c.0.s8.s32 v47;
	v48 =	vunpack.c.0.s8.s32 v48;
	[tilespmem:$0x1FE70] =	vst v27;
	v3 =	vand.u32 $0xFF, v34  }
0x8e: {  	[tilespmem:$0x1FEA0] =	vst v31;
	v35 =	vcombine.low v37, v35;
	v59 =	vsel vm0, v44, v43;
	v37 =	vor.u32 $0xFFFFFFD0, v5  }
0x8f: {  	[tilespmem:$0x1FEB0] =	vst v32;
	v44 =	vunpack.c.0.s8.s32 v49;
	v43 =	vunpack.c.0.s8.s32 v50;
	v49 =	vimm.s32 $0xF7F6F5F4  }
0x90: {  	v50 =	vimm.s32 $0xFFFEFDFC;
	[tilespmem:$0x1FE90] =	vst v30;
	v36 =	vsel vm0, v55, v36;
	v39 =	vcombine.low v59, v58  }
0x91: {  	v58 =	vimm.s32 $0xE3E2E1E0;
	v49 =	vunpack.c.0.s8.s32 v49;
	v50 =	vunpack.c.0.s8.s32 v50;
	[tilespmem:$0x1FD30] =	vst v37;
	v34 =	vmovc v2  }
0x92: {  	v38 =	vcombine.low v57, v36;
	v36 =	vand.u32 $0xFF, v35;
	v44 =	vsel vm0, v44, v45;
	[tilespmem:$0x1FEC0] =	vst v34  }
0x93: {  	v45 =	vunpack.c.0.s8.s32 v51;
	v57 =	vunpack.c.0.s8.s32 v56;
	v56 =	vor.u32 $0x28, v5;
	[tilespmem:$0x1FEE0] =	vst v36  }
0x94: {  	v47 =	vunpack.c.0.s8.s32 v58;
	v51 =	vimm.s32 $0xE7E6E5E4;
	v58 =	vor.u32 $0x2C, v5;
	[tilespmem:$0x1FFB0] =	vst v56  }
0x95: {  	v42 =	vcombine.low v44, v42;
	v61 =	vsel vm0, v50, v49;
	v50 =	vor.u32 $0x1C, v5;
	[tilespmem:$0x1FFC0] =	vst v58  }
0x96: {  	v44 =	vsel vm0, v54, v52;
	v52 =	vimm.s32 $0xEFEEEDEC;
	v54 =	vor.u32 $0x24, v5;
	[tilespmem:$0x1FF80] =	vst v50  }
0x97: {  	v2 =	vor.u32 $0x10, v5;
	v51 =	vunpack.c.0.s8.s32 v51;
	v35 =	vmovc v3;
	v52 =	vunpack.c.0.s8.s32 v52;
	[tilespmem:$0x1FFA0] =	vst v54  }
0x98: {  	v55 =	vimm.s32 $0xF3F2F1F0;
	v3 =	vand.u32 $0xFF, v38;
	v43 =	vsel vm0, v45, v43;
	[tilespmem:$0x1FED0] =	vst v35;
	v38 =	vmovc v2  }
0x99: {  	v45 =	vunpack.c.0.s8.s32 v55;
	v2 =	vand.u32 $0xFF, v39;
	v39 =	vmovc v3;
	v62 =	vsel vm0, v52, v51;
	[tilespmem:$0x1FEF0] =	vst v38  }
0x9a: {  	v43 =	vcombine.low v44, v43;
	v63 =	vcombine.low v62, v61;
	v62 =	vor.u32 $0xFFFFFFE8, v5;
	[tilespmem:$0x1FF00] =	vst v39  }
0x9b: {  	s0 =	srdreg.scid;
	s1 =	stileid.u32;
	v60 =	vsel vm0, v48, v47;
	v59 =	vsel vm0, v57, v45;
	v40 =	vmov v2;
	[tilespmem:$0x1FD10] =	vst v62  }
0x9c: {  	s2 =	sand.u32 $0x1, s0;
	s29 =	sshll.u32 s1, $0x1;
	v2 =	vor.u32 $0x14, v5;
	v46 =	vcombine.low v60, v59;
	v60 =	vor.u32 $0x30, v5;
	[tilespmem:$0x1FF10] =	vst v40  }
0x9d: {  	s13 =	simm.s32 $0xA520;
	s14 =	simm.s32 $0x2;
	s8 =	sor.u32 s2, s29;
	v3 =	vand.u32 $0xFF, v42;
	v42 =	vmov v2;
	[tilespmem:$0x1FFD0] =	vst v60  }
0x9e: {  	s17 =	simm.s32 $0x800;
	s18 =	simm.s32 $0x1;
	s1 =	smul.u32 $0x140, s8;
	v2 =	vand.u32 $0xFF, v43;
	v43 =	vmov v3;
	[tilespmem:$0x1FF20] =	vst v42  }
0x9f: {  	s19 =	simm.s32 $0x40;
	s20 =	simm.s32 $0x2020;
	s21 =	simm.s32 $0x2220;
	v44 =	vmov v2;
	[tilespmem:$0x1FF30] =	vst v43  }
0xa0: {  	s22 =	simm.s32 $0x1810;
	s23 =	simm.s32 $0x2420;
	v0 =	vmov s1;
	s30 =	sadd.s32 $0x140, s1;
	v3 =	vor.u32 $0x18, v5;
	[tilespmem:$0x1FF40] =	vst v44  }
0xa1: {  	s24 =	simm.s32 $0xA420;
	s25 =	simm.s32 $0x0;
	s8 =	smul.u32 $0x1400, s8;
	v1 =	vmov s30;
	vm1 =	vmmov $0xf;
	v48 =	vand.u32 $0xFF, v63;
	[tilespmem:$0x1FF50] =	vst v3  }
.Ltmp0:
0xa2: {  	s5 =	sadd.s32 $0x9DE00, s31;
	s2 =	ssub.s32 $0x2, s2;
	vm2 =	vcmask $0x2F20;
	v41 =	vand.u32 $0xFF, v46;
	v46 =	vor.u32 $0x20, v5;
	[tilespmem:$0x1FF70] =	vst v48;
	(pc) =	sbr.rel .LBB2_1-.Ltmp0, $4  }
0xa3: {  	s6 =	sadd.s32 $0x1A00, s31;
	s7 =	sadd.s32 $0xA0A00, s31;
	s11 =	sshrl.u32 s2, $0x1;
	vm3 =	vcmask $0x3F30;
	v29 =	vor.u32 $0xFFFFFFC8, v5;
	v63 =	vor.u32 $0x34, v5;
	[tilespmem:$0x1FF90] =	vst v46  }
0xa4: {  	s9 =	sadd.s32 $0xA0600, s31;
	s2 =	ssub.s32 s2, s11;
	s0 =	sadd.s32 s8, s31;
	v53 =	vor.u32 $0xFFFFFFD4, v5;
	v49 =	vor.u32 $0xFFFFFFF0, v5;
	v55 =	vor.u32 $0xFFFFFFD8, v5;
	v47 =	vmovc v41;
	[tilespmem:$0x1FFE0] =	vst v63  }
0xa5: {  	s10 =	sadd.s32 $0xAA800, s31;
	s12 =	smax.u32 s2, $0x1;
	s11 =	sadd.s32 $0xABC00, s0;
	v57 =	vor.u32 $0xFFFFFFDC, v5;
	v51 =	vor.u32 $0xFFFFFFF4, v5;
	v41 =	vor.u32 $0xFFFFFFEC, v5;
	[tilespmem:$0x1FF60] =	vst v47  }
0xa6: {  	s0 =	simm.s32 $0xAF20;
	[dreg:$0x3] =	wrdreg s9;
	s9 =	sadd.s32 $0xA0800, s31;
	v59 =	vor.u32 $0xFFFFFFE0, v5;
	v61 =	vor.u32 $0xFFFFFFE4, v5;
	v45 =	vmovc v29;
	v2 =	vimm.s32 $0x0;
	[tilespmem:$0x1FFF0] =	vst v41  }
.LBB2_20:
0xa7: {  	s25 =	sadd.s32 $0x1, s25  }
0xa8: {  	p0 =	sne.s32 s25, s12  }
.Ltmp1:
0xa9: {  	s0 =	simm.s32 $0xAF20;
	(pc) =	sbr.rel @!p0 .LBB2_21-.Ltmp1, $4  }
0xaa: {  	[hbm4b:s11+s4] =	stream.linear.scatter [tilespmem:s0], [sflag:$0x2], $0xA000, $0x38;
	[tilespmem:$0x14F30] =	vst v63  }
0xab: {  	_ =	swait.ge [sflag:s14], $0xA000  }
0xac: {  	[sflag:s14] =	ssyncset.done $0x0  }
0xad: {  	v2 =	vimm.s32 $0x0;
	[sflag:s14] =	ssyncadd.s32 $0xFFFF6000  }
.LBB2_1:
0xae: {  	[tilespmem:s13], [sflag:$0x2] =	stream.linear.gather [hbm4b:s9+s4], $0xA00, $0x38;
	[tilespmem:$0x14F30] =	vst v63  }
0xaf: {  	_ =	swait.ge [sflag:s14], $0xA00  }
0xb0: {  	[sflag:s14] =	ssyncset.done $0x0  }
0xb1: {  	[sflag:s14] =	ssyncadd.s32 $0xFFFFF600  }
0xb2: {  	[tilespmem:s0], [sflag:$0x2] =	stream.linear.gather [hbm4b:s10+s4], $0xA000, $0x38;
	[tilespmem:$0x14F30] =	vst v63  }
0xb3: {  	_ =	swait.ge [sflag:s14], $0xA000  }
0xb4: {  	[sflag:s14] =	ssyncset.done $0x0  }
0xb5: {  	s2 =	simm.s32 $0x14F20;
	s31 =	rddreg [dreg:$0x3];
	[sflag:s14] =	ssyncadd.s32 $0xFFFF6000  }
0xb6: {  	[tilespmem:s2], [sflag:$0x2] =	stream.linear.gather [hbm4b:s31+s4], $0x10, $0x38;
	[tilespmem:$0x14F30] =	vst v63  }
0xb7: {  	_ =	swait.ge [sflag:s14], $0x10  }
0xb8: {  	[sflag:s14] =	ssyncset.done $0x0  }
0xb9: {  	[sflag:s14] =	ssyncadd.s32 $0xFFFFFFF0  }
0xba: {  	v7 =	vmov v51;
	v4 =	vmov v49;
	v3 =	vmov v41;
	s0 =	simm.s32 $0x40;
	s2 =	simm.s32 $0x0;
	v62 =	vld [tilespmem:$0x14F20]  }
.LBB2_2:
0xbb: {  	p0 =	sne.s32 s0, $0x2000;
	[tilespmem:s2+$0x1810] =	vst v2;
	s8 =	smov.u32 s0;
	s0 =	sadd.s32 $0x40, s0  }
.Ltmp2:
0xbc: {  	[tilespmem:s2+$0x1000] =	vst v2;
	(pc) =	sbr.rel @p0 .LBB2_2-.Ltmp2, $2  }
0xbd: {  	_ =	sdelay $0x2  }
0xbe: {  	s2 =	sshra.s32 s8, $0x2  }
.Ltmp3:
0xbf: {  	(pc) =	sbr.rel .LBB2_4-.Ltmp3, $3  }
0xc0: {  	_ =	sdelay $0x1  }
0xc1: {  	[tilespmem:s2+$0x1810] =	vst v2  }
0xc2: {  	s28 =	simm.s32 $0x0;
	[tilespmem:s2+$0x1000] =	vst v2;
	s29 =	simm.s32 $0x0  }
.LBB2_9:
0xc3: {  	s29 =	sadd.s32 $0x1, s29  }
0xc4: {  	p0 =	sne.s32 s29, $0x9D  }
.Ltmp4:
0xc5: {  	_ = 	snop;
	(pc) =	sbr.rel @!p0 .LBB2_10-.Ltmp4, $2  }
0xc6: {  	_ =	sdelay $0x2  }
0xc7: {  	s26 =	simm.s32 $0x0  }
.LBB2_4:
0xc8: {  	s0 =	sshll.u32 s29, $0x8  }
0xc9: {  	s2 =	sadd.s32 s3, s0  }
0xca: {  	[tilespmem:s28], [sflag:$0x1] =	stream.linear.gather [hbm4b:s2+s28], $0x800, $0x38;
	[tilespmem:$0x14F30] =	vst v63  }
0xcb: {  	s0 =	sadd.s32 s7, s0  }
0xcc: {  	[tilespmem:s17], [sflag:$0x1] =	stream.linear.gather [hbm4b:s0+s28], $0x800, $0x38;
	[tilespmem:$0x14F30] =	vst v63  }
0xcd: {  	_ =	swait.ge [sflag:s18], $0x800  }
0xce: {  	[sflag:s18] =	ssyncset.done $0x0  }
0xcf: {  	[sflag:s18] =	ssyncadd.s32 $0xFFFFF800  }
0xd0: {  	_ =	swait.ge [sflag:s18], $0x800  }
0xd1: {  	[sflag:s18] =	ssyncset.done $0x0  }
0xd2: {  	s31 =	simm.s32 $0x0;
	[sflag:s18] =	ssyncadd.s32 $0xFFFFF800  }
0xd3: {  	v63 =	vld [tilespmem:s31+$0x800];
	_ =	sdelay $0x4  }
0xd4: {  	vm4 =	vge.s32 v63, v0;
	vm5 =	vlt.s32 v63, v1  }
0xd5: {  	vm4 =	vmand vm4, vm5  }
0xd6: {  	v29 =	vmpcnt.ones.xlane vm4;
	_ =	sdelay $0x1  }
0xd7: {  	v29 =	vxor.u32 $0x80000000, v29  }
0xd8: {  	(xrf0) =	vmax.scan.msk.u32 $0xffff, v29;
	_ =	sdelay $0x2  }
0xd9: {  	v56 =	vld [tilespmem:s31+$0x0];
	_ =	sdelay $0x2  }
0xda: {  	v58, _, _ =	vpop (xrf0)  }
0xdb: {  	[tilespmem:s28+$0x1810] =	vst.msk vm4, v63;
	(v2sf) =	vpush v58, $0xF  }
0xdc: {  	s8 =	simm.s32 $0x80;
	s2 =	simm.s32 $0x0;
	s0 =	simm.s32 $0x10;
	[tilespmem:s28+$0x1000] =	vst.msk vm4, v56  }
.LBB2_5:
0xdd: {  	p0 =	sne.s32 s8, $0x1FC0;
	v29 =	vld [tilespmem:s0+$0x800];
	_ =	sdelay $0x4  }
0xde: {  	vm4 =	vge.s32 v29, v0;
	vm5 =	vlt.s32 v29, v1  }
0xdf: {  	vm4 =	vmand vm4, vm5  }
0xe0: {  	v63 =	vmpcnt.ones.xlane vm4;
	_ =	sdelay $0x1  }
0xe1: {  	v63 =	vxor.u32 $0x80000000, v63  }
0xe2: {  	(xrf0) =	vmax.scan.msk.u32 $0xffff, v63;
	_ =	sdelay $0x1  }
0xe3: {  	v63 =	vld [tilespmem:s0+$0x0]  }
0xe4: {  	s0 =	spop (v2sf)  }
.Ltmp5:
0xe5: {  	s0 =	sadd.s32 s0, s2;
	(pc) =	sbr.rel @p0 .LBB2_5-.Ltmp5, $4  }
0xe6: {  	s2 =	sadd.s32 $0x80000000, s0  }
0xe7: {  	[tilespmem:s2+$0x1810] =	vst.msk vm4, v29;
	v29, _, _ =	vpop (xrf0)  }
0xe8: {  	[tilespmem:s2+$0x1000] =	vst.msk vm4, v63;
	(v2sf) =	vpush v29, $0xF  }
0xe9: {  	s0 =	sshra.s32 s8, $0x2;
	s8 =	sadd.s32 $0x40, s8  }
0xea: {  	v29 =	vld [tilespmem:s0+$0x800];
	_ =	sdelay $0x3  }
0xeb: {  	v58 =	vld [tilespmem:s0+$0x0]  }
0xec: {  	v10 =	vld [tilespmem:$0x1FCF0];
	vm4 =	vge.s32 v29, v0;
	vm5 =	vlt.s32 v29, v1  }
0xed: {  	v11 =	vld [tilespmem:$0x1FD00];
	vm4 =	vmand vm4, vm5  }
0xee: {  	v12 =	vld [tilespmem:$0x1FD70];
	v63 =	vmpcnt.ones.xlane vm4  }
0xef: {  	v13 =	vld [tilespmem:$0x1FD80]  }
0xf0: {  	v14 =	vld [tilespmem:$0x1FD90];
	v63 =	vxor.u32 $0x80000000, v63  }
0xf1: {  	v15 =	vld [tilespmem:$0x1FDA0];
	(xrf0) =	vmax.scan.msk.u32 $0xffff, v63  }
0xf2: {  	v16 =	vld [tilespmem:$0x1FDB0]  }
0xf3: {  	v17 =	vld [tilespmem:$0x1FDC0]  }
0xf4: {  	v18 =	vld [tilespmem:$0x1FDD0]  }
0xf5: {  	v19 =	vld [tilespmem:$0x1FDE0]  }
0xf6: {  	v20 =	vld [tilespmem:$0x1FDF0]  }
0xf7: {  	v21 =	vld [tilespmem:$0x1FE00];
	v63, _, _ =	vpop (xrf0)  }
0xf8: {  	v22 =	vld [tilespmem:$0x1FE10];
	(v2sf) =	vpush v63, $0xF  }
0xf9: {  	v23 =	vld [tilespmem:$0x1FE20]  }
0xfa: {  	v24 =	vld [tilespmem:$0x1FE30]  }
0xfb: {  	v25 =	vld [tilespmem:$0x1FE40]  }
0xfc: {  	v26 =	vld [tilespmem:$0x1FE50]  }
0xfd: {  	v27 =	vld [tilespmem:$0x1FE60]  }
0xfe: {  	v28 =	vld [tilespmem:$0x1FE70]  }
0xff: {  	v30 =	vld [tilespmem:$0x1FE80]  }
0x100: {  	v31 =	vld [tilespmem:$0x1FE90]  }
0x101: {  	v32 =	vld [tilespmem:$0x1FEA0]  }
0x102: {  	v34 =	vld [tilespmem:$0x1FEB0]  }
0x103: {  	v35 =	vld [tilespmem:$0x1FEC0]  }
0x104: {  	v36 =	vld [tilespmem:$0x1FED0]  }
0x105: {  	v38 =	vld [tilespmem:$0x1FEE0];
	s8 =	spop (v2sf)  }
0x106: {  	v39 =	vld [tilespmem:$0x1FEF0];
	s2 =	sadd.s32 s8, s2  }
0x107: {  	v40 =	vld [tilespmem:$0x1FF00];
	s15 =	sadd.s32 $0x80000000, s2;
	s26 =	spop (v2sf)  }
0x108: {  	v42 =	vld [tilespmem:$0x1FF10];
	s2 =	sadd.s32 s26, s15  }
0x109: {  	v43 =	vld [tilespmem:$0x1FF20];
	s8 =	sadd.s32 $0x80000000, s2  }
0x10a: {  	v44 =	vld [tilespmem:$0x1FF30];
	s2 =	sadd.s32 $0x3F, s8  }
0x10b: {  	v46 =	vld [tilespmem:$0x1FF40];
	s16 =	sand.u32 $0x3F, s2  }
0x10c: {  	v47 =	vld [tilespmem:$0x1FF50];
	s30 =	sshra.s32 s2, $0x1F;
	p1 =	slt.s32 s2, $0x1;
	p0 =	sne.s32 s16, $0x0  }
0x10d: {  	v48 =	vld [tilespmem:$0x1FF60];
	s31 =	sshrl.u32 s30, $0x1A;
	p0 =	por !p1, !p0  }
0x10e: {  	v50 =	vld [tilespmem:$0x1FF70];
	s0 =	sadd.s32 s31, s2;
	s2 =	simm.s32 $0x1;
	p0 =	por !p0, !p0  }
0x10f: {  	v52 =	vld [tilespmem:$0x1FF80];
	s0 =	sshra.s32 s0, $0x6;
	s2 =	simm.s32 @!p0 $0x0  }
0x110: {  	v54 =	vld [tilespmem:$0x1FF90];
	s2 =	ssub.s32 s0, s2  }
0x111: {  	v56 =	vld [tilespmem:$0x1FFA0];
	p0 =	slt.s32 s2, $0x1  }
.Ltmp6:
0x112: {  	v60 =	vld [tilespmem:$0x1FFC0];
	(pc) =	sbr.rel @p0 .LBB2_9-.Ltmp6, $4  }
0x113: {  	v2 =	vld [tilespmem:$0x1FFD0]  }
0x114: {  	v49 =	vld [tilespmem:$0x1FFE0]  }
0x115: {  	v9 =	vld [tilespmem:$0x1FD10];
	[tilespmem:s15+$0x1810] =	vst.msk vm4, v29  }
0x116: {  	[tilespmem:s15+$0x1000] =	vst.msk vm4, v58;
	v58 =	vld [tilespmem:$0x1FFB0]  }
0x117: {  	v51 =	vmov v4;
	v8 =	vmov v7;
	v63 =	vmov s8;
	s26 =	simm.s32 $0x1000;
	s30 =	simm.s32 $0x1810;
	s31 =	simm.s32 $0x0  }
.LBB2_8:
0x118: {  	[tilespmem:s20], [sflag:$0x1] =	stream.indirect.gather [hbm4b:s5+s19], $0x8, s26, s19, $0xb8;
	[tilespmem:$0x14F30] =	vst v63  }
0x119: {  	_ = 	snop  }
0x11a: {  	[tilespmem:s21], [sflag:$0x1] =	stream.indirect.gather [hbm4b:s5+s19], $0x8, s30, s19, $0xb8;
	[tilespmem:$0x14F30] =	vst v63  }
0x11b: {  	_ =	swait.ge [sflag:s18], $0x200  }
0x11c: {  	[sflag:s18] =	ssyncset.done $0x0  }
0x11d: {  	[sflag:s18] =	ssyncadd.s32 $0xFFFFFE00  }
0x11e: {  	_ =	swait.ge [sflag:s18], $0x200  }
0x11f: {  	[sflag:s18] =	ssyncset.done $0x0  }
0x120: {  	[sflag:s18] =	ssyncadd.s32 $0xFFFFFE00  }
0x121: {  	v29 =	vld.idx.msk [tilespmem:v10+s20+$0x0], $0xffff  }
0x122: {  	v33 =	vld.idx.msk [tilespmem:v11+s21+$0x0], $0xffff;
	_ =	sdelay $0x3  }
0x123: {  	v37 =	vor.u32 s31, v5  }
0x124: {  	v29 =	vadd.f32 v33, v29;
	_ =	sdelay $0x1  }
0x125: {  	v33 =	vmul.f32 $2.000000030e-01, v29  }
0x126: {  	vm4 =	vgt.f32 v29, $0.0e+00  }
0x127: {  	v41 =	vld.idx.msk [tilespmem:v37+s22+$0x0], $0xffff;
	v29 =	vsel vm4, v29, v33  }
0x128: {  	v29 =	vsub.f32 v29, v62;
	_ =	sdelay $0x1  }
0x129: {  	v29 =	vmul.f32 $1.442695020e+00, v29;
	_ =	sdelay $0x1  }
0x12a: {  	(erf) = vpow2.f32 v29;
	v29 =	vsub.s32 v41, v0  }
0x12b: {  	vm4 =	vgt.s32 v29, $0x0  }
0x12c: {  	v29 =	vnsel vm4, $0x0, v29  }
0x12d: {  	vm4 =	vlt.s32 v37, v63;
	v29 =	vmin.u32 v29, $0x13F  }
0x12e: {  	vm5 =	vmand vm4, vm1;
	v29 =	vshll.u32 v29, $0x3  }
0x12f: {  	vm6 =	vmand vm4, vm0;
	v29 =	vor.u32 v6, v29  }
0x130: {  	vm7 =	vmand vm4, vm2  }
0x131: {  	vm4 =	vmand vm4, vm3;
	_ =	sdelay $0x1  }
0x132: {  	v37 =	vpop (erf)  }
0x133: {  	[tilespmem:v29+s13+$0x0] =	vst.idx.add.f32.msk vm5, v37  }
0x134: {  	[tilespmem:v29+s13+$0x0] =	vst.idx.add.f32.msk vm6, v37  }
0x135: {  	[tilespmem:v29+s13+$0x0] =	vst.idx.add.f32.msk vm7, v37  }
0x136: {  	[tilespmem:v29+s13+$0x0] =	vst.idx.add.f32.msk vm4, v37  }
0x137: {  	v29 =	vld.idx.msk [tilespmem:v25+s20+$0x0], $0xffff  }
0x138: {  	v33 =	vld.idx.msk [tilespmem:v26+s21+$0x0], $0xffff;
	_ =	sdelay $0x3  }
0x139: {  	v37 =	vor.u32 s31, v27  }
0x13a: {  	v29 =	vadd.f32 v33, v29;
	_ =	sdelay $0x1  }
0x13b: {  	v33 =	vmul.f32 $2.000000030e-01, v29  }
0x13c: {  	vm4 =	vgt.f32 v29, $0.0e+00  }
0x13d: {  	v41 =	vld.idx.msk [tilespmem:v37+s22+$0x0], $0xffff;
	v29 =	vsel vm4, v29, v33  }
0x13e: {  	v29 =	vsub.f32 v29, v62;
	_ =	sdelay $0x1  }
0x13f: {  	v29 =	vmul.f32 $1.442695020e+00, v29;
	_ =	sdelay $0x1  }
0x140: {  	(erf) = vpow2.f32 v29;
	v29 =	vsub.s32 v41, v0  }
0x141: {  	vm4 =	vgt.s32 v29, $0x0  }
0x142: {  	v29 =	vnsel vm4, $0x0, v29  }
0x143: {  	vm4 =	vlt.s32 v37, v63;
	v29 =	vmin.u32 v29, $0x13F  }
0x144: {  	vm5 =	vmand vm4, vm1;
	v29 =	vshll.u32 v29, $0x3  }
0x145: {  	vm14 =	vmand vm4, vm0;
	v29 =	vor.u32 v6, v29  }
0x146: {  	vm15 =	vmand vm4, vm2  }
0x147: {  	vm4 =	vmand vm4, vm3;
	_ =	sdelay $0x1  }
0x148: {  	v37 =	vpop (erf)  }
0x149: {  	[tilespmem:v29+s13+$0x0] =	vst.idx.add.f32.msk vm5, v37  }
0x14a: {  	[tilespmem:v29+s13+$0x0] =	vst.idx.add.f32.msk vm14, v37  }
0x14b: {  	[tilespmem:v29+s13+$0x0] =	vst.idx.add.f32.msk vm15, v37  }
0x14c: {  	[tilespmem:v29+s13+$0x0] =	vst.idx.add.f32.msk vm4, v37  }
0x14d: {  	v29 =	vld.idx.msk [tilespmem:v28+s20+$0x0], $0xffff  }
0x14e: {  	v33 =	vld.idx.msk [tilespmem:v30+s21+$0x0], $0xffff;
	_ =	sdelay $0x2  }
0x14f: {  	v37 =	vor.u32 s31, v31  }
0x150: {  	v41 =	vand.u32 v45, v37  }
0x151: {  	v29 =	vadd.f32 v33, v29;
	_ =	sdelay $0x1  }
0x152: {  	v33 =	vmul.f32 $2.000000030e-01, v29  }
0x153: {  	vm4 =	vgt.f32 v29, $0.0e+00  }
0x154: {  	v41 =	vld.idx.msk [tilespmem:v41+s22+$0x0], $0xffff;
	v29 =	vsel vm4, v29, v33  }
0x155: {  	v29 =	vsub.f32 v29, v62;
	_ =	sdelay $0x1  }
0x156: {  	v29 =	vmul.f32 $1.442695020e+00, v29;
	_ =	sdelay $0x1  }
0x157: {  	(erf) = vpow2.f32 v29;
	v29 =	vsub.s32 v41, v0  }
0x158: {  	vm4 =	vgt.s32 v29, $0x0  }
0x159: {  	v29 =	vnsel vm4, $0x0, v29  }
0x15a: {  	vm4 =	vlt.s32 v37, v63;
	v29 =	vmin.u32 v29, $0x13F  }
0x15b: {  	vm5 =	vmand vm4, vm1;
	v29 =	vshll.u32 v29, $0x3  }
0x15c: {  	vm9 =	vmand vm4, vm0;
	v29 =	vor.u32 v6, v29  }
0x15d: {  	vm10 =	vmand vm4, vm2  }
0x15e: {  	vm4 =	vmand vm4, vm3;
	_ =	sdelay $0x1  }
0x15f: {  	v41 =	vld [tilespmem:$0x1FD20];
	v37 =	vpop (erf)  }
0x160: {  	[tilespmem:v29+s13+$0x0] =	vst.idx.add.f32.msk vm5, v37  }
0x161: {  	[tilespmem:v29+s13+$0x0] =	vst.idx.add.f32.msk vm9, v37  }
0x162: {  	[tilespmem:v29+s13+$0x0] =	vst.idx.add.f32.msk vm10, v37  }
0x163: {  	[tilespmem:v29+s13+$0x0] =	vst.idx.add.f32.msk vm4, v37  }
0x164: {  	v29 =	vld.idx.msk [tilespmem:v32+s20+$0x0], $0xffff  }
0x165: {  	v33 =	vld.idx.msk [tilespmem:v34+s21+$0x0], $0xffff;
	_ =	sdelay $0x2  }
0x166: {  	v37 =	vor.u32 s31, v35  }
0x167: {  	v41 =	vand.u32 v41, v37  }
0x168: {  	v29 =	vadd.f32 v33, v29;
	_ =	sdelay $0x1  }
0x169: {  	v33 =	vmul.f32 $2.000000030e-01, v29  }
0x16a: {  	vm4 =	vgt.f32 v29, $0.0e+00  }
0x16b: {  	v41 =	vld.idx.msk [tilespmem:v41+s22+$0x0], $0xffff;
	v29 =	vsel vm4, v29, v33  }
0x16c: {  	v29 =	vsub.f32 v29, v62;
	_ =	sdelay $0x1  }
0x16d: {  	v29 =	vmul.f32 $1.442695020e+00, v29;
	_ =	sdelay $0x1  }
0x16e: {  	(erf) = vpow2.f32 v29;
	v29 =	vsub.s32 v41, v0  }
0x16f: {  	vm4 =	vgt.s32 v29, $0x0  }
0x170: {  	v29 =	vnsel vm4, $0x0, v29  }
0x171: {  	vm4 =	vlt.s32 v37, v63;
	v29 =	vmin.u32 v29, $0x13F  }
0x172: {  	vm5 =	vmand vm4, vm1;
	v29 =	vshll.u32 v29, $0x3  }
0x173: {  	vm11 =	vmand vm4, vm0;
	v29 =	vor.u32 v6, v29  }
0x174: {  	vm12 =	vmand vm4, vm2  }
0x175: {  	vm4 =	vmand vm4, vm3;
	_ =	sdelay $0x1  }
0x176: {  	v41 =	vld [tilespmem:$0x1FD30];
	v37 =	vpop (erf)  }
0x177: {  	[tilespmem:v29+s13+$0x0] =	vst.idx.add.f32.msk vm5, v37  }
0x178: {  	[tilespmem:v29+s13+$0x0] =	vst.idx.add.f32.msk vm11, v37  }
0x179: {  	[tilespmem:v29+s13+$0x0] =	vst.idx.add.f32.msk vm12, v37  }
0x17a: {  	[tilespmem:v29+s13+$0x0] =	vst.idx.add.f32.msk vm4, v37  }
0x17b: {  	v29 =	vld.idx.msk [tilespmem:v36+s20+$0x0], $0xffff  }
0x17c: {  	v33 =	vld.idx.msk [tilespmem:v38+s21+$0x0], $0xffff;
	_ =	sdelay $0x2  }
0x17d: {  	v37 =	vor.u32 s31, v39  }
0x17e: {  	v41 =	vand.u32 v41, v37  }
0x17f: {  	v29 =	vadd.f32 v33, v29;
	_ =	sdelay $0x1  }
0x180: {  	v33 =	vmul.f32 $2.000000030e-01, v29  }
0x181: {  	vm4 =	vgt.f32 v29, $0.0e+00  }
0x182: {  	v41 =	vld.idx.msk [tilespmem:v41+s22+$0x0], $0xffff;
	v29 =	vsel vm4, v29, v33  }
0x183: {  	v29 =	vsub.f32 v29, v62;
	_ =	sdelay $0x1  }
0x184: {  	v29 =	vmul.f32 $1.442695020e+00, v29;
	_ =	sdelay $0x1  }
0x185: {  	(erf) = vpow2.f32 v29;
	v29 =	vsub.s32 v41, v0  }
0x186: {  	vm4 =	vgt.s32 v29, $0x0  }
0x187: {  	v29 =	vnsel vm4, $0x0, v29  }
0x188: {  	vm4 =	vlt.s32 v37, v63;
	v29 =	vmin.u32 v29, $0x13F  }
0x189: {  	vm5 =	vmand vm4, vm1;
	v29 =	vshll.u32 v29, $0x3  }
0x18a: {  	vm13 =	vmand vm4, vm0;
	v29 =	vor.u32 v6, v29  }
0x18b: {  	vm14 =	vmand vm4, vm2  }
0x18c: {  	vm4 =	vmand vm4, vm3;
	_ =	sdelay $0x1  }
0x18d: {  	v37 =	vpop (erf)  }
0x18e: {  	[tilespmem:v29+s13+$0x0] =	vst.idx.add.f32.msk vm5, v37  }
0x18f: {  	[tilespmem:v29+s13+$0x0] =	vst.idx.add.f32.msk vm13, v37  }
0x190: {  	[tilespmem:v29+s13+$0x0] =	vst.idx.add.f32.msk vm14, v37  }
0x191: {  	[tilespmem:v29+s13+$0x0] =	vst.idx.add.f32.msk vm4, v37  }
0x192: {  	v29 =	vld.idx.msk [tilespmem:v40+s20+$0x0], $0xffff  }
0x193: {  	v33 =	vld.idx.msk [tilespmem:v42+s21+$0x0], $0xffff;
	_ =	sdelay $0x2  }
0x194: {  	v37 =	vor.u32 s31, v43  }
0x195: {  	v41 =	vand.u32 v53, v37  }
0x196: {  	v29 =	vadd.f32 v33, v29;
	_ =	sdelay $0x1  }
0x197: {  	v33 =	vmul.f32 $2.000000030e-01, v29  }
0x198: {  	vm4 =	vgt.f32 v29, $0.0e+00  }
0x199: {  	v41 =	vld.idx.msk [tilespmem:v41+s22+$0x0], $0xffff;
	v29 =	vsel vm4, v29, v33  }
0x19a: {  	v29 =	vsub.f32 v29, v62;
	_ =	sdelay $0x1  }
0x19b: {  	v29 =	vmul.f32 $1.442695020e+00, v29;
	_ =	sdelay $0x1  }
0x19c: {  	(erf) = vpow2.f32 v29;
	v29 =	vsub.s32 v41, v0  }
0x19d: {  	vm4 =	vgt.s32 v29, $0x0  }
0x19e: {  	v29 =	vnsel vm4, $0x0, v29  }
0x19f: {  	vm4 =	vlt.s32 v37, v63;
	v29 =	vmin.u32 v29, $0x13F  }
0x1a0: {  	vm5 =	vmand vm4, vm1;
	v29 =	vshll.u32 v29, $0x3  }
0x1a1: {  	vm15 =	vmand vm4, vm0;
	v29 =	vor.u32 v6, v29  }
0x1a2: {  	vm9 =	vmand vm4, vm2  }
0x1a3: {  	vm4 =	vmand vm4, vm3;
	_ =	sdelay $0x1  }
0x1a4: {  	v37 =	vpop (erf)  }
0x1a5: {  	[tilespmem:v29+s13+$0x0] =	vst.idx.add.f32.msk vm5, v37  }
0x1a6: {  	[tilespmem:v29+s13+$0x0] =	vst.idx.add.f32.msk vm15, v37  }
0x1a7: {  	[tilespmem:v29+s13+$0x0] =	vst.idx.add.f32.msk vm9, v37  }
0x1a8: {  	[tilespmem:v29+s13+$0x0] =	vst.idx.add.f32.msk vm4, v37  }
0x1a9: {  	v29 =	vld.idx.msk [tilespmem:v44+s20+$0x0], $0xffff  }
0x1aa: {  	v33 =	vld.idx.msk [tilespmem:v46+s21+$0x0], $0xffff;
	_ =	sdelay $0x2  }
0x1ab: {  	v37 =	vor.u32 s31, v47  }
0x1ac: {  	v41 =	vand.u32 v55, v37  }
0x1ad: {  	v29 =	vadd.f32 v33, v29;
	_ =	sdelay $0x1  }
0x1ae: {  	v33 =	vmul.f32 $2.000000030e-01, v29  }
0x1af: {  	vm4 =	vgt.f32 v29, $0.0e+00  }
0x1b0: {  	v41 =	vld.idx.msk [tilespmem:v41+s22+$0x0], $0xffff;
	v29 =	vsel vm4, v29, v33  }
0x1b1: {  	v29 =	vsub.f32 v29, v62;
	_ =	sdelay $0x1  }
0x1b2: {  	v29 =	vmul.f32 $1.442695020e+00, v29;
	_ =	sdelay $0x1  }
0x1b3: {  	(erf) = vpow2.f32 v29;
	v29 =	vsub.s32 v41, v0  }
0x1b4: {  	vm4 =	vgt.s32 v29, $0x0  }
0x1b5: {  	v29 =	vnsel vm4, $0x0, v29  }
0x1b6: {  	vm4 =	vlt.s32 v37, v63;
	v29 =	vmin.u32 v29, $0x13F  }
0x1b7: {  	vm5 =	vmand vm4, vm1;
	v29 =	vshll.u32 v29, $0x3  }
0x1b8: {  	vm10 =	vmand vm4, vm0;
	v29 =	vor.u32 v6, v29  }
0x1b9: {  	vm11 =	vmand vm4, vm2  }
0x1ba: {  	vm4 =	vmand vm4, vm3;
	_ =	sdelay $0x1  }
0x1bb: {  	v37 =	vpop (erf)  }
0x1bc: {  	[tilespmem:v29+s13+$0x0] =	vst.idx.add.f32.msk vm5, v37  }
0x1bd: {  	[tilespmem:v29+s13+$0x0] =	vst.idx.add.f32.msk vm10, v37  }
0x1be: {  	[tilespmem:v29+s13+$0x0] =	vst.idx.add.f32.msk vm11, v37  }
0x1bf: {  	[tilespmem:v29+s13+$0x0] =	vst.idx.add.f32.msk vm4, v37  }
0x1c0: {  	v29 =	vld.idx.msk [tilespmem:v48+s20+$0x0], $0xffff  }
0x1c1: {  	v33 =	vld.idx.msk [tilespmem:v50+s21+$0x0], $0xffff;
	_ =	sdelay $0x2  }
0x1c2: {  	v37 =	vor.u32 s31, v52  }
0x1c3: {  	v41 =	vand.u32 v57, v37  }
0x1c4: {  	v29 =	vadd.f32 v33, v29;
	_ =	sdelay $0x1  }
0x1c5: {  	v33 =	vmul.f32 $2.000000030e-01, v29  }
0x1c6: {  	vm4 =	vgt.f32 v29, $0.0e+00  }
0x1c7: {  	v41 =	vld.idx.msk [tilespmem:v41+s22+$0x0], $0xffff;
	v29 =	vsel vm4, v29, v33  }
0x1c8: {  	v29 =	vsub.f32 v29, v62;
	_ =	sdelay $0x1  }
0x1c9: {  	v29 =	vmul.f32 $1.442695020e+00, v29;
	_ =	sdelay $0x1  }
0x1ca: {  	(erf) = vpow2.f32 v29;
	v29 =	vsub.s32 v41, v0  }
0x1cb: {  	vm4 =	vgt.s32 v29, $0x0  }
0x1cc: {  	v29 =	vnsel vm4, $0x0, v29  }
0x1cd: {  	vm4 =	vlt.s32 v37, v63;
	v29 =	vmin.u32 v29, $0x13F  }
0x1ce: {  	vm5 =	vmand vm4, vm1;
	v29 =	vshll.u32 v29, $0x3  }
0x1cf: {  	vm12 =	vmand vm4, vm0;
	v29 =	vor.u32 v6, v29  }
0x1d0: {  	vm13 =	vmand vm4, vm2  }
0x1d1: {  	vm4 =	vmand vm4, vm3;
	_ =	sdelay $0x1  }
0x1d2: {  	v37 =	vld [tilespmem:$0x1FD50];
	v41 =	vpop (erf)  }
0x1d3: {  	[tilespmem:v29+s13+$0x0] =	vst.idx.add.f32.msk vm5, v41  }
0x1d4: {  	[tilespmem:v29+s13+$0x0] =	vst.idx.add.f32.msk vm12, v41  }
0x1d5: {  	[tilespmem:v29+s13+$0x0] =	vst.idx.add.f32.msk vm13, v41  }
0x1d6: {  	[tilespmem:v29+s13+$0x0] =	vst.idx.add.f32.msk vm4, v41  }
0x1d7: {  	v29 =	vld [tilespmem:$0x1FD40];
	_ =	sdelay $0x6  }
0x1d8: {  	v33 =	vld.idx.msk [tilespmem:v37+s21+$0x0], $0xffff  }
0x1d9: {  	v29 =	vld.idx.msk [tilespmem:v29+s20+$0x0], $0xffff;
	_ =	sdelay $0x2  }
0x1da: {  	v37 =	vor.u32 s31, v54  }
0x1db: {  	v41 =	vand.u32 v59, v37  }
0x1dc: {  	v29 =	vadd.f32 v33, v29;
	_ =	sdelay $0x1  }
0x1dd: {  	v33 =	vmul.f32 $2.000000030e-01, v29  }
0x1de: {  	vm4 =	vgt.f32 v29, $0.0e+00  }
0x1df: {  	v41 =	vld.idx.msk [tilespmem:v41+s22+$0x0], $0xffff;
	v29 =	vsel vm4, v29, v33  }
0x1e0: {  	v29 =	vsub.f32 v29, v62;
	_ =	sdelay $0x1  }
0x1e1: {  	v29 =	vmul.f32 $1.442695020e+00, v29;
	_ =	sdelay $0x1  }
0x1e2: {  	(erf) = vpow2.f32 v29;
	v29 =	vsub.s32 v41, v0  }
0x1e3: {  	vm4 =	vgt.s32 v29, $0x0  }
0x1e4: {  	v29 =	vnsel vm4, $0x0, v29  }
0x1e5: {  	vm4 =	vlt.s32 v37, v63;
	v29 =	vmin.u32 v29, $0x13F  }
0x1e6: {  	vm5 =	vmand vm4, vm1;
	v29 =	vshll.u32 v29, $0x3  }
0x1e7: {  	vm14 =	vmand vm4, vm0;
	v29 =	vor.u32 v6, v29  }
0x1e8: {  	vm15 =	vmand vm4, vm2  }
0x1e9: {  	vm4 =	vmand vm4, vm3;
	_ =	sdelay $0x1  }
0x1ea: {  	v37 =	vpop (erf)  }
0x1eb: {  	[tilespmem:v29+s13+$0x0] =	vst.idx.add.f32.msk vm5, v37  }
0x1ec: {  	[tilespmem:v29+s13+$0x0] =	vst.idx.add.f32.msk vm14, v37  }
0x1ed: {  	[tilespmem:v29+s13+$0x0] =	vst.idx.add.f32.msk vm15, v37  }
0x1ee: {  	[tilespmem:v29+s13+$0x0] =	vst.idx.add.f32.msk vm4, v37  }
0x1ef: {  	v29 =	vld [tilespmem:$0x1FD60];
	_ =	sdelay $0x6  }
0x1f0: {  	v33 =	vld.idx.msk [tilespmem:v12+s21+$0x0], $0xffff  }
0x1f1: {  	v29 =	vld.idx.msk [tilespmem:v29+s20+$0x0], $0xffff;
	_ =	sdelay $0x2  }
0x1f2: {  	v37 =	vor.u32 s31, v56  }
0x1f3: {  	v41 =	vand.u32 v61, v37  }
0x1f4: {  	v29 =	vadd.f32 v33, v29;
	_ =	sdelay $0x1  }
0x1f5: {  	v33 =	vmul.f32 $2.000000030e-01, v29  }
0x1f6: {  	vm4 =	vgt.f32 v29, $0.0e+00  }
0x1f7: {  	v41 =	vld.idx.msk [tilespmem:v41+s22+$0x0], $0xffff;
	v29 =	vsel vm4, v29, v33  }
0x1f8: {  	v29 =	vsub.f32 v29, v62;
	_ =	sdelay $0x1  }
0x1f9: {  	v29 =	vmul.f32 $1.442695020e+00, v29;
	_ =	sdelay $0x1  }
0x1fa: {  	(erf) = vpow2.f32 v29;
	v29 =	vsub.s32 v41, v0  }
0x1fb: {  	vm4 =	vgt.s32 v29, $0x0  }
0x1fc: {  	v29 =	vnsel vm4, $0x0, v29  }
0x1fd: {  	vm4 =	vlt.s32 v37, v63;
	v29 =	vmin.u32 v29, $0x13F  }
0x1fe: {  	vm5 =	vmand vm4, vm1;
	v29 =	vshll.u32 v29, $0x3  }
0x1ff: {  	vm9 =	vmand vm4, vm0;
	v29 =	vor.u32 v6, v29  }
0x200: {  	vm10 =	vmand vm4, vm2  }
0x201: {  	vm4 =	vmand vm4, vm3;
	_ =	sdelay $0x1  }
0x202: {  	v37 =	vpop (erf)  }
0x203: {  	[tilespmem:v29+s13+$0x0] =	vst.idx.add.f32.msk vm5, v37  }
0x204: {  	[tilespmem:v29+s13+$0x0] =	vst.idx.add.f32.msk vm9, v37  }
0x205: {  	[tilespmem:v29+s13+$0x0] =	vst.idx.add.f32.msk vm10, v37  }
0x206: {  	[tilespmem:v29+s13+$0x0] =	vst.idx.add.f32.msk vm4, v37  }
0x207: {  	v29 =	vld.idx.msk [tilespmem:v13+s20+$0x0], $0xffff  }
0x208: {  	v33 =	vld.idx.msk [tilespmem:v14+s21+$0x0], $0xffff;
	_ =	sdelay $0x2  }
0x209: {  	v37 =	vor.u32 s31, v58  }
0x20a: {  	v41 =	vand.u32 v9, v37  }
0x20b: {  	v29 =	vadd.f32 v33, v29;
	_ =	sdelay $0x1  }
0x20c: {  	v33 =	vmul.f32 $2.000000030e-01, v29  }
0x20d: {  	vm4 =	vgt.f32 v29, $0.0e+00  }
0x20e: {  	v41 =	vld.idx.msk [tilespmem:v41+s22+$0x0], $0xffff;
	v29 =	vsel vm4, v29, v33  }
0x20f: {  	v29 =	vsub.f32 v29, v62;
	_ =	sdelay $0x1  }
0x210: {  	v29 =	vmul.f32 $1.442695020e+00, v29;
	_ =	sdelay $0x1  }
0x211: {  	(erf) = vpow2.f32 v29;
	v29 =	vsub.s32 v41, v0  }
0x212: {  	vm4 =	vgt.s32 v29, $0x0  }
0x213: {  	v29 =	vnsel vm4, $0x0, v29  }
0x214: {  	vm4 =	vlt.s32 v37, v63;
	v29 =	vmin.u32 v29, $0x13F  }
0x215: {  	vm5 =	vmand vm4, vm1;
	v29 =	vshll.u32 v29, $0x3  }
0x216: {  	vm11 =	vmand vm4, vm0;
	v29 =	vor.u32 v6, v29  }
0x217: {  	vm12 =	vmand vm4, vm2  }
0x218: {  	vm4 =	vmand vm4, vm3;
	_ =	sdelay $0x1  }
0x219: {  	v41 =	vld [tilespmem:$0x1FFF0];
	v37 =	vpop (erf)  }
0x21a: {  	[tilespmem:v29+s13+$0x0] =	vst.idx.add.f32.msk vm5, v37  }
0x21b: {  	[tilespmem:v29+s13+$0x0] =	vst.idx.add.f32.msk vm11, v37  }
0x21c: {  	[tilespmem:v29+s13+$0x0] =	vst.idx.add.f32.msk vm12, v37  }
0x21d: {  	[tilespmem:v29+s13+$0x0] =	vst.idx.add.f32.msk vm4, v37  }
0x21e: {  	v29 =	vld.idx.msk [tilespmem:v15+s20+$0x0], $0xffff  }
0x21f: {  	v33 =	vld.idx.msk [tilespmem:v16+s21+$0x0], $0xffff;
	_ =	sdelay $0x2  }
0x220: {  	v37 =	vor.u32 s31, v60  }
0x221: {  	v41 =	vand.u32 v41, v37  }
0x222: {  	v29 =	vadd.f32 v33, v29;
	_ =	sdelay $0x1  }
0x223: {  	v33 =	vmul.f32 $2.000000030e-01, v29  }
0x224: {  	vm4 =	vgt.f32 v29, $0.0e+00  }
0x225: {  	v41 =	vld.idx.msk [tilespmem:v41+s22+$0x0], $0xffff;
	v29 =	vsel vm4, v29, v33  }
0x226: {  	v29 =	vsub.f32 v29, v62;
	_ =	sdelay $0x1  }
0x227: {  	v29 =	vmul.f32 $1.442695020e+00, v29;
	_ =	sdelay $0x1  }
0x228: {  	(erf) = vpow2.f32 v29;
	v29 =	vsub.s32 v41, v0  }
0x229: {  	vm4 =	vgt.s32 v29, $0x0  }
0x22a: {  	v29 =	vnsel vm4, $0x0, v29  }
0x22b: {  	vm4 =	vlt.s32 v37, v63;
	v29 =	vmin.u32 v29, $0x13F  }
0x22c: {  	vm5 =	vmand vm4, vm1;
	v29 =	vshll.u32 v29, $0x3  }
0x22d: {  	vm13 =	vmand vm4, vm0;
	v29 =	vor.u32 v6, v29  }
0x22e: {  	vm14 =	vmand vm4, vm2  }
0x22f: {  	vm4 =	vmand vm4, vm3;
	_ =	sdelay $0x1  }
0x230: {  	v37 =	vpop (erf)  }
0x231: {  	[tilespmem:v29+s13+$0x0] =	vst.idx.add.f32.msk vm5, v37  }
0x232: {  	[tilespmem:v29+s13+$0x0] =	vst.idx.add.f32.msk vm13, v37  }
0x233: {  	[tilespmem:v29+s13+$0x0] =	vst.idx.add.f32.msk vm14, v37  }
0x234: {  	[tilespmem:v29+s13+$0x0] =	vst.idx.add.f32.msk vm4, v37  }
0x235: {  	v29 =	vld.idx.msk [tilespmem:v17+s20+$0x0], $0xffff  }
0x236: {  	v33 =	vld.idx.msk [tilespmem:v18+s21+$0x0], $0xffff;
	_ =	sdelay $0x2  }
0x237: {  	v37 =	vor.u32 s31, v2  }
0x238: {  	v41 =	vand.u32 v51, v37  }
0x239: {  	v29 =	vadd.f32 v33, v29;
	_ =	sdelay $0x1  }
0x23a: {  	v33 =	vmul.f32 $2.000000030e-01, v29  }
0x23b: {  	vm4 =	vgt.f32 v29, $0.0e+00  }
0x23c: {  	v41 =	vld.idx.msk [tilespmem:v41+s22+$0x0], $0xffff;
	v29 =	vsel vm4, v29, v33  }
0x23d: {  	v29 =	vsub.f32 v29, v62;
	_ =	sdelay $0x1  }
0x23e: {  	v29 =	vmul.f32 $1.442695020e+00, v29;
	_ =	sdelay $0x1  }
0x23f: {  	(erf) = vpow2.f32 v29;
	v29 =	vsub.s32 v41, v0  }
0x240: {  	vm4 =	vgt.s32 v29, $0x0  }
0x241: {  	v29 =	vnsel vm4, $0x0, v29  }
0x242: {  	vm4 =	vlt.s32 v37, v63;
	v29 =	vmin.u32 v29, $0x13F  }
0x243: {  	vm5 =	vmand vm4, vm1;
	v29 =	vshll.u32 v29, $0x3  }
0x244: {  	vm15 =	vmand vm4, vm0;
	v29 =	vor.u32 v6, v29  }
0x245: {  	vm9 =	vmand vm4, vm2  }
0x246: {  	vm4 =	vmand vm4, vm3;
	_ =	sdelay $0x1  }
0x247: {  	v37 =	vpop (erf)  }
0x248: {  	[tilespmem:v29+s13+$0x0] =	vst.idx.add.f32.msk vm5, v37  }
0x249: {  	[tilespmem:v29+s13+$0x0] =	vst.idx.add.f32.msk vm15, v37  }
0x24a: {  	[tilespmem:v29+s13+$0x0] =	vst.idx.add.f32.msk vm9, v37  }
0x24b: {  	[tilespmem:v29+s13+$0x0] =	vst.idx.add.f32.msk vm4, v37  }
0x24c: {  	v29 =	vld.idx.msk [tilespmem:v19+s20+$0x0], $0xffff  }
0x24d: {  	v33 =	vld.idx.msk [tilespmem:v20+s21+$0x0], $0xffff;
	_ =	sdelay $0x2  }
0x24e: {  	v37 =	vor.u32 s31, v49  }
0x24f: {  	v41 =	vand.u32 v8, v37  }
0x250: {  	v29 =	vadd.f32 v33, v29;
	_ =	sdelay $0x1  }
0x251: {  	v33 =	vmul.f32 $2.000000030e-01, v29  }
0x252: {  	vm4 =	vgt.f32 v29, $0.0e+00  }
0x253: {  	v41 =	vld.idx.msk [tilespmem:v41+s22+$0x0], $0xffff;
	v29 =	vsel vm4, v29, v33  }
0x254: {  	v29 =	vsub.f32 v29, v62;
	_ =	sdelay $0x1  }
0x255: {  	v29 =	vmul.f32 $1.442695020e+00, v29;
	_ =	sdelay $0x1  }
0x256: {  	(erf) = vpow2.f32 v29;
	v29 =	vsub.s32 v41, v0  }
0x257: {  	vm4 =	vgt.s32 v29, $0x0  }
0x258: {  	v29 =	vnsel vm4, $0x0, v29  }
0x259: {  	vm4 =	vlt.s32 v37, v63;
	v29 =	vmin.u32 v29, $0x13F  }
0x25a: {  	vm5 =	vmand vm4, vm1;
	v29 =	vshll.u32 v29, $0x3  }
0x25b: {  	vm10 =	vmand vm4, vm0;
	v29 =	vor.u32 v6, v29  }
0x25c: {  	vm11 =	vmand vm4, vm2  }
0x25d: {  	vm4 =	vmand vm4, vm3;
	_ =	sdelay $0x1  }
0x25e: {  	v37 =	vpop (erf)  }
0x25f: {  	[tilespmem:v29+s13+$0x0] =	vst.idx.add.f32.msk vm5, v37  }
0x260: {  	[tilespmem:v29+s13+$0x0] =	vst.idx.add.f32.msk vm10, v37  }
0x261: {  	[tilespmem:v29+s13+$0x0] =	vst.idx.add.f32.msk vm11, v37  }
0x262: {  	[tilespmem:v29+s13+$0x0] =	vst.idx.add.f32.msk vm4, v37  }
0x263: {  	v29 =	vld.idx.msk [tilespmem:v21+s20+$0x0], $0xffff  }
0x264: {  	v33 =	vld.idx.msk [tilespmem:v22+s21+$0x0], $0xffff;
	_ =	sdelay $0x1  }
0x265: {  	v41 =	vor.u32 $0x38, v5  }
0x266: {  	v37 =	vor.u32 s31, v41;
	v41 =	vor.u32 $0xFFFFFFF8, v5  }
0x267: {  	v41 =	vand.u32 v41, v37  }
0x268: {  	v29 =	vadd.f32 v33, v29;
	_ =	sdelay $0x1  }
0x269: {  	v33 =	vmul.f32 $2.000000030e-01, v29  }
0x26a: {  	vm4 =	vgt.f32 v29, $0.0e+00  }
0x26b: {  	v41 =	vld.idx.msk [tilespmem:v41+s22+$0x0], $0xffff;
	v29 =	vsel vm4, v29, v33  }
0x26c: {  	v29 =	vsub.f32 v29, v62;
	_ =	sdelay $0x1  }
0x26d: {  	v29 =	vmul.f32 $1.442695020e+00, v29;
	_ =	sdelay $0x1  }
0x26e: {  	(erf) = vpow2.f32 v29;
	v29 =	vsub.s32 v41, v0  }
0x26f: {  	vm4 =	vgt.s32 v29, $0x0  }
0x270: {  	v29 =	vnsel vm4, $0x0, v29  }
0x271: {  	vm4 =	vlt.s32 v37, v63;
	v29 =	vmin.u32 v29, $0x13F  }
0x272: {  	vm5 =	vmand vm4, vm1;
	v29 =	vshll.u32 v29, $0x3  }
0x273: {  	vm12 =	vmand vm4, vm0;
	v29 =	vor.u32 v6, v29  }
0x274: {  	vm13 =	vmand vm4, vm2  }
0x275: {  	vm4 =	vmand vm4, vm3;
	_ =	sdelay $0x1  }
0x276: {  	v37 =	vpop (erf)  }
0x277: {  	[tilespmem:v29+s13+$0x0] =	vst.idx.add.f32.msk vm5, v37  }
0x278: {  	[tilespmem:v29+s13+$0x0] =	vst.idx.add.f32.msk vm12, v37  }
0x279: {  	[tilespmem:v29+s13+$0x0] =	vst.idx.add.f32.msk vm13, v37  }
0x27a: {  	[tilespmem:v29+s13+$0x0] =	vst.idx.add.f32.msk vm4, v37  }
0x27b: {  	v29 =	vld.idx.msk [tilespmem:v23+s20+$0x0], $0xffff  }
0x27c: {  	v33 =	vld.idx.msk [tilespmem:v24+s21+$0x0], $0xffff;
	_ =	sdelay $0x1  }
0x27d: {  	v41 =	vor.u32 $0x3C, v5  }
0x27e: {  	v37 =	vor.u32 s31, v41;
	v41 =	vor.u32 $0xFFFFFFFC, v5  }
0x27f: {  	v41 =	vand.u32 v41, v37  }
0x280: {  	v29 =	vadd.f32 v33, v29;
	_ =	sdelay $0x1  }
0x281: {  	v33 =	vmul.f32 $2.000000030e-01, v29  }
0x282: {  	vm4 =	vgt.f32 v29, $0.0e+00  }
0x283: {  	v41 =	vld.idx.msk [tilespmem:v41+s22+$0x0], $0xffff;
	v29 =	vsel vm4, v29, v33  }
0x284: {  	v29 =	vsub.f32 v29, v62;
	_ =	sdelay $0x1  }
0x285: {  	v29 =	vmul.f32 $1.442695020e+00, v29;
	_ =	sdelay $0x1  }
0x286: {  	(erf) = vpow2.f32 v29;
	v29 =	vsub.s32 v41, v0  }
0x287: {  	vm4 =	vgt.s32 v29, $0x0  }
0x288: {  	v29 =	vnsel vm4, $0x0, v29  }
0x289: {  	vm4 =	vlt.s32 v37, v63;
	v29 =	vmin.u32 v29, $0x13F  }
0x28a: {  	vm5 =	vmand vm4, vm1;
	v29 =	vshll.u32 v29, $0x3  }
0x28b: {  	vm14 =	vmand vm4, vm0;
	v29 =	vor.u32 v6, v29  }
0x28c: {  	vm15 =	vmand vm4, vm2  }
0x28d: {  	vm4 =	vmand vm4, vm3  }
0x28e: {  	p0 =	sne.s32 s2, $0x1  }
.Ltmp7:
0x28f: {  	v41 =	vpop (erf);
	(pc) =	sbr.rel @p0 .LBB2_8-.Ltmp7, $4  }
0x290: {  	[tilespmem:v29+s13+$0x0] =	vst.idx.add.f32.msk vm5, v41  }
0x291: {  	[tilespmem:v29+s13+$0x0] =	vst.idx.add.f32.msk vm14, v41  }
0x292: {  	s26 =	sadd.s32 $0x40, s26;
	[tilespmem:v29+s13+$0x0] =	vst.idx.add.f32.msk vm15, v41  }
0x293: {  	s2 =	sadd.s32 $0xFFFFFFFF, s2;
	s30 =	sadd.s32 $0x40, s30;
	s31 =	sadd.s32 $0x40, s31;
	[tilespmem:v29+s13+$0x0] =	vst.idx.add.f32.msk vm4, v41  }
.Ltmp8:
0x294: {  	_ = 	snop;
	(pc) =	sbr.rel .LBB2_9-.Ltmp8, $1  }
0x295: {  	_ =	sdelay $0x3  }
.LBB2_10:
0x296: {  	v8 =	vld [tilespmem:$0x1FD40]  }
0x297: {  	v9 =	vld [tilespmem:$0x1FD50]  }
0x298: {  	v10 =	vld [tilespmem:$0x1FD60]  }
0x299: {  	v11 =	vld [tilespmem:$0x1FD70]  }
0x29a: {  	v12 =	vld [tilespmem:$0x1FD80]  }
0x29b: {  	v13 =	vld [tilespmem:$0x1FD90]  }
0x29c: {  	v14 =	vld [tilespmem:$0x1FDA0]  }
0x29d: {  	v15 =	vld [tilespmem:$0x1FDB0]  }
0x29e: {  	v16 =	vld [tilespmem:$0x1FDC0]  }
0x29f: {  	v17 =	vld [tilespmem:$0x1FDD0]  }
0x2a0: {  	v18 =	vld [tilespmem:$0x1FDE0]  }
0x2a1: {  	v19 =	vld [tilespmem:$0x1FDF0]  }
0x2a2: {  	v20 =	vld [tilespmem:$0x1FE00]  }
0x2a3: {  	v21 =	vld [tilespmem:$0x1FE10]  }
0x2a4: {  	v22 =	vld [tilespmem:$0x1FE20]  }
0x2a5: {  	v23 =	vld [tilespmem:$0x1FE30]  }
0x2a6: {  	v24 =	vld [tilespmem:$0x1FE40]  }
0x2a7: {  	v25 =	vld [tilespmem:$0x1FE50]  }
0x2a8: {  	v26 =	vld [tilespmem:$0x1FE60]  }
0x2a9: {  	v27 =	vld [tilespmem:$0x1FE70]  }
0x2aa: {  	v28 =	vld [tilespmem:$0x1FE80]  }
0x2ab: {  	v30 =	vld [tilespmem:$0x1FE90]  }
0x2ac: {  	v31 =	vld [tilespmem:$0x1FEA0]  }
0x2ad: {  	v32 =	vld [tilespmem:$0x1FEB0]  }
0x2ae: {  	v34 =	vld [tilespmem:$0x1FEC0]  }
0x2af: {  	v35 =	vld [tilespmem:$0x1FED0]  }
0x2b0: {  	v36 =	vld [tilespmem:$0x1FEE0]  }
0x2b1: {  	v38 =	vld [tilespmem:$0x1FEF0]  }
0x2b2: {  	v39 =	vld [tilespmem:$0x1FF00]  }
0x2b3: {  	v40 =	vld [tilespmem:$0x1FF10]  }
0x2b4: {  	v42 =	vld [tilespmem:$0x1FF20]  }
0x2b5: {  	v43 =	vld [tilespmem:$0x1FF30]  }
0x2b6: {  	v44 =	vld [tilespmem:$0x1FF40]  }
0x2b7: {  	v46 =	vld [tilespmem:$0x1FF50]  }
0x2b8: {  	v47 =	vld [tilespmem:$0x1FF60]  }
0x2b9: {  	v48 =	vld [tilespmem:$0x1FF70]  }
0x2ba: {  	v50 =	vld [tilespmem:$0x1FF80]  }
.Ltmp9:
0x2bb: {  	v52 =	vld [tilespmem:$0x1FF90];
	(pc) =	sbr.rel .LBB2_11-.Ltmp9, $4  }
0x2bc: {  	v54 =	vld [tilespmem:$0x1FFA0]  }
0x2bd: {  	v56 =	vld [tilespmem:$0x1FFB0]  }
0x2be: {  	v58 =	vld [tilespmem:$0x1FFC0]  }
0x2bf: {  	s28 =	simm.s32 $0x0;
	v41 =	vmov v3;
	v60 =	vld [tilespmem:$0x1FFD0];
	v49 =	vmov v4;
	v51 =	vmov v7  }
.LBB2_19:
0x2c0: {  	s28 =	sadd.s32 $0x1, s28  }
0x2c1: {  	p0 =	sne.s32 s28, $0x9D  }
.Ltmp10:
0x2c2: {  	_ = 	snop;
	(pc) =	sbr.rel @!p0 .LBB2_20-.Ltmp10, $1  }
0x2c3: {  	_ =	sdelay $0x3  }
.LBB2_11:
0x2c4: {  	s0 =	sshll.u32 s28, $0x8  }
0x2c5: {  	s2 =	sadd.s32 s3, s0  }
0x2c6: {  	[tilespmem:s26], [sflag:$0x1] =	stream.linear.gather [hbm4b:s2+s26], $0x800, $0x38;
	[tilespmem:$0x14F30] =	vst v63  }
0x2c7: {  	s0 =	sadd.s32 s7, s0  }
0x2c8: {  	[tilespmem:s17], [sflag:$0x1] =	stream.linear.gather [hbm4b:s0+s26], $0x800, $0x38;
	[tilespmem:$0x14F30] =	vst v63  }
0x2c9: {  	_ =	swait.ge [sflag:s18], $0x800  }
0x2ca: {  	[sflag:s18] =	ssyncset.done $0x0  }
0x2cb: {  	[sflag:s18] =	ssyncadd.s32 $0xFFFFF800  }
0x2cc: {  	_ =	swait.ge [sflag:s18], $0x800  }
0x2cd: {  	[sflag:s18] =	ssyncset.done $0x0  }
0x2ce: {  	s31 =	simm.s32 $0x0;
	[sflag:s18] =	ssyncadd.s32 $0xFFFFF800  }
0x2cf: {  	v29 =	vld [tilespmem:s31+$0x800];
	_ =	sdelay $0x4  }
0x2d0: {  	vm4 =	vge.s32 v29, v0;
	vm5 =	vlt.s32 v29, v1  }
0x2d1: {  	vm4 =	vmand vm4, vm5  }
0x2d2: {  	v33 =	vmpcnt.ones.xlane vm4;
	_ =	sdelay $0x1  }
0x2d3: {  	v33 =	vxor.u32 $0x80000000, v33  }
0x2d4: {  	(xrf0) =	vmax.scan.msk.u32 $0xffff, v33;
	_ =	sdelay $0x2  }
0x2d5: {  	v63 =	vld [tilespmem:s31+$0x0];
	_ =	sdelay $0x2  }
0x2d6: {  	[tilespmem:s26+$0x1810] =	vst.msk vm4, v29;
	v29, _, _ =	vpop (xrf0)  }
0x2d7: {  	(v2sf) =	vpush v29, $0xF  }
0x2d8: {  	s8 =	simm.s32 $0x80;
	s2 =	simm.s32 $0x0;
	s0 =	simm.s32 $0x10;
	[tilespmem:s26+$0x1000] =	vst.msk vm4, v63  }
.LBB2_12:
0x2d9: {  	p0 =	sne.s32 s8, $0x1FC0;
	v29 =	vld [tilespmem:s0+$0x800];
	_ =	sdelay $0x4  }
0x2da: {  	vm4 =	vge.s32 v29, v0;
	vm5 =	vlt.s32 v29, v1  }
0x2db: {  	vm4 =	vmand vm4, vm5  }
0x2dc: {  	v33 =	vmpcnt.ones.xlane vm4;
	_ =	sdelay $0x1  }
0x2dd: {  	v33 =	vxor.u32 $0x80000000, v33  }
0x2de: {  	(xrf0) =	vmax.scan.msk.u32 $0xffff, v33;
	_ =	sdelay $0x1  }
0x2df: {  	v33 =	vld [tilespmem:s0+$0x0]  }
0x2e0: {  	s0 =	spop (v2sf)  }
.Ltmp11:
0x2e1: {  	s0 =	sadd.s32 s0, s2;
	(pc) =	sbr.rel @p0 .LBB2_12-.Ltmp11, $4  }
0x2e2: {  	s2 =	sadd.s32 $0x80000000, s0  }
0x2e3: {  	[tilespmem:s2+$0x1810] =	vst.msk vm4, v29;
	v29, _, _ =	vpop (xrf0)  }
0x2e4: {  	[tilespmem:s2+$0x1000] =	vst.msk vm4, v33;
	(v2sf) =	vpush v29, $0xF  }
0x2e5: {  	s0 =	sshra.s32 s8, $0x2;
	s8 =	sadd.s32 $0x40, s8  }
0x2e6: {  	v29 =	vld [tilespmem:s0+$0x800];
	_ =	sdelay $0x4  }
0x2e7: {  	vm4 =	vge.s32 v29, v0;
	vm5 =	vlt.s32 v29, v1  }
0x2e8: {  	vm4 =	vmand vm4, vm5  }
0x2e9: {  	v33 =	vmpcnt.ones.xlane vm4;
	_ =	sdelay $0x1  }
0x2ea: {  	v33 =	vxor.u32 $0x80000000, v33  }
0x2eb: {  	(xrf0) =	vmax.scan.msk.u32 $0xffff, v33;
	_ =	sdelay $0x5  }
0x2ec: {  	v33, _, _ =	vpop (xrf0)  }
0x2ed: {  	(v2sf) =	vpush v33, $0xF;
	_ =	sdelay $0xc  }
0x2ee: {  	s8 =	spop (v2sf)  }
0x2ef: {  	s2 =	sadd.s32 s8, s2  }
0x2f0: {  	s2 =	sadd.s32 $0x80000000, s2;
	s15 =	spop (v2sf)  }
0x2f1: {  	s8 =	sadd.s32 s15, s2  }
0x2f2: {  	s29 =	sadd.s32 $0x80000000, s8  }
0x2f3: {  	s8 =	sadd.s32 $0x3F, s29  }
0x2f4: {  	s15 =	sand.u32 $0x3F, s8  }
0x2f5: {  	s16 =	sshra.s32 s8, $0x1F;
	p1 =	slt.s32 s8, $0x1;
	p0 =	sne.s32 s15, $0x0  }
0x2f6: {  	s31 =	sshrl.u32 s16, $0x1A;
	p0 =	por !p1, !p0  }
0x2f7: {  	v63 =	vld [tilespmem:s0+$0x0];
	s0 =	sadd.s32 s31, s8;
	s8 =	simm.s32 $0x1;
	p0 =	por !p0, !p0  }
0x2f8: {  	s0 =	sshra.s32 s0, $0x6;
	s8 =	simm.s32 @!p0 $0x0  }
0x2f9: {  	s30 =	ssub.s32 s0, s8  }
0x2fa: {  	p0 =	slt.s32 s30, $0x1  }
.Ltmp12:
0x2fb: {  	_ = 	snop;
	(pc) =	sbr.rel @!p0 .LBB2_14-.Ltmp12, $4  }
.Ltmp13:
0x2fc: {  	_ = 	snop;
	(pc) =	sbr.rel @p0 .LBB2_19-.Ltmp13, $4  }
0x2fd: {  	_ = 	snop  }
0x2fe: {  	[tilespmem:s2+$0x1810] =	vst.msk vm4, v29  }
0x2ff: {  	[tilespmem:s2+$0x1000] =	vst.msk vm4, v63;
	s2 =	simm.s32 $0x0;
	s16 =	simm.s32 $0x0  }
0x300: {  	_ = 	snop  }
.LBB2_18:
0x301: {  	s2 =	sadd.s32 $0x1, s2  }
0x302: {  	p0 =	sne.s32 s2, s30  }
.Ltmp14:
0x303: {  	_ = 	snop;
	(pc) =	sbr.rel @!p0 .LBB2_19-.Ltmp14, $2  }
0x304: {  	_ =	sdelay $0x2  }
0x305: {  	s16 =	sadd.s32 $0x40, s16  }
.LBB2_14:
0x306: {  	s0 =	sshll.u32 s2, $0x6  }
0x307: {  	s8 =	sadd.s32 $0x1000, s0  }
0x308: {  	[tilespmem:s20], [sflag:$0x1] =	stream.indirect.gather [hbm4b:s5+s19], $0x8, s8, s19, $0xb8;
	[tilespmem:$0x14F30] =	vst v63  }
0x309: {  	s15 =	sadd.s32 $0x1810, s0  }
0x30a: {  	[tilespmem:s21], [sflag:$0x1] =	stream.indirect.gather [hbm4b:s5+s19], $0x8, s15, s19, $0xb8;
	[tilespmem:$0x14F30] =	vst v63  }
0x30b: {  	_ = 	snop  }
0x30c: {  	[tilespmem:s23], [sflag:$0x1] =	stream.indirect.gather [hbm4b:s6+s19], $0x200, s8, s19, $0xb8;
	[tilespmem:$0x14F30] =	vst v63  }
0x30d: {  	_ =	swait.ge [sflag:s18], $0x200  }
0x30e: {  	[sflag:s18] =	ssyncset.done $0x0  }
0x30f: {  	[sflag:s18] =	ssyncadd.s32 $0xFFFFFE00  }
0x310: {  	_ =	swait.ge [sflag:s18], $0x200  }
0x311: {  	[sflag:s18] =	ssyncset.done $0x0  }
0x312: {  	[sflag:s18] =	ssyncadd.s32 $0xFFFFFE00  }
0x313: {  	_ =	swait.ge [sflag:s18], $0x8000  }
0x314: {  	v2 =	vld [tilespmem:$0x1FCF0];
	_ =	sdelay $0x4  }
0x315: {  	v29 =	vor.u32 s0, v5  }
0x316: {  	[sflag:s18] =	ssyncset.done $0x0  }
0x317: {  	[sflag:s18] =	ssyncadd.s32 $0xFFFF8000  }
0x318: {  	v33 =	vld.idx.msk [tilespmem:v2+s20+$0x0], $0xffff  }
0x319: {  	v2 =	vld [tilespmem:$0x1FD00]  }
0x31a: {  	v29 =	vld.idx.msk [tilespmem:v29+s22+$0x0], $0xffff;
	_ =	sdelay $0x4  }
0x31b: {  	v29 =	vsub.s32 v29, v0  }
0x31c: {  	vm4 =	vgt.s32 v29, $0x0  }
0x31d: {  	v29 =	vnsel vm4, $0x0, v29;
	v37 =	vld.idx.msk [tilespmem:v2+s21+$0x0], $0xffff  }
0x31e: {  	v29 =	vmin.u32 v29, $0x13F  }
0x31f: {  	v29 =	vshll.u32 v29, $0x3  }
0x320: {  	v29 =	vor.u32 v6, v29;
	_ =	sdelay $0x1  }
0x321: {  	v33 =	vadd.f32 v37, v33;
	_ =	sdelay $0x1  }
0x322: {  	v37 =	vmul.f32 $2.000000030e-01, v33  }
0x323: {  	v29 =	vld.idx.msk [tilespmem:v29+s13+$0x0], $0xffff;
	vm4 =	vgt.f32 v33, $0.0e+00  }
0x324: {  	v33 =	vsel vm4, v33, v37  }
0x325: {  	v33 =	vsub.f32 v33, v62;
	_ =	sdelay $0x1  }
0x326: {  	v33 =	vmul.f32 $1.442695020e+00, v33  }
0x327: {  	v29 =	vadd.f32 $1.000000020e-16, v29  }
0x328: {  	(erf) = vpow2.f32 v33  }
0x329: {  	(erf) = vrcp.f32 v29;
	_ =	sdelay $0x7  }
0x32a: {  	v33 =	vor.u32 s0, v26;
	v29 =	vpop (erf)  }
0x32b: {  	v63 =	vpop (erf)  }
0x32c: {  	v29 =	vmul.f32 v29, v63;
	_ =	sdelay $0x1  }
0x32d: {  	[tilespmem:$0xA420] =	vst v29  }
0x32e: {  	v29 =	vld.idx.msk [tilespmem:v33+s22+$0x0], $0xffff;
	_ =	sdelay $0x4  }
0x32f: {  	v29 =	vsub.s32 v29, v0  }
0x330: {  	v33 =	vld.idx.msk [tilespmem:v24+s20+$0x0], $0xffff;
	vm4 =	vgt.s32 v29, $0x0  }
0x331: {  	v63 =	vld.idx.msk [tilespmem:v25+s21+$0x0], $0xffff;
	v29 =	vnsel vm4, $0x0, v29  }
0x332: {  	v29 =	vmin.u32 v29, $0x13F  }
0x333: {  	v29 =	vshll.u32 v29, $0x3  }
0x334: {  	v29 =	vor.u32 v6, v29;
	_ =	sdelay $0x1  }
0x335: {  	v33 =	vadd.f32 v63, v33;
	_ =	sdelay $0x1  }
0x336: {  	v37 =	vmul.f32 $2.000000030e-01, v33  }
0x337: {  	vm4 =	vgt.f32 v33, $0.0e+00;
	v29 =	vld.idx.msk [tilespmem:v29+s13+$0x0], $0xffff  }
0x338: {  	v33 =	vsel vm4, v33, v37  }
0x339: {  	v33 =	vsub.f32 v33, v62;
	_ =	sdelay $0x1  }
0x33a: {  	v33 =	vmul.f32 $1.442695020e+00, v33  }
0x33b: {  	v29 =	vadd.f32 $1.000000020e-16, v29  }
0x33c: {  	(erf) = vpow2.f32 v33  }
0x33d: {  	(erf) = vrcp.f32 v29;
	_ =	sdelay $0x7  }
0x33e: {  	v33 =	vor.u32 s0, v30;
	v29 =	vpop (erf)  }
0x33f: {  	v63 =	vpop (erf)  }
0x340: {  	v29 =	vmul.f32 v29, v63;
	_ =	sdelay $0x1  }
0x341: {  	[tilespmem:$0xA430] =	vst v29  }
0x342: {  	v29 =	vld.idx.msk [tilespmem:v33+s22+$0x0], $0xffff;
	_ =	sdelay $0x4  }
0x343: {  	v29 =	vsub.s32 v29, v0  }
0x344: {  	v33 =	vld.idx.msk [tilespmem:v27+s20+$0x0], $0xffff;
	vm4 =	vgt.s32 v29, $0x0  }
0x345: {  	v63 =	vld.idx.msk [tilespmem:v28+s21+$0x0], $0xffff;
	v29 =	vnsel vm4, $0x0, v29  }
0x346: {  	v29 =	vmin.u32 v29, $0x13F  }
0x347: {  	v29 =	vshll.u32 v29, $0x3  }
0x348: {  	v29 =	vor.u32 v6, v29;
	_ =	sdelay $0x1  }
0x349: {  	v33 =	vadd.f32 v63, v33;
	_ =	sdelay $0x1  }
0x34a: {  	v37 =	vmul.f32 $2.000000030e-01, v33  }
0x34b: {  	vm4 =	vgt.f32 v33, $0.0e+00;
	v29 =	vld.idx.msk [tilespmem:v29+s13+$0x0], $0xffff  }
0x34c: {  	v33 =	vsel vm4, v33, v37  }
0x34d: {  	v33 =	vsub.f32 v33, v62;
	_ =	sdelay $0x1  }
0x34e: {  	v33 =	vmul.f32 $1.442695020e+00, v33  }
0x34f: {  	v29 =	vadd.f32 $1.000000020e-16, v29  }
0x350: {  	(erf) = vpow2.f32 v33  }
0x351: {  	(erf) = vrcp.f32 v29;
	_ =	sdelay $0x7  }
0x352: {  	v33 =	vor.u32 s0, v34;
	v29 =	vpop (erf)  }
0x353: {  	v63 =	vpop (erf)  }
0x354: {  	v29 =	vmul.f32 v29, v63;
	_ =	sdelay $0x1  }
0x355: {  	[tilespmem:$0xA440] =	vst v29  }
0x356: {  	v29 =	vld.idx.msk [tilespmem:v33+s22+$0x0], $0xffff;
	_ =	sdelay $0x4  }
0x357: {  	v29 =	vsub.s32 v29, v0  }
0x358: {  	v33 =	vld.idx.msk [tilespmem:v31+s20+$0x0], $0xffff;
	vm4 =	vgt.s32 v29, $0x0  }
0x359: {  	v63 =	vld.idx.msk [tilespmem:v32+s21+$0x0], $0xffff;
	v29 =	vnsel vm4, $0x0, v29  }
0x35a: {  	v29 =	vmin.u32 v29, $0x13F  }
0x35b: {  	v29 =	vshll.u32 v29, $0x3  }
0x35c: {  	v29 =	vor.u32 v6, v29;
	_ =	sdelay $0x1  }
0x35d: {  	v33 =	vadd.f32 v63, v33;
	_ =	sdelay $0x1  }
0x35e: {  	v37 =	vmul.f32 $2.000000030e-01, v33  }
0x35f: {  	vm4 =	vgt.f32 v33, $0.0e+00;
	v29 =	vld.idx.msk [tilespmem:v29+s13+$0x0], $0xffff  }
0x360: {  	v33 =	vsel vm4, v33, v37  }
0x361: {  	v33 =	vsub.f32 v33, v62;
	_ =	sdelay $0x1  }
0x362: {  	v33 =	vmul.f32 $1.442695020e+00, v33  }
0x363: {  	v29 =	vadd.f32 $1.000000020e-16, v29  }
0x364: {  	(erf) = vpow2.f32 v33  }
0x365: {  	(erf) = vrcp.f32 v29;
	_ =	sdelay $0x7  }
0x366: {  	v33 =	vor.u32 s0, v38;
	v29 =	vpop (erf)  }
0x367: {  	v63 =	vpop (erf)  }
0x368: {  	v29 =	vmul.f32 v29, v63;
	_ =	sdelay $0x1  }
0x369: {  	[tilespmem:$0xA450] =	vst v29  }
0x36a: {  	v29 =	vld.idx.msk [tilespmem:v33+s22+$0x0], $0xffff;
	_ =	sdelay $0x4  }
0x36b: {  	v29 =	vsub.s32 v29, v0  }
0x36c: {  	v33 =	vld.idx.msk [tilespmem:v35+s20+$0x0], $0xffff;
	vm4 =	vgt.s32 v29, $0x0  }
0x36d: {  	v63 =	vld.idx.msk [tilespmem:v36+s21+$0x0], $0xffff;
	v29 =	vnsel vm4, $0x0, v29  }
0x36e: {  	v29 =	vmin.u32 v29, $0x13F  }
0x36f: {  	v29 =	vshll.u32 v29, $0x3  }
0x370: {  	v29 =	vor.u32 v6, v29;
	_ =	sdelay $0x1  }
0x371: {  	v33 =	vadd.f32 v63, v33;
	_ =	sdelay $0x1  }
0x372: {  	v37 =	vmul.f32 $2.000000030e-01, v33  }
0x373: {  	vm4 =	vgt.f32 v33, $0.0e+00;
	v29 =	vld.idx.msk [tilespmem:v29+s13+$0x0], $0xffff  }
0x374: {  	v33 =	vsel vm4, v33, v37  }
0x375: {  	v33 =	vsub.f32 v33, v62;
	_ =	sdelay $0x1  }
0x376: {  	v33 =	vmul.f32 $1.442695020e+00, v33  }
0x377: {  	v29 =	vadd.f32 $1.000000020e-16, v29  }
0x378: {  	(erf) = vpow2.f32 v33  }
0x379: {  	(erf) = vrcp.f32 v29;
	_ =	sdelay $0x7  }
0x37a: {  	v33 =	vor.u32 s0, v42;
	v29 =	vpop (erf)  }
0x37b: {  	v63 =	vpop (erf)  }
0x37c: {  	v29 =	vmul.f32 v29, v63;
	_ =	sdelay $0x1  }
0x37d: {  	[tilespmem:$0xA460] =	vst v29  }
0x37e: {  	v29 =	vld.idx.msk [tilespmem:v33+s22+$0x0], $0xffff;
	_ =	sdelay $0x4  }
0x37f: {  	v29 =	vsub.s32 v29, v0  }
0x380: {  	v33 =	vld.idx.msk [tilespmem:v39+s20+$0x0], $0xffff;
	vm4 =	vgt.s32 v29, $0x0  }
0x381: {  	v63 =	vld.idx.msk [tilespmem:v40+s21+$0x0], $0xffff;
	v29 =	vnsel vm4, $0x0, v29  }
0x382: {  	v29 =	vmin.u32 v29, $0x13F  }
0x383: {  	v29 =	vshll.u32 v29, $0x3  }
0x384: {  	v29 =	vor.u32 v6, v29;
	_ =	sdelay $0x1  }
0x385: {  	v33 =	vadd.f32 v63, v33;
	_ =	sdelay $0x1  }
0x386: {  	v37 =	vmul.f32 $2.000000030e-01, v33  }
0x387: {  	vm4 =	vgt.f32 v33, $0.0e+00;
	v29 =	vld.idx.msk [tilespmem:v29+s13+$0x0], $0xffff  }
0x388: {  	v33 =	vsel vm4, v33, v37  }
0x389: {  	v33 =	vsub.f32 v33, v62;
	_ =	sdelay $0x1  }
0x38a: {  	v33 =	vmul.f32 $1.442695020e+00, v33  }
0x38b: {  	v29 =	vadd.f32 $1.000000020e-16, v29  }
0x38c: {  	(erf) = vpow2.f32 v33  }
0x38d: {  	(erf) = vrcp.f32 v29;
	_ =	sdelay $0x7  }
0x38e: {  	v33 =	vor.u32 s0, v46;
	v29 =	vpop (erf)  }
0x38f: {  	v63 =	vpop (erf)  }
0x390: {  	v29 =	vmul.f32 v29, v63;
	_ =	sdelay $0x1  }
0x391: {  	[tilespmem:$0xA470] =	vst v29  }
0x392: {  	v29 =	vld.idx.msk [tilespmem:v33+s22+$0x0], $0xffff;
	_ =	sdelay $0x4  }
0x393: {  	v29 =	vsub.s32 v29, v0  }
0x394: {  	v33 =	vld.idx.msk [tilespmem:v43+s20+$0x0], $0xffff;
	vm4 =	vgt.s32 v29, $0x0  }
0x395: {  	v63 =	vld.idx.msk [tilespmem:v44+s21+$0x0], $0xffff;
	v29 =	vnsel vm4, $0x0, v29  }
0x396: {  	v29 =	vmin.u32 v29, $0x13F  }
0x397: {  	v29 =	vshll.u32 v29, $0x3  }
0x398: {  	v29 =	vor.u32 v6, v29;
	_ =	sdelay $0x1  }
0x399: {  	v33 =	vadd.f32 v63, v33;
	_ =	sdelay $0x1  }
0x39a: {  	v37 =	vmul.f32 $2.000000030e-01, v33  }
0x39b: {  	vm4 =	vgt.f32 v33, $0.0e+00;
	v29 =	vld.idx.msk [tilespmem:v29+s13+$0x0], $0xffff  }
0x39c: {  	v33 =	vsel vm4, v33, v37  }
0x39d: {  	v33 =	vsub.f32 v33, v62;
	_ =	sdelay $0x1  }
0x39e: {  	v33 =	vmul.f32 $1.442695020e+00, v33  }
0x39f: {  	v29 =	vadd.f32 $1.000000020e-16, v29  }
0x3a0: {  	(erf) = vpow2.f32 v33  }
0x3a1: {  	(erf) = vrcp.f32 v29;
	_ =	sdelay $0x7  }
0x3a2: {  	v33 =	vor.u32 s0, v50;
	v29 =	vpop (erf)  }
0x3a3: {  	v63 =	vpop (erf)  }
0x3a4: {  	v29 =	vmul.f32 v29, v63;
	_ =	sdelay $0x1  }
0x3a5: {  	[tilespmem:$0xA480] =	vst v29  }
0x3a6: {  	v29 =	vld.idx.msk [tilespmem:v33+s22+$0x0], $0xffff;
	_ =	sdelay $0x4  }
0x3a7: {  	v29 =	vsub.s32 v29, v0  }
0x3a8: {  	v33 =	vld.idx.msk [tilespmem:v47+s20+$0x0], $0xffff;
	vm4 =	vgt.s32 v29, $0x0  }
0x3a9: {  	v63 =	vld.idx.msk [tilespmem:v48+s21+$0x0], $0xffff;
	v29 =	vnsel vm4, $0x0, v29  }
0x3aa: {  	v29 =	vmin.u32 v29, $0x13F  }
0x3ab: {  	v29 =	vshll.u32 v29, $0x3  }
0x3ac: {  	v29 =	vor.u32 v6, v29;
	_ =	sdelay $0x1  }
0x3ad: {  	v33 =	vadd.f32 v63, v33;
	_ =	sdelay $0x1  }
0x3ae: {  	v37 =	vmul.f32 $2.000000030e-01, v33  }
0x3af: {  	vm4 =	vgt.f32 v33, $0.0e+00;
	v29 =	vld.idx.msk [tilespmem:v29+s13+$0x0], $0xffff  }
0x3b0: {  	v33 =	vsel vm4, v33, v37  }
0x3b1: {  	v33 =	vsub.f32 v33, v62;
	_ =	sdelay $0x1  }
0x3b2: {  	v33 =	vmul.f32 $1.442695020e+00, v33  }
0x3b3: {  	v29 =	vadd.f32 $1.000000020e-16, v29  }
0x3b4: {  	(erf) = vpow2.f32 v33  }
0x3b5: {  	(erf) = vrcp.f32 v29;
	_ =	sdelay $0x7  }
0x3b6: {  	v33 =	vor.u32 s0, v52;
	v29 =	vpop (erf)  }
0x3b7: {  	v63 =	vpop (erf)  }
0x3b8: {  	v29 =	vmul.f32 v29, v63;
	_ =	sdelay $0x1  }
0x3b9: {  	[tilespmem:$0xA490] =	vst v29  }
0x3ba: {  	v29 =	vld.idx.msk [tilespmem:v33+s22+$0x0], $0xffff;
	_ =	sdelay $0x4  }
0x3bb: {  	v29 =	vsub.s32 v29, v0  }
0x3bc: {  	v33 =	vld.idx.msk [tilespmem:v8+s20+$0x0], $0xffff;
	vm4 =	vgt.s32 v29, $0x0  }
0x3bd: {  	v63 =	vld.idx.msk [tilespmem:v9+s21+$0x0], $0xffff;
	v29 =	vnsel vm4, $0x0, v29  }
0x3be: {  	v29 =	vmin.u32 v29, $0x13F  }
0x3bf: {  	v29 =	vshll.u32 v29, $0x3  }
0x3c0: {  	v29 =	vor.u32 v6, v29;
	_ =	sdelay $0x1  }
0x3c1: {  	v33 =	vadd.f32 v63, v33;
	_ =	sdelay $0x1  }
0x3c2: {  	v37 =	vmul.f32 $2.000000030e-01, v33  }
0x3c3: {  	vm4 =	vgt.f32 v33, $0.0e+00;
	v29 =	vld.idx.msk [tilespmem:v29+s13+$0x0], $0xffff  }
0x3c4: {  	v33 =	vsel vm4, v33, v37  }
0x3c5: {  	v33 =	vsub.f32 v33, v62;
	_ =	sdelay $0x1  }
0x3c6: {  	v33 =	vmul.f32 $1.442695020e+00, v33  }
0x3c7: {  	v29 =	vadd.f32 $1.000000020e-16, v29  }
0x3c8: {  	(erf) = vpow2.f32 v33  }
0x3c9: {  	(erf) = vrcp.f32 v29;
	_ =	sdelay $0x7  }
0x3ca: {  	v33 =	vor.u32 s0, v54;
	v29 =	vpop (erf)  }
0x3cb: {  	v63 =	vpop (erf)  }
0x3cc: {  	v29 =	vmul.f32 v29, v63;
	_ =	sdelay $0x1  }
0x3cd: {  	[tilespmem:$0xA4A0] =	vst v29  }
0x3ce: {  	v29 =	vld.idx.msk [tilespmem:v33+s22+$0x0], $0xffff;
	_ =	sdelay $0x4  }
0x3cf: {  	v29 =	vsub.s32 v29, v0  }
0x3d0: {  	v33 =	vld.idx.msk [tilespmem:v10+s20+$0x0], $0xffff;
	vm4 =	vgt.s32 v29, $0x0  }
0x3d1: {  	v63 =	vld.idx.msk [tilespmem:v11+s21+$0x0], $0xffff;
	v29 =	vnsel vm4, $0x0, v29  }
0x3d2: {  	v29 =	vmin.u32 v29, $0x13F  }
0x3d3: {  	v29 =	vshll.u32 v29, $0x3  }
0x3d4: {  	v29 =	vor.u32 v6, v29;
	_ =	sdelay $0x1  }
0x3d5: {  	v33 =	vadd.f32 v63, v33;
	_ =	sdelay $0x1  }
0x3d6: {  	v37 =	vmul.f32 $2.000000030e-01, v33  }
0x3d7: {  	vm4 =	vgt.f32 v33, $0.0e+00;
	v29 =	vld.idx.msk [tilespmem:v29+s13+$0x0], $0xffff  }
0x3d8: {  	v33 =	vsel vm4, v33, v37  }
0x3d9: {  	v33 =	vsub.f32 v33, v62;
	_ =	sdelay $0x1  }
0x3da: {  	v33 =	vmul.f32 $1.442695020e+00, v33  }
0x3db: {  	v29 =	vadd.f32 $1.000000020e-16, v29  }
0x3dc: {  	(erf) = vpow2.f32 v33  }
0x3dd: {  	(erf) = vrcp.f32 v29;
	_ =	sdelay $0x7  }
0x3de: {  	v33 =	vor.u32 s0, v56;
	v29 =	vpop (erf)  }
0x3df: {  	v63 =	vpop (erf)  }
0x3e0: {  	v29 =	vmul.f32 v29, v63;
	_ =	sdelay $0x1  }
0x3e1: {  	[tilespmem:$0xA4B0] =	vst v29  }
0x3e2: {  	v29 =	vld.idx.msk [tilespmem:v33+s22+$0x0], $0xffff;
	_ =	sdelay $0x4  }
0x3e3: {  	v29 =	vsub.s32 v29, v0  }
0x3e4: {  	v33 =	vld.idx.msk [tilespmem:v12+s20+$0x0], $0xffff;
	vm4 =	vgt.s32 v29, $0x0  }
0x3e5: {  	v63 =	vld.idx.msk [tilespmem:v13+s21+$0x0], $0xffff;
	v29 =	vnsel vm4, $0x0, v29  }
0x3e6: {  	v29 =	vmin.u32 v29, $0x13F  }
0x3e7: {  	v29 =	vshll.u32 v29, $0x3  }
0x3e8: {  	v29 =	vor.u32 v6, v29;
	_ =	sdelay $0x1  }
0x3e9: {  	v33 =	vadd.f32 v63, v33;
	_ =	sdelay $0x1  }
0x3ea: {  	v37 =	vmul.f32 $2.000000030e-01, v33  }
0x3eb: {  	vm4 =	vgt.f32 v33, $0.0e+00;
	v29 =	vld.idx.msk [tilespmem:v29+s13+$0x0], $0xffff  }
0x3ec: {  	v33 =	vsel vm4, v33, v37  }
0x3ed: {  	v33 =	vsub.f32 v33, v62;
	_ =	sdelay $0x1  }
0x3ee: {  	v33 =	vmul.f32 $1.442695020e+00, v33  }
0x3ef: {  	v29 =	vadd.f32 $1.000000020e-16, v29  }
0x3f0: {  	(erf) = vpow2.f32 v33  }
0x3f1: {  	(erf) = vrcp.f32 v29;
	_ =	sdelay $0x7  }
0x3f2: {  	v33 =	vor.u32 s0, v58;
	v29 =	vpop (erf)  }
0x3f3: {  	v63 =	vpop (erf)  }
0x3f4: {  	v29 =	vmul.f32 v29, v63;
	_ =	sdelay $0x1  }
0x3f5: {  	[tilespmem:$0xA4C0] =	vst v29  }
0x3f6: {  	v29 =	vld.idx.msk [tilespmem:v33+s22+$0x0], $0xffff;
	_ =	sdelay $0x4  }
0x3f7: {  	v29 =	vsub.s32 v29, v0  }
0x3f8: {  	v33 =	vld.idx.msk [tilespmem:v14+s20+$0x0], $0xffff;
	vm4 =	vgt.s32 v29, $0x0  }
0x3f9: {  	v63 =	vld.idx.msk [tilespmem:v15+s21+$0x0], $0xffff;
	v29 =	vnsel vm4, $0x0, v29  }
0x3fa: {  	v29 =	vmin.u32 v29, $0x13F  }
0x3fb: {  	v29 =	vshll.u32 v29, $0x3  }
0x3fc: {  	v29 =	vor.u32 v6, v29;
	_ =	sdelay $0x1  }
0x3fd: {  	v33 =	vadd.f32 v63, v33;
	_ =	sdelay $0x1  }
0x3fe: {  	v37 =	vmul.f32 $2.000000030e-01, v33  }
0x3ff: {  	vm4 =	vgt.f32 v33, $0.0e+00;
	v29 =	vld.idx.msk [tilespmem:v29+s13+$0x0], $0xffff  }
0x400: {  	v33 =	vsel vm4, v33, v37  }
0x401: {  	v33 =	vsub.f32 v33, v62;
	_ =	sdelay $0x1  }
0x402: {  	v33 =	vmul.f32 $1.442695020e+00, v33  }
0x403: {  	v29 =	vadd.f32 $1.000000020e-16, v29  }
0x404: {  	(erf) = vpow2.f32 v33  }
0x405: {  	(erf) = vrcp.f32 v29;
	_ =	sdelay $0x7  }
0x406: {  	v33 =	vor.u32 s0, v60;
	v29 =	vpop (erf)  }
0x407: {  	v63 =	vpop (erf)  }
0x408: {  	v29 =	vmul.f32 v29, v63;
	_ =	sdelay $0x1  }
0x409: {  	[tilespmem:$0xA4D0] =	vst v29  }
0x40a: {  	v29 =	vld.idx.msk [tilespmem:v33+s22+$0x0], $0xffff;
	_ =	sdelay $0x4  }
0x40b: {  	v29 =	vsub.s32 v29, v0  }
0x40c: {  	v33 =	vld.idx.msk [tilespmem:v16+s20+$0x0], $0xffff;
	vm4 =	vgt.s32 v29, $0x0  }
0x40d: {  	v63 =	vld.idx.msk [tilespmem:v17+s21+$0x0], $0xffff;
	v29 =	vnsel vm4, $0x0, v29  }
0x40e: {  	v29 =	vmin.u32 v29, $0x13F  }
0x40f: {  	v29 =	vshll.u32 v29, $0x3  }
0x410: {  	v29 =	vor.u32 v6, v29;
	_ =	sdelay $0x1  }
0x411: {  	v33 =	vadd.f32 v63, v33;
	_ =	sdelay $0x1  }
0x412: {  	v37 =	vmul.f32 $2.000000030e-01, v33  }
0x413: {  	vm4 =	vgt.f32 v33, $0.0e+00;
	v29 =	vld.idx.msk [tilespmem:v29+s13+$0x0], $0xffff  }
0x414: {  	v33 =	vsel vm4, v33, v37  }
0x415: {  	v33 =	vsub.f32 v33, v62;
	_ =	sdelay $0x1  }
0x416: {  	v33 =	vmul.f32 $1.442695020e+00, v33  }
0x417: {  	v29 =	vadd.f32 $1.000000020e-16, v29  }
0x418: {  	(erf) = vpow2.f32 v33  }
0x419: {  	(erf) = vrcp.f32 v29;
	_ =	sdelay $0x2  }
0x41a: {  	v2 =	vld [tilespmem:$0x1FFE0];
	_ =	sdelay $0x4  }
0x41b: {  	v33 =	vor.u32 s0, v2;
	v29 =	vpop (erf)  }
0x41c: {  	v63 =	vpop (erf)  }
0x41d: {  	v29 =	vmul.f32 v29, v63;
	_ =	sdelay $0x1  }
0x41e: {  	[tilespmem:$0xA4E0] =	vst v29  }
0x41f: {  	v29 =	vld.idx.msk [tilespmem:v33+s22+$0x0], $0xffff;
	_ =	sdelay $0x4  }
0x420: {  	v29 =	vsub.s32 v29, v0  }
0x421: {  	v33 =	vld.idx.msk [tilespmem:v18+s20+$0x0], $0xffff;
	vm4 =	vgt.s32 v29, $0x0  }
0x422: {  	v63 =	vld.idx.msk [tilespmem:v19+s21+$0x0], $0xffff;
	v29 =	vnsel vm4, $0x0, v29  }
0x423: {  	v29 =	vmin.u32 v29, $0x13F  }
0x424: {  	v29 =	vshll.u32 v29, $0x3  }
0x425: {  	v29 =	vor.u32 v6, v29;
	_ =	sdelay $0x1  }
0x426: {  	v33 =	vadd.f32 v63, v33;
	_ =	sdelay $0x1  }
0x427: {  	v37 =	vmul.f32 $2.000000030e-01, v33  }
0x428: {  	vm4 =	vgt.f32 v33, $0.0e+00;
	v29 =	vld.idx.msk [tilespmem:v29+s13+$0x0], $0xffff  }
0x429: {  	v33 =	vsel vm4, v33, v37  }
0x42a: {  	v33 =	vsub.f32 v33, v62;
	_ =	sdelay $0x1  }
0x42b: {  	v33 =	vmul.f32 $1.442695020e+00, v33  }
0x42c: {  	v29 =	vadd.f32 $1.000000020e-16, v29  }
0x42d: {  	(erf) = vpow2.f32 v33  }
0x42e: {  	(erf) = vrcp.f32 v29;
	_ =	sdelay $0x6  }
0x42f: {  	v29 =	vor.u32 $0x38, v5  }
0x430: {  	v33 =	vpop (erf);
	v29 =	vor.u32 s0, v29  }
0x431: {  	v63 =	vpop (erf)  }
0x432: {  	v33 =	vmul.f32 v33, v63;
	_ =	sdelay $0x1  }
0x433: {  	[tilespmem:$0xA4F0] =	vst v33  }
0x434: {  	v29 =	vld.idx.msk [tilespmem:v29+s22+$0x0], $0xffff;
	_ =	sdelay $0x4  }
0x435: {  	v29 =	vsub.s32 v29, v0  }
0x436: {  	v33 =	vld.idx.msk [tilespmem:v20+s20+$0x0], $0xffff;
	vm4 =	vgt.s32 v29, $0x0  }
0x437: {  	v63 =	vld.idx.msk [tilespmem:v21+s21+$0x0], $0xffff;
	v29 =	vnsel vm4, $0x0, v29  }
0x438: {  	v29 =	vmin.u32 v29, $0x13F  }
0x439: {  	v29 =	vshll.u32 v29, $0x3  }
0x43a: {  	v29 =	vor.u32 v6, v29;
	_ =	sdelay $0x1  }
0x43b: {  	v33 =	vadd.f32 v63, v33;
	_ =	sdelay $0x1  }
0x43c: {  	v37 =	vmul.f32 $2.000000030e-01, v33  }
0x43d: {  	vm4 =	vgt.f32 v33, $0.0e+00;
	v29 =	vld.idx.msk [tilespmem:v29+s13+$0x0], $0xffff  }
0x43e: {  	v33 =	vsel vm4, v33, v37  }
0x43f: {  	v33 =	vsub.f32 v33, v62;
	_ =	sdelay $0x1  }
0x440: {  	v33 =	vmul.f32 $1.442695020e+00, v33  }
0x441: {  	v29 =	vadd.f32 $1.000000020e-16, v29  }
0x442: {  	(erf) = vpow2.f32 v33  }
0x443: {  	(erf) = vrcp.f32 v29;
	_ =	sdelay $0x6  }
0x444: {  	v29 =	vor.u32 $0x3C, v5  }
0x445: {  	v33 =	vpop (erf);
	v29 =	vor.u32 s0, v29  }
0x446: {  	v63 =	vpop (erf)  }
0x447: {  	v33 =	vmul.f32 v33, v63;
	_ =	sdelay $0x1  }
0x448: {  	[tilespmem:$0xA500] =	vst v33  }
0x449: {  	v29 =	vld.idx.msk [tilespmem:v29+s22+$0x0], $0xffff;
	_ =	sdelay $0x4  }
0x44a: {  	v29 =	vsub.s32 v29, v0  }
0x44b: {  	v33 =	vld.idx.msk [tilespmem:v22+s20+$0x0], $0xffff;
	vm4 =	vgt.s32 v29, $0x0  }
0x44c: {  	v63 =	vld.idx.msk [tilespmem:v23+s21+$0x0], $0xffff;
	v29 =	vnsel vm4, $0x0, v29  }
0x44d: {  	v29 =	vmin.u32 v29, $0x13F  }
0x44e: {  	v29 =	vshll.u32 v29, $0x3  }
0x44f: {  	v29 =	vor.u32 v6, v29;
	_ =	sdelay $0x1  }
0x450: {  	v33 =	vadd.f32 v63, v33;
	_ =	sdelay $0x1  }
0x451: {  	v37 =	vmul.f32 $2.000000030e-01, v33  }
0x452: {  	vm4 =	vgt.f32 v33, $0.0e+00;
	v29 =	vld.idx.msk [tilespmem:v29+s13+$0x0], $0xffff  }
0x453: {  	v33 =	vsel vm4, v33, v37  }
0x454: {  	v33 =	vsub.f32 v33, v62;
	_ =	sdelay $0x1  }
0x455: {  	v33 =	vmul.f32 $1.442695020e+00, v33  }
0x456: {  	v29 =	vadd.f32 $1.000000020e-16, v29  }
0x457: {  	(erf) = vpow2.f32 v33  }
0x458: {  	(erf) = vrcp.f32 v29;
	_ =	sdelay $0x7  }
.Ltmp15:
0x459: {  	v29 =	vpop (erf);
	(pc) =	sbr.rel .LBB2_15-.Ltmp15, $3  }
0x45a: {  	v63 =	vpop (erf)  }
0x45b: {  	v29 =	vmul.f32 v29, v63;
	_ =	sdelay $0x1  }
0x45c: {  	s31 =	smov.u32 s16;
	s15 =	simm.s32 $0x0;
	s0 =	simm.s32 $0x2520;
	[tilespmem:$0xA510] =	vst v29  }
.LBB2_17:
0x45d: {  	s15 =	sadd.s32 $0x4, s15  }
0x45e: {  	p0 =	sne.s32 s15, $0x100  }
.Ltmp16:
0x45f: {  	_ = 	snop;
	(pc) =	sbr.rel @!p0 .LBB2_18-.Ltmp16, $2  }
0x460: {  	_ =	sdelay $0x2  }
0x461: {  	s31 =	sadd.s32 $0x1, s31;
	s0 =	sadd.s32 $0x200, s0  }
.LBB2_15:
0x462: {  	p0 =	sge.s32 s31, s29  }
.Ltmp17:
0x463: {  	_ = 	snop;
	(pc) =	sbr.rel @p0 .LBB2_17-.Ltmp17, $1  }
0x464: {  	_ =	sdelay $0x3  }
0x465: {  	v29 =	vmov s31;
	_ =	sdelay $0x4  }
0x466: {  	v29 =	vld.idx.msk [tilespmem:v29+s22+$0x0], $0xffff;
	_ =	sdelay $0x4  }
0x467: {  	v29 =	vxor.u32 $0x80000000, v29  }
0x468: {  	(xrf0) =	vmax.scan.msk.u32 $0xffff, v29;
	_ =	sdelay $0x5  }
0x469: {  	v29, _, _ =	vpop (xrf0)  }
0x46a: {  	(v2sf) =	vpush v29, $0xF  }
0x46b: {  	s8 =	sadd.s32 $0x1, s15  }
0x46c: {  	v33 =	vmov s8  }
0x46d: {  	v33 =	vand.u32 $0xFFFFFFFD, v33;
	v29 =	vmov s15  }
0x46e: {  	s8 =	sadd.s32 $0x2, s15;
	v33 =	vbroadcast v33, $0x0;
	v29 =	vand.u32 $0xFFFFFFFC, v29  }
0x46f: {  	v37 =	vmov s8;
	v29 =	vbroadcast v29, $0x0  }
0x470: {  	v37 =	vand.u32 $0xFFFFFFFE, v37  }
0x471: {  	v37 =	vbroadcast v37, $0x0  }
0x472: {  	v63 =	vld [tilespmem:s0+$0xFFFFFF00];
	v2 =	vmov v61  }
0x473: {  	v61 =	vmovc v59;
	v59 =	vmovc v57;
	v57 =	vmov v55;
	v55 =	vmov v53;
	v53 =	vmov v45;
	v45 =	vld [tilespmem:s0+$0xFFFFFF80];
	s8 =	sadd.s32 $0x3, s15  }
0x474: {  	v41 =	vmov s8;
	v33 =	vld.idx.msk [tilespmem:v33+s24+$0x0], $0xffff  }
0x475: {  	v29 =	vld.idx.msk [tilespmem:v29+s24+$0x0], $0xffff  }
0x476: {  	v49 =	vld [tilespmem:s0+$0x0]  }
0x477: {  	v37 =	vld.idx.msk [tilespmem:v37+s24+$0x0], $0xffff  }
0x478: {  	v51 =	vld [tilespmem:s0+$0x80]  }
0x479: {  	v41 =	vld.idx.msk [tilespmem:v41+s24+$0x0], $0xffff;
	s8 =	spop (v2sf)  }
0x47a: {  	v45 =	vmul.f32 v45, v33;
	v63 =	vmul.f32 v63, v29;
	s8 =	ssub.s32 s8, s1  }
0x47b: {  	s8 =	sshll.u32 s8, $0x9  }
0x47c: {  	v49 =	vmul.f32 v49, v37;
	v45 =	vadd.f32 v45, v63;
	s8 =	sshra.s32 s8, $0x2  }
0x47d: {  	v63 =	vld [tilespmem:s8+$0xAF20]  }
0x47e: {  	v45 =	vadd.f32 v49, v45;
	v49 =	vmul.f32 v51, v41;
	_ =	sdelay $0x1  }
0x47f: {  	v45 =	vadd.f32 v49, v45;
	_ =	sdelay $0x1  }
0x480: {  	v45 =	vadd.f32 v45, v63;
	_ =	sdelay $0x1  }
0x481: {  	[tilespmem:s8+$0xAF20] =	vst v45  }
0x482: {  	v45 =	vld [tilespmem:s0+$0xFFFFFF10]  }
0x483: {  	v49 =	vld [tilespmem:s0+$0xFFFFFF90];
	_ =	sdelay $0x1  }
0x484: {  	v51 =	vld [tilespmem:s0+$0x10];
	_ =	sdelay $0x1  }
0x485: {  	v63 =	vld [tilespmem:s0+$0x90]  }
0x486: {  	v45 =	vmul.f32 v45, v29;
	v49 =	vmul.f32 v49, v33;
	_ =	sdelay $0x1  }
0x487: {  	v45 =	vadd.f32 v49, v45;
	v49 =	vmul.f32 v51, v37  }
0x488: {  	v51 =	vld [tilespmem:s8+$0xAF30]  }
0x489: {  	v63 =	vmul.f32 v63, v41;
	v45 =	vadd.f32 v49, v45;
	_ =	sdelay $0x1  }
0x48a: {  	v45 =	vadd.f32 v63, v45;
	_ =	sdelay $0x1  }
0x48b: {  	v45 =	vadd.f32 v45, v51;
	_ =	sdelay $0x1  }
0x48c: {  	[tilespmem:s8+$0xAF30] =	vst v45  }
0x48d: {  	v45 =	vld [tilespmem:s0+$0xFFFFFF20]  }
0x48e: {  	v49 =	vld [tilespmem:s0+$0xFFFFFFA0];
	_ =	sdelay $0x1  }
0x48f: {  	v51 =	vld [tilespmem:s0+$0x20];
	_ =	sdelay $0x1  }
0x490: {  	v63 =	vld [tilespmem:s0+$0xA0]  }
0x491: {  	v45 =	vmul.f32 v45, v29;
	v49 =	vmul.f32 v49, v33;
	_ =	sdelay $0x1  }
0x492: {  	v45 =	vadd.f32 v49, v45;
	v49 =	vmul.f32 v51, v37  }
0x493: {  	v51 =	vld [tilespmem:s8+$0xAF40]  }
0x494: {  	v63 =	vmul.f32 v63, v41;
	v45 =	vadd.f32 v49, v45;
	_ =	sdelay $0x1  }
0x495: {  	v45 =	vadd.f32 v63, v45;
	_ =	sdelay $0x1  }
0x496: {  	v45 =	vadd.f32 v45, v51;
	_ =	sdelay $0x1  }
0x497: {  	[tilespmem:s8+$0xAF40] =	vst v45  }
0x498: {  	v45 =	vld [tilespmem:s0+$0xFFFFFF30]  }
0x499: {  	v49 =	vld [tilespmem:s0+$0xFFFFFFB0];
	_ =	sdelay $0x1  }
0x49a: {  	v51 =	vld [tilespmem:s0+$0x30];
	_ =	sdelay $0x1  }
0x49b: {  	v63 =	vld [tilespmem:s0+$0xB0]  }
0x49c: {  	v45 =	vmul.f32 v45, v29;
	v49 =	vmul.f32 v49, v33;
	_ =	sdelay $0x1  }
0x49d: {  	v45 =	vadd.f32 v49, v45;
	v49 =	vmul.f32 v51, v37  }
0x49e: {  	v51 =	vld [tilespmem:s8+$0xAF50]  }
0x49f: {  	v63 =	vmul.f32 v63, v41;
	v45 =	vadd.f32 v49, v45;
	_ =	sdelay $0x1  }
0x4a0: {  	v45 =	vadd.f32 v63, v45;
	_ =	sdelay $0x1  }
0x4a1: {  	v45 =	vadd.f32 v45, v51;
	_ =	sdelay $0x1  }
0x4a2: {  	[tilespmem:s8+$0xAF50] =	vst v45  }
0x4a3: {  	v45 =	vld [tilespmem:s0+$0xFFFFFF40]  }
0x4a4: {  	v49 =	vld [tilespmem:s0+$0xFFFFFFC0];
	_ =	sdelay $0x1  }
0x4a5: {  	v51 =	vld [tilespmem:s0+$0x40];
	_ =	sdelay $0x1  }
0x4a6: {  	v63 =	vld [tilespmem:s0+$0xC0]  }
0x4a7: {  	v45 =	vmul.f32 v45, v29;
	v49 =	vmul.f32 v49, v33;
	_ =	sdelay $0x1  }
0x4a8: {  	v45 =	vadd.f32 v49, v45;
	v49 =	vmul.f32 v51, v37  }
0x4a9: {  	v51 =	vld [tilespmem:s8+$0xAF60]  }
0x4aa: {  	v63 =	vmul.f32 v63, v41;
	v45 =	vadd.f32 v49, v45;
	_ =	sdelay $0x1  }
0x4ab: {  	v45 =	vadd.f32 v63, v45;
	_ =	sdelay $0x1  }
0x4ac: {  	v45 =	vadd.f32 v45, v51;
	_ =	sdelay $0x1  }
0x4ad: {  	[tilespmem:s8+$0xAF60] =	vst v45  }
0x4ae: {  	v45 =	vld [tilespmem:s0+$0xFFFFFF50]  }
0x4af: {  	v49 =	vld [tilespmem:s0+$0xFFFFFFD0];
	_ =	sdelay $0x1  }
0x4b0: {  	v51 =	vld [tilespmem:s0+$0x50];
	_ =	sdelay $0x1  }
0x4b1: {  	v63 =	vld [tilespmem:s0+$0xD0]  }
0x4b2: {  	v45 =	vmul.f32 v45, v29;
	v49 =	vmul.f32 v49, v33;
	_ =	sdelay $0x1  }
0x4b3: {  	v45 =	vadd.f32 v49, v45;
	v49 =	vmul.f32 v51, v37  }
0x4b4: {  	v51 =	vld [tilespmem:s8+$0xAF70]  }
0x4b5: {  	v63 =	vmul.f32 v63, v41;
	v45 =	vadd.f32 v49, v45;
	_ =	sdelay $0x1  }
0x4b6: {  	v45 =	vadd.f32 v63, v45;
	_ =	sdelay $0x1  }
0x4b7: {  	v45 =	vadd.f32 v45, v51;
	_ =	sdelay $0x1  }
0x4b8: {  	[tilespmem:s8+$0xAF70] =	vst v45  }
0x4b9: {  	v45 =	vld [tilespmem:s0+$0xFFFFFF60]  }
0x4ba: {  	v49 =	vld [tilespmem:s0+$0xFFFFFFE0];
	_ =	sdelay $0x1  }
0x4bb: {  	v51 =	vld [tilespmem:s0+$0x60];
	_ =	sdelay $0x1  }
0x4bc: {  	v63 =	vld [tilespmem:s0+$0xE0]  }
0x4bd: {  	v45 =	vmul.f32 v45, v29;
	v49 =	vmul.f32 v49, v33;
	_ =	sdelay $0x1  }
0x4be: {  	v45 =	vadd.f32 v49, v45;
	v49 =	vmul.f32 v51, v37  }
0x4bf: {  	v51 =	vld [tilespmem:s8+$0xAF80]  }
0x4c0: {  	v63 =	vmul.f32 v63, v41;
	v45 =	vadd.f32 v49, v45;
	_ =	sdelay $0x1  }
0x4c1: {  	v45 =	vadd.f32 v63, v45;
	_ =	sdelay $0x1  }
0x4c2: {  	v45 =	vadd.f32 v45, v51;
	_ =	sdelay $0x1  }
0x4c3: {  	[tilespmem:s8+$0xAF80] =	vst v45  }
0x4c4: {  	v45 =	vld [tilespmem:s0+$0xFFFFFF70]  }
0x4c5: {  	v49 =	vld [tilespmem:s0+$0xFFFFFFF0];
	_ =	sdelay $0x1  }
0x4c6: {  	v51 =	vld [tilespmem:s0+$0x70];
	_ =	sdelay $0x1  }
0x4c7: {  	v63 =	vld [tilespmem:s0+$0xF0]  }
0x4c8: {  	v29 =	vmul.f32 v45, v29;
	v33 =	vmul.f32 v49, v33;
	_ =	sdelay $0x1  }
0x4c9: {  	v29 =	vadd.f32 v33, v29;
	v33 =	vmul.f32 v51, v37  }
0x4ca: {  	v37 =	vld [tilespmem:s8+$0xAF90]  }
0x4cb: {  	v63 =	vmul.f32 v63, v41;
	v29 =	vadd.f32 v33, v29;
	_ =	sdelay $0x1  }
.Ltmp18:
0x4cc: {  	v29 =	vadd.f32 v63, v29;
	(pc) =	sbr.rel .LBB2_17-.Ltmp18, $4  }
0x4cd: {  	_ = 	snop  }
0x4ce: {  	v29 =	vadd.f32 v29, v37  }
0x4cf: {  	v45 =	vmovc v53;
	v53 =	vmov v55;
	v55 =	vmov v57;
	v57 =	vmov v59  }
0x4d0: {  	v59 =	vmovc v61;
	v61 =	vmovc v2;
	v49 =	vmov v4;
	v41 =	vmov v3;
	v51 =	vmov v7;
	[tilespmem:s8+$0xAF90] =	vst v29  }
.LBB2_21:
0x4d1: {  	_ =	sfence.sel $0x180000  }
0x4d2: {  	[bflag:$0x0] =	sbarrier.arrive $0xFFFF  }
0x4d3: {  	_ =	strace $0x90000047  }
0x4d4: {  	s0 =	stileid.u32;
	[bflag:$0x2] =	sbarrier.arrive $0xFFFF  }
0x4d5: {  	p0 =	sne.s32 s0, $0x0;
	s0 =	rddreg [dreg:$0x2]  }
0x4d6: {  	s0 =	sadd.s32 @!p0 $0x100000, s0  }
0x4d7: {  	[sflag:s0] =	ssyncadd.tile.s32 @!p0 $0x1;
	_ =	shalt  }
.Lfunc_end2:
_tile_overlayer_lowered:
.L_overlay_start_2:
0x4d8: {  	(tag) =	ssettag $0x2  }
0x4d9: {  	s0 =	rddreg [dreg:$0x0];
	s2 =	stileid.u32  }
0x4da: {  	s1 =	rddreg [dreg:$0x1];
	p0 =	sne.s32 s2, $0x0  }
0x4db: {  	s3 =	rddreg [dreg:$0x2];
	[bflag:$0x3] =	sbarrier.arrive $0xFFFF;
	s2 =	simm.s32 @!p0 $0x1C02  }
0x4dc: {  	[timem:s3], [sflag:s2] =	dma.local @!p0 [hbm:s0], s1  }
0x4dd: {  	s0 =	simm.s32 @!p0 $0x2  }
0x4de: {  	_ =	swait.ge @!p0 [sflag:s0], s1  }
0x4df: {  	s1 =	ssub.s32 @!p0 $0x0, s1;
	[sflag:s0] =	ssyncset.done @!p0 $0x0  }
0x4e0: {  	[sflag:s0] =	ssyncadd.s32 @!p0 s1  }
0x4e1: {  	[bflag:$0x3] =	sbarrier.arrive $0xFFFF  }
0x4e2: {  	_ =	shalt  }

</sc_bundles>
